<compile_context>
chip_gen: v7x
topology: tpu7x:2x2x1
jax: 0.10.2.dev20260603
libtpu: 0.0.44.dev20260713+nightly
codegen_flags: <defaults>
</compile_context>

<pallas_src>
import functools

import numpy as np
import jax
import jax.numpy as jnp
from jax.experimental import pallas as pl
from jax.experimental.pallas import tpu as pltpu
from jax.experimental.pallas import tpu_sc as plsc

D_MODEL = 16
N_FIELDS = 26
TOTAL = D_MODEL * N_FIELDS

_GATHER_WINDOW = 2048
_ROW_BLK = 1280


def _gather_rows(embed, idx_flat, n_idx):
    mesh = plsc.VectorSubcoreMesh(core_axis_name="core", subcore_axis_name="subcore")

    @functools.partial(
        pl.kernel,
        out_type=jax.ShapeDtypeStruct((n_idx, D_MODEL), embed.dtype),
        mesh=mesh,
        compiler_params=pltpu.CompilerParams(use_tc_tiling_on_sc=False),
    )
    def gather_kernel(table_hbm, i_hbm, o_hbm):
        def body(i_vmem, o_vmem):
            pltpu.sync_copy(table_hbm.at[i_vmem], o_vmem)

        pltpu.emit_pipeline(
            body,
            grid=(n_idx // _GATHER_WINDOW,),
            in_specs=[
                pl.BlockSpec((_GATHER_WINDOW,), index_map=lambda i: (i,))
            ],
            out_specs=[
                pl.BlockSpec((_GATHER_WINDOW, D_MODEL), index_map=lambda i: (i, 0))
            ],
            core_axis_name=("core", "subcore"),
            dimension_semantics=(pltpu.PARALLEL,),
        )(i_hbm, o_hbm)

    return gather_kernel(embed, idx_flat)


_PAD_FIELDS = 32
_ROW_F32 = _PAD_FIELDS * D_MODEL


def _mlp_body(x_ref, w1_ref, b1_ref, w2_ref, peb2_ref, o_ref):
    x = x_ref[...].reshape(_ROW_BLK, _ROW_F32).astype(jnp.bfloat16)
    h = jnp.dot(x, w1_ref[...], preferred_element_type=jnp.float32)
    h = h + b1_ref[...]
    t = jnp.exp(jnp.minimum(h, 20.0).astype(jnp.bfloat16))
    u = t * (t + jnp.bfloat16(2.0))
    m = h * (u / (u + jnp.bfloat16(2.0))).astype(jnp.float32)
    o_ref[...] = (
        jnp.dot(m.astype(jnp.bfloat16), w2_ref[...], preferred_element_type=jnp.float32)
        + peb2_ref[...]
    )


def _pe_tile(hist, rows):
    pos = np.arange(hist, dtype=np.float32)[:, None]
    div = np.exp(
        np.arange(0, D_MODEL, 2, dtype=np.float32) * (-np.log(10000.0) / D_MODEL)
    )
    pe = np.zeros((hist, D_MODEL), dtype=np.float32)
    pe[:, 0::2] = np.sin(pos * div)
    pe[:, 1::2] = np.cos(pos * div)
    return np.tile(pe, (rows // hist, 1))


def kernel(events, embed, W1, b1, W2, b2):
    batch, hist, n_fields = events.shape
    n_rows = batch * hist
    n_idx = n_rows * n_fields

    w1b = jnp.pad(W1, ((0, _ROW_F32 - TOTAL), (0, 0))).astype(jnp.bfloat16)
    w2b = W2.astype(jnp.bfloat16)
    b1r = b1.reshape(1, TOTAL * 4)
    peb2 = jnp.asarray(_pe_tile(hist, _ROW_BLK)) + b2[None, :]
    blk128 = _ROW_BLK * _ROW_F32 // 128

    n_chunks = 8
    rows_c = n_rows // n_chunks
    events_2d = events.reshape(n_rows, n_fields)
    col_iota = jax.lax.broadcasted_iota(jnp.int32, (rows_c, _PAD_FIELDS), 1)
    row_iota = jax.lax.broadcasted_iota(jnp.int32, (rows_c, _PAD_FIELDS), 0)
    dummy = row_iota % embed.shape[0]
    outs = []
    for k in range(n_chunks):
        ev_k = jax.lax.slice_in_dim(events_2d, k * rows_c, (k + 1) * rows_c)
        idx_k = jnp.where(
            col_iota < n_fields,
            jnp.pad(ev_k, ((0, 0), (0, _PAD_FIELDS - n_fields))),
            dummy,
        ).reshape(rows_c * _PAD_FIELDS)
        g_k = _gather_rows(embed, idx_k, rows_c * _PAD_FIELDS)
        x_k = g_k.reshape(rows_c * _ROW_F32 // 128, 128)
        out_k = pl.pallas_call(
            _mlp_body,
            grid=(rows_c // _ROW_BLK,),
            in_specs=[
                pl.BlockSpec((blk128, 128), lambda i: (i, 0)),
                pl.BlockSpec((_ROW_F32, TOTAL * 4), lambda i: (0, 0)),
                pl.BlockSpec((1, TOTAL * 4), lambda i: (0, 0)),
                pl.BlockSpec((TOTAL * 4, D_MODEL), lambda i: (0, 0)),
                pl.BlockSpec((_ROW_BLK, D_MODEL), lambda i: (0, 0)),
            ],
            out_specs=pl.BlockSpec((_ROW_BLK, D_MODEL), lambda i: (i, 0)),
            out_shape=jax.ShapeDtypeStruct((rows_c, D_MODEL), jnp.float32),
        )(x_k, w1b, b1r, w2b, peb2)
        outs.append(out_k)

    out = jnp.concatenate(outs, axis=0)
    return out.reshape(batch, hist, D_MODEL)

# --- scband reference (transcript-rebuilt; emitter-appended) ---
"""Pipeline reference for scband-event-encoder-7164005449956 (READ-ONLY COPY).

The authoritative reference and input builder live on the scoring server;
editing this copy changes nothing except your own understanding.
"""

import jax, jax.numpy as jnp
import numpy as np

D_MODEL = 16
VOCAB = 1000000
N_FIELDS = 26
BATCH = 4096
HIST = 20
TOTAL = D_MODEL * N_FIELDS


def setup_inputs(seed: int = 0) -> dict:
    key = jax.random.key(seed)
    ks = jax.random.split(key, 6)
    events = jax.random.randint(ks[0], (BATCH, HIST, N_FIELDS), 0, VOCAB, dtype=jnp.int32)
    embed = jax.random.normal(ks[1], (VOCAB, D_MODEL), dtype=jnp.float32)
    W1 = jax.random.normal(ks[2], (TOTAL, TOTAL * 4), dtype=jnp.float32) * (1.0 / np.sqrt(TOTAL))
    b1 = jnp.zeros((TOTAL * 4,), dtype=jnp.float32)
    W2 = jax.random.normal(ks[3], (TOTAL * 4, D_MODEL), dtype=jnp.float32) * (1.0 / np.sqrt(TOTAL * 4))
    b2 = jnp.zeros((D_MODEL,), dtype=jnp.float32)
    return {"events": events, "embed": embed, "W1": W1, "b1": b1, "W2": W2, "b2": b2}


def _positional_encoding(L, d):
    pos = jnp.arange(L, dtype=jnp.float32)[:, None]
    div = jnp.exp(jnp.arange(0, d, 2, dtype=jnp.float32) * (-np.log(10000.0) / d))
    pe = jnp.zeros((L, d), dtype=jnp.float32)
    pe = pe.at[:, 0::2].set(jnp.sin(pos * div))
    pe = pe.at[:, 1::2].set(jnp.cos(pos * div))
    return pe


def reference(events, embed, W1, b1, W2, b2):
    # per-field embedding lookup (shared table, like nn.Embedding(max_card, d_model))
    embeds = [jnp.take(embed, events[..., i], axis=0) for i in range(events.shape[-1])]
    x = jnp.concatenate(embeds, axis=-1)  # [B, L, total]
    # fuse MLP: Linear -> Mish -> Linear
    h = x @ W1 + b1
    h = h * jnp.tanh(jax.nn.softplus(h))  # Mish
    x = h @ W2 + b2  # [B, L, d_model]
    # sinusoidal positional encoding (max_len=100000 buffer; only first L rows used)
    pe = _positional_encoding(x.shape[1], D_MODEL)
    return x + pe[None, :, :]

if __name__ == "__main__":
    import jax
    _d = setup_inputs()
    print(jax.jit(kernel)(*tuple(_d.values())))

</pallas_src>

<mosaic_0001>
#map = affine_map<(d0, d1) -> (0, 0)>
#map1 = affine_map<(d0, d1) -> (0)>
module attributes {stable_mosaic.version = 14 : i64} {
  func.func @gather_kernel(%arg0: i32, %arg1: i32, %arg2: memref<1000000x16xf32, #tpu.memory_space<hbm>>, %arg3: memref<327680xi32, #tpu.memory_space<hbm>>, %arg4: memref<327680x16xf32, #tpu.memory_space<hbm>>) attributes {dimension_semantics = [#tpu.dimension_semantics<core_parallel>, #tpu.dimension_semantics<subcore_parallel>], iteration_bounds = array<i64: 2, 16>, scalar_prefetch = 0 : i64, scratch_operands = 0 : i64, tpu.core_type = #tpu.core_type<sc_vector_subcore>, window_params = [{transform_indices = #map}, {transform_indices = #map1}, {transform_indices = #map}]} {
    %mul3A = arith.constant 1 : i32
    %mul3A_0 = arith.muli %arg1, %mul3A : i32
    %add3A = arith.constant 0 : i32
    %add3A_1 = arith.addi %add3A, %mul3A_0 : i32
    %mul3A_2 = arith.constant 16 : i32
    %mul3A_3 = arith.muli %arg0, %mul3A_2 : i32
    %add3A_4 = arith.addi %add3A_1, %mul3A_3 : i32
    %mul3A_5 = arith.constant 5 : i32
    %mul3A_6 = arith.muli %add3A_4, %mul3A_5 : i32
    "tpu.region"() ({
      %run_scoped3A = memref.alloca() : memref<4096xi32, #tpu.memory_space<vmem>>
      %run_scoped3A_7 = tpu.sem_alloc : memref<2x!tpu.dma_semaphore, #tpu.memory_space<semaphore_mem>>
      %run_scoped3A_8 = memref.alloca() : memref<2x2048x16xf32, #tpu.memory_space<vmem>>
      %run_scoped3A_9 = tpu.sem_alloc : memref<2x!tpu.dma_semaphore, #tpu.memory_space<semaphore_mem>>
      %add3A_10 = arith.constant 0 : i32
      %add3A_11 = arith.addi %add3A_10, %mul3A_6 : i32
      %select_n3A = arith.constant true
      %select_n3A_12 = arith.constant 0 : i32
      %select_n3A_13 = arith.constant -1 : i32
      %select_n3A_14 = arith.select %select_n3A, %select_n3A_13, %select_n3A_12 : i32
      %eq3A = arith.constant -1 : i32
      %eq3A_15 = arith.cmpi eq, %select_n3A_14, %eq3A : i32
      %select_n3A_16 = arith.constant 4 : i32
      %select_n3A_17 = arith.select %eq3A_15, %select_n3A_16, %select_n3A_14 : i32
      %add3A_18 = arith.addi %select_n3A_17, %mul3A_6 : i32
      %select_n3A_19 = arith.constant true
      %select_n3A_20 = arith.constant 0 : i32
      %select_n3A_21 = arith.constant 1 : i32
      %select_n3A_22 = arith.select %select_n3A_19, %select_n3A_21, %select_n3A_20 : i32
      %eq3A_23 = arith.constant 5 : i32
      %eq3A_24 = arith.cmpi eq, %select_n3A_22, %eq3A_23 : i32
      %select_n3A_25 = arith.constant 0 : i32
      %select_n3A_26 = arith.select %eq3A_24, %select_n3A_25, %select_n3A_22 : i32
      %add3A_27 = arith.addi %select_n3A_26, %mul3A_6 : i32
      %add3A_28 = arith.constant 1 : i32
      %add3A_29 = arith.addi %select_n3A_26, %add3A_28 : i32
      %select_n3A_30 = arith.constant true
      %select_n3A_31 = arith.select %select_n3A_30, %add3A_29, %select_n3A_26 : i32
      %eq3A_32 = arith.constant 5 : i32
      %eq3A_33 = arith.cmpi eq, %select_n3A_31, %eq3A_32 : i32
      %select_n3A_34 = arith.constant 0 : i32
      %select_n3A_35 = arith.select %eq3A_33, %select_n3A_34, %select_n3A_31 : i32
      %add3A_36 = arith.addi %select_n3A_35, %mul3A_6 : i32
      "tpu.trace_start"() <{level = 10 : i32, message = "ep_initialize_0"}> : () -> ()
      %rem3A = arith.constant 0 : i32
      %rem3A_37 = arith.constant 2 : i32
      %rem3A_38 = arith.remui %rem3A, %rem3A_37 : i32
      %mul3A_39 = arith.constant 2048 : i32
      %mul3A_40 = arith.muli %mul3A_39, %add3A_11 : i32
      %mul3A_41 = arith.constant 2048 : i32
      %mul3A_42 = arith.muli %rem3A_38, %mul3A_41 : i32
      %add3A_43 = arith.constant 0 : i32
      %add3A_44 = arith.addi %mul3A_42, %add3A_43 : i32
      %dma_start3A = tpu.memref_slice %run_scoped3A[%add3A_44] : memref<4096xi32, #tpu.memory_space<vmem>> -> memref<2048xi32, #tpu.memory_space<vmem>>
      %dma_start3A_45 = tpu.memref_slice %arg3[%mul3A_40] : memref<327680xi32, #tpu.memory_space<hbm>> -> memref<2048xi32, #tpu.memory_space<hbm>>
      %dma_start3A_46 = tpu.memref_slice %run_scoped3A_7[%rem3A_38] : memref<2x!tpu.dma_semaphore, #tpu.memory_space<semaphore_mem>> -> memref<1x!tpu.dma_semaphore, #tpu.memory_space<semaphore_mem>>
      %dma_start3A_47 = tpu.memref_squeeze %dma_start3A_46 : memref<1x!tpu.dma_semaphore, #tpu.memory_space<semaphore_mem>> -> memref<!tpu.dma_semaphore, #tpu.memory_space<semaphore_mem>>
      %dma_start3A_48 = tpu.memref_slice %run_scoped3A[%add3A_44] : memref<4096xi32, #tpu.memory_space<vmem>> -> memref<2048xi32, #tpu.memory_space<vmem>>
      %dma_start3A_49 = tpu.memref_slice %arg3[%mul3A_40] : memref<327680xi32, #tpu.memory_space<hbm>> -> memref<2048xi32, #tpu.memory_space<hbm>>
      tpu.enqueue_dma source(%dma_start3A_49 : memref<2048xi32, #tpu.memory_space<hbm>>) target(%dma_start3A_48 : memref<2048xi32, #tpu.memory_space<vmem>>) target_semaphore(%dma_start3A_47 : memref<!tpu.dma_semaphore, #tpu.memory_space<semaphore_mem>>)
      %add3A_50 = arith.constant 0 : i32
      %add3A_51 = arith.constant 1 : i32
      %add3A_52 = arith.addi %add3A_50, %add3A_51 : i32
      %select_n3A_53 = arith.constant true
      %select_n3A_54 = arith.constant 0 : i32
      %select_n3A_55 = arith.select %select_n3A_53, %add3A_52, %select_n3A_54 : i32
      "tpu.trace_stop"() : () -> ()
      %scan3A = arith.constant 0 : i32
      %scan3A_56 = arith.constant 0 : i32
      %scan3A_57 = arith.constant 0 : i32
      %scan3A_58 = arith.constant 0 : i32
      %scan3A_59 = arith.constant 0 : i32
      %scan3A_60 = arith.constant 5 : i32
      %scan3A_61 = arith.addi %scan3A_59, %scan3A_60 : i32
      %scan3A_62 = arith.constant 1 : i32
      %scan3A_63:5 = scf.for %scan3A_117 = %scan3A_59 to %scan3A_61 step %scan3A_62 iter_args(%scan3A_118 = %select_n3A_55, %scan3A_119 = %scan3A, %scan3A_120 = %scan3A_56, %scan3A_121 = %scan3A_57, %scan3A_122 = %scan3A_58) -> (i32, i32, i32, i32, i32)  : i32 {
        %eq3A_123 = arith.constant 0 : i32
        %eq3A_124 = arith.cmpi eq, %scan3A_117, %eq3A_123 : i32
        %eq3A_125 = arith.constant 4 : i32
        %eq3A_126 = arith.cmpi eq, %scan3A_117, %eq3A_125 : i32
        %add3A_127 = arith.addi %scan3A_122, %mul3A_6 : i32
        %sub3A_128 = arith.constant 1 : i32
        %sub3A_129 = arith.subi %scan3A_122, %sub3A_128 : i32
        %select_n3A_130 = arith.constant true
        %select_n3A_131 = arith.select %select_n3A_130, %sub3A_129, %scan3A_122 : i32
        %eq3A_132 = arith.constant -1 : i32
        %eq3A_133 = arith.cmpi eq, %select_n3A_131, %eq3A_132 : i32
        %select_n3A_134 = arith.constant 4 : i32
        %select_n3A_135 = arith.select %eq3A_133, %select_n3A_134, %select_n3A_131 : i32
        %add3A_136 = arith.addi %select_n3A_135, %mul3A_6 : i32
        %add3A_137 = arith.constant 1 : i32
        %add3A_138 = arith.addi %scan3A_122, %add3A_137 : i32
        %select_n3A_139 = arith.constant true
        %select_n3A_140 = arith.select %select_n3A_139, %add3A_138, %scan3A_122 : i32
        %eq3A_141 = arith.constant 5 : i32
        %eq3A_142 = arith.cmpi eq, %select_n3A_140, %eq3A_141 : i32
        %select_n3A_143 = arith.constant 0 : i32
        %select_n3A_144 = arith.select %eq3A_142, %select_n3A_143, %select_n3A_140 : i32
        %add3A_145 = arith.addi %select_n3A_144, %mul3A_6 : i32
        %add3A_146 = arith.constant 1 : i32
        %add3A_147 = arith.addi %select_n3A_144, %add3A_146 : i32
        %select_n3A_148 = arith.constant true
        %select_n3A_149 = arith.select %select_n3A_148, %add3A_147, %select_n3A_144 : i32
        %eq3A_150 = arith.constant 5 : i32
        %eq3A_151 = arith.cmpi eq, %select_n3A_149, %eq3A_150 : i32
        %select_n3A_152 = arith.constant 0 : i32
        %select_n3A_153 = arith.select %eq3A_151, %select_n3A_152, %select_n3A_149 : i32
        %add3A_154 = arith.addi %select_n3A_153, %mul3A_6 : i32
        %ne3A = arith.cmpi ne, %add3A_127, %add3A_145 : i32
        %or3A = arith.constant false
        %or3A_155 = arith.ori %or3A, %ne3A : i1
        %ge3A = arith.constant 4 : i32
        %ge3A_156 = arith.cmpi sge, %scan3A_117, %ge3A : i32
        %not3A = arith.constant true
        %not3A_157 = arith.xori %ge3A_156, %not3A : i1
        %and3A = arith.andi %or3A_155, %not3A_157 : i1
        %convert_element_type3A = arith.extui %and3A : i1 to i32
        %cond3A = arith.constant 0 : i32
        %cond3A_158 = arith.cmpi ne, %convert_element_type3A, %cond3A : i32
        scf.if %cond3A_158 {
          "tpu.trace_start"() <{level = 10 : i32, message = "ep_copy_in"}> : () -> ()
          %rem3A_261 = arith.constant 2 : i32
          %rem3A_262 = arith.remui %scan3A_118, %rem3A_261 : i32
          %mul3A_263 = arith.constant 2048 : i32
          %mul3A_264 = arith.muli %mul3A_263, %add3A_145 : i32
          %mul3A_265 = arith.constant 2048 : i32
          %mul3A_266 = arith.muli %rem3A_262, %mul3A_265 : i32
          %add3A_267 = arith.constant 0 : i32
          %add3A_268 = arith.addi %mul3A_266, %add3A_267 : i32
          %dma_start3A_269 = tpu.memref_slice %run_scoped3A[%add3A_268] : memref<4096xi32, #tpu.memory_space<vmem>> -> memref<2048xi32, #tpu.memory_space<vmem>>
          %dma_start3A_270 = tpu.memref_slice %arg3[%mul3A_264] : memref<327680xi32, #tpu.memory_space<hbm>> -> memref<2048xi32, #tpu.memory_space<hbm>>
          %dma_start3A_271 = tpu.memref_slice %run_scoped3A_7[%rem3A_262] : memref<2x!tpu.dma_semaphore, #tpu.memory_space<semaphore_mem>> -> memref<1x!tpu.dma_semaphore, #tpu.memory_space<semaphore_mem>>
          %dma_start3A_272 = tpu.memref_squeeze %dma_start3A_271 : memref<1x!tpu.dma_semaphore, #tpu.memory_space<semaphore_mem>> -> memref<!tpu.dma_semaphore, #tpu.memory_space<semaphore_mem>>
          %dma_start3A_273 = tpu.memref_slice %run_scoped3A[%add3A_268] : memref<4096xi32, #tpu.memory_space<vmem>> -> memref<2048xi32, #tpu.memory_space<vmem>>
          %dma_start3A_274 = tpu.memref_slice %arg3[%mul3A_264] : memref<327680xi32, #tpu.memory_space<hbm>> -> memref<2048xi32, #tpu.memory_space<hbm>>
          tpu.enqueue_dma source(%dma_start3A_274 : memref<2048xi32, #tpu.memory_space<hbm>>) target(%dma_start3A_273 : memref<2048xi32, #tpu.memory_space<vmem>>) target_semaphore(%dma_start3A_272 : memref<!tpu.dma_semaphore, #tpu.memory_space<semaphore_mem>>)
          "tpu.trace_stop"() : () -> ()
        } else {
        }
        %and3A_159 = arith.constant true
        %and3A_160 = arith.andi %and3A, %and3A_159 : i1
        %add3A_161 = arith.constant 1 : i32
        %add3A_162 = arith.addi %scan3A_118, %add3A_161 : i32
        %select_n3A_163 = arith.select %and3A_160, %add3A_162, %scan3A_118 : i32
        %ne3A_164 = arith.cmpi ne, %add3A_127, %add3A_145 : i32
        %or3A_165 = arith.constant false
        %or3A_166 = arith.ori %or3A_165, %ne3A_164 : i1
        %or3A_167 = arith.constant false
        %or3A_168 = arith.ori %or3A_166, %or3A_167 : i1
        %ge3A_169 = arith.constant 4 : i32
        %ge3A_170 = arith.cmpi sge, %scan3A_117, %ge3A_169 : i32
        %not3A_171 = arith.constant true
        %not3A_172 = arith.xori %ge3A_170, %not3A_171 : i1
        %and3A_173 = arith.andi %or3A_168, %not3A_172 : i1
        %ne3A_174 = arith.cmpi ne, %add3A_127, %add3A_136 : i32
        %or3A_175 = arith.constant false
        %or3A_176 = arith.ori %or3A_175, %ne3A_174 : i1
        %or3A_177 = arith.ori %or3A_176, %eq3A_124 : i1
        %convert_element_type3A_178 = arith.extui %or3A_177 : i1 to i32
        %cond3A_179 = arith.constant 0 : i32
        %cond3A_180 = arith.cmpi ne, %convert_element_type3A_178, %cond3A_179 : i32
        scf.if %cond3A_180 {
          "tpu.trace_start"() <{level = 10 : i32, message = "ep_wait_in"}> : () -> ()
          %mul3A_261 = arith.constant 2048 : i32
          %mul3A_262 = arith.muli %mul3A_261, %add3A_127 : i32
          %rem3A_263 = arith.constant 2 : i32
          %rem3A_264 = arith.remui %scan3A_119, %rem3A_263 : i32
          %mul3A_265 = arith.constant 2048 : i32
          %mul3A_266 = arith.muli %rem3A_264, %mul3A_265 : i32
          %add3A_267 = arith.constant 0 : i32
          %add3A_268 = arith.addi %mul3A_266, %add3A_267 : i32
          %dma_wait3A_269 = tpu.memref_slice %run_scoped3A[%add3A_268] : memref<4096xi32, #tpu.memory_space<vmem>> -> memref<2048xi32, #tpu.memory_space<vmem>>
          %dma_wait3A_270 = tpu.memref_slice %arg3[%mul3A_262] : memref<327680xi32, #tpu.memory_space<hbm>> -> memref<2048xi32, #tpu.memory_space<hbm>>
          %dma_wait3A_271 = tpu.memref_slice %run_scoped3A_7[%rem3A_264] : memref<2x!tpu.dma_semaphore, #tpu.memory_space<semaphore_mem>> -> memref<1x!tpu.dma_semaphore, #tpu.memory_space<semaphore_mem>>
          %dma_wait3A_272 = tpu.memref_squeeze %dma_wait3A_271 : memref<1x!tpu.dma_semaphore, #tpu.memory_space<semaphore_mem>> -> memref<!tpu.dma_semaphore, #tpu.memory_space<semaphore_mem>>
          %dma_wait3A_273 = tpu.memref_slice %run_scoped3A[%add3A_268] : memref<4096xi32, #tpu.memory_space<vmem>> -> memref<2048xi32, #tpu.memory_space<vmem>>
          %dma_wait3A_274 = tpu.memref_slice %arg3[%mul3A_262] : memref<327680xi32, #tpu.memory_space<hbm>> -> memref<2048xi32, #tpu.memory_space<hbm>>
          tpu.wait_dma2 semaphore(%dma_wait3A_272 : memref<!tpu.dma_semaphore, #tpu.memory_space<semaphore_mem>>) src(%dma_wait3A_274 : memref<2048xi32, #tpu.memory_space<hbm>>) dst(%dma_wait3A_273 : memref<2048xi32, #tpu.memory_space<vmem>>)
          "tpu.trace_stop"() : () -> ()
        } else {
        }
        %ne3A_181 = arith.cmpi ne, %add3A_127, %add3A_136 : i32
        %or3A_182 = arith.constant false
        %or3A_183 = arith.ori %or3A_182, %ne3A_181 : i1
        %or3A_184 = arith.constant false
        %or3A_185 = arith.ori %or3A_183, %or3A_184 : i1
        %or3A_186 = arith.ori %or3A_185, %eq3A_124 : i1
        %convert_element_type3A_187 = arith.extui %or3A_186 : i1 to i32
        %cond3A_188 = arith.constant 0 : i32
        %cond3A_189 = arith.cmpi ne, %convert_element_type3A_187, %cond3A_188 : i32
        scf.if %cond3A_189 {
        } else {
        }
        %rem3A_190 = arith.constant 2 : i32
        %rem3A_191 = arith.remui %scan3A_119, %rem3A_190 : i32
        %mul3A_192 = arith.constant 2048 : i32
        %mul3A_193 = arith.muli %rem3A_191, %mul3A_192 : i32
        %rem3A_194 = arith.constant 2 : i32
        %rem3A_195 = arith.remui %scan3A_120, %rem3A_194 : i32
        "tpu.trace_start"() <{level = 10 : i32, message = "ep_run_kernel"}> : () -> ()
        "tpu.region"() ({
          %run_scoped3A_261 = tpu.sem_alloc : memref<!tpu.dma_semaphore, #tpu.memory_space<semaphore_mem>>
          %dma_start3A_262 = arith.constant 0 : i32
          %dma_start3A_263 = arith.constant 0 : i32
          %dma_start3A_264 = tpu.memref_slice %run_scoped3A_8[%rem3A_195, %dma_start3A_262, %dma_start3A_263] : memref<2x2048x16xf32, #tpu.memory_space<vmem>> -> memref<1x2048x16xf32, #tpu.memory_space<vmem>>
          %dma_start3A_265 = tpu.memref_squeeze %dma_start3A_264 : memref<1x2048x16xf32, #tpu.memory_space<vmem>> -> memref<2048x16xf32, #tpu.memory_space<vmem>>
          %dma_start3A_266 = tpu.memref_slice %run_scoped3A[%mul3A_193] : memref<4096xi32, #tpu.memory_space<vmem>> -> memref<2048xi32, #tpu.memory_space<vmem>>
          %dma_start3A_267 = arith.constant 0 : i32
          %dma_start3A_268 = arith.constant 0 : i32
          %dma_start3A_269 = tpu.memref_slice %arg2[%dma_start3A_267, %dma_start3A_268] : memref<1000000x16xf32, #tpu.memory_space<hbm>> -> memref<1000000x16xf32, #tpu.memory_space<hbm>>
          tpu.enqueue_indirect_dma source(%dma_start3A_269 : memref<1000000x16xf32, #tpu.memory_space<hbm>>) target(%dma_start3A_265 : memref<2048x16xf32, #tpu.memory_space<vmem>>) offsets(%dma_start3A_266 : memref<2048xi32, #tpu.memory_space<vmem>>) semaphore(%run_scoped3A_261 : memref<!tpu.dma_semaphore, #tpu.memory_space<semaphore_mem>>)
          %dma_wait3A_270 = arith.constant 0 : i32
          %dma_wait3A_271 = arith.constant 0 : i32
          %dma_wait3A_272 = tpu.memref_slice %run_scoped3A_8[%rem3A_195, %dma_wait3A_270, %dma_wait3A_271] : memref<2x2048x16xf32, #tpu.memory_space<vmem>> -> memref<1x2048x16xf32, #tpu.memory_space<vmem>>
          %dma_wait3A_273 = tpu.memref_squeeze %dma_wait3A_272 : memref<1x2048x16xf32, #tpu.memory_space<vmem>> -> memref<2048x16xf32, #tpu.memory_space<vmem>>
          %dma_wait3A_274 = tpu.memref_slice %run_scoped3A[%mul3A_193] : memref<4096xi32, #tpu.memory_space<vmem>> -> memref<2048xi32, #tpu.memory_space<vmem>>
          %dma_wait3A_275 = arith.constant 0 : i32
          %dma_wait3A_276 = arith.constant 0 : i32
          %dma_wait3A_277 = tpu.memref_slice %arg2[%dma_wait3A_275, %dma_wait3A_276] : memref<1000000x16xf32, #tpu.memory_space<hbm>> -> memref<1000000x16xf32, #tpu.memory_space<hbm>>
          tpu.wait_indirect_dma semaphore(%run_scoped3A_261 : memref<!tpu.dma_semaphore, #tpu.memory_space<semaphore_mem>>) src(%dma_wait3A_277 : memref<1000000x16xf32, #tpu.memory_space<hbm>>) dst(%dma_wait3A_273 : memref<2048x16xf32, #tpu.memory_space<vmem>>)
          tpu.yield
        }) : () -> ()
        "tpu.trace_stop"() : () -> ()
        %ne3A_196 = arith.cmpi ne, %add3A_127, %add3A_145 : i32
        %or3A_197 = arith.constant false
        %or3A_198 = arith.ori %or3A_197, %ne3A_196 : i1
        %or3A_199 = arith.ori %or3A_198, %eq3A_126 : i1
        %convert_element_type3A_200 = arith.extui %or3A_199 : i1 to i32
        %cond3A_201 = arith.constant 0 : i32
        %cond3A_202 = arith.cmpi ne, %convert_element_type3A_200, %cond3A_201 : i32
        scf.if %cond3A_202 {
        } else {
        }
        %and3A_203 = arith.constant false
        %and3A_204 = arith.andi %or3A_199, %and3A_203 : i1
        %ne3A_205 = arith.cmpi ne, %add3A_127, %add3A_145 : i32
        %or3A_206 = arith.constant false
        %or3A_207 = arith.ori %or3A_206, %ne3A_205 : i1
        %or3A_208 = arith.constant false
        %or3A_209 = arith.ori %or3A_207, %or3A_208 : i1
        %or3A_210 = arith.ori %or3A_209, %eq3A_126 : i1
        %convert_element_type3A_211 = arith.extui %or3A_210 : i1 to i32
        %cond3A_212 = arith.constant 0 : i32
        %cond3A_213 = arith.cmpi ne, %convert_element_type3A_211, %cond3A_212 : i32
        scf.if %cond3A_213 {
          "tpu.trace_start"() <{level = 10 : i32, message = "ep_copy_out"}> : () -> ()
          %rem3A_261 = arith.constant 2 : i32
          %rem3A_262 = arith.remui %scan3A_120, %rem3A_261 : i32
          %mul3A_263 = arith.constant 2048 : i32
          %mul3A_264 = arith.muli %mul3A_263, %add3A_127 : i32
          %dma_start3A_265 = arith.constant 0 : i32
          %dma_start3A_266 = arith.constant 0 : i32
          %dma_start3A_267 = tpu.memref_slice %run_scoped3A_8[%rem3A_262, %dma_start3A_265, %dma_start3A_266] : memref<2x2048x16xf32, #tpu.memory_space<vmem>> -> memref<1x2048x16xf32, #tpu.memory_space<vmem>>
          %dma_start3A_268 = tpu.memref_squeeze %dma_start3A_267 : memref<1x2048x16xf32, #tpu.memory_space<vmem>> -> memref<2048x16xf32, #tpu.memory_space<vmem>>
          %dma_start3A_269 = arith.constant 0 : i32
          %dma_start3A_270 = tpu.memref_slice %arg4[%mul3A_264, %dma_start3A_269] : memref<327680x16xf32, #tpu.memory_space<hbm>> -> memref<2048x16xf32, #tpu.memory_space<hbm>>
          %dma_start3A_271 = tpu.memref_slice %run_scoped3A_9[%rem3A_262] : memref<2x!tpu.dma_semaphore, #tpu.memory_space<semaphore_mem>> -> memref<1x!tpu.dma_semaphore, #tpu.memory_space<semaphore_mem>>
          %dma_start3A_272 = tpu.memref_squeeze %dma_start3A_271 : memref<1x!tpu.dma_semaphore, #tpu.memory_space<semaphore_mem>> -> memref<!tpu.dma_semaphore, #tpu.memory_space<semaphore_mem>>
          %dma_start3A_273 = arith.constant 0 : i32
          %dma_start3A_274 = tpu.memref_slice %arg4[%mul3A_264, %dma_start3A_273] : memref<327680x16xf32, #tpu.memory_space<hbm>> -> memref<2048x16xf32, #tpu.memory_space<hbm>>
          %dma_start3A_275 = arith.constant 0 : i32
          %dma_start3A_276 = arith.constant 0 : i32
          %dma_start3A_277 = tpu.memref_slice %run_scoped3A_8[%rem3A_262, %dma_start3A_275, %dma_start3A_276] : memref<2x2048x16xf32, #tpu.memory_space<vmem>> -> memref<1x2048x16xf32, #tpu.memory_space<vmem>>
          %dma_start3A_278 = tpu.memref_squeeze %dma_start3A_277 : memref<1x2048x16xf32, #tpu.memory_space<vmem>> -> memref<2048x16xf32, #tpu.memory_space<vmem>>
          tpu.enqueue_dma source(%dma_start3A_278 : memref<2048x16xf32, #tpu.memory_space<vmem>>) target(%dma_start3A_274 : memref<2048x16xf32, #tpu.memory_space<hbm>>) target_semaphore(%dma_start3A_272 : memref<!tpu.dma_semaphore, #tpu.memory_space<semaphore_mem>>)
          "tpu.trace_stop"() : () -> ()
        } else {
        }
        %and3A_214 = arith.constant true
        %and3A_215 = arith.andi %or3A_210, %and3A_214 : i1
        %add3A_216 = arith.constant 1 : i32
        %add3A_217 = arith.addi %scan3A_120, %add3A_216 : i32
        %select_n3A_218 = arith.select %and3A_215, %add3A_217, %scan3A_120 : i32
        %ne3A_219 = arith.cmpi ne, %add3A_127, %add3A_136 : i32
        %or3A_220 = arith.constant false
        %or3A_221 = arith.ori %or3A_220, %ne3A_219 : i1
        %not3A_222 = arith.constant true
        %not3A_223 = arith.xori %eq3A_124, %not3A_222 : i1
        %and3A_224 = arith.andi %or3A_221, %not3A_223 : i1
        %convert_element_type3A_225 = arith.extui %and3A_224 : i1 to i32
        %cond3A_226 = arith.constant 0 : i32
        %cond3A_227 = arith.cmpi ne, %convert_element_type3A_225, %cond3A_226 : i32
        scf.if %cond3A_227 {
        } else {
        }
        %and3A_228 = arith.constant false
        %and3A_229 = arith.andi %and3A_224, %and3A_228 : i1
        %ne3A_230 = arith.cmpi ne, %add3A_127, %add3A_136 : i32
        %or3A_231 = arith.constant false
        %or3A_232 = arith.ori %or3A_231, %ne3A_230 : i1
        %or3A_233 = arith.constant false
        %or3A_234 = arith.ori %or3A_232, %or3A_233 : i1
        %not3A_235 = arith.constant true
        %not3A_236 = arith.xori %eq3A_124, %not3A_235 : i1
        %and3A_237 = arith.andi %or3A_234, %not3A_236 : i1
        %convert_element_type3A_238 = arith.extui %and3A_237 : i1 to i32
        %cond3A_239 = arith.constant 0 : i32
        %cond3A_240 = arith.cmpi ne, %convert_element_type3A_238, %cond3A_239 : i32
        scf.if %cond3A_240 {
          "tpu.trace_start"() <{level = 10 : i32, message = "ep_wait_out"}> : () -> ()
          %rem3A_261 = arith.constant 2 : i32
          %rem3A_262 = arith.remui %scan3A_121, %rem3A_261 : i32
          %mul3A_263 = arith.constant 2048 : i32
          %mul3A_264 = arith.muli %mul3A_263, %add3A_136 : i32
          %dma_wait3A_265 = arith.constant 0 : i32
          %dma_wait3A_266 = arith.constant 0 : i32
          %dma_wait3A_267 = tpu.memref_slice %run_scoped3A_8[%rem3A_262, %dma_wait3A_265, %dma_wait3A_266] : memref<2x2048x16xf32, #tpu.memory_space<vmem>> -> memref<1x2048x16xf32, #tpu.memory_space<vmem>>
          %dma_wait3A_268 = tpu.memref_squeeze %dma_wait3A_267 : memref<1x2048x16xf32, #tpu.memory_space<vmem>> -> memref<2048x16xf32, #tpu.memory_space<vmem>>
          %dma_wait3A_269 = arith.constant 0 : i32
          %dma_wait3A_270 = tpu.memref_slice %arg4[%mul3A_264, %dma_wait3A_269] : memref<327680x16xf32, #tpu.memory_space<hbm>> -> memref<2048x16xf32, #tpu.memory_space<hbm>>
          %dma_wait3A_271 = tpu.memref_slice %run_scoped3A_9[%rem3A_262] : memref<2x!tpu.dma_semaphore, #tpu.memory_space<semaphore_mem>> -> memref<1x!tpu.dma_semaphore, #tpu.memory_space<semaphore_mem>>
          %dma_wait3A_272 = tpu.memref_squeeze %dma_wait3A_271 : memref<1x!tpu.dma_semaphore, #tpu.memory_space<semaphore_mem>> -> memref<!tpu.dma_semaphore, #tpu.memory_space<semaphore_mem>>
          %dma_wait3A_273 = arith.constant 0 : i32
          %dma_wait3A_274 = tpu.memref_slice %arg4[%mul3A_264, %dma_wait3A_273] : memref<327680x16xf32, #tpu.memory_space<hbm>> -> memref<2048x16xf32, #tpu.memory_space<hbm>>
          %dma_wait3A_275 = arith.constant 0 : i32
          %dma_wait3A_276 = arith.constant 0 : i32
          %dma_wait3A_277 = tpu.memref_slice %run_scoped3A_8[%rem3A_262, %dma_wait3A_275, %dma_wait3A_276] : memref<2x2048x16xf32, #tpu.memory_space<vmem>> -> memref<1x2048x16xf32, #tpu.memory_space<vmem>>
          %dma_wait3A_278 = tpu.memref_squeeze %dma_wait3A_277 : memref<1x2048x16xf32, #tpu.memory_space<vmem>> -> memref<2048x16xf32, #tpu.memory_space<vmem>>
          tpu.wait_dma2 semaphore(%dma_wait3A_272 : memref<!tpu.dma_semaphore, #tpu.memory_space<semaphore_mem>>) src(%dma_wait3A_278 : memref<2048x16xf32, #tpu.memory_space<vmem>>) dst(%dma_wait3A_274 : memref<2048x16xf32, #tpu.memory_space<hbm>>)
          "tpu.trace_stop"() : () -> ()
        } else {
        }
        %and3A_241 = arith.constant true
        %and3A_242 = arith.andi %and3A_237, %and3A_241 : i1
        %add3A_243 = arith.constant 1 : i32
        %add3A_244 = arith.addi %scan3A_121, %add3A_243 : i32
        %select_n3A_245 = arith.select %and3A_242, %add3A_244, %scan3A_121 : i32
        %ne3A_246 = arith.cmpi ne, %add3A_127, %add3A_145 : i32
        %or3A_247 = arith.constant false
        %or3A_248 = arith.ori %or3A_247, %ne3A_246 : i1
        %or3A_249 = arith.ori %or3A_248, %eq3A_126 : i1
        %add3A_250 = arith.constant 1 : i32
        %add3A_251 = arith.addi %scan3A_119, %add3A_250 : i32
        %select_n3A_252 = arith.select %or3A_249, %add3A_251, %scan3A_119 : i32
        %add3A_253 = arith.constant 1 : i32
        %add3A_254 = arith.addi %scan3A_122, %add3A_253 : i32
        %select_n3A_255 = arith.constant true
        %select_n3A_256 = arith.select %select_n3A_255, %add3A_254, %scan3A_122 : i32
        %eq3A_257 = arith.constant 5 : i32
        %eq3A_258 = arith.cmpi eq, %select_n3A_256, %eq3A_257 : i32
        %select_n3A_259 = arith.constant 0 : i32
        %select_n3A_260 = arith.select %eq3A_258, %select_n3A_259, %select_n3A_256 : i32
        scf.yield %select_n3A_163, %select_n3A_252, %select_n3A_218, %select_n3A_245, %select_n3A_260 : i32, i32, i32, i32, i32
      }
      %scan3A_64 = arith.constant 5 : i32
      %sub3A = arith.constant 1 : i32
      %sub3A_65 = arith.subi %scan3A_63#4, %sub3A : i32
      %select_n3A_66 = arith.constant true
      %select_n3A_67 = arith.select %select_n3A_66, %sub3A_65, %scan3A_63#4 : i32
      %eq3A_68 = arith.constant -1 : i32
      %eq3A_69 = arith.cmpi eq, %select_n3A_67, %eq3A_68 : i32
      %select_n3A_70 = arith.constant 4 : i32
      %select_n3A_71 = arith.select %eq3A_69, %select_n3A_70, %select_n3A_67 : i32
      %add3A_72 = arith.addi %select_n3A_71, %mul3A_6 : i32
      %sub3A_73 = arith.constant 1 : i32
      %sub3A_74 = arith.subi %select_n3A_71, %sub3A_73 : i32
      %select_n3A_75 = arith.constant true
      %select_n3A_76 = arith.select %select_n3A_75, %sub3A_74, %select_n3A_71 : i32
      %eq3A_77 = arith.constant -1 : i32
      %eq3A_78 = arith.cmpi eq, %select_n3A_76, %eq3A_77 : i32
      %select_n3A_79 = arith.constant 4 : i32
      %select_n3A_80 = arith.select %eq3A_78, %select_n3A_79, %select_n3A_76 : i32
      %add3A_81 = arith.addi %select_n3A_80, %mul3A_6 : i32
      %add3A_82 = arith.constant 1 : i32
      %add3A_83 = arith.addi %select_n3A_71, %add3A_82 : i32
      %select_n3A_84 = arith.constant true
      %select_n3A_85 = arith.select %select_n3A_84, %add3A_83, %select_n3A_71 : i32
      %eq3A_86 = arith.constant 5 : i32
      %eq3A_87 = arith.cmpi eq, %select_n3A_85, %eq3A_86 : i32
      %select_n3A_88 = arith.constant 0 : i32
      %select_n3A_89 = arith.select %eq3A_87, %select_n3A_88, %select_n3A_85 : i32
      %add3A_90 = arith.addi %select_n3A_89, %mul3A_6 : i32
      %add3A_91 = arith.constant 1 : i32
      %add3A_92 = arith.addi %select_n3A_89, %add3A_91 : i32
      %select_n3A_93 = arith.constant true
      %select_n3A_94 = arith.select %select_n3A_93, %add3A_92, %select_n3A_89 : i32
      %eq3A_95 = arith.constant 5 : i32
      %eq3A_96 = arith.cmpi eq, %select_n3A_94, %eq3A_95 : i32
      %select_n3A_97 = arith.constant 0 : i32
      %select_n3A_98 = arith.select %eq3A_96, %select_n3A_97, %select_n3A_94 : i32
      %add3A_99 = arith.addi %select_n3A_98, %mul3A_6 : i32
      "tpu.trace_start"() <{level = 10 : i32, message = "ep_finalize"}> : () -> ()
      %rem3A_100 = arith.constant 2 : i32
      %rem3A_101 = arith.remui %scan3A_63#3, %rem3A_100 : i32
      %mul3A_102 = arith.constant 2048 : i32
      %mul3A_103 = arith.muli %mul3A_102, %add3A_72 : i32
      %dma_wait3A = arith.constant 0 : i32
      %dma_wait3A_104 = arith.constant 0 : i32
      %dma_wait3A_105 = tpu.memref_slice %run_scoped3A_8[%rem3A_101, %dma_wait3A, %dma_wait3A_104] : memref<2x2048x16xf32, #tpu.memory_space<vmem>> -> memref<1x2048x16xf32, #tpu.memory_space<vmem>>
      %dma_wait3A_106 = tpu.memref_squeeze %dma_wait3A_105 : memref<1x2048x16xf32, #tpu.memory_space<vmem>> -> memref<2048x16xf32, #tpu.memory_space<vmem>>
      %dma_wait3A_107 = arith.constant 0 : i32
      %dma_wait3A_108 = tpu.memref_slice %arg4[%mul3A_103, %dma_wait3A_107] : memref<327680x16xf32, #tpu.memory_space<hbm>> -> memref<2048x16xf32, #tpu.memory_space<hbm>>
      %dma_wait3A_109 = tpu.memref_slice %run_scoped3A_9[%rem3A_101] : memref<2x!tpu.dma_semaphore, #tpu.memory_space<semaphore_mem>> -> memref<1x!tpu.dma_semaphore, #tpu.memory_space<semaphore_mem>>
      %dma_wait3A_110 = tpu.memref_squeeze %dma_wait3A_109 : memref<1x!tpu.dma_semaphore, #tpu.memory_space<semaphore_mem>> -> memref<!tpu.dma_semaphore, #tpu.memory_space<semaphore_mem>>
      %dma_wait3A_111 = arith.constant 0 : i32
      %dma_wait3A_112 = tpu.memref_slice %arg4[%mul3A_103, %dma_wait3A_111] : memref<327680x16xf32, #tpu.memory_space<hbm>> -> memref<2048x16xf32, #tpu.memory_space<hbm>>
      %dma_wait3A_113 = arith.constant 0 : i32
      %dma_wait3A_114 = arith.constant 0 : i32
      %dma_wait3A_115 = tpu.memref_slice %run_scoped3A_8[%rem3A_101, %dma_wait3A_113, %dma_wait3A_114] : memref<2x2048x16xf32, #tpu.memory_space<vmem>> -> memref<1x2048x16xf32, #tpu.memory_space<vmem>>
      %dma_wait3A_116 = tpu.memref_squeeze %dma_wait3A_115 : memref<1x2048x16xf32, #tpu.memory_space<vmem>> -> memref<2048x16xf32, #tpu.memory_space<vmem>>
      tpu.wait_dma2 semaphore(%dma_wait3A_110 : memref<!tpu.dma_semaphore, #tpu.memory_space<semaphore_mem>>) src(%dma_wait3A_116 : memref<2048x16xf32, #tpu.memory_space<vmem>>) dst(%dma_wait3A_112 : memref<2048x16xf32, #tpu.memory_space<hbm>>)
      "tpu.trace_stop"() : () -> ()
      tpu.yield
    }) : () -> ()
    return
  }
}

#map = affine_map<(d0, d1) -> (0, 0)>
#map1 = affine_map<(d0, d1) -> (0)>
module attributes {stable_mosaic.version = 14 : i64} {
  func.func @gather_kernel(%arg0: i32, %arg1: i32, %arg2: memref<1000000x16xf32, #tpu.memory_space<hbm>>, %arg3: memref<327680xi32, #tpu.memory_space<hbm>>, %arg4: memref<327680x16xf32, #tpu.memory_space<hbm>>) attributes {dimension_semantics = [#tpu.dimension_semantics<core_parallel>, #tpu.dimension_semantics<subcore_parallel>], iteration_bounds = array<i64: 2, 16>, scalar_prefetch = 0 : i64, scratch_operands = 0 : i64, tpu.core_type = #tpu.core_type<sc_vector_subcore>, window_params = [{transform_indices = #map}, {transform_indices = #map1}, {transform_indices = #map}]} {
    %mul3A = arith.constant 1 : i32
    %mul3A_0 = arith.muli %arg1, %mul3A : i32
    %add3A = arith.constant 0 : i32
    %add3A_1 = arith.addi %add3A, %mul3A_0 : i32
    %mul3A_2 = arith.constant 16 : i32
    %mul3A_3 = arith.muli %arg0, %mul3A_2 : i32
    %add3A_4 = arith.addi %add3A_1, %mul3A_3 : i32
    %mul3A_5 = arith.constant 5 : i32
    %mul3A_6 = arith.muli %add3A_4, %mul3A_5 : i32
    "tpu.region"() ({
      %run_scoped3A = memref.alloca() : memref<4096xi32, #tpu.memory_space<vmem>>
      %run_scoped3A_7 = tpu.sem_alloc : memref<2x!tpu.dma_semaphore, #tpu.memory_space<semaphore_mem>>
      %run_scoped3A_8 = memref.alloca() : memref<2x2048x16xf32, #tpu.memory_space<vmem>>
      %run_scoped3A_9 = tpu.sem_alloc : memref<2x!tpu.dma_semaphore, #tpu.memory_space<semaphore_mem>>
      %add3A_10 = arith.constant 0 : i32
      %add3A_11 = arith.addi %add3A_10, %mul3A_6 : i32
      %select_n3A = arith.constant true
      %select_n3A_12 = arith.constant 0 : i32
      %select_n3A_13 = arith.constant -1 : i32
      %select_n3A_14 = arith.select %select_n3A, %select_n3A_13, %select_n3A_12 : i32
      %eq3A = arith.constant -1 : i32
      %eq3A_15 = arith.cmpi eq, %select_n3A_14, %eq3A : i32
      %select_n3A_16 = arith.constant 4 : i32
      %select_n3A_17 = arith.select %eq3A_15, %select_n3A_16, %select_n3A_14 : i32
      %add3A_18 = arith.addi %select_n3A_17, %mul3A_6 : i32
      %select_n3A_19 = arith.constant true
      %select_n3A_20 = arith.constant 0 : i32
      %select_n3A_21 = arith.constant 1 : i32
      %select_n3A_22 = arith.select %select_n3A_19, %select_n3A_21, %select_n3A_20 : i32
      %eq3A_23 = arith.constant 5 : i32
      %eq3A_24 = arith.cmpi eq, %select_n3A_22, %eq3A_23 : i32
      %select_n3A_25 = arith.constant 0 : i32
      %select_n3A_26 = arith.select %eq3A_24, %select_n3A_25, %select_n3A_22 : i32
      %add3A_27 = arith.addi %select_n3A_26, %mul3A_6 : i32
      %add3A_28 = arith.constant 1 : i32
      %add3A_29 = arith.addi %select_n3A_26, %add3A_28 : i32
      %select_n3A_30 = arith.constant true
      %select_n3A_31 = arith.select %select_n3A_30, %add3A_29, %select_n3A_26 : i32
      %eq3A_32 = arith.constant 5 : i32
      %eq3A_33 = arith.cmpi eq, %select_n3A_31, %eq3A_32 : i32
      %select_n3A_34 = arith.constant 0 : i32
      %select_n3A_35 = arith.select %eq3A_33, %select_n3A_34, %select_n3A_31 : i32
      %add3A_36 = arith.addi %select_n3A_35, %mul3A_6 : i32
      "tpu.trace_start"() <{level = 10 : i32, message = "ep_initialize_0"}> : () -> ()
      %rem3A = arith.constant 0 : i32
      %rem3A_37 = arith.constant 2 : i32
      %rem3A_38 = arith.remui %rem3A, %rem3A_37 : i32
      %mul3A_39 = arith.constant 2048 : i32
      %mul3A_40 = arith.muli %mul3A_39, %add3A_11 : i32
      %mul3A_41 = arith.constant 2048 : i32
      %mul3A_42 = arith.muli %rem3A_38, %mul3A_41 : i32
      %add3A_43 = arith.constant 0 : i32
      %add3A_44 = arith.addi %mul3A_42, %add3A_43 : i32
      %dma_start3A = tpu.memref_slice %run_scoped3A[%add3A_44] : memref<4096xi32, #tpu.memory_space<vmem>> -> memref<2048xi32, #tpu.memory_space<vmem>>
      %dma_start3A_45 = tpu.memref_slice %arg3[%mul3A_40] : memref<327680xi32, #tpu.memory_space<hbm>> -> memref<2048xi32, #tpu.memory_space<hbm>>
      %dma_start3A_46 = tpu.memref_slice %run_scoped3A_7[%rem3A_38] : memref<2x!tpu.dma_semaphore, #tpu.memory_space<semaphore_mem>> -> memref<1x!tpu.dma_semaphore, #tpu.memory_space<semaphore_mem>>
      %dma_start3A_47 = tpu.memref_squeeze %dma_start3A_46 : memref<1x!tpu.dma_semaphore, #tpu.memory_space<semaphore_mem>> -> memref<!tpu.dma_semaphore, #tpu.memory_space<semaphore_mem>>
      %dma_start3A_48 = tpu.memref_slice %run_scoped3A[%add3A_44] : memref<4096xi32, #tpu.memory_space<vmem>> -> memref<2048xi32, #tpu.memory_space<vmem>>
      %dma_start3A_49 = tpu.memref_slice %arg3[%mul3A_40] : memref<327680xi32, #tpu.memory_space<hbm>> -> memref<2048xi32, #tpu.memory_space<hbm>>
      tpu.enqueue_dma source(%dma_start3A_49 : memref<2048xi32, #tpu.memory_space<hbm>>) target(%dma_start3A_48 : memref<2048xi32, #tpu.memory_space<vmem>>) target_semaphore(%dma_start3A_47 : memref<!tpu.dma_semaphore, #tpu.memory_space<semaphore_mem>>)
      %add3A_50 = arith.constant 0 : i32
      %add3A_51 = arith.constant 1 : i32
      %add3A_52 = arith.addi %add3A_50, %add3A_51 : i32
      %select_n3A_53 = arith.constant true
      %select_n3A_54 = arith.constant 0 : i32
      %select_n3A_55 = arith.select %select_n3A_53, %add3A_52, %select_n3A_54 : i32
      "tpu.trace_stop"() : () -> ()
      %scan3A = arith.constant 0 : i32
      %scan3A_56 = arith.constant 0 : i32
      %scan3A_57 = arith.constant 0 : i32
      %scan3A_58 = arith.constant 0 : i32
      %scan3A_59 = arith.constant 0 : i32
      %scan3A_60 = arith.constant 5 : i32
      %scan3A_61 = arith.addi %scan3A_59, %scan3A_60 : i32
      %scan3A_62 = arith.constant 1 : i32
      %scan3A_63:5 = scf.for %scan3A_117 = %scan3A_59 to %scan3A_61 step %scan3A_62 iter_args(%scan3A_118 = %select_n3A_55, %scan3A_119 = %scan3A, %scan3A_120 = %scan3A_56, %scan3A_121 = %scan3A_57, %scan3A_122 = %scan3A_58) -> (i32, i32, i32, i32, i32)  : i32 {
        %eq3A_123 = arith.constant 0 : i32
        %eq3A_124 = arith.cmpi eq, %scan3A_117, %eq3A_123 : i32
        %eq3A_125 = arith.constant 4 : i32
        %eq3A_126 = arith.cmpi eq, %scan3A_117, %eq3A_125 : i32
        %add3A_127 = arith.addi %scan3A_122, %mul3A_6 : i32
        %sub3A_128 = arith.constant 1 : i32
        %sub3A_129 = arith.subi %scan3A_122, %sub3A_128 : i32
        %select_n3A_130 = arith.constant true
        %select_n3A_131 = arith.select %select_n3A_130, %sub3A_129, %scan3A_122 : i32
        %eq3A_132 = arith.constant -1 : i32
        %eq3A_133 = arith.cmpi eq, %select_n3A_131, %eq3A_132 : i32
        %select_n3A_134 = arith.constant 4 : i32
        %select_n3A_135 = arith.select %eq3A_133, %select_n3A_134, %select_n3A_131 : i32
        %add3A_136 = arith.addi %select_n3A_135, %mul3A_6 : i32
        %add3A_137 = arith.constant 1 : i32
        %add3A_138 = arith.addi %scan3A_122, %add3A_137 : i32
        %select_n3A_139 = arith.constant true
        %select_n3A_140 = arith.select %select_n3A_139, %add3A_138, %scan3A_122 : i32
        %eq3A_141 = arith.constant 5 : i32
        %eq3A_142 = arith.cmpi eq, %select_n3A_140, %eq3A_141 : i32
        %select_n3A_143 = arith.constant 0 : i32
        %select_n3A_144 = arith.select %eq3A_142, %select_n3A_143, %select_n3A_140 : i32
        %add3A_145 = arith.addi %select_n3A_144, %mul3A_6 : i32
        %add3A_146 = arith.constant 1 : i32
        %add3A_147 = arith.addi %select_n3A_144, %add3A_146 : i32
        %select_n3A_148 = arith.constant true
        %select_n3A_149 = arith.select %select_n3A_148, %add3A_147, %select_n3A_144 : i32
        %eq3A_150 = arith.constant 5 : i32
        %eq3A_151 = arith.cmpi eq, %select_n3A_149, %eq3A_150 : i32
        %select_n3A_152 = arith.constant 0 : i32
        %select_n3A_153 = arith.select %eq3A_151, %select_n3A_152, %select_n3A_149 : i32
        %add3A_154 = arith.addi %select_n3A_153, %mul3A_6 : i32
        %ne3A = arith.cmpi ne, %add3A_127, %add3A_145 : i32
        %or3A = arith.constant false
        %or3A_155 = arith.ori %or3A, %ne3A : i1
        %ge3A = arith.constant 4 : i32
        %ge3A_156 = arith.cmpi sge, %scan3A_117, %ge3A : i32
        %not3A = arith.constant true
        %not3A_157 = arith.xori %ge3A_156, %not3A : i1
        %and3A = arith.andi %or3A_155, %not3A_157 : i1
        %convert_element_type3A = arith.extui %and3A : i1 to i32
        %cond3A = arith.constant 0 : i32
        %cond3A_158 = arith.cmpi ne, %convert_element_type3A, %cond3A : i32
        scf.if %cond3A_158 {
          "tpu.trace_start"() <{level = 10 : i32, message = "ep_copy_in"}> : () -> ()
          %rem3A_261 = arith.constant 2 : i32
          %rem3A_262 = arith.remui %scan3A_118, %rem3A_261 : i32
          %mul3A_263 = arith.constant 2048 : i32
          %mul3A_264 = arith.muli %mul3A_263, %add3A_145 : i32
          %mul3A_265 = arith.constant 2048 : i32
          %mul3A_266 = arith.muli %rem3A_262, %mul3A_265 : i32
          %add3A_267 = arith.constant 0 : i32
          %add3A_268 = arith.addi %mul3A_266, %add3A_267 : i32
          %dma_start3A_269 = tpu.memref_slice %run_scoped3A[%add3A_268] : memref<4096xi32, #tpu.memory_space<vmem>> -> memref<2048xi32, #tpu.memory_space<vmem>>
          %dma_start3A_270 = tpu.memref_slice %arg3[%mul3A_264] : memref<327680xi32, #tpu.memory_space<hbm>> -> memref<2048xi32, #tpu.memory_space<hbm>>
          %dma_start3A_271 = tpu.memref_slice %run_scoped3A_7[%rem3A_262] : memref<2x!tpu.dma_semaphore, #tpu.memory_space<semaphore_mem>> -> memref<1x!tpu.dma_semaphore, #tpu.memory_space<semaphore_mem>>
          %dma_start3A_272 = tpu.memref_squeeze %dma_start3A_271 : memref<1x!tpu.dma_semaphore, #tpu.memory_space<semaphore_mem>> -> memref<!tpu.dma_semaphore, #tpu.memory_space<semaphore_mem>>
          %dma_start3A_273 = tpu.memref_slice %run_scoped3A[%add3A_268] : memref<4096xi32, #tpu.memory_space<vmem>> -> memref<2048xi32, #tpu.memory_space<vmem>>
          %dma_start3A_274 = tpu.memref_slice %arg3[%mul3A_264] : memref<327680xi32, #tpu.memory_space<hbm>> -> memref<2048xi32, #tpu.memory_space<hbm>>
          tpu.enqueue_dma source(%dma_start3A_274 : memref<2048xi32, #tpu.memory_space<hbm>>) target(%dma_start3A_273 : memref<2048xi32, #tpu.memory_space<vmem>>) target_semaphore(%dma_start3A_272 : memref<!tpu.dma_semaphore, #tpu.memory_space<semaphore_mem>>)
          "tpu.trace_stop"() : () -> ()
        } else {
        }
        %and3A_159 = arith.constant true
        %and3A_160 = arith.andi %and3A, %and3A_159 : i1
        %add3A_161 = arith.constant 1 : i32
        %add3A_162 = arith.addi %scan3A_118, %add3A_161 : i32
        %select_n3A_163 = arith.select %and3A_160, %add3A_162, %scan3A_118 : i32
        %ne3A_164 = arith.cmpi ne, %add3A_127, %add3A_145 : i32
        %or3A_165 = arith.constant false
        %or3A_166 = arith.ori %or3A_165, %ne3A_164 : i1
        %or3A_167 = arith.constant false
        %or3A_168 = arith.ori %or3A_166, %or3A_167 : i1
        %ge3A_169 = arith.constant 4 : i32
        %ge3A_170 = arith.cmpi sge, %scan3A_117, %ge3A_169 : i32
        %not3A_171 = arith.constant true
        %not3A_172 = arith.xori %ge3A_170, %not3A_171 : i1
        %and3A_173 = arith.andi %or3A_168, %not3A_172 : i1
        %ne3A_174 = arith.cmpi ne, %add3A_127, %add3A_136 : i32
        %or3A_175 = arith.constant false
        %or3A_176 = arith.ori %or3A_175, %ne3A_174 : i1
        %or3A_177 = arith.ori %or3A_176, %eq3A_124 : i1
        %convert_element_type3A_178 = arith.extui %or3A_177 : i1 to i32
        %cond3A_179 = arith.constant 0 : i32
        %cond3A_180 = arith.cmpi ne, %convert_element_type3A_178, %cond3A_179 : i32
        scf.if %cond3A_180 {
          "tpu.trace_start"() <{level = 10 : i32, message = "ep_wait_in"}> : () -> ()
          %mul3A_261 = arith.constant 2048 : i32
          %mul3A_262 = arith.muli %mul3A_261, %add3A_127 : i32
          %rem3A_263 = arith.constant 2 : i32
          %rem3A_264 = arith.remui %scan3A_119, %rem3A_263 : i32
          %mul3A_265 = arith.constant 2048 : i32
          %mul3A_266 = arith.muli %rem3A_264, %mul3A_265 : i32
          %add3A_267 = arith.constant 0 : i32
          %add3A_268 = arith.addi %mul3A_266, %add3A_267 : i32
          %dma_wait3A_269 = tpu.memref_slice %run_scoped3A[%add3A_268] : memref<4096xi32, #tpu.memory_space<vmem>> -> memref<2048xi32, #tpu.memory_space<vmem>>
          %dma_wait3A_270 = tpu.memref_slice %arg3[%mul3A_262] : memref<327680xi32, #tpu.memory_space<hbm>> -> memref<2048xi32, #tpu.memory_space<hbm>>
          %dma_wait3A_271 = tpu.memref_slice %run_scoped3A_7[%rem3A_264] : memref<2x!tpu.dma_semaphore, #tpu.memory_space<semaphore_mem>> -> memref<1x!tpu.dma_semaphore, #tpu.memory_space<semaphore_mem>>
          %dma_wait3A_272 = tpu.memref_squeeze %dma_wait3A_271 : memref<1x!tpu.dma_semaphore, #tpu.memory_space<semaphore_mem>> -> memref<!tpu.dma_semaphore, #tpu.memory_space<semaphore_mem>>
          %dma_wait3A_273 = tpu.memref_slice %run_scoped3A[%add3A_268] : memref<4096xi32, #tpu.memory_space<vmem>> -> memref<2048xi32, #tpu.memory_space<vmem>>
          %dma_wait3A_274 = tpu.memref_slice %arg3[%mul3A_262] : memref<327680xi32, #tpu.memory_space<hbm>> -> memref<2048xi32, #tpu.memory_space<hbm>>
          tpu.wait_dma2 semaphore(%dma_wait3A_272 : memref<!tpu.dma_semaphore, #tpu.memory_space<semaphore_mem>>) src(%dma_wait3A_274 : memref<2048xi32, #tpu.memory_space<hbm>>) dst(%dma_wait3A_273 : memref<2048xi32, #tpu.memory_space<vmem>>)
          "tpu.trace_stop"() : () -> ()
        } else {
        }
        %ne3A_181 = arith.cmpi ne, %add3A_127, %add3A_136 : i32
        %or3A_182 = arith.constant false
        %or3A_183 = arith.ori %or3A_182, %ne3A_181 : i1
        %or3A_184 = arith.constant false
        %or3A_185 = arith.ori %or3A_183, %or3A_184 : i1
        %or3A_186 = arith.ori %or3A_185, %eq3A_124 : i1
        %convert_element_type3A_187 = arith.extui %or3A_186 : i1 to i32
        %cond3A_188 = arith.constant 0 : i32
        %cond3A_189 = arith.cmpi ne, %convert_element_type3A_187, %cond3A_188 : i32
        scf.if %cond3A_189 {
        } else {
        }
        %rem3A_190 = arith.constant 2 : i32
        %rem3A_191 = arith.remui %scan3A_119, %rem3A_190 : i32
        %mul3A_192 = arith.constant 2048 : i32
        %mul3A_193 = arith.muli %rem3A_191, %mul3A_192 : i32
        %rem3A_194 = arith.constant 2 : i32
        %rem3A_195 = arith.remui %scan3A_120, %rem3A_194 : i32
        "tpu.trace_start"() <{level = 10 : i32, message = "ep_run_kernel"}> : () -> ()
        "tpu.region"() ({
          %run_scoped3A_261 = tpu.sem_alloc : memref<!tpu.dma_semaphore, #tpu.memory_space<semaphore_mem>>
          %dma_start3A_262 = arith.constant 0 : i32
          %dma_start3A_263 = arith.constant 0 : i32
          %dma_start3A_264 = tpu.memref_slice %run_scoped3A_8[%rem3A_195, %dma_start3A_262, %dma_start3A_263] : memref<2x2048x16xf32, #tpu.memory_space<vmem>> -> memref<1x2048x16xf32, #tpu.memory_space<vmem>>
          %dma_start3A_265 = tpu.memref_squeeze %dma_start3A_264 : memref<1x2048x16xf32, #tpu.memory_space<vmem>> -> memref<2048x16xf32, #tpu.memory_space<vmem>>
          %dma_start3A_266 = tpu.memref_slice %run_scoped3A[%mul3A_193] : memref<4096xi32, #tpu.memory_space<vmem>> -> memref<2048xi32, #tpu.memory_space<vmem>>
          %dma_start3A_267 = arith.constant 0 : i32
          %dma_start3A_268 = arith.constant 0 : i32
          %dma_start3A_269 = tpu.memref_slice %arg2[%dma_start3A_267, %dma_start3A_268] : memref<1000000x16xf32, #tpu.memory_space<hbm>> -> memref<1000000x16xf32, #tpu.memory_space<hbm>>
          tpu.enqueue_indirect_dma source(%dma_start3A_269 : memref<1000000x16xf32, #tpu.memory_space<hbm>>) target(%dma_start3A_265 : memref<2048x16xf32, #tpu.memory_space<vmem>>) offsets(%dma_start3A_266 : memref<2048xi32, #tpu.memory_space<vmem>>) semaphore(%run_scoped3A_261 : memref<!tpu.dma_semaphore, #tpu.memory_space<semaphore_mem>>)
          %dma_wait3A_270 = arith.constant 0 : i32
          %dma_wait3A_271 = arith.constant 0 : i32
          %dma_wait3A_272 = tpu.memref_slice %run_scoped3A_8[%rem3A_195, %dma_wait3A_270, %dma_wait3A_271] : memref<2x2048x16xf32, #tpu.memory_space<vmem>> -> memref<1x2048x16xf32, #tpu.memory_space<vmem>>
          %dma_wait3A_273 = tpu.memref_squeeze %dma_wait3A_272 : memref<1x2048x16xf32, #tpu.memory_space<vmem>> -> memref<2048x16xf32, #tpu.memory_space<vmem>>
          %dma_wait3A_274 = tpu.memref_slice %run_scoped3A[%mul3A_193] : memref<4096xi32, #tpu.memory_space<vmem>> -> memref<2048xi32, #tpu.memory_space<vmem>>
          %dma_wait3A_275 = arith.constant 0 : i32
          %dma_wait3A_276 = arith.constant 0 : i32
          %dma_wait3A_277 = tpu.memref_slice %arg2[%dma_wait3A_275, %dma_wait3A_276] : memref<1000000x16xf32, #tpu.memory_space<hbm>> -> memref<1000000x16xf32, #tpu.memory_space<hbm>>
          tpu.wait_indirect_dma semaphore(%run_scoped3A_261 : memref<!tpu.dma_semaphore, #tpu.memory_space<semaphore_mem>>) src(%dma_wait3A_277 : memref<1000000x16xf32, #tpu.memory_space<hbm>>) dst(%dma_wait3A_273 : memref<2048x16xf32, #tpu.memory_space<vmem>>)
          tpu.yield
        }) : () -> ()
        "tpu.trace_stop"() : () -> ()
        %ne3A_196 = arith.cmpi ne, %add3A_127, %add3A_145 : i32
        %or3A_197 = arith.constant false
        %or3A_198 = arith.ori %or3A_197, %ne3A_196 : i1
        %or3A_199 = arith.ori %or3A_198, %eq3A_126 : i1
        %convert_element_type3A_200 = arith.extui %or3A_199 : i1 to i32
        %cond3A_201 = arith.constant 0 : i32
        %cond3A_202 = arith.cmpi ne, %convert_element_type3A_200, %cond3A_201 : i32
        scf.if %cond3A_202 {
        } else {
        }
        %and3A_203 = arith.constant false
        %and3A_204 = arith.andi %or3A_199, %and3A_203 : i1
        %ne3A_205 = arith.cmpi ne, %add3A_127, %add3A_145 : i32
        %or3A_206 = arith.constant false
        %or3A_207 = arith.ori %or3A_206, %ne3A_205 : i1
        %or3A_208 = arith.constant false
        %or3A_209 = arith.ori %or3A_207, %or3A_208 : i1
        %or3A_210 = arith.ori %or3A_209, %eq3A_126 : i1
        %convert_element_type3A_211 = arith.extui %or3A_210 : i1 to i32
        %cond3A_212 = arith.constant 0 : i32
        %cond3A_213 = arith.cmpi ne, %convert_element_type3A_211, %cond3A_212 : i32
        scf.if %cond3A_213 {
          "tpu.trace_start"() <{level = 10 : i32, message = "ep_copy_out"}> : () -> ()
          %rem3A_261 = arith.constant 2 : i32
          %rem3A_262 = arith.remui %scan3A_120, %rem3A_261 : i32
          %mul3A_263 = arith.constant 2048 : i32
          %mul3A_264 = arith.muli %mul3A_263, %add3A_127 : i32
          %dma_start3A_265 = arith.constant 0 : i32
          %dma_start3A_266 = arith.constant 0 : i32
          %dma_start3A_267 = tpu.memref_slice %run_scoped3A_8[%rem3A_262, %dma_start3A_265, %dma_start3A_266] : memref<2x2048x16xf32, #tpu.memory_space<vmem>> -> memref<1x2048x16xf32, #tpu.memory_space<vmem>>
          %dma_start3A_268 = tpu.memref_squeeze %dma_start3A_267 : memref<1x2048x16xf32, #tpu.memory_space<vmem>> -> memref<2048x16xf32, #tpu.memory_space<vmem>>
          %dma_start3A_269 = arith.constant 0 : i32
          %dma_start3A_270 = tpu.memref_slice %arg4[%mul3A_264, %dma_start3A_269] : memref<327680x16xf32, #tpu.memory_space<hbm>> -> memref<2048x16xf32, #tpu.memory_space<hbm>>
          %dma_start3A_271 = tpu.memref_slice %run_scoped3A_9[%rem3A_262] : memref<2x!tpu.dma_semaphore, #tpu.memory_space<semaphore_mem>> -> memref<1x!tpu.dma_semaphore, #tpu.memory_space<semaphore_mem>>
          %dma_start3A_272 = tpu.memref_squeeze %dma_start3A_271 : memref<1x!tpu.dma_semaphore, #tpu.memory_space<semaphore_mem>> -> memref<!tpu.dma_semaphore, #tpu.memory_space<semaphore_mem>>
          %dma_start3A_273 = arith.constant 0 : i32
          %dma_start3A_274 = tpu.memref_slice %arg4[%mul3A_264, %dma_start3A_273] : memref<327680x16xf32, #tpu.memory_space<hbm>> -> memref<2048x16xf32, #tpu.memory_space<hbm>>
          %dma_start3A_275 = arith.constant 0 : i32
          %dma_start3A_276 = arith.constant 0 : i32
          %dma_start3A_277 = tpu.memref_slice %run_scoped3A_8[%rem3A_262, %dma_start3A_275, %dma_start3A_276] : memref<2x2048x16xf32, #tpu.memory_space<vmem>> -> memref<1x2048x16xf32, #tpu.memory_space<vmem>>
          %dma_start3A_278 = tpu.memref_squeeze %dma_start3A_277 : memref<1x2048x16xf32, #tpu.memory_space<vmem>> -> memref<2048x16xf32, #tpu.memory_space<vmem>>
          tpu.enqueue_dma source(%dma_start3A_278 : memref<2048x16xf32, #tpu.memory_space<vmem>>) target(%dma_start3A_274 : memref<2048x16xf32, #tpu.memory_space<hbm>>) target_semaphore(%dma_start3A_272 : memref<!tpu.dma_semaphore, #tpu.memory_space<semaphore_mem>>)
          "tpu.trace_stop"() : () -> ()
        } else {
        }
        %and3A_214 = arith.constant true
        %and3A_215 = arith.andi %or3A_210, %and3A_214 : i1
        %add3A_216 = arith.constant 1 : i32
        %add3A_217 = arith.addi %scan3A_120, %add3A_216 : i32
        %select_n3A_218 = arith.select %and3A_215, %add3A_217, %scan3A_120 : i32
        %ne3A_219 = arith.cmpi ne, %add3A_127, %add3A_136 : i32
        %or3A_220 = arith.constant false
        %or3A_221 = arith.ori %or3A_220, %ne3A_219 : i1
        %not3A_222 = arith.constant true
        %not3A_223 = arith.xori %eq3A_124, %not3A_222 : i1
        %and3A_224 = arith.andi %or3A_221, %not3A_223 : i1
        %convert_element_type3A_225 = arith.extui %and3A_224 : i1 to i32
        %cond3A_226 = arith.constant 0 : i32
        %cond3A_227 = arith.cmpi ne, %convert_element_type3A_225, %cond3A_226 : i32
        scf.if %cond3A_227 {
        } else {
        }
        %and3A_228 = arith.constant false
        %and3A_229 = arith.andi %and3A_224, %and3A_228 : i1
        %ne3A_230 = arith.cmpi ne, %add3A_127, %add3A_136 : i32
        %or3A_231 = arith.constant false
        %or3A_232 = arith.ori %or3A_231, %ne3A_230 : i1
        %or3A_233 = arith.constant false
        %or3A_234 = arith.ori %or3A_232, %or3A_233 : i1
        %not3A_235 = arith.constant true
        %not3A_236 = arith.xori %eq3A_124, %not3A_235 : i1
        %and3A_237 = arith.andi %or3A_234, %not3A_236 : i1
        %convert_element_type3A_238 = arith.extui %and3A_237 : i1 to i32
        %cond3A_239 = arith.constant 0 : i32
        %cond3A_240 = arith.cmpi ne, %convert_element_type3A_238, %cond3A_239 : i32
        scf.if %cond3A_240 {
          "tpu.trace_start"() <{level = 10 : i32, message = "ep_wait_out"}> : () -> ()
          %rem3A_261 = arith.constant 2 : i32
          %rem3A_262 = arith.remui %scan3A_121, %rem3A_261 : i32
          %mul3A_263 = arith.constant 2048 : i32
          %mul3A_264 = arith.muli %mul3A_263, %add3A_136 : i32
          %dma_wait3A_265 = arith.constant 0 : i32
          %dma_wait3A_266 = arith.constant 0 : i32
          %dma_wait3A_267 = tpu.memref_slice %run_scoped3A_8[%rem3A_262, %dma_wait3A_265, %dma_wait3A_266] : memref<2x2048x16xf32, #tpu.memory_space<vmem>> -> memref<1x2048x16xf32, #tpu.memory_space<vmem>>
          %dma_wait3A_268 = tpu.memref_squeeze %dma_wait3A_267 : memref<1x2048x16xf32, #tpu.memory_space<vmem>> -> memref<2048x16xf32, #tpu.memory_space<vmem>>
          %dma_wait3A_269 = arith.constant 0 : i32
          %dma_wait3A_270 = tpu.memref_slice %arg4[%mul3A_264, %dma_wait3A_269] : memref<327680x16xf32, #tpu.memory_space<hbm>> -> memref<2048x16xf32, #tpu.memory_space<hbm>>
          %dma_wait3A_271 = tpu.memref_slice %run_scoped3A_9[%rem3A_262] : memref<2x!tpu.dma_semaphore, #tpu.memory_space<semaphore_mem>> -> memref<1x!tpu.dma_semaphore, #tpu.memory_space<semaphore_mem>>
          %dma_wait3A_272 = tpu.memref_squeeze %dma_wait3A_271 : memref<1x!tpu.dma_semaphore, #tpu.memory_space<semaphore_mem>> -> memref<!tpu.dma_semaphore, #tpu.memory_space<semaphore_mem>>
          %dma_wait3A_273 = arith.constant 0 : i32
          %dma_wait3A_274 = tpu.memref_slice %arg4[%mul3A_264, %dma_wait3A_273] : memref<327680x16xf32, #tpu.memory_space<hbm>> -> memref<2048x16xf32, #tpu.memory_space<hbm>>
          %dma_wait3A_275 = arith.constant 0 : i32
          %dma_wait3A_276 = arith.constant 0 : i32
          %dma_wait3A_277 = tpu.memref_slice %run_scoped3A_8[%rem3A_262, %dma_wait3A_275, %dma_wait3A_276] : memref<2x2048x16xf32, #tpu.memory_space<vmem>> -> memref<1x2048x16xf32, #tpu.memory_space<vmem>>
          %dma_wait3A_278 = tpu.memref_squeeze %dma_wait3A_277 : memref<1x2048x16xf32, #tpu.memory_space<vmem>> -> memref<2048x16xf32, #tpu.memory_space<vmem>>
          tpu.wait_dma2 semaphore(%dma_wait3A_272 : memref<!tpu.dma_semaphore, #tpu.memory_space<semaphore_mem>>) src(%dma_wait3A_278 : memref<2048x16xf32, #tpu.memory_space<vmem>>) dst(%dma_wait3A_274 : memref<2048x16xf32, #tpu.memory_space<hbm>>)
          "tpu.trace_stop"() : () -> ()
        } else {
        }
        %and3A_241 = arith.constant true
        %and3A_242 = arith.andi %and3A_237, %and3A_241 : i1
        %add3A_243 = arith.constant 1 : i32
        %add3A_244 = arith.addi %scan3A_121, %add3A_243 : i32
        %select_n3A_245 = arith.select %and3A_242, %add3A_244, %scan3A_121 : i32
        %ne3A_246 = arith.cmpi ne, %add3A_127, %add3A_145 : i32
        %or3A_247 = arith.constant false
        %or3A_248 = arith.ori %or3A_247, %ne3A_246 : i1
        %or3A_249 = arith.ori %or3A_248, %eq3A_126 : i1
        %add3A_250 = arith.constant 1 : i32
        %add3A_251 = arith.addi %scan3A_119, %add3A_250 : i32
        %select_n3A_252 = arith.select %or3A_249, %add3A_251, %scan3A_119 : i32
        %add3A_253 = arith.constant 1 : i32
        %add3A_254 = arith.addi %scan3A_122, %add3A_253 : i32
        %select_n3A_255 = arith.constant true
        %select_n3A_256 = arith.select %select_n3A_255, %add3A_254, %scan3A_122 : i32
        %eq3A_257 = arith.constant 5 : i32
        %eq3A_258 = arith.cmpi eq, %select_n3A_256, %eq3A_257 : i32
        %select_n3A_259 = arith.constant 0 : i32
        %select_n3A_260 = arith.select %eq3A_258, %select_n3A_259, %select_n3A_256 : i32
        scf.yield %select_n3A_163, %select_n3A_252, %select_n3A_218, %select_n3A_245, %select_n3A_260 : i32, i32, i32, i32, i32
      }
      %scan3A_64 = arith.constant 5 : i32
      %sub3A = arith.constant 1 : i32
      %sub3A_65 = arith.subi %scan3A_63#4, %sub3A : i32
      %select_n3A_66 = arith.constant true
      %select_n3A_67 = arith.select %select_n3A_66, %sub3A_65, %scan3A_63#4 : i32
      %eq3A_68 = arith.constant -1 : i32
      %eq3A_69 = arith.cmpi eq, %select_n3A_67, %eq3A_68 : i32
      %select_n3A_70 = arith.constant 4 : i32
      %select_n3A_71 = arith.select %eq3A_69, %select_n3A_70, %select_n3A_67 : i32
      %add3A_72 = arith.addi %select_n3A_71, %mul3A_6 : i32
      %sub3A_73 = arith.constant 1 : i32
      %sub3A_74 = arith.subi %select_n3A_71, %sub3A_73 : i32
      %select_n3A_75 = arith.constant true
      %select_n3A_76 = arith.select %select_n3A_75, %sub3A_74, %select_n3A_71 : i32
      %eq3A_77 = arith.constant -1 : i32
      %eq3A_78 = arith.cmpi eq, %select_n3A_76, %eq3A_77 : i32
      %select_n3A_79 = arith.constant 4 : i32
      %select_n3A_80 = arith.select %eq3A_78, %select_n3A_79, %select_n3A_76 : i32
      %add3A_81 = arith.addi %select_n3A_80, %mul3A_6 : i32
      %add3A_82 = arith.constant 1 : i32
      %add3A_83 = arith.addi %select_n3A_71, %add3A_82 : i32
      %select_n3A_84 = arith.constant true
      %select_n3A_85 = arith.select %select_n3A_84, %add3A_83, %select_n3A_71 : i32
      %eq3A_86 = arith.constant 5 : i32
      %eq3A_87 = arith.cmpi eq, %select_n3A_85, %eq3A_86 : i32
      %select_n3A_88 = arith.constant 0 : i32
      %select_n3A_89 = arith.select %eq3A_87, %select_n3A_88, %select_n3A_85 : i32
      %add3A_90 = arith.addi %select_n3A_89, %mul3A_6 : i32
      %add3A_91 = arith.constant 1 : i32
      %add3A_92 = arith.addi %select_n3A_89, %add3A_91 : i32
      %select_n3A_93 = arith.constant true
      %select_n3A_94 = arith.select %select_n3A_93, %add3A_92, %select_n3A_89 : i32
      %eq3A_95 = arith.constant 5 : i32
      %eq3A_96 = arith.cmpi eq, %select_n3A_94, %eq3A_95 : i32
      %select_n3A_97 = arith.constant 0 : i32
      %select_n3A_98 = arith.select %eq3A_96, %select_n3A_97, %select_n3A_94 : i32
      %add3A_99 = arith.addi %select_n3A_98, %mul3A_6 : i32
      "tpu.trace_start"() <{level = 10 : i32, message = "ep_finalize"}> : () -> ()
      %rem3A_100 = arith.constant 2 : i32
      %rem3A_101 = arith.remui %scan3A_63#3, %rem3A_100 : i32
      %mul3A_102 = arith.constant 2048 : i32
      %mul3A_103 = arith.muli %mul3A_102, %add3A_72 : i32
      %dma_wait3A = arith.constant 0 : i32
      %dma_wait3A_104 = arith.constant 0 : i32
      %dma_wait3A_105 = tpu.memref_slice %run_scoped3A_8[%rem3A_101, %dma_wait3A, %dma_wait3A_104] : memref<2x2048x16xf32, #tpu.memory_space<vmem>> -> memref<1x2048x16xf32, #tpu.memory_space<vmem>>
      %dma_wait3A_106 = tpu.memref_squeeze %dma_wait3A_105 : memref<1x2048x16xf32, #tpu.memory_space<vmem>> -> memref<2048x16xf32, #tpu.memory_space<vmem>>
      %dma_wait3A_107 = arith.constant 0 : i32
      %dma_wait3A_108 = tpu.memref_slice %arg4[%mul3A_103, %dma_wait3A_107] : memref<327680x16xf32, #tpu.memory_space<hbm>> -> memref<2048x16xf32, #tpu.memory_space<hbm>>
      %dma_wait3A_109 = tpu.memref_slice %run_scoped3A_9[%rem3A_101] : memref<2x!tpu.dma_semaphore, #tpu.memory_space<semaphore_mem>> -> memref<1x!tpu.dma_semaphore, #tpu.memory_space<semaphore_mem>>
      %dma_wait3A_110 = tpu.memref_squeeze %dma_wait3A_109 : memref<1x!tpu.dma_semaphore, #tpu.memory_space<semaphore_mem>> -> memref<!tpu.dma_semaphore, #tpu.memory_space<semaphore_mem>>
      %dma_wait3A_111 = arith.constant 0 : i32
      %dma_wait3A_112 = tpu.memref_slice %arg4[%mul3A_103, %dma_wait3A_111] : memref<327680x16xf32, #tpu.memory_space<hbm>> -> memref<2048x16xf32, #tpu.memory_space<hbm>>
      %dma_wait3A_113 = arith.constant 0 : i32
      %dma_wait3A_114 = arith.constant 0 : i32
      %dma_wait3A_115 = tpu.memref_slice %run_scoped3A_8[%rem3A_101, %dma_wait3A_113, %dma_wait3A_114] : memref<2x2048x16xf32, #tpu.memory_space<vmem>> -> memref<1x2048x16xf32, #tpu.memory_space<vmem>>
      %dma_wait3A_116 = tpu.memref_squeeze %dma_wait3A_115 : memref<1x2048x16xf32, #tpu.memory_space<vmem>> -> memref<2048x16xf32, #tpu.memory_space<vmem>>
      tpu.wait_dma2 semaphore(%dma_wait3A_110 : memref<!tpu.dma_semaphore, #tpu.memory_space<semaphore_mem>>) src(%dma_wait3A_116 : memref<2048x16xf32, #tpu.memory_space<vmem>>) dst(%dma_wait3A_112 : memref<2048x16xf32, #tpu.memory_space<hbm>>)
      "tpu.trace_stop"() : () -> ()
      tpu.yield
    }) : () -> ()
    return
  }
}

#map = affine_map<(d0, d1) -> (0, 0)>
#map1 = affine_map<(d0, d1) -> (0)>
module attributes {stable_mosaic.version = 14 : i64} {
  func.func @gather_kernel(%arg0: i32, %arg1: i32, %arg2: memref<1000000x16xf32, #tpu.memory_space<hbm>>, %arg3: memref<327680xi32, #tpu.memory_space<hbm>>, %arg4: memref<327680x16xf32, #tpu.memory_space<hbm>>) attributes {dimension_semantics = [#tpu.dimension_semantics<core_parallel>, #tpu.dimension_semantics<subcore_parallel>], iteration_bounds = array<i64: 2, 16>, scalar_prefetch = 0 : i64, scratch_operands = 0 : i64, tpu.core_type = #tpu.core_type<sc_vector_subcore>, window_params = [{transform_indices = #map}, {transform_indices = #map1}, {transform_indices = #map}]} {
    %mul3A = arith.constant 1 : i32
    %mul3A_0 = arith.muli %arg1, %mul3A : i32
    %add3A = arith.constant 0 : i32
    %add3A_1 = arith.addi %add3A, %mul3A_0 : i32
    %mul3A_2 = arith.constant 16 : i32
    %mul3A_3 = arith.muli %arg0, %mul3A_2 : i32
    %add3A_4 = arith.addi %add3A_1, %mul3A_3 : i32
    %mul3A_5 = arith.constant 5 : i32
    %mul3A_6 = arith.muli %add3A_4, %mul3A_5 : i32
    "tpu.region"() ({
      %run_scoped3A = memref.alloca() : memref<4096xi32, #tpu.memory_space<vmem>>
      %run_scoped3A_7 = tpu.sem_alloc : memref<2x!tpu.dma_semaphore, #tpu.memory_space<semaphore_mem>>
      %run_scoped3A_8 = memref.alloca() : memref<2x2048x16xf32, #tpu.memory_space<vmem>>
      %run_scoped3A_9 = tpu.sem_alloc : memref<2x!tpu.dma_semaphore, #tpu.memory_space<semaphore_mem>>
      %add3A_10 = arith.constant 0 : i32
      %add3A_11 = arith.addi %add3A_10, %mul3A_6 : i32
      %select_n3A = arith.constant true
      %select_n3A_12 = arith.constant 0 : i32
      %select_n3A_13 = arith.constant -1 : i32
      %select_n3A_14 = arith.select %select_n3A, %select_n3A_13, %select_n3A_12 : i32
      %eq3A = arith.constant -1 : i32
      %eq3A_15 = arith.cmpi eq, %select_n3A_14, %eq3A : i32
      %select_n3A_16 = arith.constant 4 : i32
      %select_n3A_17 = arith.select %eq3A_15, %select_n3A_16, %select_n3A_14 : i32
      %add3A_18 = arith.addi %select_n3A_17, %mul3A_6 : i32
      %select_n3A_19 = arith.constant true
      %select_n3A_20 = arith.constant 0 : i32
      %select_n3A_21 = arith.constant 1 : i32
      %select_n3A_22 = arith.select %select_n3A_19, %select_n3A_21, %select_n3A_20 : i32
      %eq3A_23 = arith.constant 5 : i32
      %eq3A_24 = arith.cmpi eq, %select_n3A_22, %eq3A_23 : i32
      %select_n3A_25 = arith.constant 0 : i32
      %select_n3A_26 = arith.select %eq3A_24, %select_n3A_25, %select_n3A_22 : i32
      %add3A_27 = arith.addi %select_n3A_26, %mul3A_6 : i32
      %add3A_28 = arith.constant 1 : i32
      %add3A_29 = arith.addi %select_n3A_26, %add3A_28 : i32
      %select_n3A_30 = arith.constant true
      %select_n3A_31 = arith.select %select_n3A_30, %add3A_29, %select_n3A_26 : i32
      %eq3A_32 = arith.constant 5 : i32
      %eq3A_33 = arith.cmpi eq, %select_n3A_31, %eq3A_32 : i32
      %select_n3A_34 = arith.constant 0 : i32
      %select_n3A_35 = arith.select %eq3A_33, %select_n3A_34, %select_n3A_31 : i32
      %add3A_36 = arith.addi %select_n3A_35, %mul3A_6 : i32
      "tpu.trace_start"() <{level = 10 : i32, message = "ep_initialize_0"}> : () -> ()
      %rem3A = arith.constant 0 : i32
      %rem3A_37 = arith.constant 2 : i32
      %rem3A_38 = arith.remui %rem3A, %rem3A_37 : i32
      %mul3A_39 = arith.constant 2048 : i32
      %mul3A_40 = arith.muli %mul3A_39, %add3A_11 : i32
      %mul3A_41 = arith.constant 2048 : i32
      %mul3A_42 = arith.muli %rem3A_38, %mul3A_41 : i32
      %add3A_43 = arith.constant 0 : i32
      %add3A_44 = arith.addi %mul3A_42, %add3A_43 : i32
      %dma_start3A = tpu.memref_slice %run_scoped3A[%add3A_44] : memref<4096xi32, #tpu.memory_space<vmem>> -> memref<2048xi32, #tpu.memory_space<vmem>>
      %dma_start3A_45 = tpu.memref_slice %arg3[%mul3A_40] : memref<327680xi32, #tpu.memory_space<hbm>> -> memref<2048xi32, #tpu.memory_space<hbm>>
      %dma_start3A_46 = tpu.memref_slice %run_scoped3A_7[%rem3A_38] : memref<2x!tpu.dma_semaphore, #tpu.memory_space<semaphore_mem>> -> memref<1x!tpu.dma_semaphore, #tpu.memory_space<semaphore_mem>>
      %dma_start3A_47 = tpu.memref_squeeze %dma_start3A_46 : memref<1x!tpu.dma_semaphore, #tpu.memory_space<semaphore_mem>> -> memref<!tpu.dma_semaphore, #tpu.memory_space<semaphore_mem>>
      %dma_start3A_48 = tpu.memref_slice %run_scoped3A[%add3A_44] : memref<4096xi32, #tpu.memory_space<vmem>> -> memref<2048xi32, #tpu.memory_space<vmem>>
      %dma_start3A_49 = tpu.memref_slice %arg3[%mul3A_40] : memref<327680xi32, #tpu.memory_space<hbm>> -> memref<2048xi32, #tpu.memory_space<hbm>>
      tpu.enqueue_dma source(%dma_start3A_49 : memref<2048xi32, #tpu.memory_space<hbm>>) target(%dma_start3A_48 : memref<2048xi32, #tpu.memory_space<vmem>>) target_semaphore(%dma_start3A_47 : memref<!tpu.dma_semaphore, #tpu.memory_space<semaphore_mem>>)
      %add3A_50 = arith.constant 0 : i32
      %add3A_51 = arith.constant 1 : i32
      %add3A_52 = arith.addi %add3A_50, %add3A_51 : i32
      %select_n3A_53 = arith.constant true
      %select_n3A_54 = arith.constant 0 : i32
      %select_n3A_55 = arith.select %select_n3A_53, %add3A_52, %select_n3A_54 : i32
      "tpu.trace_stop"() : () -> ()
      %scan3A = arith.constant 0 : i32
      %scan3A_56 = arith.constant 0 : i32
      %scan3A_57 = arith.constant 0 : i32
      %scan3A_58 = arith.constant 0 : i32
      %scan3A_59 = arith.constant 0 : i32
      %scan3A_60 = arith.constant 5 : i32
      %scan3A_61 = arith.addi %scan3A_59, %scan3A_60 : i32
      %scan3A_62 = arith.constant 1 : i32
      %scan3A_63:5 = scf.for %scan3A_117 = %scan3A_59 to %scan3A_61 step %scan3A_62 iter_args(%scan3A_118 = %select_n3A_55, %scan3A_119 = %scan3A, %scan3A_120 = %scan3A_56, %scan3A_121 = %scan3A_57, %scan3A_122 = %scan3A_58) -> (i32, i32, i32, i32, i32)  : i32 {
        %eq3A_123 = arith.constant 0 : i32
        %eq3A_124 = arith.cmpi eq, %scan3A_117, %eq3A_123 : i32
        %eq3A_125 = arith.constant 4 : i32
        %eq3A_126 = arith.cmpi eq, %scan3A_117, %eq3A_125 : i32
        %add3A_127 = arith.addi %scan3A_122, %mul3A_6 : i32
        %sub3A_128 = arith.constant 1 : i32
        %sub3A_129 = arith.subi %scan3A_122, %sub3A_128 : i32
        %select_n3A_130 = arith.constant true
        %select_n3A_131 = arith.select %select_n3A_130, %sub3A_129, %scan3A_122 : i32
        %eq3A_132 = arith.constant -1 : i32
        %eq3A_133 = arith.cmpi eq, %select_n3A_131, %eq3A_132 : i32
        %select_n3A_134 = arith.constant 4 : i32
        %select_n3A_135 = arith.select %eq3A_133, %select_n3A_134, %select_n3A_131 : i32
        %add3A_136 = arith.addi %select_n3A_135, %mul3A_6 : i32
        %add3A_137 = arith.constant 1 : i32
        %add3A_138 = arith.addi %scan3A_122, %add3A_137 : i32
        %select_n3A_139 = arith.constant true
        %select_n3A_140 = arith.select %select_n3A_139, %add3A_138, %scan3A_122 : i32
        %eq3A_141 = arith.constant 5 : i32
        %eq3A_142 = arith.cmpi eq, %select_n3A_140, %eq3A_141 : i32
        %select_n3A_143 = arith.constant 0 : i32
        %select_n3A_144 = arith.select %eq3A_142, %select_n3A_143, %select_n3A_140 : i32
        %add3A_145 = arith.addi %select_n3A_144, %mul3A_6 : i32
        %add3A_146 = arith.constant 1 : i32
        %add3A_147 = arith.addi %select_n3A_144, %add3A_146 : i32
        %select_n3A_148 = arith.constant true
        %select_n3A_149 = arith.select %select_n3A_148, %add3A_147, %select_n3A_144 : i32
        %eq3A_150 = arith.constant 5 : i32
        %eq3A_151 = arith.cmpi eq, %select_n3A_149, %eq3A_150 : i32
        %select_n3A_152 = arith.constant 0 : i32
        %select_n3A_153 = arith.select %eq3A_151, %select_n3A_152, %select_n3A_149 : i32
        %add3A_154 = arith.addi %select_n3A_153, %mul3A_6 : i32
        %ne3A = arith.cmpi ne, %add3A_127, %add3A_145 : i32
        %or3A = arith.constant false
        %or3A_155 = arith.ori %or3A, %ne3A : i1
        %ge3A = arith.constant 4 : i32
        %ge3A_156 = arith.cmpi sge, %scan3A_117, %ge3A : i32
        %not3A = arith.constant true
        %not3A_157 = arith.xori %ge3A_156, %not3A : i1
        %and3A = arith.andi %or3A_155, %not3A_157 : i1
        %convert_element_type3A = arith.extui %and3A : i1 to i32
        %cond3A = arith.constant 0 : i32
        %cond3A_158 = arith.cmpi ne, %convert_element_type3A, %cond3A : i32
        scf.if %cond3A_158 {
          "tpu.trace_start"() <{level = 10 : i32, message = "ep_copy_in"}> : () -> ()
          %rem3A_261 = arith.constant 2 : i32
          %rem3A_262 = arith.remui %scan3A_118, %rem3A_261 : i32
          %mul3A_263 = arith.constant 2048 : i32
          %mul3A_264 = arith.muli %mul3A_263, %add3A_145 : i32
          %mul3A_265 = arith.constant 2048 : i32
          %mul3A_266 = arith.muli %rem3A_262, %mul3A_265 : i32
          %add3A_267 = arith.constant 0 : i32
          %add3A_268 = arith.addi %mul3A_266, %add3A_267 : i32
          %dma_start3A_269 = tpu.memref_slice %run_scoped3A[%add3A_268] : memref<4096xi32, #tpu.memory_space<vmem>> -> memref<2048xi32, #tpu.memory_space<vmem>>
          %dma_start3A_270 = tpu.memref_slice %arg3[%mul3A_264] : memref<327680xi32, #tpu.memory_space<hbm>> -> memref<2048xi32, #tpu.memory_space<hbm>>
          %dma_start3A_271 = tpu.memref_slice %run_scoped3A_7[%rem3A_262] : memref<2x!tpu.dma_semaphore, #tpu.memory_space<semaphore_mem>> -> memref<1x!tpu.dma_semaphore, #tpu.memory_space<semaphore_mem>>
          %dma_start3A_272 = tpu.memref_squeeze %dma_start3A_271 : memref<1x!tpu.dma_semaphore, #tpu.memory_space<semaphore_mem>> -> memref<!tpu.dma_semaphore, #tpu.memory_space<semaphore_mem>>
          %dma_start3A_273 = tpu.memref_slice %run_scoped3A[%add3A_268] : memref<4096xi32, #tpu.memory_space<vmem>> -> memref<2048xi32, #tpu.memory_space<vmem>>
          %dma_start3A_274 = tpu.memref_slice %arg3[%mul3A_264] : memref<327680xi32, #tpu.memory_space<hbm>> -> memref<2048xi32, #tpu.memory_space<hbm>>
          tpu.enqueue_dma source(%dma_start3A_274 : memref<2048xi32, #tpu.memory_space<hbm>>) target(%dma_start3A_273 : memref<2048xi32, #tpu.memory_space<vmem>>) target_semaphore(%dma_start3A_272 : memref<!tpu.dma_semaphore, #tpu.memory_space<semaphore_mem>>)
          "tpu.trace_stop"() : () -> ()
        } else {
        }
        %and3A_159 = arith.constant true
        %and3A_160 = arith.andi %and3A, %and3A_159 : i1
        %add3A_161 = arith.constant 1 : i32
        %add3A_162 = arith.addi %scan3A_118, %add3A_161 : i32
        %select_n3A_163 = arith.select %and3A_160, %add3A_162, %scan3A_118 : i32
        %ne3A_164 = arith.cmpi ne, %add3A_127, %add3A_145 : i32
        %or3A_165 = arith.constant false
        %or3A_166 = arith.ori %or3A_165, %ne3A_164 : i1
        %or3A_167 = arith.constant false
        %or3A_168 = arith.ori %or3A_166, %or3A_167 : i1
        %ge3A_169 = arith.constant 4 : i32
        %ge3A_170 = arith.cmpi sge, %scan3A_117, %ge3A_169 : i32
        %not3A_171 = arith.constant true
        %not3A_172 = arith.xori %ge3A_170, %not3A_171 : i1
        %and3A_173 = arith.andi %or3A_168, %not3A_172 : i1
        %ne3A_174 = arith.cmpi ne, %add3A_127, %add3A_136 : i32
        %or3A_175 = arith.constant false
        %or3A_176 = arith.ori %or3A_175, %ne3A_174 : i1
        %or3A_177 = arith.ori %or3A_176, %eq3A_124 : i1
        %convert_element_type3A_178 = arith.extui %or3A_177 : i1 to i32
        %cond3A_179 = arith.constant 0 : i32
        %cond3A_180 = arith.cmpi ne, %convert_element_type3A_178, %cond3A_179 : i32
        scf.if %cond3A_180 {
          "tpu.trace_start"() <{level = 10 : i32, message = "ep_wait_in"}> : () -> ()
          %mul3A_261 = arith.constant 2048 : i32
          %mul3A_262 = arith.muli %mul3A_261, %add3A_127 : i32
          %rem3A_263 = arith.constant 2 : i32
          %rem3A_264 = arith.remui %scan3A_119, %rem3A_263 : i32
          %mul3A_265 = arith.constant 2048 : i32
          %mul3A_266 = arith.muli %rem3A_264, %mul3A_265 : i32
          %add3A_267 = arith.constant 0 : i32
          %add3A_268 = arith.addi %mul3A_266, %add3A_267 : i32
          %dma_wait3A_269 = tpu.memref_slice %run_scoped3A[%add3A_268] : memref<4096xi32, #tpu.memory_space<vmem>> -> memref<2048xi32, #tpu.memory_space<vmem>>
          %dma_wait3A_270 = tpu.memref_slice %arg3[%mul3A_262] : memref<327680xi32, #tpu.memory_space<hbm>> -> memref<2048xi32, #tpu.memory_space<hbm>>
          %dma_wait3A_271 = tpu.memref_slice %run_scoped3A_7[%rem3A_264] : memref<2x!tpu.dma_semaphore, #tpu.memory_space<semaphore_mem>> -> memref<1x!tpu.dma_semaphore, #tpu.memory_space<semaphore_mem>>
          %dma_wait3A_272 = tpu.memref_squeeze %dma_wait3A_271 : memref<1x!tpu.dma_semaphore, #tpu.memory_space<semaphore_mem>> -> memref<!tpu.dma_semaphore, #tpu.memory_space<semaphore_mem>>
          %dma_wait3A_273 = tpu.memref_slice %run_scoped3A[%add3A_268] : memref<4096xi32, #tpu.memory_space<vmem>> -> memref<2048xi32, #tpu.memory_space<vmem>>
          %dma_wait3A_274 = tpu.memref_slice %arg3[%mul3A_262] : memref<327680xi32, #tpu.memory_space<hbm>> -> memref<2048xi32, #tpu.memory_space<hbm>>
          tpu.wait_dma2 semaphore(%dma_wait3A_272 : memref<!tpu.dma_semaphore, #tpu.memory_space<semaphore_mem>>) src(%dma_wait3A_274 : memref<2048xi32, #tpu.memory_space<hbm>>) dst(%dma_wait3A_273 : memref<2048xi32, #tpu.memory_space<vmem>>)
          "tpu.trace_stop"() : () -> ()
        } else {
        }
        %ne3A_181 = arith.cmpi ne, %add3A_127, %add3A_136 : i32
        %or3A_182 = arith.constant false
        %or3A_183 = arith.ori %or3A_182, %ne3A_181 : i1
        %or3A_184 = arith.constant false
        %or3A_185 = arith.ori %or3A_183, %or3A_184 : i1
        %or3A_186 = arith.ori %or3A_185, %eq3A_124 : i1
        %convert_element_type3A_187 = arith.extui %or3A_186 : i1 to i32
        %cond3A_188 = arith.constant 0 : i32
        %cond3A_189 = arith.cmpi ne, %convert_element_type3A_187, %cond3A_188 : i32
        scf.if %cond3A_189 {
        } else {
        }
        %rem3A_190 = arith.constant 2 : i32
        %rem3A_191 = arith.remui %scan3A_119, %rem3A_190 : i32
        %mul3A_192 = arith.constant 2048 : i32
        %mul3A_193 = arith.muli %rem3A_191, %mul3A_192 : i32
        %rem3A_194 = arith.constant 2 : i32
        %rem3A_195 = arith.remui %scan3A_120, %rem3A_194 : i32
        "tpu.trace_start"() <{level = 10 : i32, message = "ep_run_kernel"}> : () -> ()
        "tpu.region"() ({
          %run_scoped3A_261 = tpu.sem_alloc : memref<!tpu.dma_semaphore, #tpu.memory_space<semaphore_mem>>
          %dma_start3A_262 = arith.constant 0 : i32
          %dma_start3A_263 = arith.constant 0 : i32
          %dma_start3A_264 = tpu.memref_slice %run_scoped3A_8[%rem3A_195, %dma_start3A_262, %dma_start3A_263] : memref<2x2048x16xf32, #tpu.memory_space<vmem>> -> memref<1x2048x16xf32, #tpu.memory_space<vmem>>
          %dma_start3A_265 = tpu.memref_squeeze %dma_start3A_264 : memref<1x2048x16xf32, #tpu.memory_space<vmem>> -> memref<2048x16xf32, #tpu.memory_space<vmem>>
          %dma_start3A_266 = tpu.memref_slice %run_scoped3A[%mul3A_193] : memref<4096xi32, #tpu.memory_space<vmem>> -> memref<2048xi32, #tpu.memory_space<vmem>>
          %dma_start3A_267 = arith.constant 0 : i32
          %dma_start3A_268 = arith.constant 0 : i32
          %dma_start3A_269 = tpu.memref_slice %arg2[%dma_start3A_267, %dma_start3A_268] : memref<1000000x16xf32, #tpu.memory_space<hbm>> -> memref<1000000x16xf32, #tpu.memory_space<hbm>>
          tpu.enqueue_indirect_dma source(%dma_start3A_269 : memref<1000000x16xf32, #tpu.memory_space<hbm>>) target(%dma_start3A_265 : memref<2048x16xf32, #tpu.memory_space<vmem>>) offsets(%dma_start3A_266 : memref<2048xi32, #tpu.memory_space<vmem>>) semaphore(%run_scoped3A_261 : memref<!tpu.dma_semaphore, #tpu.memory_space<semaphore_mem>>)
          %dma_wait3A_270 = arith.constant 0 : i32
          %dma_wait3A_271 = arith.constant 0 : i32
          %dma_wait3A_272 = tpu.memref_slice %run_scoped3A_8[%rem3A_195, %dma_wait3A_270, %dma_wait3A_271] : memref<2x2048x16xf32, #tpu.memory_space<vmem>> -> memref<1x2048x16xf32, #tpu.memory_space<vmem>>
          %dma_wait3A_273 = tpu.memref_squeeze %dma_wait3A_272 : memref<1x2048x16xf32, #tpu.memory_space<vmem>> -> memref<2048x16xf32, #tpu.memory_space<vmem>>
          %dma_wait3A_274 = tpu.memref_slice %run_scoped3A[%mul3A_193] : memref<4096xi32, #tpu.memory_space<vmem>> -> memref<2048xi32, #tpu.memory_space<vmem>>
          %dma_wait3A_275 = arith.constant 0 : i32
          %dma_wait3A_276 = arith.constant 0 : i32
          %dma_wait3A_277 = tpu.memref_slice %arg2[%dma_wait3A_275, %dma_wait3A_276] : memref<1000000x16xf32, #tpu.memory_space<hbm>> -> memref<1000000x16xf32, #tpu.memory_space<hbm>>
          tpu.wait_indirect_dma semaphore(%run_scoped3A_261 : memref<!tpu.dma_semaphore, #tpu.memory_space<semaphore_mem>>) src(%dma_wait3A_277 : memref<1000000x16xf32, #tpu.memory_space<hbm>>) dst(%dma_wait3A_273 : memref<2048x16xf32, #tpu.memory_space<vmem>>)
          tpu.yield
        }) : () -> ()
        "tpu.trace_stop"() : () -> ()
        %ne3A_196 = arith.cmpi ne, %add3A_127, %add3A_145 : i32
        %or3A_197 = arith.constant false
        %or3A_198 = arith.ori %or3A_197, %ne3A_196 : i1
        %or3A_199 = arith.ori %or3A_198, %eq3A_126 : i1
        %convert_element_type3A_200 = arith.extui %or3A_199 : i1 to i32
        %cond3A_201 = arith.constant 0 : i32
        %cond3A_202 = arith.cmpi ne, %convert_element_type3A_200, %cond3A_201 : i32
        scf.if %cond3A_202 {
        } else {
        }
        %and3A_203 = arith.constant false
        %and3A_204 = arith.andi %or3A_199, %and3A_203 : i1
        %ne3A_205 = arith.cmpi ne, %add3A_127, %add3A_145 : i32
        %or3A_206 = arith.constant false
        %or3A_207 = arith.ori %or3A_206, %ne3A_205 : i1
        %or3A_208 = arith.constant false
        %or3A_209 = arith.ori %or3A_207, %or3A_208 : i1
        %or3A_210 = arith.ori %or3A_209, %eq3A_126 : i1
        %convert_element_type3A_211 = arith.extui %or3A_210 : i1 to i32
        %cond3A_212 = arith.constant 0 : i32
        %cond3A_213 = arith.cmpi ne, %convert_element_type3A_211, %cond3A_212 : i32
        scf.if %cond3A_213 {
          "tpu.trace_start"() <{level = 10 : i32, message = "ep_copy_out"}> : () -> ()
          %rem3A_261 = arith.constant 2 : i32
          %rem3A_262 = arith.remui %scan3A_120, %rem3A_261 : i32
          %mul3A_263 = arith.constant 2048 : i32
          %mul3A_264 = arith.muli %mul3A_263, %add3A_127 : i32
          %dma_start3A_265 = arith.constant 0 : i32
          %dma_start3A_266 = arith.constant 0 : i32
          %dma_start3A_267 = tpu.memref_slice %run_scoped3A_8[%rem3A_262, %dma_start3A_265, %dma_start3A_266] : memref<2x2048x16xf32, #tpu.memory_space<vmem>> -> memref<1x2048x16xf32, #tpu.memory_space<vmem>>
          %dma_start3A_268 = tpu.memref_squeeze %dma_start3A_267 : memref<1x2048x16xf32, #tpu.memory_space<vmem>> -> memref<2048x16xf32, #tpu.memory_space<vmem>>
          %dma_start3A_269 = arith.constant 0 : i32
          %dma_start3A_270 = tpu.memref_slice %arg4[%mul3A_264, %dma_start3A_269] : memref<327680x16xf32, #tpu.memory_space<hbm>> -> memref<2048x16xf32, #tpu.memory_space<hbm>>
          %dma_start3A_271 = tpu.memref_slice %run_scoped3A_9[%rem3A_262] : memref<2x!tpu.dma_semaphore, #tpu.memory_space<semaphore_mem>> -> memref<1x!tpu.dma_semaphore, #tpu.memory_space<semaphore_mem>>
          %dma_start3A_272 = tpu.memref_squeeze %dma_start3A_271 : memref<1x!tpu.dma_semaphore, #tpu.memory_space<semaphore_mem>> -> memref<!tpu.dma_semaphore, #tpu.memory_space<semaphore_mem>>
          %dma_start3A_273 = arith.constant 0 : i32
          %dma_start3A_274 = tpu.memref_slice %arg4[%mul3A_264, %dma_start3A_273] : memref<327680x16xf32, #tpu.memory_space<hbm>> -> memref<2048x16xf32, #tpu.memory_space<hbm>>
          %dma_start3A_275 = arith.constant 0 : i32
          %dma_start3A_276 = arith.constant 0 : i32
          %dma_start3A_277 = tpu.memref_slice %run_scoped3A_8[%rem3A_262, %dma_start3A_275, %dma_start3A_276] : memref<2x2048x16xf32, #tpu.memory_space<vmem>> -> memref<1x2048x16xf32, #tpu.memory_space<vmem>>
          %dma_start3A_278 = tpu.memref_squeeze %dma_start3A_277 : memref<1x2048x16xf32, #tpu.memory_space<vmem>> -> memref<2048x16xf32, #tpu.memory_space<vmem>>
          tpu.enqueue_dma source(%dma_start3A_278 : memref<2048x16xf32, #tpu.memory_space<vmem>>) target(%dma_start3A_274 : memref<2048x16xf32, #tpu.memory_space<hbm>>) target_semaphore(%dma_start3A_272 : memref<!tpu.dma_semaphore, #tpu.memory_space<semaphore_mem>>)
          "tpu.trace_stop"() : () -> ()
        } else {
        }
        %and3A_214 = arith.constant true
        %and3A_215 = arith.andi %or3A_210, %and3A_214 : i1
        %add3A_216 = arith.constant 1 : i32
        %add3A_217 = arith.addi %scan3A_120, %add3A_216 : i32
        %select_n3A_218 = arith.select %and3A_215, %add3A_217, %scan3A_120 : i32
        %ne3A_219 = arith.cmpi ne, %add3A_127, %add3A_136 : i32
        %or3A_220 = arith.constant false
        %or3A_221 = arith.ori %or3A_220, %ne3A_219 : i1
        %not3A_222 = arith.constant true
        %not3A_223 = arith.xori %eq3A_124, %not3A_222 : i1
        %and3A_224 = arith.andi %or3A_221, %not3A_223 : i1
        %convert_element_type3A_225 = arith.extui %and3A_224 : i1 to i32
        %cond3A_226 = arith.constant 0 : i32
        %cond3A_227 = arith.cmpi ne, %convert_element_type3A_225, %cond3A_226 : i32
        scf.if %cond3A_227 {
        } else {
        }
        %and3A_228 = arith.constant false
        %and3A_229 = arith.andi %and3A_224, %and3A_228 : i1
        %ne3A_230 = arith.cmpi ne, %add3A_127, %add3A_136 : i32
        %or3A_231 = arith.constant false
        %or3A_232 = arith.ori %or3A_231, %ne3A_230 : i1
        %or3A_233 = arith.constant false
        %or3A_234 = arith.ori %or3A_232, %or3A_233 : i1
        %not3A_235 = arith.constant true
        %not3A_236 = arith.xori %eq3A_124, %not3A_235 : i1
        %and3A_237 = arith.andi %or3A_234, %not3A_236 : i1
        %convert_element_type3A_238 = arith.extui %and3A_237 : i1 to i32
        %cond3A_239 = arith.constant 0 : i32
        %cond3A_240 = arith.cmpi ne, %convert_element_type3A_238, %cond3A_239 : i32
        scf.if %cond3A_240 {
          "tpu.trace_start"() <{level = 10 : i32, message = "ep_wait_out"}> : () -> ()
          %rem3A_261 = arith.constant 2 : i32
          %rem3A_262 = arith.remui %scan3A_121, %rem3A_261 : i32
          %mul3A_263 = arith.constant 2048 : i32
          %mul3A_264 = arith.muli %mul3A_263, %add3A_136 : i32
          %dma_wait3A_265 = arith.constant 0 : i32
          %dma_wait3A_266 = arith.constant 0 : i32
          %dma_wait3A_267 = tpu.memref_slice %run_scoped3A_8[%rem3A_262, %dma_wait3A_265, %dma_wait3A_266] : memref<2x2048x16xf32, #tpu.memory_space<vmem>> -> memref<1x2048x16xf32, #tpu.memory_space<vmem>>
          %dma_wait3A_268 = tpu.memref_squeeze %dma_wait3A_267 : memref<1x2048x16xf32, #tpu.memory_space<vmem>> -> memref<2048x16xf32, #tpu.memory_space<vmem>>
          %dma_wait3A_269 = arith.constant 0 : i32
          %dma_wait3A_270 = tpu.memref_slice %arg4[%mul3A_264, %dma_wait3A_269] : memref<327680x16xf32, #tpu.memory_space<hbm>> -> memref<2048x16xf32, #tpu.memory_space<hbm>>
          %dma_wait3A_271 = tpu.memref_slice %run_scoped3A_9[%rem3A_262] : memref<2x!tpu.dma_semaphore, #tpu.memory_space<semaphore_mem>> -> memref<1x!tpu.dma_semaphore, #tpu.memory_space<semaphore_mem>>
          %dma_wait3A_272 = tpu.memref_squeeze %dma_wait3A_271 : memref<1x!tpu.dma_semaphore, #tpu.memory_space<semaphore_mem>> -> memref<!tpu.dma_semaphore, #tpu.memory_space<semaphore_mem>>
          %dma_wait3A_273 = arith.constant 0 : i32
          %dma_wait3A_274 = tpu.memref_slice %arg4[%mul3A_264, %dma_wait3A_273] : memref<327680x16xf32, #tpu.memory_space<hbm>> -> memref<2048x16xf32, #tpu.memory_space<hbm>>
          %dma_wait3A_275 = arith.constant 0 : i32
          %dma_wait3A_276 = arith.constant 0 : i32
          %dma_wait3A_277 = tpu.memref_slice %run_scoped3A_8[%rem3A_262, %dma_wait3A_275, %dma_wait3A_276] : memref<2x2048x16xf32, #tpu.memory_space<vmem>> -> memref<1x2048x16xf32, #tpu.memory_space<vmem>>
          %dma_wait3A_278 = tpu.memref_squeeze %dma_wait3A_277 : memref<1x2048x16xf32, #tpu.memory_space<vmem>> -> memref<2048x16xf32, #tpu.memory_space<vmem>>
          tpu.wait_dma2 semaphore(%dma_wait3A_272 : memref<!tpu.dma_semaphore, #tpu.memory_space<semaphore_mem>>) src(%dma_wait3A_278 : memref<2048x16xf32, #tpu.memory_space<vmem>>) dst(%dma_wait3A_274 : memref<2048x16xf32, #tpu.memory_space<hbm>>)
          "tpu.trace_stop"() : () -> ()
        } else {
        }
        %and3A_241 = arith.constant true
        %and3A_242 = arith.andi %and3A_237, %and3A_241 : i1
        %add3A_243 = arith.constant 1 : i32
        %add3A_244 = arith.addi %scan3A_121, %add3A_243 : i32
        %select_n3A_245 = arith.select %and3A_242, %add3A_244, %scan3A_121 : i32
        %ne3A_246 = arith.cmpi ne, %add3A_127, %add3A_145 : i32
        %or3A_247 = arith.constant false
        %or3A_248 = arith.ori %or3A_247, %ne3A_246 : i1
        %or3A_249 = arith.ori %or3A_248, %eq3A_126 : i1
        %add3A_250 = arith.constant 1 : i32
        %add3A_251 = arith.addi %scan3A_119, %add3A_250 : i32
        %select_n3A_252 = arith.select %or3A_249, %add3A_251, %scan3A_119 : i32
        %add3A_253 = arith.constant 1 : i32
        %add3A_254 = arith.addi %scan3A_122, %add3A_253 : i32
        %select_n3A_255 = arith.constant true
        %select_n3A_256 = arith.select %select_n3A_255, %add3A_254, %scan3A_122 : i32
        %eq3A_257 = arith.constant 5 : i32
        %eq3A_258 = arith.cmpi eq, %select_n3A_256, %eq3A_257 : i32
        %select_n3A_259 = arith.constant 0 : i32
        %select_n3A_260 = arith.select %eq3A_258, %select_n3A_259, %select_n3A_256 : i32
        scf.yield %select_n3A_163, %select_n3A_252, %select_n3A_218, %select_n3A_245, %select_n3A_260 : i32, i32, i32, i32, i32
      }
      %scan3A_64 = arith.constant 5 : i32
      %sub3A = arith.constant 1 : i32
      %sub3A_65 = arith.subi %scan3A_63#4, %sub3A : i32
      %select_n3A_66 = arith.constant true
      %select_n3A_67 = arith.select %select_n3A_66, %sub3A_65, %scan3A_63#4 : i32
      %eq3A_68 = arith.constant -1 : i32
      %eq3A_69 = arith.cmpi eq, %select_n3A_67, %eq3A_68 : i32
      %select_n3A_70 = arith.constant 4 : i32
      %select_n3A_71 = arith.select %eq3A_69, %select_n3A_70, %select_n3A_67 : i32
      %add3A_72 = arith.addi %select_n3A_71, %mul3A_6 : i32
      %sub3A_73 = arith.constant 1 : i32
      %sub3A_74 = arith.subi %select_n3A_71, %sub3A_73 : i32
      %select_n3A_75 = arith.constant true
      %select_n3A_76 = arith.select %select_n3A_75, %sub3A_74, %select_n3A_71 : i32
      %eq3A_77 = arith.constant -1 : i32
      %eq3A_78 = arith.cmpi eq, %select_n3A_76, %eq3A_77 : i32
      %select_n3A_79 = arith.constant 4 : i32
      %select_n3A_80 = arith.select %eq3A_78, %select_n3A_79, %select_n3A_76 : i32
      %add3A_81 = arith.addi %select_n3A_80, %mul3A_6 : i32
      %add3A_82 = arith.constant 1 : i32
      %add3A_83 = arith.addi %select_n3A_71, %add3A_82 : i32
      %select_n3A_84 = arith.constant true
      %select_n3A_85 = arith.select %select_n3A_84, %add3A_83, %select_n3A_71 : i32
      %eq3A_86 = arith.constant 5 : i32
      %eq3A_87 = arith.cmpi eq, %select_n3A_85, %eq3A_86 : i32
      %select_n3A_88 = arith.constant 0 : i32
      %select_n3A_89 = arith.select %eq3A_87, %select_n3A_88, %select_n3A_85 : i32
      %add3A_90 = arith.addi %select_n3A_89, %mul3A_6 : i32
      %add3A_91 = arith.constant 1 : i32
      %add3A_92 = arith.addi %select_n3A_89, %add3A_91 : i32
      %select_n3A_93 = arith.constant true
      %select_n3A_94 = arith.select %select_n3A_93, %add3A_92, %select_n3A_89 : i32
      %eq3A_95 = arith.constant 5 : i32
      %eq3A_96 = arith.cmpi eq, %select_n3A_94, %eq3A_95 : i32
      %select_n3A_97 = arith.constant 0 : i32
      %select_n3A_98 = arith.select %eq3A_96, %select_n3A_97, %select_n3A_94 : i32
      %add3A_99 = arith.addi %select_n3A_98, %mul3A_6 : i32
      "tpu.trace_start"() <{level = 10 : i32, message = "ep_finalize"}> : () -> ()
      %rem3A_100 = arith.constant 2 : i32
      %rem3A_101 = arith.remui %scan3A_63#3, %rem3A_100 : i32
      %mul3A_102 = arith.constant 2048 : i32
      %mul3A_103 = arith.muli %mul3A_102, %add3A_72 : i32
      %dma_wait3A = arith.constant 0 : i32
      %dma_wait3A_104 = arith.constant 0 : i32
      %dma_wait3A_105 = tpu.memref_slice %run_scoped3A_8[%rem3A_101, %dma_wait3A, %dma_wait3A_104] : memref<2x2048x16xf32, #tpu.memory_space<vmem>> -> memref<1x2048x16xf32, #tpu.memory_space<vmem>>
      %dma_wait3A_106 = tpu.memref_squeeze %dma_wait3A_105 : memref<1x2048x16xf32, #tpu.memory_space<vmem>> -> memref<2048x16xf32, #tpu.memory_space<vmem>>
      %dma_wait3A_107 = arith.constant 0 : i32
      %dma_wait3A_108 = tpu.memref_slice %arg4[%mul3A_103, %dma_wait3A_107] : memref<327680x16xf32, #tpu.memory_space<hbm>> -> memref<2048x16xf32, #tpu.memory_space<hbm>>
      %dma_wait3A_109 = tpu.memref_slice %run_scoped3A_9[%rem3A_101] : memref<2x!tpu.dma_semaphore, #tpu.memory_space<semaphore_mem>> -> memref<1x!tpu.dma_semaphore, #tpu.memory_space<semaphore_mem>>
      %dma_wait3A_110 = tpu.memref_squeeze %dma_wait3A_109 : memref<1x!tpu.dma_semaphore, #tpu.memory_space<semaphore_mem>> -> memref<!tpu.dma_semaphore, #tpu.memory_space<semaphore_mem>>
      %dma_wait3A_111 = arith.constant 0 : i32
      %dma_wait3A_112 = tpu.memref_slice %arg4[%mul3A_103, %dma_wait3A_111] : memref<327680x16xf32, #tpu.memory_space<hbm>> -> memref<2048x16xf32, #tpu.memory_space<hbm>>
      %dma_wait3A_113 = arith.constant 0 : i32
      %dma_wait3A_114 = arith.constant 0 : i32
      %dma_wait3A_115 = tpu.memref_slice %run_scoped3A_8[%rem3A_101, %dma_wait3A_113, %dma_wait3A_114] : memref<2x2048x16xf32, #tpu.memory_space<vmem>> -> memref<1x2048x16xf32, #tpu.memory_space<vmem>>
      %dma_wait3A_116 = tpu.memref_squeeze %dma_wait3A_115 : memref<1x2048x16xf32, #tpu.memory_space<vmem>> -> memref<2048x16xf32, #tpu.memory_space<vmem>>
      tpu.wait_dma2 semaphore(%dma_wait3A_110 : memref<!tpu.dma_semaphore, #tpu.memory_space<semaphore_mem>>) src(%dma_wait3A_116 : memref<2048x16xf32, #tpu.memory_space<vmem>>) dst(%dma_wait3A_112 : memref<2048x16xf32, #tpu.memory_space<hbm>>)
      "tpu.trace_stop"() : () -> ()
      tpu.yield
    }) : () -> ()
    return
  }
}

#map = affine_map<(d0, d1) -> (0, 0)>
#map1 = affine_map<(d0, d1) -> (0)>
module attributes {stable_mosaic.version = 14 : i64} {
  func.func @gather_kernel(%arg0: i32, %arg1: i32, %arg2: memref<1000000x16xf32, #tpu.memory_space<hbm>>, %arg3: memref<327680xi32, #tpu.memory_space<hbm>>, %arg4: memref<327680x16xf32, #tpu.memory_space<hbm>>) attributes {dimension_semantics = [#tpu.dimension_semantics<core_parallel>, #tpu.dimension_semantics<subcore_parallel>], iteration_bounds = array<i64: 2, 16>, scalar_prefetch = 0 : i64, scratch_operands = 0 : i64, tpu.core_type = #tpu.core_type<sc_vector_subcore>, window_params = [{transform_indices = #map}, {transform_indices = #map1}, {transform_indices = #map}]} {
    %mul3A = arith.constant 1 : i32
    %mul3A_0 = arith.muli %arg1, %mul3A : i32
    %add3A = arith.constant 0 : i32
    %add3A_1 = arith.addi %add3A, %mul3A_0 : i32
    %mul3A_2 = arith.constant 16 : i32
    %mul3A_3 = arith.muli %arg0, %mul3A_2 : i32
    %add3A_4 = arith.addi %add3A_1, %mul3A_3 : i32
    %mul3A_5 = arith.constant 5 : i32
    %mul3A_6 = arith.muli %add3A_4, %mul3A_5 : i32
    "tpu.region"() ({
      %run_scoped3A = memref.alloca() : memref<4096xi32, #tpu.memory_space<vmem>>
      %run_scoped3A_7 = tpu.sem_alloc : memref<2x!tpu.dma_semaphore, #tpu.memory_space<semaphore_mem>>
      %run_scoped3A_8 = memref.alloca() : memref<2x2048x16xf32, #tpu.memory_space<vmem>>
      %run_scoped3A_9 = tpu.sem_alloc : memref<2x!tpu.dma_semaphore, #tpu.memory_space<semaphore_mem>>
      %add3A_10 = arith.constant 0 : i32
      %add3A_11 = arith.addi %add3A_10, %mul3A_6 : i32
      %select_n3A = arith.constant true
      %select_n3A_12 = arith.constant 0 : i32
      %select_n3A_13 = arith.constant -1 : i32
      %select_n3A_14 = arith.select %select_n3A, %select_n3A_13, %select_n3A_12 : i32
      %eq3A = arith.constant -1 : i32
      %eq3A_15 = arith.cmpi eq, %select_n3A_14, %eq3A : i32
      %select_n3A_16 = arith.constant 4 : i32
      %select_n3A_17 = arith.select %eq3A_15, %select_n3A_16, %select_n3A_14 : i32
      %add3A_18 = arith.addi %select_n3A_17, %mul3A_6 : i32
      %select_n3A_19 = arith.constant true
      %select_n3A_20 = arith.constant 0 : i32
      %select_n3A_21 = arith.constant 1 : i32
      %select_n3A_22 = arith.select %select_n3A_19, %select_n3A_21, %select_n3A_20 : i32
      %eq3A_23 = arith.constant 5 : i32
      %eq3A_24 = arith.cmpi eq, %select_n3A_22, %eq3A_23 : i32
      %select_n3A_25 = arith.constant 0 : i32
      %select_n3A_26 = arith.select %eq3A_24, %select_n3A_25, %select_n3A_22 : i32
      %add3A_27 = arith.addi %select_n3A_26, %mul3A_6 : i32
      %add3A_28 = arith.constant 1 : i32
      %add3A_29 = arith.addi %select_n3A_26, %add3A_28 : i32
      %select_n3A_30 = arith.constant true
      %select_n3A_31 = arith.select %select_n3A_30, %add3A_29, %select_n3A_26 : i32
      %eq3A_32 = arith.constant 5 : i32
      %eq3A_33 = arith.cmpi eq, %select_n3A_31, %eq3A_32 : i32
      %select_n3A_34 = arith.constant 0 : i32
      %select_n3A_35 = arith.select %eq3A_33, %select_n3A_34, %select_n3A_31 : i32
      %add3A_36 = arith.addi %select_n3A_35, %mul3A_6 : i32
      "tpu.trace_start"() <{level = 10 : i32, message = "ep_initialize_0"}> : () -> ()
      %rem3A = arith.constant 0 : i32
      %rem3A_37 = arith.constant 2 : i32
      %rem3A_38 = arith.remui %rem3A, %rem3A_37 : i32
      %mul3A_39 = arith.constant 2048 : i32
      %mul3A_40 = arith.muli %mul3A_39, %add3A_11 : i32
      %mul3A_41 = arith.constant 2048 : i32
      %mul3A_42 = arith.muli %rem3A_38, %mul3A_41 : i32
      %add3A_43 = arith.constant 0 : i32
      %add3A_44 = arith.addi %mul3A_42, %add3A_43 : i32
      %dma_start3A = tpu.memref_slice %run_scoped3A[%add3A_44] : memref<4096xi32, #tpu.memory_space<vmem>> -> memref<2048xi32, #tpu.memory_space<vmem>>
      %dma_start3A_45 = tpu.memref_slice %arg3[%mul3A_40] : memref<327680xi32, #tpu.memory_space<hbm>> -> memref<2048xi32, #tpu.memory_space<hbm>>
      %dma_start3A_46 = tpu.memref_slice %run_scoped3A_7[%rem3A_38] : memref<2x!tpu.dma_semaphore, #tpu.memory_space<semaphore_mem>> -> memref<1x!tpu.dma_semaphore, #tpu.memory_space<semaphore_mem>>
      %dma_start3A_47 = tpu.memref_squeeze %dma_start3A_46 : memref<1x!tpu.dma_semaphore, #tpu.memory_space<semaphore_mem>> -> memref<!tpu.dma_semaphore, #tpu.memory_space<semaphore_mem>>
      %dma_start3A_48 = tpu.memref_slice %run_scoped3A[%add3A_44] : memref<4096xi32, #tpu.memory_space<vmem>> -> memref<2048xi32, #tpu.memory_space<vmem>>
      %dma_start3A_49 = tpu.memref_slice %arg3[%mul3A_40] : memref<327680xi32, #tpu.memory_space<hbm>> -> memref<2048xi32, #tpu.memory_space<hbm>>
      tpu.enqueue_dma source(%dma_start3A_49 : memref<2048xi32, #tpu.memory_space<hbm>>) target(%dma_start3A_48 : memref<2048xi32, #tpu.memory_space<vmem>>) target_semaphore(%dma_start3A_47 : memref<!tpu.dma_semaphore, #tpu.memory_space<semaphore_mem>>)
      %add3A_50 = arith.constant 0 : i32
      %add3A_51 = arith.constant 1 : i32
      %add3A_52 = arith.addi %add3A_50, %add3A_51 : i32
      %select_n3A_53 = arith.constant true
      %select_n3A_54 = arith.constant 0 : i32
      %select_n3A_55 = arith.select %select_n3A_53, %add3A_52, %select_n3A_54 : i32
      "tpu.trace_stop"() : () -> ()
      %scan3A = arith.constant 0 : i32
      %scan3A_56 = arith.constant 0 : i32
      %scan3A_57 = arith.constant 0 : i32
      %scan3A_58 = arith.constant 0 : i32
      %scan3A_59 = arith.constant 0 : i32
      %scan3A_60 = arith.constant 5 : i32
      %scan3A_61 = arith.addi %scan3A_59, %scan3A_60 : i32
      %scan3A_62 = arith.constant 1 : i32
      %scan3A_63:5 = scf.for %scan3A_117 = %scan3A_59 to %scan3A_61 step %scan3A_62 iter_args(%scan3A_118 = %select_n3A_55, %scan3A_119 = %scan3A, %scan3A_120 = %scan3A_56, %scan3A_121 = %scan3A_57, %scan3A_122 = %scan3A_58) -> (i32, i32, i32, i32, i32)  : i32 {
        %eq3A_123 = arith.constant 0 : i32
        %eq3A_124 = arith.cmpi eq, %scan3A_117, %eq3A_123 : i32
        %eq3A_125 = arith.constant 4 : i32
        %eq3A_126 = arith.cmpi eq, %scan3A_117, %eq3A_125 : i32
        %add3A_127 = arith.addi %scan3A_122, %mul3A_6 : i32
        %sub3A_128 = arith.constant 1 : i32
        %sub3A_129 = arith.subi %scan3A_122, %sub3A_128 : i32
        %select_n3A_130 = arith.constant true
        %select_n3A_131 = arith.select %select_n3A_130, %sub3A_129, %scan3A_122 : i32
        %eq3A_132 = arith.constant -1 : i32
        %eq3A_133 = arith.cmpi eq, %select_n3A_131, %eq3A_132 : i32
        %select_n3A_134 = arith.constant 4 : i32
        %select_n3A_135 = arith.select %eq3A_133, %select_n3A_134, %select_n3A_131 : i32
        %add3A_136 = arith.addi %select_n3A_135, %mul3A_6 : i32
        %add3A_137 = arith.constant 1 : i32
        %add3A_138 = arith.addi %scan3A_122, %add3A_137 : i32
        %select_n3A_139 = arith.constant true
        %select_n3A_140 = arith.select %select_n3A_139, %add3A_138, %scan3A_122 : i32
        %eq3A_141 = arith.constant 5 : i32
        %eq3A_142 = arith.cmpi eq, %select_n3A_140, %eq3A_141 : i32
        %select_n3A_143 = arith.constant 0 : i32
        %select_n3A_144 = arith.select %eq3A_142, %select_n3A_143, %select_n3A_140 : i32
        %add3A_145 = arith.addi %select_n3A_144, %mul3A_6 : i32
        %add3A_146 = arith.constant 1 : i32
        %add3A_147 = arith.addi %select_n3A_144, %add3A_146 : i32
        %select_n3A_148 = arith.constant true
        %select_n3A_149 = arith.select %select_n3A_148, %add3A_147, %select_n3A_144 : i32
        %eq3A_150 = arith.constant 5 : i32
        %eq3A_151 = arith.cmpi eq, %select_n3A_149, %eq3A_150 : i32
        %select_n3A_152 = arith.constant 0 : i32
        %select_n3A_153 = arith.select %eq3A_151, %select_n3A_152, %select_n3A_149 : i32
        %add3A_154 = arith.addi %select_n3A_153, %mul3A_6 : i32
        %ne3A = arith.cmpi ne, %add3A_127, %add3A_145 : i32
        %or3A = arith.constant false
        %or3A_155 = arith.ori %or3A, %ne3A : i1
        %ge3A = arith.constant 4 : i32
        %ge3A_156 = arith.cmpi sge, %scan3A_117, %ge3A : i32
        %not3A = arith.constant true
        %not3A_157 = arith.xori %ge3A_156, %not3A : i1
        %and3A = arith.andi %or3A_155, %not3A_157 : i1
        %convert_element_type3A = arith.extui %and3A : i1 to i32
        %cond3A = arith.constant 0 : i32
        %cond3A_158 = arith.cmpi ne, %convert_element_type3A, %cond3A : i32
        scf.if %cond3A_158 {
          "tpu.trace_start"() <{level = 10 : i32, message = "ep_copy_in"}> : () -> ()
          %rem3A_261 = arith.constant 2 : i32
          %rem3A_262 = arith.remui %scan3A_118, %rem3A_261 : i32
          %mul3A_263 = arith.constant 2048 : i32
          %mul3A_264 = arith.muli %mul3A_263, %add3A_145 : i32
          %mul3A_265 = arith.constant 2048 : i32
          %mul3A_266 = arith.muli %rem3A_262, %mul3A_265 : i32
          %add3A_267 = arith.constant 0 : i32
          %add3A_268 = arith.addi %mul3A_266, %add3A_267 : i32
          %dma_start3A_269 = tpu.memref_slice %run_scoped3A[%add3A_268] : memref<4096xi32, #tpu.memory_space<vmem>> -> memref<2048xi32, #tpu.memory_space<vmem>>
          %dma_start3A_270 = tpu.memref_slice %arg3[%mul3A_264] : memref<327680xi32, #tpu.memory_space<hbm>> -> memref<2048xi32, #tpu.memory_space<hbm>>
          %dma_start3A_271 = tpu.memref_slice %run_scoped3A_7[%rem3A_262] : memref<2x!tpu.dma_semaphore, #tpu.memory_space<semaphore_mem>> -> memref<1x!tpu.dma_semaphore, #tpu.memory_space<semaphore_mem>>
          %dma_start3A_272 = tpu.memref_squeeze %dma_start3A_271 : memref<1x!tpu.dma_semaphore, #tpu.memory_space<semaphore_mem>> -> memref<!tpu.dma_semaphore, #tpu.memory_space<semaphore_mem>>
          %dma_start3A_273 = tpu.memref_slice %run_scoped3A[%add3A_268] : memref<4096xi32, #tpu.memory_space<vmem>> -> memref<2048xi32, #tpu.memory_space<vmem>>
          %dma_start3A_274 = tpu.memref_slice %arg3[%mul3A_264] : memref<327680xi32, #tpu.memory_space<hbm>> -> memref<2048xi32, #tpu.memory_space<hbm>>
          tpu.enqueue_dma source(%dma_start3A_274 : memref<2048xi32, #tpu.memory_space<hbm>>) target(%dma_start3A_273 : memref<2048xi32, #tpu.memory_space<vmem>>) target_semaphore(%dma_start3A_272 : memref<!tpu.dma_semaphore, #tpu.memory_space<semaphore_mem>>)
          "tpu.trace_stop"() : () -> ()
        } else {
        }
        %and3A_159 = arith.constant true
        %and3A_160 = arith.andi %and3A, %and3A_159 : i1
        %add3A_161 = arith.constant 1 : i32
        %add3A_162 = arith.addi %scan3A_118, %add3A_161 : i32
        %select_n3A_163 = arith.select %and3A_160, %add3A_162, %scan3A_118 : i32
        %ne3A_164 = arith.cmpi ne, %add3A_127, %add3A_145 : i32
        %or3A_165 = arith.constant false
        %or3A_166 = arith.ori %or3A_165, %ne3A_164 : i1
        %or3A_167 = arith.constant false
        %or3A_168 = arith.ori %or3A_166, %or3A_167 : i1
        %ge3A_169 = arith.constant 4 : i32
        %ge3A_170 = arith.cmpi sge, %scan3A_117, %ge3A_169 : i32
        %not3A_171 = arith.constant true
        %not3A_172 = arith.xori %ge3A_170, %not3A_171 : i1
        %and3A_173 = arith.andi %or3A_168, %not3A_172 : i1
        %ne3A_174 = arith.cmpi ne, %add3A_127, %add3A_136 : i32
        %or3A_175 = arith.constant false
        %or3A_176 = arith.ori %or3A_175, %ne3A_174 : i1
        %or3A_177 = arith.ori %or3A_176, %eq3A_124 : i1
        %convert_element_type3A_178 = arith.extui %or3A_177 : i1 to i32
        %cond3A_179 = arith.constant 0 : i32
        %cond3A_180 = arith.cmpi ne, %convert_element_type3A_178, %cond3A_179 : i32
        scf.if %cond3A_180 {
          "tpu.trace_start"() <{level = 10 : i32, message = "ep_wait_in"}> : () -> ()
          %mul3A_261 = arith.constant 2048 : i32
          %mul3A_262 = arith.muli %mul3A_261, %add3A_127 : i32
          %rem3A_263 = arith.constant 2 : i32
          %rem3A_264 = arith.remui %scan3A_119, %rem3A_263 : i32
          %mul3A_265 = arith.constant 2048 : i32
          %mul3A_266 = arith.muli %rem3A_264, %mul3A_265 : i32
          %add3A_267 = arith.constant 0 : i32
          %add3A_268 = arith.addi %mul3A_266, %add3A_267 : i32
          %dma_wait3A_269 = tpu.memref_slice %run_scoped3A[%add3A_268] : memref<4096xi32, #tpu.memory_space<vmem>> -> memref<2048xi32, #tpu.memory_space<vmem>>
          %dma_wait3A_270 = tpu.memref_slice %arg3[%mul3A_262] : memref<327680xi32, #tpu.memory_space<hbm>> -> memref<2048xi32, #tpu.memory_space<hbm>>
          %dma_wait3A_271 = tpu.memref_slice %run_scoped3A_7[%rem3A_264] : memref<2x!tpu.dma_semaphore, #tpu.memory_space<semaphore_mem>> -> memref<1x!tpu.dma_semaphore, #tpu.memory_space<semaphore_mem>>
          %dma_wait3A_272 = tpu.memref_squeeze %dma_wait3A_271 : memref<1x!tpu.dma_semaphore, #tpu.memory_space<semaphore_mem>> -> memref<!tpu.dma_semaphore, #tpu.memory_space<semaphore_mem>>
          %dma_wait3A_273 = tpu.memref_slice %run_scoped3A[%add3A_268] : memref<4096xi32, #tpu.memory_space<vmem>> -> memref<2048xi32, #tpu.memory_space<vmem>>
          %dma_wait3A_274 = tpu.memref_slice %arg3[%mul3A_262] : memref<327680xi32, #tpu.memory_space<hbm>> -> memref<2048xi32, #tpu.memory_space<hbm>>
          tpu.wait_dma2 semaphore(%dma_wait3A_272 : memref<!tpu.dma_semaphore, #tpu.memory_space<semaphore_mem>>) src(%dma_wait3A_274 : memref<2048xi32, #tpu.memory_space<hbm>>) dst(%dma_wait3A_273 : memref<2048xi32, #tpu.memory_space<vmem>>)
          "tpu.trace_stop"() : () -> ()
        } else {
        }
        %ne3A_181 = arith.cmpi ne, %add3A_127, %add3A_136 : i32
        %or3A_182 = arith.constant false
        %or3A_183 = arith.ori %or3A_182, %ne3A_181 : i1
        %or3A_184 = arith.constant false
        %or3A_185 = arith.ori %or3A_183, %or3A_184 : i1
        %or3A_186 = arith.ori %or3A_185, %eq3A_124 : i1
        %convert_element_type3A_187 = arith.extui %or3A_186 : i1 to i32
        %cond3A_188 = arith.constant 0 : i32
        %cond3A_189 = arith.cmpi ne, %convert_element_type3A_187, %cond3A_188 : i32
        scf.if %cond3A_189 {
        } else {
        }
        %rem3A_190 = arith.constant 2 : i32
        %rem3A_191 = arith.remui %scan3A_119, %rem3A_190 : i32
        %mul3A_192 = arith.constant 2048 : i32
        %mul3A_193 = arith.muli %rem3A_191, %mul3A_192 : i32
        %rem3A_194 = arith.constant 2 : i32
        %rem3A_195 = arith.remui %scan3A_120, %rem3A_194 : i32
        "tpu.trace_start"() <{level = 10 : i32, message = "ep_run_kernel"}> : () -> ()
        "tpu.region"() ({
          %run_scoped3A_261 = tpu.sem_alloc : memref<!tpu.dma_semaphore, #tpu.memory_space<semaphore_mem>>
          %dma_start3A_262 = arith.constant 0 : i32
          %dma_start3A_263 = arith.constant 0 : i32
          %dma_start3A_264 = tpu.memref_slice %run_scoped3A_8[%rem3A_195, %dma_start3A_262, %dma_start3A_263] : memref<2x2048x16xf32, #tpu.memory_space<vmem>> -> memref<1x2048x16xf32, #tpu.memory_space<vmem>>
          %dma_start3A_265 = tpu.memref_squeeze %dma_start3A_264 : memref<1x2048x16xf32, #tpu.memory_space<vmem>> -> memref<2048x16xf32, #tpu.memory_space<vmem>>
          %dma_start3A_266 = tpu.memref_slice %run_scoped3A[%mul3A_193] : memref<4096xi32, #tpu.memory_space<vmem>> -> memref<2048xi32, #tpu.memory_space<vmem>>
          %dma_start3A_267 = arith.constant 0 : i32
          %dma_start3A_268 = arith.constant 0 : i32
          %dma_start3A_269 = tpu.memref_slice %arg2[%dma_start3A_267, %dma_start3A_268] : memref<1000000x16xf32, #tpu.memory_space<hbm>> -> memref<1000000x16xf32, #tpu.memory_space<hbm>>
          tpu.enqueue_indirect_dma source(%dma_start3A_269 : memref<1000000x16xf32, #tpu.memory_space<hbm>>) target(%dma_start3A_265 : memref<2048x16xf32, #tpu.memory_space<vmem>>) offsets(%dma_start3A_266 : memref<2048xi32, #tpu.memory_space<vmem>>) semaphore(%run_scoped3A_261 : memref<!tpu.dma_semaphore, #tpu.memory_space<semaphore_mem>>)
          %dma_wait3A_270 = arith.constant 0 : i32
          %dma_wait3A_271 = arith.constant 0 : i32
          %dma_wait3A_272 = tpu.memref_slice %run_scoped3A_8[%rem3A_195, %dma_wait3A_270, %dma_wait3A_271] : memref<2x2048x16xf32, #tpu.memory_space<vmem>> -> memref<1x2048x16xf32, #tpu.memory_space<vmem>>
          %dma_wait3A_273 = tpu.memref_squeeze %dma_wait3A_272 : memref<1x2048x16xf32, #tpu.memory_space<vmem>> -> memref<2048x16xf32, #tpu.memory_space<vmem>>
          %dma_wait3A_274 = tpu.memref_slice %run_scoped3A[%mul3A_193] : memref<4096xi32, #tpu.memory_space<vmem>> -> memref<2048xi32, #tpu.memory_space<vmem>>
          %dma_wait3A_275 = arith.constant 0 : i32
          %dma_wait3A_276 = arith.constant 0 : i32
          %dma_wait3A_277 = tpu.memref_slice %arg2[%dma_wait3A_275, %dma_wait3A_276] : memref<1000000x16xf32, #tpu.memory_space<hbm>> -> memref<1000000x16xf32, #tpu.memory_space<hbm>>
          tpu.wait_indirect_dma semaphore(%run_scoped3A_261 : memref<!tpu.dma_semaphore, #tpu.memory_space<semaphore_mem>>) src(%dma_wait3A_277 : memref<1000000x16xf32, #tpu.memory_space<hbm>>) dst(%dma_wait3A_273 : memref<2048x16xf32, #tpu.memory_space<vmem>>)
          tpu.yield
        }) : () -> ()
        "tpu.trace_stop"() : () -> ()
        %ne3A_196 = arith.cmpi ne, %add3A_127, %add3A_145 : i32
        %or3A_197 = arith.constant false
        %or3A_198 = arith.ori %or3A_197, %ne3A_196 : i1
        %or3A_199 = arith.ori %or3A_198, %eq3A_126 : i1
        %convert_element_type3A_200 = arith.extui %or3A_199 : i1 to i32
        %cond3A_201 = arith.constant 0 : i32
        %cond3A_202 = arith.cmpi ne, %convert_element_type3A_200, %cond3A_201 : i32
        scf.if %cond3A_202 {
        } else {
        }
        %and3A_203 = arith.constant false
        %and3A_204 = arith.andi %or3A_199, %and3A_203 : i1
        %ne3A_205 = arith.cmpi ne, %add3A_127, %add3A_145 : i32
        %or3A_206 = arith.constant false
        %or3A_207 = arith.ori %or3A_206, %ne3A_205 : i1
        %or3A_208 = arith.constant false
        %or3A_209 = arith.ori %or3A_207, %or3A_208 : i1
        %or3A_210 = arith.ori %or3A_209, %eq3A_126 : i1
        %convert_element_type3A_211 = arith.extui %or3A_210 : i1 to i32
        %cond3A_212 = arith.constant 0 : i32
        %cond3A_213 = arith.cmpi ne, %convert_element_type3A_211, %cond3A_212 : i32
        scf.if %cond3A_213 {
          "tpu.trace_start"() <{level = 10 : i32, message = "ep_copy_out"}> : () -> ()
          %rem3A_261 = arith.constant 2 : i32
          %rem3A_262 = arith.remui %scan3A_120, %rem3A_261 : i32
          %mul3A_263 = arith.constant 2048 : i32
          %mul3A_264 = arith.muli %mul3A_263, %add3A_127 : i32
          %dma_start3A_265 = arith.constant 0 : i32
          %dma_start3A_266 = arith.constant 0 : i32
          %dma_start3A_267 = tpu.memref_slice %run_scoped3A_8[%rem3A_262, %dma_start3A_265, %dma_start3A_266] : memref<2x2048x16xf32, #tpu.memory_space<vmem>> -> memref<1x2048x16xf32, #tpu.memory_space<vmem>>
          %dma_start3A_268 = tpu.memref_squeeze %dma_start3A_267 : memref<1x2048x16xf32, #tpu.memory_space<vmem>> -> memref<2048x16xf32, #tpu.memory_space<vmem>>
          %dma_start3A_269 = arith.constant 0 : i32
          %dma_start3A_270 = tpu.memref_slice %arg4[%mul3A_264, %dma_start3A_269] : memref<327680x16xf32, #tpu.memory_space<hbm>> -> memref<2048x16xf32, #tpu.memory_space<hbm>>
          %dma_start3A_271 = tpu.memref_slice %run_scoped3A_9[%rem3A_262] : memref<2x!tpu.dma_semaphore, #tpu.memory_space<semaphore_mem>> -> memref<1x!tpu.dma_semaphore, #tpu.memory_space<semaphore_mem>>
          %dma_start3A_272 = tpu.memref_squeeze %dma_start3A_271 : memref<1x!tpu.dma_semaphore, #tpu.memory_space<semaphore_mem>> -> memref<!tpu.dma_semaphore, #tpu.memory_space<semaphore_mem>>
          %dma_start3A_273 = arith.constant 0 : i32
          %dma_start3A_274 = tpu.memref_slice %arg4[%mul3A_264, %dma_start3A_273] : memref<327680x16xf32, #tpu.memory_space<hbm>> -> memref<2048x16xf32, #tpu.memory_space<hbm>>
          %dma_start3A_275 = arith.constant 0 : i32
          %dma_start3A_276 = arith.constant 0 : i32
          %dma_start3A_277 = tpu.memref_slice %run_scoped3A_8[%rem3A_262, %dma_start3A_275, %dma_start3A_276] : memref<2x2048x16xf32, #tpu.memory_space<vmem>> -> memref<1x2048x16xf32, #tpu.memory_space<vmem>>
          %dma_start3A_278 = tpu.memref_squeeze %dma_start3A_277 : memref<1x2048x16xf32, #tpu.memory_space<vmem>> -> memref<2048x16xf32, #tpu.memory_space<vmem>>
          tpu.enqueue_dma source(%dma_start3A_278 : memref<2048x16xf32, #tpu.memory_space<vmem>>) target(%dma_start3A_274 : memref<2048x16xf32, #tpu.memory_space<hbm>>) target_semaphore(%dma_start3A_272 : memref<!tpu.dma_semaphore, #tpu.memory_space<semaphore_mem>>)
          "tpu.trace_stop"() : () -> ()
        } else {
        }
        %and3A_214 = arith.constant true
        %and3A_215 = arith.andi %or3A_210, %and3A_214 : i1
        %add3A_216 = arith.constant 1 : i32
        %add3A_217 = arith.addi %scan3A_120, %add3A_216 : i32
        %select_n3A_218 = arith.select %and3A_215, %add3A_217, %scan3A_120 : i32
        %ne3A_219 = arith.cmpi ne, %add3A_127, %add3A_136 : i32
        %or3A_220 = arith.constant false
        %or3A_221 = arith.ori %or3A_220, %ne3A_219 : i1
        %not3A_222 = arith.constant true
        %not3A_223 = arith.xori %eq3A_124, %not3A_222 : i1
        %and3A_224 = arith.andi %or3A_221, %not3A_223 : i1
        %convert_element_type3A_225 = arith.extui %and3A_224 : i1 to i32
        %cond3A_226 = arith.constant 0 : i32
        %cond3A_227 = arith.cmpi ne, %convert_element_type3A_225, %cond3A_226 : i32
        scf.if %cond3A_227 {
        } else {
        }
        %and3A_228 = arith.constant false
        %and3A_229 = arith.andi %and3A_224, %and3A_228 : i1
        %ne3A_230 = arith.cmpi ne, %add3A_127, %add3A_136 : i32
        %or3A_231 = arith.constant false
        %or3A_232 = arith.ori %or3A_231, %ne3A_230 : i1
        %or3A_233 = arith.constant false
        %or3A_234 = arith.ori %or3A_232, %or3A_233 : i1
        %not3A_235 = arith.constant true
        %not3A_236 = arith.xori %eq3A_124, %not3A_235 : i1
        %and3A_237 = arith.andi %or3A_234, %not3A_236 : i1
        %convert_element_type3A_238 = arith.extui %and3A_237 : i1 to i32
        %cond3A_239 = arith.constant 0 : i32
        %cond3A_240 = arith.cmpi ne, %convert_element_type3A_238, %cond3A_239 : i32
        scf.if %cond3A_240 {
          "tpu.trace_start"() <{level = 10 : i32, message = "ep_wait_out"}> : () -> ()
          %rem3A_261 = arith.constant 2 : i32
          %rem3A_262 = arith.remui %scan3A_121, %rem3A_261 : i32
          %mul3A_263 = arith.constant 2048 : i32
          %mul3A_264 = arith.muli %mul3A_263, %add3A_136 : i32
          %dma_wait3A_265 = arith.constant 0 : i32
          %dma_wait3A_266 = arith.constant 0 : i32
          %dma_wait3A_267 = tpu.memref_slice %run_scoped3A_8[%rem3A_262, %dma_wait3A_265, %dma_wait3A_266] : memref<2x2048x16xf32, #tpu.memory_space<vmem>> -> memref<1x2048x16xf32, #tpu.memory_space<vmem>>
          %dma_wait3A_268 = tpu.memref_squeeze %dma_wait3A_267 : memref<1x2048x16xf32, #tpu.memory_space<vmem>> -> memref<2048x16xf32, #tpu.memory_space<vmem>>
          %dma_wait3A_269 = arith.constant 0 : i32
          %dma_wait3A_270 = tpu.memref_slice %arg4[%mul3A_264, %dma_wait3A_269] : memref<327680x16xf32, #tpu.memory_space<hbm>> -> memref<2048x16xf32, #tpu.memory_space<hbm>>
          %dma_wait3A_271 = tpu.memref_slice %run_scoped3A_9[%rem3A_262] : memref<2x!tpu.dma_semaphore, #tpu.memory_space<semaphore_mem>> -> memref<1x!tpu.dma_semaphore, #tpu.memory_space<semaphore_mem>>
          %dma_wait3A_272 = tpu.memref_squeeze %dma_wait3A_271 : memref<1x!tpu.dma_semaphore, #tpu.memory_space<semaphore_mem>> -> memref<!tpu.dma_semaphore, #tpu.memory_space<semaphore_mem>>
          %dma_wait3A_273 = arith.constant 0 : i32
          %dma_wait3A_274 = tpu.memref_slice %arg4[%mul3A_264, %dma_wait3A_273] : memref<327680x16xf32, #tpu.memory_space<hbm>> -> memref<2048x16xf32, #tpu.memory_space<hbm>>
          %dma_wait3A_275 = arith.constant 0 : i32
          %dma_wait3A_276 = arith.constant 0 : i32
          %dma_wait3A_277 = tpu.memref_slice %run_scoped3A_8[%rem3A_262, %dma_wait3A_275, %dma_wait3A_276] : memref<2x2048x16xf32, #tpu.memory_space<vmem>> -> memref<1x2048x16xf32, #tpu.memory_space<vmem>>
          %dma_wait3A_278 = tpu.memref_squeeze %dma_wait3A_277 : memref<1x2048x16xf32, #tpu.memory_space<vmem>> -> memref<2048x16xf32, #tpu.memory_space<vmem>>
          tpu.wait_dma2 semaphore(%dma_wait3A_272 : memref<!tpu.dma_semaphore, #tpu.memory_space<semaphore_mem>>) src(%dma_wait3A_278 : memref<2048x16xf32, #tpu.memory_space<vmem>>) dst(%dma_wait3A_274 : memref<2048x16xf32, #tpu.memory_space<hbm>>)
          "tpu.trace_stop"() : () -> ()
        } else {
        }
        %and3A_241 = arith.constant true
        %and3A_242 = arith.andi %and3A_237, %and3A_241 : i1
        %add3A_243 = arith.constant 1 : i32
        %add3A_244 = arith.addi %scan3A_121, %add3A_243 : i32
        %select_n3A_245 = arith.select %and3A_242, %add3A_244, %scan3A_121 : i32
        %ne3A_246 = arith.cmpi ne, %add3A_127, %add3A_145 : i32
        %or3A_247 = arith.constant false
        %or3A_248 = arith.ori %or3A_247, %ne3A_246 : i1
        %or3A_249 = arith.ori %or3A_248, %eq3A_126 : i1
        %add3A_250 = arith.constant 1 : i32
        %add3A_251 = arith.addi %scan3A_119, %add3A_250 : i32
        %select_n3A_252 = arith.select %or3A_249, %add3A_251, %scan3A_119 : i32
        %add3A_253 = arith.constant 1 : i32
        %add3A_254 = arith.addi %scan3A_122, %add3A_253 : i32
        %select_n3A_255 = arith.constant true
        %select_n3A_256 = arith.select %select_n3A_255, %add3A_254, %scan3A_122 : i32
        %eq3A_257 = arith.constant 5 : i32
        %eq3A_258 = arith.cmpi eq, %select_n3A_256, %eq3A_257 : i32
        %select_n3A_259 = arith.constant 0 : i32
        %select_n3A_260 = arith.select %eq3A_258, %select_n3A_259, %select_n3A_256 : i32
        scf.yield %select_n3A_163, %select_n3A_252, %select_n3A_218, %select_n3A_245, %select_n3A_260 : i32, i32, i32, i32, i32
      }
      %scan3A_64 = arith.constant 5 : i32
      %sub3A = arith.constant 1 : i32
      %sub3A_65 = arith.subi %scan3A_63#4, %sub3A : i32
      %select_n3A_66 = arith.constant true
      %select_n3A_67 = arith.select %select_n3A_66, %sub3A_65, %scan3A_63#4 : i32
      %eq3A_68 = arith.constant -1 : i32
      %eq3A_69 = arith.cmpi eq, %select_n3A_67, %eq3A_68 : i32
      %select_n3A_70 = arith.constant 4 : i32
      %select_n3A_71 = arith.select %eq3A_69, %select_n3A_70, %select_n3A_67 : i32
      %add3A_72 = arith.addi %select_n3A_71, %mul3A_6 : i32
      %sub3A_73 = arith.constant 1 : i32
      %sub3A_74 = arith.subi %select_n3A_71, %sub3A_73 : i32
      %select_n3A_75 = arith.constant true
      %select_n3A_76 = arith.select %select_n3A_75, %sub3A_74, %select_n3A_71 : i32
      %eq3A_77 = arith.constant -1 : i32
      %eq3A_78 = arith.cmpi eq, %select_n3A_76, %eq3A_77 : i32
      %select_n3A_79 = arith.constant 4 : i32
      %select_n3A_80 = arith.select %eq3A_78, %select_n3A_79, %select_n3A_76 : i32
      %add3A_81 = arith.addi %select_n3A_80, %mul3A_6 : i32
      %add3A_82 = arith.constant 1 : i32
      %add3A_83 = arith.addi %select_n3A_71, %add3A_82 : i32
      %select_n3A_84 = arith.constant true
      %select_n3A_85 = arith.select %select_n3A_84, %add3A_83, %select_n3A_71 : i32
      %eq3A_86 = arith.constant 5 : i32
      %eq3A_87 = arith.cmpi eq, %select_n3A_85, %eq3A_86 : i32
      %select_n3A_88 = arith.constant 0 : i32
      %select_n3A_89 = arith.select %eq3A_87, %select_n3A_88, %select_n3A_85 : i32
      %add3A_90 = arith.addi %select_n3A_89, %mul3A_6 : i32
      %add3A_91 = arith.constant 1 : i32
      %add3A_92 = arith.addi %select_n3A_89, %add3A_91 : i32
      %select_n3A_93 = arith.constant true
      %select_n3A_94 = arith.select %select_n3A_93, %add3A_92, %select_n3A_89 : i32
      %eq3A_95 = arith.constant 5 : i32
      %eq3A_96 = arith.cmpi eq, %select_n3A_94, %eq3A_95 : i32
      %select_n3A_97 = arith.constant 0 : i32
      %select_n3A_98 = arith.select %eq3A_96, %select_n3A_97, %select_n3A_94 : i32
      %add3A_99 = arith.addi %select_n3A_98, %mul3A_6 : i32
      "tpu.trace_start"() <{level = 10 : i32, message = "ep_finalize"}> : () -> ()
      %rem3A_100 = arith.constant 2 : i32
      %rem3A_101 = arith.remui %scan3A_63#3, %rem3A_100 : i32
      %mul3A_102 = arith.constant 2048 : i32
      %mul3A_103 = arith.muli %mul3A_102, %add3A_72 : i32
      %dma_wait3A = arith.constant 0 : i32
      %dma_wait3A_104 = arith.constant 0 : i32
      %dma_wait3A_105 = tpu.memref_slice %run_scoped3A_8[%rem3A_101, %dma_wait3A, %dma_wait3A_104] : memref<2x2048x16xf32, #tpu.memory_space<vmem>> -> memref<1x2048x16xf32, #tpu.memory_space<vmem>>
      %dma_wait3A_106 = tpu.memref_squeeze %dma_wait3A_105 : memref<1x2048x16xf32, #tpu.memory_space<vmem>> -> memref<2048x16xf32, #tpu.memory_space<vmem>>
      %dma_wait3A_107 = arith.constant 0 : i32
      %dma_wait3A_108 = tpu.memref_slice %arg4[%mul3A_103, %dma_wait3A_107] : memref<327680x16xf32, #tpu.memory_space<hbm>> -> memref<2048x16xf32, #tpu.memory_space<hbm>>
      %dma_wait3A_109 = tpu.memref_slice %run_scoped3A_9[%rem3A_101] : memref<2x!tpu.dma_semaphore, #tpu.memory_space<semaphore_mem>> -> memref<1x!tpu.dma_semaphore, #tpu.memory_space<semaphore_mem>>
      %dma_wait3A_110 = tpu.memref_squeeze %dma_wait3A_109 : memref<1x!tpu.dma_semaphore, #tpu.memory_space<semaphore_mem>> -> memref<!tpu.dma_semaphore, #tpu.memory_space<semaphore_mem>>
      %dma_wait3A_111 = arith.constant 0 : i32
      %dma_wait3A_112 = tpu.memref_slice %arg4[%mul3A_103, %dma_wait3A_111] : memref<327680x16xf32, #tpu.memory_space<hbm>> -> memref<2048x16xf32, #tpu.memory_space<hbm>>
      %dma_wait3A_113 = arith.constant 0 : i32
      %dma_wait3A_114 = arith.constant 0 : i32
      %dma_wait3A_115 = tpu.memref_slice %run_scoped3A_8[%rem3A_101, %dma_wait3A_113, %dma_wait3A_114] : memref<2x2048x16xf32, #tpu.memory_space<vmem>> -> memref<1x2048x16xf32, #tpu.memory_space<vmem>>
      %dma_wait3A_116 = tpu.memref_squeeze %dma_wait3A_115 : memref<1x2048x16xf32, #tpu.memory_space<vmem>> -> memref<2048x16xf32, #tpu.memory_space<vmem>>
      tpu.wait_dma2 semaphore(%dma_wait3A_110 : memref<!tpu.dma_semaphore, #tpu.memory_space<semaphore_mem>>) src(%dma_wait3A_116 : memref<2048x16xf32, #tpu.memory_space<vmem>>) dst(%dma_wait3A_112 : memref<2048x16xf32, #tpu.memory_space<hbm>>)
      "tpu.trace_stop"() : () -> ()
      tpu.yield
    }) : () -> ()
    return
  }
}

#map = affine_map<(d0, d1) -> (0, 0)>
#map1 = affine_map<(d0, d1) -> (0)>
module attributes {stable_mosaic.version = 14 : i64} {
  func.func @gather_kernel(%arg0: i32, %arg1: i32, %arg2: memref<1000000x16xf32, #tpu.memory_space<hbm>>, %arg3: memref<327680xi32, #tpu.memory_space<hbm>>, %arg4: memref<327680x16xf32, #tpu.memory_space<hbm>>) attributes {dimension_semantics = [#tpu.dimension_semantics<core_parallel>, #tpu.dimension_semantics<subcore_parallel>], iteration_bounds = array<i64: 2, 16>, scalar_prefetch = 0 : i64, scratch_operands = 0 : i64, tpu.core_type = #tpu.core_type<sc_vector_subcore>, window_params = [{transform_indices = #map}, {transform_indices = #map1}, {transform_indices = #map}]} {
    %mul3A = arith.constant 1 : i32
    %mul3A_0 = arith.muli %arg1, %mul3A : i32
    %add3A = arith.constant 0 : i32
    %add3A_1 = arith.addi %add3A, %mul3A_0 : i32
    %mul3A_2 = arith.constant 16 : i32
    %mul3A_3 = arith.muli %arg0, %mul3A_2 : i32
    %add3A_4 = arith.addi %add3A_1, %mul3A_3 : i32
    %mul3A_5 = arith.constant 5 : i32
    %mul3A_6 = arith.muli %add3A_4, %mul3A_5 : i32
    "tpu.region"() ({
      %run_scoped3A = memref.alloca() : memref<4096xi32, #tpu.memory_space<vmem>>
      %run_scoped3A_7 = tpu.sem_alloc : memref<2x!tpu.dma_semaphore, #tpu.memory_space<semaphore_mem>>
      %run_scoped3A_8 = memref.alloca() : memref<2x2048x16xf32, #tpu.memory_space<vmem>>
      %run_scoped3A_9 = tpu.sem_alloc : memref<2x!tpu.dma_semaphore, #tpu.memory_space<semaphore_mem>>
      %add3A_10 = arith.constant 0 : i32
      %add3A_11 = arith.addi %add3A_10, %mul3A_6 : i32
      %select_n3A = arith.constant true
      %select_n3A_12 = arith.constant 0 : i32
      %select_n3A_13 = arith.constant -1 : i32
      %select_n3A_14 = arith.select %select_n3A, %select_n3A_13, %select_n3A_12 : i32
      %eq3A = arith.constant -1 : i32
      %eq3A_15 = arith.cmpi eq, %select_n3A_14, %eq3A : i32
      %select_n3A_16 = arith.constant 4 : i32
      %select_n3A_17 = arith.select %eq3A_15, %select_n3A_16, %select_n3A_14 : i32
      %add3A_18 = arith.addi %select_n3A_17, %mul3A_6 : i32
      %select_n3A_19 = arith.constant true
      %select_n3A_20 = arith.constant 0 : i32
      %select_n3A_21 = arith.constant 1 : i32
      %select_n3A_22 = arith.select %select_n3A_19, %select_n3A_21, %select_n3A_20 : i32
      %eq3A_23 = arith.constant 5 : i32
      %eq3A_24 = arith.cmpi eq, %select_n3A_22, %eq3A_23 : i32
      %select_n3A_25 = arith.constant 0 : i32
      %select_n3A_26 = arith.select %eq3A_24, %select_n3A_25, %select_n3A_22 : i32
      %add3A_27 = arith.addi %select_n3A_26, %mul3A_6 : i32
      %add3A_28 = arith.constant 1 : i32
      %add3A_29 = arith.addi %select_n3A_26, %add3A_28 : i32
      %select_n3A_30 = arith.constant true
      %select_n3A_31 = arith.select %select_n3A_30, %add3A_29, %select_n3A_26 : i32
      %eq3A_32 = arith.constant 5 : i32
      %eq3A_33 = arith.cmpi eq, %select_n3A_31, %eq3A_32 : i32
      %select_n3A_34 = arith.constant 0 : i32
      %select_n3A_35 = arith.select %eq3A_33, %select_n3A_34, %select_n3A_31 : i32
      %add3A_36 = arith.addi %select_n3A_35, %mul3A_6 : i32
      "tpu.trace_start"() <{level = 10 : i32, message = "ep_initialize_0"}> : () -> ()
      %rem3A = arith.constant 0 : i32
      %rem3A_37 = arith.constant 2 : i32
      %rem3A_38 = arith.remui %rem3A, %rem3A_37 : i32
      %mul3A_39 = arith.constant 2048 : i32
      %mul3A_40 = arith.muli %mul3A_39, %add3A_11 : i32
      %mul3A_41 = arith.constant 2048 : i32
      %mul3A_42 = arith.muli %rem3A_38, %mul3A_41 : i32
      %add3A_43 = arith.constant 0 : i32
      %add3A_44 = arith.addi %mul3A_42, %add3A_43 : i32
      %dma_start3A = tpu.memref_slice %run_scoped3A[%add3A_44] : memref<4096xi32, #tpu.memory_space<vmem>> -> memref<2048xi32, #tpu.memory_space<vmem>>
      %dma_start3A_45 = tpu.memref_slice %arg3[%mul3A_40] : memref<327680xi32, #tpu.memory_space<hbm>> -> memref<2048xi32, #tpu.memory_space<hbm>>
      %dma_start3A_46 = tpu.memref_slice %run_scoped3A_7[%rem3A_38] : memref<2x!tpu.dma_semaphore, #tpu.memory_space<semaphore_mem>> -> memref<1x!tpu.dma_semaphore, #tpu.memory_space<semaphore_mem>>
      %dma_start3A_47 = tpu.memref_squeeze %dma_start3A_46 : memref<1x!tpu.dma_semaphore, #tpu.memory_space<semaphore_mem>> -> memref<!tpu.dma_semaphore, #tpu.memory_space<semaphore_mem>>
      %dma_start3A_48 = tpu.memref_slice %run_scoped3A[%add3A_44] : memref<4096xi32, #tpu.memory_space<vmem>> -> memref<2048xi32, #tpu.memory_space<vmem>>
      %dma_start3A_49 = tpu.memref_slice %arg3[%mul3A_40] : memref<327680xi32, #tpu.memory_space<hbm>> -> memref<2048xi32, #tpu.memory_space<hbm>>
      tpu.enqueue_dma source(%dma_start3A_49 : memref<2048xi32, #tpu.memory_space<hbm>>) target(%dma_start3A_48 : memref<2048xi32, #tpu.memory_space<vmem>>) target_semaphore(%dma_start3A_47 : memref<!tpu.dma_semaphore, #tpu.memory_space<semaphore_mem>>)
      %add3A_50 = arith.constant 0 : i32
      %add3A_51 = arith.constant 1 : i32
      %add3A_52 = arith.addi %add3A_50, %add3A_51 : i32
      %select_n3A_53 = arith.constant true
      %select_n3A_54 = arith.constant 0 : i32
      %select_n3A_55 = arith.select %select_n3A_53, %add3A_52, %select_n3A_54 : i32
      "tpu.trace_stop"() : () -> ()
      %scan3A = arith.constant 0 : i32
      %scan3A_56 = arith.constant 0 : i32
      %scan3A_57 = arith.constant 0 : i32
      %scan3A_58 = arith.constant 0 : i32
      %scan3A_59 = arith.constant 0 : i32
      %scan3A_60 = arith.constant 5 : i32
      %scan3A_61 = arith.addi %scan3A_59, %scan3A_60 : i32
      %scan3A_62 = arith.constant 1 : i32
      %scan3A_63:5 = scf.for %scan3A_117 = %scan3A_59 to %scan3A_61 step %scan3A_62 iter_args(%scan3A_118 = %select_n3A_55, %scan3A_119 = %scan3A, %scan3A_120 = %scan3A_56, %scan3A_121 = %scan3A_57, %scan3A_122 = %scan3A_58) -> (i32, i32, i32, i32, i32)  : i32 {
        %eq3A_123 = arith.constant 0 : i32
        %eq3A_124 = arith.cmpi eq, %scan3A_117, %eq3A_123 : i32
        %eq3A_125 = arith.constant 4 : i32
        %eq3A_126 = arith.cmpi eq, %scan3A_117, %eq3A_125 : i32
        %add3A_127 = arith.addi %scan3A_122, %mul3A_6 : i32
        %sub3A_128 = arith.constant 1 : i32
        %sub3A_129 = arith.subi %scan3A_122, %sub3A_128 : i32
        %select_n3A_130 = arith.constant true
        %select_n3A_131 = arith.select %select_n3A_130, %sub3A_129, %scan3A_122 : i32
        %eq3A_132 = arith.constant -1 : i32
        %eq3A_133 = arith.cmpi eq, %select_n3A_131, %eq3A_132 : i32
        %select_n3A_134 = arith.constant 4 : i32
        %select_n3A_135 = arith.select %eq3A_133, %select_n3A_134, %select_n3A_131 : i32
        %add3A_136 = arith.addi %select_n3A_135, %mul3A_6 : i32
        %add3A_137 = arith.constant 1 : i32
        %add3A_138 = arith.addi %scan3A_122, %add3A_137 : i32
        %select_n3A_139 = arith.constant true
        %select_n3A_140 = arith.select %select_n3A_139, %add3A_138, %scan3A_122 : i32
        %eq3A_141 = arith.constant 5 : i32
        %eq3A_142 = arith.cmpi eq, %select_n3A_140, %eq3A_141 : i32
        %select_n3A_143 = arith.constant 0 : i32
        %select_n3A_144 = arith.select %eq3A_142, %select_n3A_143, %select_n3A_140 : i32
        %add3A_145 = arith.addi %select_n3A_144, %mul3A_6 : i32
        %add3A_146 = arith.constant 1 : i32
        %add3A_147 = arith.addi %select_n3A_144, %add3A_146 : i32
        %select_n3A_148 = arith.constant true
        %select_n3A_149 = arith.select %select_n3A_148, %add3A_147, %select_n3A_144 : i32
        %eq3A_150 = arith.constant 5 : i32
        %eq3A_151 = arith.cmpi eq, %select_n3A_149, %eq3A_150 : i32
        %select_n3A_152 = arith.constant 0 : i32
        %select_n3A_153 = arith.select %eq3A_151, %select_n3A_152, %select_n3A_149 : i32
        %add3A_154 = arith.addi %select_n3A_153, %mul3A_6 : i32
        %ne3A = arith.cmpi ne, %add3A_127, %add3A_145 : i32
        %or3A = arith.constant false
        %or3A_155 = arith.ori %or3A, %ne3A : i1
        %ge3A = arith.constant 4 : i32
        %ge3A_156 = arith.cmpi sge, %scan3A_117, %ge3A : i32
        %not3A = arith.constant true
        %not3A_157 = arith.xori %ge3A_156, %not3A : i1
        %and3A = arith.andi %or3A_155, %not3A_157 : i1
        %convert_element_type3A = arith.extui %and3A : i1 to i32
        %cond3A = arith.constant 0 : i32
        %cond3A_158 = arith.cmpi ne, %convert_element_type3A, %cond3A : i32
        scf.if %cond3A_158 {
          "tpu.trace_start"() <{level = 10 : i32, message = "ep_copy_in"}> : () -> ()
          %rem3A_261 = arith.constant 2 : i32
          %rem3A_262 = arith.remui %scan3A_118, %rem3A_261 : i32
          %mul3A_263 = arith.constant 2048 : i32
          %mul3A_264 = arith.muli %mul3A_263, %add3A_145 : i32
          %mul3A_265 = arith.constant 2048 : i32
          %mul3A_266 = arith.muli %rem3A_262, %mul3A_265 : i32
          %add3A_267 = arith.constant 0 : i32
          %add3A_268 = arith.addi %mul3A_266, %add3A_267 : i32
          %dma_start3A_269 = tpu.memref_slice %run_scoped3A[%add3A_268] : memref<4096xi32, #tpu.memory_space<vmem>> -> memref<2048xi32, #tpu.memory_space<vmem>>
          %dma_start3A_270 = tpu.memref_slice %arg3[%mul3A_264] : memref<327680xi32, #tpu.memory_space<hbm>> -> memref<2048xi32, #tpu.memory_space<hbm>>
          %dma_start3A_271 = tpu.memref_slice %run_scoped3A_7[%rem3A_262] : memref<2x!tpu.dma_semaphore, #tpu.memory_space<semaphore_mem>> -> memref<1x!tpu.dma_semaphore, #tpu.memory_space<semaphore_mem>>
          %dma_start3A_272 = tpu.memref_squeeze %dma_start3A_271 : memref<1x!tpu.dma_semaphore, #tpu.memory_space<semaphore_mem>> -> memref<!tpu.dma_semaphore, #tpu.memory_space<semaphore_mem>>
          %dma_start3A_273 = tpu.memref_slice %run_scoped3A[%add3A_268] : memref<4096xi32, #tpu.memory_space<vmem>> -> memref<2048xi32, #tpu.memory_space<vmem>>
          %dma_start3A_274 = tpu.memref_slice %arg3[%mul3A_264] : memref<327680xi32, #tpu.memory_space<hbm>> -> memref<2048xi32, #tpu.memory_space<hbm>>
          tpu.enqueue_dma source(%dma_start3A_274 : memref<2048xi32, #tpu.memory_space<hbm>>) target(%dma_start3A_273 : memref<2048xi32, #tpu.memory_space<vmem>>) target_semaphore(%dma_start3A_272 : memref<!tpu.dma_semaphore, #tpu.memory_space<semaphore_mem>>)
          "tpu.trace_stop"() : () -> ()
        } else {
        }
        %and3A_159 = arith.constant true
        %and3A_160 = arith.andi %and3A, %and3A_159 : i1
        %add3A_161 = arith.constant 1 : i32
        %add3A_162 = arith.addi %scan3A_118, %add3A_161 : i32
        %select_n3A_163 = arith.select %and3A_160, %add3A_162, %scan3A_118 : i32
        %ne3A_164 = arith.cmpi ne, %add3A_127, %add3A_145 : i32
        %or3A_165 = arith.constant false
        %or3A_166 = arith.ori %or3A_165, %ne3A_164 : i1
        %or3A_167 = arith.constant false
        %or3A_168 = arith.ori %or3A_166, %or3A_167 : i1
        %ge3A_169 = arith.constant 4 : i32
        %ge3A_170 = arith.cmpi sge, %scan3A_117, %ge3A_169 : i32
        %not3A_171 = arith.constant true
        %not3A_172 = arith.xori %ge3A_170, %not3A_171 : i1
        %and3A_173 = arith.andi %or3A_168, %not3A_172 : i1
        %ne3A_174 = arith.cmpi ne, %add3A_127, %add3A_136 : i32
        %or3A_175 = arith.constant false
        %or3A_176 = arith.ori %or3A_175, %ne3A_174 : i1
        %or3A_177 = arith.ori %or3A_176, %eq3A_124 : i1
        %convert_element_type3A_178 = arith.extui %or3A_177 : i1 to i32
        %cond3A_179 = arith.constant 0 : i32
        %cond3A_180 = arith.cmpi ne, %convert_element_type3A_178, %cond3A_179 : i32
        scf.if %cond3A_180 {
          "tpu.trace_start"() <{level = 10 : i32, message = "ep_wait_in"}> : () -> ()
          %mul3A_261 = arith.constant 2048 : i32
          %mul3A_262 = arith.muli %mul3A_261, %add3A_127 : i32
          %rem3A_263 = arith.constant 2 : i32
          %rem3A_264 = arith.remui %scan3A_119, %rem3A_263 : i32
          %mul3A_265 = arith.constant 2048 : i32
          %mul3A_266 = arith.muli %rem3A_264, %mul3A_265 : i32
          %add3A_267 = arith.constant 0 : i32
          %add3A_268 = arith.addi %mul3A_266, %add3A_267 : i32
          %dma_wait3A_269 = tpu.memref_slice %run_scoped3A[%add3A_268] : memref<4096xi32, #tpu.memory_space<vmem>> -> memref<2048xi32, #tpu.memory_space<vmem>>
          %dma_wait3A_270 = tpu.memref_slice %arg3[%mul3A_262] : memref<327680xi32, #tpu.memory_space<hbm>> -> memref<2048xi32, #tpu.memory_space<hbm>>
          %dma_wait3A_271 = tpu.memref_slice %run_scoped3A_7[%rem3A_264] : memref<2x!tpu.dma_semaphore, #tpu.memory_space<semaphore_mem>> -> memref<1x!tpu.dma_semaphore, #tpu.memory_space<semaphore_mem>>
          %dma_wait3A_272 = tpu.memref_squeeze %dma_wait3A_271 : memref<1x!tpu.dma_semaphore, #tpu.memory_space<semaphore_mem>> -> memref<!tpu.dma_semaphore, #tpu.memory_space<semaphore_mem>>
          %dma_wait3A_273 = tpu.memref_slice %run_scoped3A[%add3A_268] : memref<4096xi32, #tpu.memory_space<vmem>> -> memref<2048xi32, #tpu.memory_space<vmem>>
          %dma_wait3A_274 = tpu.memref_slice %arg3[%mul3A_262] : memref<327680xi32, #tpu.memory_space<hbm>> -> memref<2048xi32, #tpu.memory_space<hbm>>
          tpu.wait_dma2 semaphore(%dma_wait3A_272 : memref<!tpu.dma_semaphore, #tpu.memory_space<semaphore_mem>>) src(%dma_wait3A_274 : memref<2048xi32, #tpu.memory_space<hbm>>) dst(%dma_wait3A_273 : memref<2048xi32, #tpu.memory_space<vmem>>)
          "tpu.trace_stop"() : () -> ()
        } else {
        }
        %ne3A_181 = arith.cmpi ne, %add3A_127, %add3A_136 : i32
        %or3A_182 = arith.constant false
        %or3A_183 = arith.ori %or3A_182, %ne3A_181 : i1
        %or3A_184 = arith.constant false
        %or3A_185 = arith.ori %or3A_183, %or3A_184 : i1
        %or3A_186 = arith.ori %or3A_185, %eq3A_124 : i1
        %convert_element_type3A_187 = arith.extui %or3A_186 : i1 to i32
        %cond3A_188 = arith.constant 0 : i32
        %cond3A_189 = arith.cmpi ne, %convert_element_type3A_187, %cond3A_188 : i32
        scf.if %cond3A_189 {
        } else {
        }
        %rem3A_190 = arith.constant 2 : i32
        %rem3A_191 = arith.remui %scan3A_119, %rem3A_190 : i32
        %mul3A_192 = arith.constant 2048 : i32
        %mul3A_193 = arith.muli %rem3A_191, %mul3A_192 : i32
        %rem3A_194 = arith.constant 2 : i32
        %rem3A_195 = arith.remui %scan3A_120, %rem3A_194 : i32
        "tpu.trace_start"() <{level = 10 : i32, message = "ep_run_kernel"}> : () -> ()
        "tpu.region"() ({
          %run_scoped3A_261 = tpu.sem_alloc : memref<!tpu.dma_semaphore, #tpu.memory_space<semaphore_mem>>
          %dma_start3A_262 = arith.constant 0 : i32
          %dma_start3A_263 = arith.constant 0 : i32
          %dma_start3A_264 = tpu.memref_slice %run_scoped3A_8[%rem3A_195, %dma_start3A_262, %dma_start3A_263] : memref<2x2048x16xf32, #tpu.memory_space<vmem>> -> memref<1x2048x16xf32, #tpu.memory_space<vmem>>
          %dma_start3A_265 = tpu.memref_squeeze %dma_start3A_264 : memref<1x2048x16xf32, #tpu.memory_space<vmem>> -> memref<2048x16xf32, #tpu.memory_space<vmem>>
          %dma_start3A_266 = tpu.memref_slice %run_scoped3A[%mul3A_193] : memref<4096xi32, #tpu.memory_space<vmem>> -> memref<2048xi32, #tpu.memory_space<vmem>>
          %dma_start3A_267 = arith.constant 0 : i32
          %dma_start3A_268 = arith.constant 0 : i32
          %dma_start3A_269 = tpu.memref_slice %arg2[%dma_start3A_267, %dma_start3A_268] : memref<1000000x16xf32, #tpu.memory_space<hbm>> -> memref<1000000x16xf32, #tpu.memory_space<hbm>>
          tpu.enqueue_indirect_dma source(%dma_start3A_269 : memref<1000000x16xf32, #tpu.memory_space<hbm>>) target(%dma_start3A_265 : memref<2048x16xf32, #tpu.memory_space<vmem>>) offsets(%dma_start3A_266 : memref<2048xi32, #tpu.memory_space<vmem>>) semaphore(%run_scoped3A_261 : memref<!tpu.dma_semaphore, #tpu.memory_space<semaphore_mem>>)
          %dma_wait3A_270 = arith.constant 0 : i32
          %dma_wait3A_271 = arith.constant 0 : i32
          %dma_wait3A_272 = tpu.memref_slice %run_scoped3A_8[%rem3A_195, %dma_wait3A_270, %dma_wait3A_271] : memref<2x2048x16xf32, #tpu.memory_space<vmem>> -> memref<1x2048x16xf32, #tpu.memory_space<vmem>>
          %dma_wait3A_273 = tpu.memref_squeeze %dma_wait3A_272 : memref<1x2048x16xf32, #tpu.memory_space<vmem>> -> memref<2048x16xf32, #tpu.memory_space<vmem>>
          %dma_wait3A_274 = tpu.memref_slice %run_scoped3A[%mul3A_193] : memref<4096xi32, #tpu.memory_space<vmem>> -> memref<2048xi32, #tpu.memory_space<vmem>>
          %dma_wait3A_275 = arith.constant 0 : i32
          %dma_wait3A_276 = arith.constant 0 : i32
          %dma_wait3A_277 = tpu.memref_slice %arg2[%dma_wait3A_275, %dma_wait3A_276] : memref<1000000x16xf32, #tpu.memory_space<hbm>> -> memref<1000000x16xf32, #tpu.memory_space<hbm>>
          tpu.wait_indirect_dma semaphore(%run_scoped3A_261 : memref<!tpu.dma_semaphore, #tpu.memory_space<semaphore_mem>>) src(%dma_wait3A_277 : memref<1000000x16xf32, #tpu.memory_space<hbm>>) dst(%dma_wait3A_273 : memref<2048x16xf32, #tpu.memory_space<vmem>>)
          tpu.yield
        }) : () -> ()
        "tpu.trace_stop"() : () -> ()
        %ne3A_196 = arith.cmpi ne, %add3A_127, %add3A_145 : i32
        %or3A_197 = arith.constant false
        %or3A_198 = arith.ori %or3A_197, %ne3A_196 : i1
        %or3A_199 = arith.ori %or3A_198, %eq3A_126 : i1
        %convert_element_type3A_200 = arith.extui %or3A_199 : i1 to i32
        %cond3A_201 = arith.constant 0 : i32
        %cond3A_202 = arith.cmpi ne, %convert_element_type3A_200, %cond3A_201 : i32
        scf.if %cond3A_202 {
        } else {
        }
        %and3A_203 = arith.constant false
        %and3A_204 = arith.andi %or3A_199, %and3A_203 : i1
        %ne3A_205 = arith.cmpi ne, %add3A_127, %add3A_145 : i32
        %or3A_206 = arith.constant false
        %or3A_207 = arith.ori %or3A_206, %ne3A_205 : i1
        %or3A_208 = arith.constant false
        %or3A_209 = arith.ori %or3A_207, %or3A_208 : i1
        %or3A_210 = arith.ori %or3A_209, %eq3A_126 : i1
        %convert_element_type3A_211 = arith.extui %or3A_210 : i1 to i32
        %cond3A_212 = arith.constant 0 : i32
        %cond3A_213 = arith.cmpi ne, %convert_element_type3A_211, %cond3A_212 : i32
        scf.if %cond3A_213 {
          "tpu.trace_start"() <{level = 10 : i32, message = "ep_copy_out"}> : () -> ()
          %rem3A_261 = arith.constant 2 : i32
          %rem3A_262 = arith.remui %scan3A_120, %rem3A_261 : i32
          %mul3A_263 = arith.constant 2048 : i32
          %mul3A_264 = arith.muli %mul3A_263, %add3A_127 : i32
          %dma_start3A_265 = arith.constant 0 : i32
          %dma_start3A_266 = arith.constant 0 : i32
          %dma_start3A_267 = tpu.memref_slice %run_scoped3A_8[%rem3A_262, %dma_start3A_265, %dma_start3A_266] : memref<2x2048x16xf32, #tpu.memory_space<vmem>> -> memref<1x2048x16xf32, #tpu.memory_space<vmem>>
          %dma_start3A_268 = tpu.memref_squeeze %dma_start3A_267 : memref<1x2048x16xf32, #tpu.memory_space<vmem>> -> memref<2048x16xf32, #tpu.memory_space<vmem>>
          %dma_start3A_269 = arith.constant 0 : i32
          %dma_start3A_270 = tpu.memref_slice %arg4[%mul3A_264, %dma_start3A_269] : memref<327680x16xf32, #tpu.memory_space<hbm>> -> memref<2048x16xf32, #tpu.memory_space<hbm>>
          %dma_start3A_271 = tpu.memref_slice %run_scoped3A_9[%rem3A_262] : memref<2x!tpu.dma_semaphore, #tpu.memory_space<semaphore_mem>> -> memref<1x!tpu.dma_semaphore, #tpu.memory_space<semaphore_mem>>
          %dma_start3A_272 = tpu.memref_squeeze %dma_start3A_271 : memref<1x!tpu.dma_semaphore, #tpu.memory_space<semaphore_mem>> -> memref<!tpu.dma_semaphore, #tpu.memory_space<semaphore_mem>>
          %dma_start3A_273 = arith.constant 0 : i32
          %dma_start3A_274 = tpu.memref_slice %arg4[%mul3A_264, %dma_start3A_273] : memref<327680x16xf32, #tpu.memory_space<hbm>> -> memref<2048x16xf32, #tpu.memory_space<hbm>>
          %dma_start3A_275 = arith.constant 0 : i32
          %dma_start3A_276 = arith.constant 0 : i32
          %dma_start3A_277 = tpu.memref_slice %run_scoped3A_8[%rem3A_262, %dma_start3A_275, %dma_start3A_276] : memref<2x2048x16xf32, #tpu.memory_space<vmem>> -> memref<1x2048x16xf32, #tpu.memory_space<vmem>>
          %dma_start3A_278 = tpu.memref_squeeze %dma_start3A_277 : memref<1x2048x16xf32, #tpu.memory_space<vmem>> -> memref<2048x16xf32, #tpu.memory_space<vmem>>
          tpu.enqueue_dma source(%dma_start3A_278 : memref<2048x16xf32, #tpu.memory_space<vmem>>) target(%dma_start3A_274 : memref<2048x16xf32, #tpu.memory_space<hbm>>) target_semaphore(%dma_start3A_272 : memref<!tpu.dma_semaphore, #tpu.memory_space<semaphore_mem>>)
          "tpu.trace_stop"() : () -> ()
        } else {
        }
        %and3A_214 = arith.constant true
        %and3A_215 = arith.andi %or3A_210, %and3A_214 : i1
        %add3A_216 = arith.constant 1 : i32
        %add3A_217 = arith.addi %scan3A_120, %add3A_216 : i32
        %select_n3A_218 = arith.select %and3A_215, %add3A_217, %scan3A_120 : i32
        %ne3A_219 = arith.cmpi ne, %add3A_127, %add3A_136 : i32
        %or3A_220 = arith.constant false
        %or3A_221 = arith.ori %or3A_220, %ne3A_219 : i1
        %not3A_222 = arith.constant true
        %not3A_223 = arith.xori %eq3A_124, %not3A_222 : i1
        %and3A_224 = arith.andi %or3A_221, %not3A_223 : i1
        %convert_element_type3A_225 = arith.extui %and3A_224 : i1 to i32
        %cond3A_226 = arith.constant 0 : i32
        %cond3A_227 = arith.cmpi ne, %convert_element_type3A_225, %cond3A_226 : i32
        scf.if %cond3A_227 {
        } else {
        }
        %and3A_228 = arith.constant false
        %and3A_229 = arith.andi %and3A_224, %and3A_228 : i1
        %ne3A_230 = arith.cmpi ne, %add3A_127, %add3A_136 : i32
        %or3A_231 = arith.constant false
        %or3A_232 = arith.ori %or3A_231, %ne3A_230 : i1
        %or3A_233 = arith.constant false
        %or3A_234 = arith.ori %or3A_232, %or3A_233 : i1
        %not3A_235 = arith.constant true
        %not3A_236 = arith.xori %eq3A_124, %not3A_235 : i1
        %and3A_237 = arith.andi %or3A_234, %not3A_236 : i1
        %convert_element_type3A_238 = arith.extui %and3A_237 : i1 to i32
        %cond3A_239 = arith.constant 0 : i32
        %cond3A_240 = arith.cmpi ne, %convert_element_type3A_238, %cond3A_239 : i32
        scf.if %cond3A_240 {
          "tpu.trace_start"() <{level = 10 : i32, message = "ep_wait_out"}> : () -> ()
          %rem3A_261 = arith.constant 2 : i32
          %rem3A_262 = arith.remui %scan3A_121, %rem3A_261 : i32
          %mul3A_263 = arith.constant 2048 : i32
          %mul3A_264 = arith.muli %mul3A_263, %add3A_136 : i32
          %dma_wait3A_265 = arith.constant 0 : i32
          %dma_wait3A_266 = arith.constant 0 : i32
          %dma_wait3A_267 = tpu.memref_slice %run_scoped3A_8[%rem3A_262, %dma_wait3A_265, %dma_wait3A_266] : memref<2x2048x16xf32, #tpu.memory_space<vmem>> -> memref<1x2048x16xf32, #tpu.memory_space<vmem>>
          %dma_wait3A_268 = tpu.memref_squeeze %dma_wait3A_267 : memref<1x2048x16xf32, #tpu.memory_space<vmem>> -> memref<2048x16xf32, #tpu.memory_space<vmem>>
          %dma_wait3A_269 = arith.constant 0 : i32
          %dma_wait3A_270 = tpu.memref_slice %arg4[%mul3A_264, %dma_wait3A_269] : memref<327680x16xf32, #tpu.memory_space<hbm>> -> memref<2048x16xf32, #tpu.memory_space<hbm>>
          %dma_wait3A_271 = tpu.memref_slice %run_scoped3A_9[%rem3A_262] : memref<2x!tpu.dma_semaphore, #tpu.memory_space<semaphore_mem>> -> memref<1x!tpu.dma_semaphore, #tpu.memory_space<semaphore_mem>>
          %dma_wait3A_272 = tpu.memref_squeeze %dma_wait3A_271 : memref<1x!tpu.dma_semaphore, #tpu.memory_space<semaphore_mem>> -> memref<!tpu.dma_semaphore, #tpu.memory_space<semaphore_mem>>
          %dma_wait3A_273 = arith.constant 0 : i32
          %dma_wait3A_274 = tpu.memref_slice %arg4[%mul3A_264, %dma_wait3A_273] : memref<327680x16xf32, #tpu.memory_space<hbm>> -> memref<2048x16xf32, #tpu.memory_space<hbm>>
          %dma_wait3A_275 = arith.constant 0 : i32
          %dma_wait3A_276 = arith.constant 0 : i32
          %dma_wait3A_277 = tpu.memref_slice %run_scoped3A_8[%rem3A_262, %dma_wait3A_275, %dma_wait3A_276] : memref<2x2048x16xf32, #tpu.memory_space<vmem>> -> memref<1x2048x16xf32, #tpu.memory_space<vmem>>
          %dma_wait3A_278 = tpu.memref_squeeze %dma_wait3A_277 : memref<1x2048x16xf32, #tpu.memory_space<vmem>> -> memref<2048x16xf32, #tpu.memory_space<vmem>>
          tpu.wait_dma2 semaphore(%dma_wait3A_272 : memref<!tpu.dma_semaphore, #tpu.memory_space<semaphore_mem>>) src(%dma_wait3A_278 : memref<2048x16xf32, #tpu.memory_space<vmem>>) dst(%dma_wait3A_274 : memref<2048x16xf32, #tpu.memory_space<hbm>>)
          "tpu.trace_stop"() : () -> ()
        } else {
        }
        %and3A_241 = arith.constant true
        %and3A_242 = arith.andi %and3A_237, %and3A_241 : i1
        %add3A_243 = arith.constant 1 : i32
        %add3A_244 = arith.addi %scan3A_121, %add3A_243 : i32
        %select_n3A_245 = arith.select %and3A_242, %add3A_244, %scan3A_121 : i32
        %ne3A_246 = arith.cmpi ne, %add3A_127, %add3A_145 : i32
        %or3A_247 = arith.constant false
        %or3A_248 = arith.ori %or3A_247, %ne3A_246 : i1
        %or3A_249 = arith.ori %or3A_248, %eq3A_126 : i1
        %add3A_250 = arith.constant 1 : i32
        %add3A_251 = arith.addi %scan3A_119, %add3A_250 : i32
        %select_n3A_252 = arith.select %or3A_249, %add3A_251, %scan3A_119 : i32
        %add3A_253 = arith.constant 1 : i32
        %add3A_254 = arith.addi %scan3A_122, %add3A_253 : i32
        %select_n3A_255 = arith.constant true
        %select_n3A_256 = arith.select %select_n3A_255, %add3A_254, %scan3A_122 : i32
        %eq3A_257 = arith.constant 5 : i32
        %eq3A_258 = arith.cmpi eq, %select_n3A_256, %eq3A_257 : i32
        %select_n3A_259 = arith.constant 0 : i32
        %select_n3A_260 = arith.select %eq3A_258, %select_n3A_259, %select_n3A_256 : i32
        scf.yield %select_n3A_163, %select_n3A_252, %select_n3A_218, %select_n3A_245, %select_n3A_260 : i32, i32, i32, i32, i32
      }
      %scan3A_64 = arith.constant 5 : i32
      %sub3A = arith.constant 1 : i32
      %sub3A_65 = arith.subi %scan3A_63#4, %sub3A : i32
      %select_n3A_66 = arith.constant true
      %select_n3A_67 = arith.select %select_n3A_66, %sub3A_65, %scan3A_63#4 : i32
      %eq3A_68 = arith.constant -1 : i32
      %eq3A_69 = arith.cmpi eq, %select_n3A_67, %eq3A_68 : i32
      %select_n3A_70 = arith.constant 4 : i32
      %select_n3A_71 = arith.select %eq3A_69, %select_n3A_70, %select_n3A_67 : i32
      %add3A_72 = arith.addi %select_n3A_71, %mul3A_6 : i32
      %sub3A_73 = arith.constant 1 : i32
      %sub3A_74 = arith.subi %select_n3A_71, %sub3A_73 : i32
      %select_n3A_75 = arith.constant true
      %select_n3A_76 = arith.select %select_n3A_75, %sub3A_74, %select_n3A_71 : i32
      %eq3A_77 = arith.constant -1 : i32
      %eq3A_78 = arith.cmpi eq, %select_n3A_76, %eq3A_77 : i32
      %select_n3A_79 = arith.constant 4 : i32
      %select_n3A_80 = arith.select %eq3A_78, %select_n3A_79, %select_n3A_76 : i32
      %add3A_81 = arith.addi %select_n3A_80, %mul3A_6 : i32
      %add3A_82 = arith.constant 1 : i32
      %add3A_83 = arith.addi %select_n3A_71, %add3A_82 : i32
      %select_n3A_84 = arith.constant true
      %select_n3A_85 = arith.select %select_n3A_84, %add3A_83, %select_n3A_71 : i32
      %eq3A_86 = arith.constant 5 : i32
      %eq3A_87 = arith.cmpi eq, %select_n3A_85, %eq3A_86 : i32
      %select_n3A_88 = arith.constant 0 : i32
      %select_n3A_89 = arith.select %eq3A_87, %select_n3A_88, %select_n3A_85 : i32
      %add3A_90 = arith.addi %select_n3A_89, %mul3A_6 : i32
      %add3A_91 = arith.constant 1 : i32
      %add3A_92 = arith.addi %select_n3A_89, %add3A_91 : i32
      %select_n3A_93 = arith.constant true
      %select_n3A_94 = arith.select %select_n3A_93, %add3A_92, %select_n3A_89 : i32
      %eq3A_95 = arith.constant 5 : i32
      %eq3A_96 = arith.cmpi eq, %select_n3A_94, %eq3A_95 : i32
      %select_n3A_97 = arith.constant 0 : i32
      %select_n3A_98 = arith.select %eq3A_96, %select_n3A_97, %select_n3A_94 : i32
      %add3A_99 = arith.addi %select_n3A_98, %mul3A_6 : i32
      "tpu.trace_start"() <{level = 10 : i32, message = "ep_finalize"}> : () -> ()
      %rem3A_100 = arith.constant 2 : i32
      %rem3A_101 = arith.remui %scan3A_63#3, %rem3A_100 : i32
      %mul3A_102 = arith.constant 2048 : i32
      %mul3A_103 = arith.muli %mul3A_102, %add3A_72 : i32
      %dma_wait3A = arith.constant 0 : i32
      %dma_wait3A_104 = arith.constant 0 : i32
      %dma_wait3A_105 = tpu.memref_slice %run_scoped3A_8[%rem3A_101, %dma_wait3A, %dma_wait3A_104] : memref<2x2048x16xf32, #tpu.memory_space<vmem>> -> memref<1x2048x16xf32, #tpu.memory_space<vmem>>
      %dma_wait3A_106 = tpu.memref_squeeze %dma_wait3A_105 : memref<1x2048x16xf32, #tpu.memory_space<vmem>> -> memref<2048x16xf32, #tpu.memory_space<vmem>>
      %dma_wait3A_107 = arith.constant 0 : i32
      %dma_wait3A_108 = tpu.memref_slice %arg4[%mul3A_103, %dma_wait3A_107] : memref<327680x16xf32, #tpu.memory_space<hbm>> -> memref<2048x16xf32, #tpu.memory_space<hbm>>
      %dma_wait3A_109 = tpu.memref_slice %run_scoped3A_9[%rem3A_101] : memref<2x!tpu.dma_semaphore, #tpu.memory_space<semaphore_mem>> -> memref<1x!tpu.dma_semaphore, #tpu.memory_space<semaphore_mem>>
      %dma_wait3A_110 = tpu.memref_squeeze %dma_wait3A_109 : memref<1x!tpu.dma_semaphore, #tpu.memory_space<semaphore_mem>> -> memref<!tpu.dma_semaphore, #tpu.memory_space<semaphore_mem>>
      %dma_wait3A_111 = arith.constant 0 : i32
      %dma_wait3A_112 = tpu.memref_slice %arg4[%mul3A_103, %dma_wait3A_111] : memref<327680x16xf32, #tpu.memory_space<hbm>> -> memref<2048x16xf32, #tpu.memory_space<hbm>>
      %dma_wait3A_113 = arith.constant 0 : i32
      %dma_wait3A_114 = arith.constant 0 : i32
      %dma_wait3A_115 = tpu.memref_slice %run_scoped3A_8[%rem3A_101, %dma_wait3A_113, %dma_wait3A_114] : memref<2x2048x16xf32, #tpu.memory_space<vmem>> -> memref<1x2048x16xf32, #tpu.memory_space<vmem>>
      %dma_wait3A_116 = tpu.memref_squeeze %dma_wait3A_115 : memref<1x2048x16xf32, #tpu.memory_space<vmem>> -> memref<2048x16xf32, #tpu.memory_space<vmem>>
      tpu.wait_dma2 semaphore(%dma_wait3A_110 : memref<!tpu.dma_semaphore, #tpu.memory_space<semaphore_mem>>) src(%dma_wait3A_116 : memref<2048x16xf32, #tpu.memory_space<vmem>>) dst(%dma_wait3A_112 : memref<2048x16xf32, #tpu.memory_space<hbm>>)
      "tpu.trace_stop"() : () -> ()
      tpu.yield
    }) : () -> ()
    return
  }
}

#map = affine_map<(d0, d1) -> (0, 0)>
#map1 = affine_map<(d0, d1) -> (0)>
module attributes {stable_mosaic.version = 14 : i64} {
  func.func @gather_kernel(%arg0: i32, %arg1: i32, %arg2: memref<1000000x16xf32, #tpu.memory_space<hbm>>, %arg3: memref<327680xi32, #tpu.memory_space<hbm>>, %arg4: memref<327680x16xf32, #tpu.memory_space<hbm>>) attributes {dimension_semantics = [#tpu.dimension_semantics<core_parallel>, #tpu.dimension_semantics<subcore_parallel>], iteration_bounds = array<i64: 2, 16>, scalar_prefetch = 0 : i64, scratch_operands = 0 : i64, tpu.core_type = #tpu.core_type<sc_vector_subcore>, window_params = [{transform_indices = #map}, {transform_indices = #map1}, {transform_indices = #map}]} {
    %mul3A = arith.constant 1 : i32
    %mul3A_0 = arith.muli %arg1, %mul3A : i32
    %add3A = arith.constant 0 : i32
    %add3A_1 = arith.addi %add3A, %mul3A_0 : i32
    %mul3A_2 = arith.constant 16 : i32
    %mul3A_3 = arith.muli %arg0, %mul3A_2 : i32
    %add3A_4 = arith.addi %add3A_1, %mul3A_3 : i32
    %mul3A_5 = arith.constant 5 : i32
    %mul3A_6 = arith.muli %add3A_4, %mul3A_5 : i32
    "tpu.region"() ({
      %run_scoped3A = memref.alloca() : memref<4096xi32, #tpu.memory_space<vmem>>
      %run_scoped3A_7 = tpu.sem_alloc : memref<2x!tpu.dma_semaphore, #tpu.memory_space<semaphore_mem>>
      %run_scoped3A_8 = memref.alloca() : memref<2x2048x16xf32, #tpu.memory_space<vmem>>
      %run_scoped3A_9 = tpu.sem_alloc : memref<2x!tpu.dma_semaphore, #tpu.memory_space<semaphore_mem>>
      %add3A_10 = arith.constant 0 : i32
      %add3A_11 = arith.addi %add3A_10, %mul3A_6 : i32
      %select_n3A = arith.constant true
      %select_n3A_12 = arith.constant 0 : i32
      %select_n3A_13 = arith.constant -1 : i32
      %select_n3A_14 = arith.select %select_n3A, %select_n3A_13, %select_n3A_12 : i32
      %eq3A = arith.constant -1 : i32
      %eq3A_15 = arith.cmpi eq, %select_n3A_14, %eq3A : i32
      %select_n3A_16 = arith.constant 4 : i32
      %select_n3A_17 = arith.select %eq3A_15, %select_n3A_16, %select_n3A_14 : i32
      %add3A_18 = arith.addi %select_n3A_17, %mul3A_6 : i32
      %select_n3A_19 = arith.constant true
      %select_n3A_20 = arith.constant 0 : i32
      %select_n3A_21 = arith.constant 1 : i32
      %select_n3A_22 = arith.select %select_n3A_19, %select_n3A_21, %select_n3A_20 : i32
      %eq3A_23 = arith.constant 5 : i32
      %eq3A_24 = arith.cmpi eq, %select_n3A_22, %eq3A_23 : i32
      %select_n3A_25 = arith.constant 0 : i32
      %select_n3A_26 = arith.select %eq3A_24, %select_n3A_25, %select_n3A_22 : i32
      %add3A_27 = arith.addi %select_n3A_26, %mul3A_6 : i32
      %add3A_28 = arith.constant 1 : i32
      %add3A_29 = arith.addi %select_n3A_26, %add3A_28 : i32
      %select_n3A_30 = arith.constant true
      %select_n3A_31 = arith.select %select_n3A_30, %add3A_29, %select_n3A_26 : i32
      %eq3A_32 = arith.constant 5 : i32
      %eq3A_33 = arith.cmpi eq, %select_n3A_31, %eq3A_32 : i32
      %select_n3A_34 = arith.constant 0 : i32
      %select_n3A_35 = arith.select %eq3A_33, %select_n3A_34, %select_n3A_31 : i32
      %add3A_36 = arith.addi %select_n3A_35, %mul3A_6 : i32
      "tpu.trace_start"() <{level = 10 : i32, message = "ep_initialize_0"}> : () -> ()
      %rem3A = arith.constant 0 : i32
      %rem3A_37 = arith.constant 2 : i32
      %rem3A_38 = arith.remui %rem3A, %rem3A_37 : i32
      %mul3A_39 = arith.constant 2048 : i32
      %mul3A_40 = arith.muli %mul3A_39, %add3A_11 : i32
      %mul3A_41 = arith.constant 2048 : i32
      %mul3A_42 = arith.muli %rem3A_38, %mul3A_41 : i32
      %add3A_43 = arith.constant 0 : i32
      %add3A_44 = arith.addi %mul3A_42, %add3A_43 : i32
      %dma_start3A = tpu.memref_slice %run_scoped3A[%add3A_44] : memref<4096xi32, #tpu.memory_space<vmem>> -> memref<2048xi32, #tpu.memory_space<vmem>>
      %dma_start3A_45 = tpu.memref_slice %arg3[%mul3A_40] : memref<327680xi32, #tpu.memory_space<hbm>> -> memref<2048xi32, #tpu.memory_space<hbm>>
      %dma_start3A_46 = tpu.memref_slice %run_scoped3A_7[%rem3A_38] : memref<2x!tpu.dma_semaphore, #tpu.memory_space<semaphore_mem>> -> memref<1x!tpu.dma_semaphore, #tpu.memory_space<semaphore_mem>>
      %dma_start3A_47 = tpu.memref_squeeze %dma_start3A_46 : memref<1x!tpu.dma_semaphore, #tpu.memory_space<semaphore_mem>> -> memref<!tpu.dma_semaphore, #tpu.memory_space<semaphore_mem>>
      %dma_start3A_48 = tpu.memref_slice %run_scoped3A[%add3A_44] : memref<4096xi32, #tpu.memory_space<vmem>> -> memref<2048xi32, #tpu.memory_space<vmem>>
      %dma_start3A_49 = tpu.memref_slice %arg3[%mul3A_40] : memref<327680xi32, #tpu.memory_space<hbm>> -> memref<2048xi32, #tpu.memory_space<hbm>>
      tpu.enqueue_dma source(%dma_start3A_49 : memref<2048xi32, #tpu.memory_space<hbm>>) target(%dma_start3A_48 : memref<2048xi32, #tpu.memory_space<vmem>>) target_semaphore(%dma_start3A_47 : memref<!tpu.dma_semaphore, #tpu.memory_space<semaphore_mem>>)
      %add3A_50 = arith.constant 0 : i32
      %add3A_51 = arith.constant 1 : i32
      %add3A_52 = arith.addi %add3A_50, %add3A_51 : i32
      %select_n3A_53 = arith.constant true
      %select_n3A_54 = arith.constant 0 : i32
      %select_n3A_55 = arith.select %select_n3A_53, %add3A_52, %select_n3A_54 : i32
      "tpu.trace_stop"() : () -> ()
      %scan3A = arith.constant 0 : i32
      %scan3A_56 = arith.constant 0 : i32
      %scan3A_57 = arith.constant 0 : i32
      %scan3A_58 = arith.constant 0 : i32
      %scan3A_59 = arith.constant 0 : i32
      %scan3A_60 = arith.constant 5 : i32
      %scan3A_61 = arith.addi %scan3A_59, %scan3A_60 : i32
      %scan3A_62 = arith.constant 1 : i32
      %scan3A_63:5 = scf.for %scan3A_117 = %scan3A_59 to %scan3A_61 step %scan3A_62 iter_args(%scan3A_118 = %select_n3A_55, %scan3A_119 = %scan3A, %scan3A_120 = %scan3A_56, %scan3A_121 = %scan3A_57, %scan3A_122 = %scan3A_58) -> (i32, i32, i32, i32, i32)  : i32 {
        %eq3A_123 = arith.constant 0 : i32
        %eq3A_124 = arith.cmpi eq, %scan3A_117, %eq3A_123 : i32
        %eq3A_125 = arith.constant 4 : i32
        %eq3A_126 = arith.cmpi eq, %scan3A_117, %eq3A_125 : i32
        %add3A_127 = arith.addi %scan3A_122, %mul3A_6 : i32
        %sub3A_128 = arith.constant 1 : i32
        %sub3A_129 = arith.subi %scan3A_122, %sub3A_128 : i32
        %select_n3A_130 = arith.constant true
        %select_n3A_131 = arith.select %select_n3A_130, %sub3A_129, %scan3A_122 : i32
        %eq3A_132 = arith.constant -1 : i32
        %eq3A_133 = arith.cmpi eq, %select_n3A_131, %eq3A_132 : i32
        %select_n3A_134 = arith.constant 4 : i32
        %select_n3A_135 = arith.select %eq3A_133, %select_n3A_134, %select_n3A_131 : i32
        %add3A_136 = arith.addi %select_n3A_135, %mul3A_6 : i32
        %add3A_137 = arith.constant 1 : i32
        %add3A_138 = arith.addi %scan3A_122, %add3A_137 : i32
        %select_n3A_139 = arith.constant true
        %select_n3A_140 = arith.select %select_n3A_139, %add3A_138, %scan3A_122 : i32
        %eq3A_141 = arith.constant 5 : i32
        %eq3A_142 = arith.cmpi eq, %select_n3A_140, %eq3A_141 : i32
        %select_n3A_143 = arith.constant 0 : i32
        %select_n3A_144 = arith.select %eq3A_142, %select_n3A_143, %select_n3A_140 : i32
        %add3A_145 = arith.addi %select_n3A_144, %mul3A_6 : i32
        %add3A_146 = arith.constant 1 : i32
        %add3A_147 = arith.addi %select_n3A_144, %add3A_146 : i32
        %select_n3A_148 = arith.constant true
        %select_n3A_149 = arith.select %select_n3A_148, %add3A_147, %select_n3A_144 : i32
        %eq3A_150 = arith.constant 5 : i32
        %eq3A_151 = arith.cmpi eq, %select_n3A_149, %eq3A_150 : i32
        %select_n3A_152 = arith.constant 0 : i32
        %select_n3A_153 = arith.select %eq3A_151, %select_n3A_152, %select_n3A_149 : i32
        %add3A_154 = arith.addi %select_n3A_153, %mul3A_6 : i32
        %ne3A = arith.cmpi ne, %add3A_127, %add3A_145 : i32
        %or3A = arith.constant false
        %or3A_155 = arith.ori %or3A, %ne3A : i1
        %ge3A = arith.constant 4 : i32
        %ge3A_156 = arith.cmpi sge, %scan3A_117, %ge3A : i32
        %not3A = arith.constant true
        %not3A_157 = arith.xori %ge3A_156, %not3A : i1
        %and3A = arith.andi %or3A_155, %not3A_157 : i1
        %convert_element_type3A = arith.extui %and3A : i1 to i32
        %cond3A = arith.constant 0 : i32
        %cond3A_158 = arith.cmpi ne, %convert_element_type3A, %cond3A : i32
        scf.if %cond3A_158 {
          "tpu.trace_start"() <{level = 10 : i32, message = "ep_copy_in"}> : () -> ()
          %rem3A_261 = arith.constant 2 : i32
          %rem3A_262 = arith.remui %scan3A_118, %rem3A_261 : i32
          %mul3A_263 = arith.constant 2048 : i32
          %mul3A_264 = arith.muli %mul3A_263, %add3A_145 : i32
          %mul3A_265 = arith.constant 2048 : i32
          %mul3A_266 = arith.muli %rem3A_262, %mul3A_265 : i32
          %add3A_267 = arith.constant 0 : i32
          %add3A_268 = arith.addi %mul3A_266, %add3A_267 : i32
          %dma_start3A_269 = tpu.memref_slice %run_scoped3A[%add3A_268] : memref<4096xi32, #tpu.memory_space<vmem>> -> memref<2048xi32, #tpu.memory_space<vmem>>
          %dma_start3A_270 = tpu.memref_slice %arg3[%mul3A_264] : memref<327680xi32, #tpu.memory_space<hbm>> -> memref<2048xi32, #tpu.memory_space<hbm>>
          %dma_start3A_271 = tpu.memref_slice %run_scoped3A_7[%rem3A_262] : memref<2x!tpu.dma_semaphore, #tpu.memory_space<semaphore_mem>> -> memref<1x!tpu.dma_semaphore, #tpu.memory_space<semaphore_mem>>
          %dma_start3A_272 = tpu.memref_squeeze %dma_start3A_271 : memref<1x!tpu.dma_semaphore, #tpu.memory_space<semaphore_mem>> -> memref<!tpu.dma_semaphore, #tpu.memory_space<semaphore_mem>>
          %dma_start3A_273 = tpu.memref_slice %run_scoped3A[%add3A_268] : memref<4096xi32, #tpu.memory_space<vmem>> -> memref<2048xi32, #tpu.memory_space<vmem>>
          %dma_start3A_274 = tpu.memref_slice %arg3[%mul3A_264] : memref<327680xi32, #tpu.memory_space<hbm>> -> memref<2048xi32, #tpu.memory_space<hbm>>
          tpu.enqueue_dma source(%dma_start3A_274 : memref<2048xi32, #tpu.memory_space<hbm>>) target(%dma_start3A_273 : memref<2048xi32, #tpu.memory_space<vmem>>) target_semaphore(%dma_start3A_272 : memref<!tpu.dma_semaphore, #tpu.memory_space<semaphore_mem>>)
          "tpu.trace_stop"() : () -> ()
        } else {
        }
        %and3A_159 = arith.constant true
        %and3A_160 = arith.andi %and3A, %and3A_159 : i1
        %add3A_161 = arith.constant 1 : i32
        %add3A_162 = arith.addi %scan3A_118, %add3A_161 : i32
        %select_n3A_163 = arith.select %and3A_160, %add3A_162, %scan3A_118 : i32
        %ne3A_164 = arith.cmpi ne, %add3A_127, %add3A_145 : i32
        %or3A_165 = arith.constant false
        %or3A_166 = arith.ori %or3A_165, %ne3A_164 : i1
        %or3A_167 = arith.constant false
        %or3A_168 = arith.ori %or3A_166, %or3A_167 : i1
        %ge3A_169 = arith.constant 4 : i32
        %ge3A_170 = arith.cmpi sge, %scan3A_117, %ge3A_169 : i32
        %not3A_171 = arith.constant true
        %not3A_172 = arith.xori %ge3A_170, %not3A_171 : i1
        %and3A_173 = arith.andi %or3A_168, %not3A_172 : i1
        %ne3A_174 = arith.cmpi ne, %add3A_127, %add3A_136 : i32
        %or3A_175 = arith.constant false
        %or3A_176 = arith.ori %or3A_175, %ne3A_174 : i1
        %or3A_177 = arith.ori %or3A_176, %eq3A_124 : i1
        %convert_element_type3A_178 = arith.extui %or3A_177 : i1 to i32
        %cond3A_179 = arith.constant 0 : i32
        %cond3A_180 = arith.cmpi ne, %convert_element_type3A_178, %cond3A_179 : i32
        scf.if %cond3A_180 {
          "tpu.trace_start"() <{level = 10 : i32, message = "ep_wait_in"}> : () -> ()
          %mul3A_261 = arith.constant 2048 : i32
          %mul3A_262 = arith.muli %mul3A_261, %add3A_127 : i32
          %rem3A_263 = arith.constant 2 : i32
          %rem3A_264 = arith.remui %scan3A_119, %rem3A_263 : i32
          %mul3A_265 = arith.constant 2048 : i32
          %mul3A_266 = arith.muli %rem3A_264, %mul3A_265 : i32
          %add3A_267 = arith.constant 0 : i32
          %add3A_268 = arith.addi %mul3A_266, %add3A_267 : i32
          %dma_wait3A_269 = tpu.memref_slice %run_scoped3A[%add3A_268] : memref<4096xi32, #tpu.memory_space<vmem>> -> memref<2048xi32, #tpu.memory_space<vmem>>
          %dma_wait3A_270 = tpu.memref_slice %arg3[%mul3A_262] : memref<327680xi32, #tpu.memory_space<hbm>> -> memref<2048xi32, #tpu.memory_space<hbm>>
          %dma_wait3A_271 = tpu.memref_slice %run_scoped3A_7[%rem3A_264] : memref<2x!tpu.dma_semaphore, #tpu.memory_space<semaphore_mem>> -> memref<1x!tpu.dma_semaphore, #tpu.memory_space<semaphore_mem>>
          %dma_wait3A_272 = tpu.memref_squeeze %dma_wait3A_271 : memref<1x!tpu.dma_semaphore, #tpu.memory_space<semaphore_mem>> -> memref<!tpu.dma_semaphore, #tpu.memory_space<semaphore_mem>>
          %dma_wait3A_273 = tpu.memref_slice %run_scoped3A[%add3A_268] : memref<4096xi32, #tpu.memory_space<vmem>> -> memref<2048xi32, #tpu.memory_space<vmem>>
          %dma_wait3A_274 = tpu.memref_slice %arg3[%mul3A_262] : memref<327680xi32, #tpu.memory_space<hbm>> -> memref<2048xi32, #tpu.memory_space<hbm>>
          tpu.wait_dma2 semaphore(%dma_wait3A_272 : memref<!tpu.dma_semaphore, #tpu.memory_space<semaphore_mem>>) src(%dma_wait3A_274 : memref<2048xi32, #tpu.memory_space<hbm>>) dst(%dma_wait3A_273 : memref<2048xi32, #tpu.memory_space<vmem>>)
          "tpu.trace_stop"() : () -> ()
        } else {
        }
        %ne3A_181 = arith.cmpi ne, %add3A_127, %add3A_136 : i32
        %or3A_182 = arith.constant false
        %or3A_183 = arith.ori %or3A_182, %ne3A_181 : i1
        %or3A_184 = arith.constant false
        %or3A_185 = arith.ori %or3A_183, %or3A_184 : i1
        %or3A_186 = arith.ori %or3A_185, %eq3A_124 : i1
        %convert_element_type3A_187 = arith.extui %or3A_186 : i1 to i32
        %cond3A_188 = arith.constant 0 : i32
        %cond3A_189 = arith.cmpi ne, %convert_element_type3A_187, %cond3A_188 : i32
        scf.if %cond3A_189 {
        } else {
        }
        %rem3A_190 = arith.constant 2 : i32
        %rem3A_191 = arith.remui %scan3A_119, %rem3A_190 : i32
        %mul3A_192 = arith.constant 2048 : i32
        %mul3A_193 = arith.muli %rem3A_191, %mul3A_192 : i32
        %rem3A_194 = arith.constant 2 : i32
        %rem3A_195 = arith.remui %scan3A_120, %rem3A_194 : i32
        "tpu.trace_start"() <{level = 10 : i32, message = "ep_run_kernel"}> : () -> ()
        "tpu.region"() ({
          %run_scoped3A_261 = tpu.sem_alloc : memref<!tpu.dma_semaphore, #tpu.memory_space<semaphore_mem>>
          %dma_start3A_262 = arith.constant 0 : i32
          %dma_start3A_263 = arith.constant 0 : i32
          %dma_start3A_264 = tpu.memref_slice %run_scoped3A_8[%rem3A_195, %dma_start3A_262, %dma_start3A_263] : memref<2x2048x16xf32, #tpu.memory_space<vmem>> -> memref<1x2048x16xf32, #tpu.memory_space<vmem>>
          %dma_start3A_265 = tpu.memref_squeeze %dma_start3A_264 : memref<1x2048x16xf32, #tpu.memory_space<vmem>> -> memref<2048x16xf32, #tpu.memory_space<vmem>>
          %dma_start3A_266 = tpu.memref_slice %run_scoped3A[%mul3A_193] : memref<4096xi32, #tpu.memory_space<vmem>> -> memref<2048xi32, #tpu.memory_space<vmem>>
          %dma_start3A_267 = arith.constant 0 : i32
          %dma_start3A_268 = arith.constant 0 : i32
          %dma_start3A_269 = tpu.memref_slice %arg2[%dma_start3A_267, %dma_start3A_268] : memref<1000000x16xf32, #tpu.memory_space<hbm>> -> memref<1000000x16xf32, #tpu.memory_space<hbm>>
          tpu.enqueue_indirect_dma source(%dma_start3A_269 : memref<1000000x16xf32, #tpu.memory_space<hbm>>) target(%dma_start3A_265 : memref<2048x16xf32, #tpu.memory_space<vmem>>) offsets(%dma_start3A_266 : memref<2048xi32, #tpu.memory_space<vmem>>) semaphore(%run_scoped3A_261 : memref<!tpu.dma_semaphore, #tpu.memory_space<semaphore_mem>>)
          %dma_wait3A_270 = arith.constant 0 : i32
          %dma_wait3A_271 = arith.constant 0 : i32
          %dma_wait3A_272 = tpu.memref_slice %run_scoped3A_8[%rem3A_195, %dma_wait3A_270, %dma_wait3A_271] : memref<2x2048x16xf32, #tpu.memory_space<vmem>> -> memref<1x2048x16xf32, #tpu.memory_space<vmem>>
          %dma_wait3A_273 = tpu.memref_squeeze %dma_wait3A_272 : memref<1x2048x16xf32, #tpu.memory_space<vmem>> -> memref<2048x16xf32, #tpu.memory_space<vmem>>
          %dma_wait3A_274 = tpu.memref_slice %run_scoped3A[%mul3A_193] : memref<4096xi32, #tpu.memory_space<vmem>> -> memref<2048xi32, #tpu.memory_space<vmem>>
          %dma_wait3A_275 = arith.constant 0 : i32
          %dma_wait3A_276 = arith.constant 0 : i32
          %dma_wait3A_277 = tpu.memref_slice %arg2[%dma_wait3A_275, %dma_wait3A_276] : memref<1000000x16xf32, #tpu.memory_space<hbm>> -> memref<1000000x16xf32, #tpu.memory_space<hbm>>
          tpu.wait_indirect_dma semaphore(%run_scoped3A_261 : memref<!tpu.dma_semaphore, #tpu.memory_space<semaphore_mem>>) src(%dma_wait3A_277 : memref<1000000x16xf32, #tpu.memory_space<hbm>>) dst(%dma_wait3A_273 : memref<2048x16xf32, #tpu.memory_space<vmem>>)
          tpu.yield
        }) : () -> ()
        "tpu.trace_stop"() : () -> ()
        %ne3A_196 = arith.cmpi ne, %add3A_127, %add3A_145 : i32
        %or3A_197 = arith.constant false
        %or3A_198 = arith.ori %or3A_197, %ne3A_196 : i1
        %or3A_199 = arith.ori %or3A_198, %eq3A_126 : i1
        %convert_element_type3A_200 = arith.extui %or3A_199 : i1 to i32
        %cond3A_201 = arith.constant 0 : i32
        %cond3A_202 = arith.cmpi ne, %convert_element_type3A_200, %cond3A_201 : i32
        scf.if %cond3A_202 {
        } else {
        }
        %and3A_203 = arith.constant false
        %and3A_204 = arith.andi %or3A_199, %and3A_203 : i1
        %ne3A_205 = arith.cmpi ne, %add3A_127, %add3A_145 : i32
        %or3A_206 = arith.constant false
        %or3A_207 = arith.ori %or3A_206, %ne3A_205 : i1
        %or3A_208 = arith.constant false
        %or3A_209 = arith.ori %or3A_207, %or3A_208 : i1
        %or3A_210 = arith.ori %or3A_209, %eq3A_126 : i1
        %convert_element_type3A_211 = arith.extui %or3A_210 : i1 to i32
        %cond3A_212 = arith.constant 0 : i32
        %cond3A_213 = arith.cmpi ne, %convert_element_type3A_211, %cond3A_212 : i32
        scf.if %cond3A_213 {
          "tpu.trace_start"() <{level = 10 : i32, message = "ep_copy_out"}> : () -> ()
          %rem3A_261 = arith.constant 2 : i32
          %rem3A_262 = arith.remui %scan3A_120, %rem3A_261 : i32
          %mul3A_263 = arith.constant 2048 : i32
          %mul3A_264 = arith.muli %mul3A_263, %add3A_127 : i32
          %dma_start3A_265 = arith.constant 0 : i32
          %dma_start3A_266 = arith.constant 0 : i32
          %dma_start3A_267 = tpu.memref_slice %run_scoped3A_8[%rem3A_262, %dma_start3A_265, %dma_start3A_266] : memref<2x2048x16xf32, #tpu.memory_space<vmem>> -> memref<1x2048x16xf32, #tpu.memory_space<vmem>>
          %dma_start3A_268 = tpu.memref_squeeze %dma_start3A_267 : memref<1x2048x16xf32, #tpu.memory_space<vmem>> -> memref<2048x16xf32, #tpu.memory_space<vmem>>
          %dma_start3A_269 = arith.constant 0 : i32
          %dma_start3A_270 = tpu.memref_slice %arg4[%mul3A_264, %dma_start3A_269] : memref<327680x16xf32, #tpu.memory_space<hbm>> -> memref<2048x16xf32, #tpu.memory_space<hbm>>
          %dma_start3A_271 = tpu.memref_slice %run_scoped3A_9[%rem3A_262] : memref<2x!tpu.dma_semaphore, #tpu.memory_space<semaphore_mem>> -> memref<1x!tpu.dma_semaphore, #tpu.memory_space<semaphore_mem>>
          %dma_start3A_272 = tpu.memref_squeeze %dma_start3A_271 : memref<1x!tpu.dma_semaphore, #tpu.memory_space<semaphore_mem>> -> memref<!tpu.dma_semaphore, #tpu.memory_space<semaphore_mem>>
          %dma_start3A_273 = arith.constant 0 : i32
          %dma_start3A_274 = tpu.memref_slice %arg4[%mul3A_264, %dma_start3A_273] : memref<327680x16xf32, #tpu.memory_space<hbm>> -> memref<2048x16xf32, #tpu.memory_space<hbm>>
          %dma_start3A_275 = arith.constant 0 : i32
          %dma_start3A_276 = arith.constant 0 : i32
          %dma_start3A_277 = tpu.memref_slice %run_scoped3A_8[%rem3A_262, %dma_start3A_275, %dma_start3A_276] : memref<2x2048x16xf32, #tpu.memory_space<vmem>> -> memref<1x2048x16xf32, #tpu.memory_space<vmem>>
          %dma_start3A_278 = tpu.memref_squeeze %dma_start3A_277 : memref<1x2048x16xf32, #tpu.memory_space<vmem>> -> memref<2048x16xf32, #tpu.memory_space<vmem>>
          tpu.enqueue_dma source(%dma_start3A_278 : memref<2048x16xf32, #tpu.memory_space<vmem>>) target(%dma_start3A_274 : memref<2048x16xf32, #tpu.memory_space<hbm>>) target_semaphore(%dma_start3A_272 : memref<!tpu.dma_semaphore, #tpu.memory_space<semaphore_mem>>)
          "tpu.trace_stop"() : () -> ()
        } else {
        }
        %and3A_214 = arith.constant true
        %and3A_215 = arith.andi %or3A_210, %and3A_214 : i1
        %add3A_216 = arith.constant 1 : i32
        %add3A_217 = arith.addi %scan3A_120, %add3A_216 : i32
        %select_n3A_218 = arith.select %and3A_215, %add3A_217, %scan3A_120 : i32
        %ne3A_219 = arith.cmpi ne, %add3A_127, %add3A_136 : i32
        %or3A_220 = arith.constant false
        %or3A_221 = arith.ori %or3A_220, %ne3A_219 : i1
        %not3A_222 = arith.constant true
        %not3A_223 = arith.xori %eq3A_124, %not3A_222 : i1
        %and3A_224 = arith.andi %or3A_221, %not3A_223 : i1
        %convert_element_type3A_225 = arith.extui %and3A_224 : i1 to i32
        %cond3A_226 = arith.constant 0 : i32
        %cond3A_227 = arith.cmpi ne, %convert_element_type3A_225, %cond3A_226 : i32
        scf.if %cond3A_227 {
        } else {
        }
        %and3A_228 = arith.constant false
        %and3A_229 = arith.andi %and3A_224, %and3A_228 : i1
        %ne3A_230 = arith.cmpi ne, %add3A_127, %add3A_136 : i32
        %or3A_231 = arith.constant false
        %or3A_232 = arith.ori %or3A_231, %ne3A_230 : i1
        %or3A_233 = arith.constant false
        %or3A_234 = arith.ori %or3A_232, %or3A_233 : i1
        %not3A_235 = arith.constant true
        %not3A_236 = arith.xori %eq3A_124, %not3A_235 : i1
        %and3A_237 = arith.andi %or3A_234, %not3A_236 : i1
        %convert_element_type3A_238 = arith.extui %and3A_237 : i1 to i32
        %cond3A_239 = arith.constant 0 : i32
        %cond3A_240 = arith.cmpi ne, %convert_element_type3A_238, %cond3A_239 : i32
        scf.if %cond3A_240 {
          "tpu.trace_start"() <{level = 10 : i32, message = "ep_wait_out"}> : () -> ()
          %rem3A_261 = arith.constant 2 : i32
          %rem3A_262 = arith.remui %scan3A_121, %rem3A_261 : i32
          %mul3A_263 = arith.constant 2048 : i32
          %mul3A_264 = arith.muli %mul3A_263, %add3A_136 : i32
          %dma_wait3A_265 = arith.constant 0 : i32
          %dma_wait3A_266 = arith.constant 0 : i32
          %dma_wait3A_267 = tpu.memref_slice %run_scoped3A_8[%rem3A_262, %dma_wait3A_265, %dma_wait3A_266] : memref<2x2048x16xf32, #tpu.memory_space<vmem>> -> memref<1x2048x16xf32, #tpu.memory_space<vmem>>
          %dma_wait3A_268 = tpu.memref_squeeze %dma_wait3A_267 : memref<1x2048x16xf32, #tpu.memory_space<vmem>> -> memref<2048x16xf32, #tpu.memory_space<vmem>>
          %dma_wait3A_269 = arith.constant 0 : i32
          %dma_wait3A_270 = tpu.memref_slice %arg4[%mul3A_264, %dma_wait3A_269] : memref<327680x16xf32, #tpu.memory_space<hbm>> -> memref<2048x16xf32, #tpu.memory_space<hbm>>
          %dma_wait3A_271 = tpu.memref_slice %run_scoped3A_9[%rem3A_262] : memref<2x!tpu.dma_semaphore, #tpu.memory_space<semaphore_mem>> -> memref<1x!tpu.dma_semaphore, #tpu.memory_space<semaphore_mem>>
          %dma_wait3A_272 = tpu.memref_squeeze %dma_wait3A_271 : memref<1x!tpu.dma_semaphore, #tpu.memory_space<semaphore_mem>> -> memref<!tpu.dma_semaphore, #tpu.memory_space<semaphore_mem>>
          %dma_wait3A_273 = arith.constant 0 : i32
          %dma_wait3A_274 = tpu.memref_slice %arg4[%mul3A_264, %dma_wait3A_273] : memref<327680x16xf32, #tpu.memory_space<hbm>> -> memref<2048x16xf32, #tpu.memory_space<hbm>>
          %dma_wait3A_275 = arith.constant 0 : i32
          %dma_wait3A_276 = arith.constant 0 : i32
          %dma_wait3A_277 = tpu.memref_slice %run_scoped3A_8[%rem3A_262, %dma_wait3A_275, %dma_wait3A_276] : memref<2x2048x16xf32, #tpu.memory_space<vmem>> -> memref<1x2048x16xf32, #tpu.memory_space<vmem>>
          %dma_wait3A_278 = tpu.memref_squeeze %dma_wait3A_277 : memref<1x2048x16xf32, #tpu.memory_space<vmem>> -> memref<2048x16xf32, #tpu.memory_space<vmem>>
          tpu.wait_dma2 semaphore(%dma_wait3A_272 : memref<!tpu.dma_semaphore, #tpu.memory_space<semaphore_mem>>) src(%dma_wait3A_278 : memref<2048x16xf32, #tpu.memory_space<vmem>>) dst(%dma_wait3A_274 : memref<2048x16xf32, #tpu.memory_space<hbm>>)
          "tpu.trace_stop"() : () -> ()
        } else {
        }
        %and3A_241 = arith.constant true
        %and3A_242 = arith.andi %and3A_237, %and3A_241 : i1
        %add3A_243 = arith.constant 1 : i32
        %add3A_244 = arith.addi %scan3A_121, %add3A_243 : i32
        %select_n3A_245 = arith.select %and3A_242, %add3A_244, %scan3A_121 : i32
        %ne3A_246 = arith.cmpi ne, %add3A_127, %add3A_145 : i32
        %or3A_247 = arith.constant false
        %or3A_248 = arith.ori %or3A_247, %ne3A_246 : i1
        %or3A_249 = arith.ori %or3A_248, %eq3A_126 : i1
        %add3A_250 = arith.constant 1 : i32
        %add3A_251 = arith.addi %scan3A_119, %add3A_250 : i32
        %select_n3A_252 = arith.select %or3A_249, %add3A_251, %scan3A_119 : i32
        %add3A_253 = arith.constant 1 : i32
        %add3A_254 = arith.addi %scan3A_122, %add3A_253 : i32
        %select_n3A_255 = arith.constant true
        %select_n3A_256 = arith.select %select_n3A_255, %add3A_254, %scan3A_122 : i32
        %eq3A_257 = arith.constant 5 : i32
        %eq3A_258 = arith.cmpi eq, %select_n3A_256, %eq3A_257 : i32
        %select_n3A_259 = arith.constant 0 : i32
        %select_n3A_260 = arith.select %eq3A_258, %select_n3A_259, %select_n3A_256 : i32
        scf.yield %select_n3A_163, %select_n3A_252, %select_n3A_218, %select_n3A_245, %select_n3A_260 : i32, i32, i32, i32, i32
      }
      %scan3A_64 = arith.constant 5 : i32
      %sub3A = arith.constant 1 : i32
      %sub3A_65 = arith.subi %scan3A_63#4, %sub3A : i32
      %select_n3A_66 = arith.constant true
      %select_n3A_67 = arith.select %select_n3A_66, %sub3A_65, %scan3A_63#4 : i32
      %eq3A_68 = arith.constant -1 : i32
      %eq3A_69 = arith.cmpi eq, %select_n3A_67, %eq3A_68 : i32
      %select_n3A_70 = arith.constant 4 : i32
      %select_n3A_71 = arith.select %eq3A_69, %select_n3A_70, %select_n3A_67 : i32
      %add3A_72 = arith.addi %select_n3A_71, %mul3A_6 : i32
      %sub3A_73 = arith.constant 1 : i32
      %sub3A_74 = arith.subi %select_n3A_71, %sub3A_73 : i32
      %select_n3A_75 = arith.constant true
      %select_n3A_76 = arith.select %select_n3A_75, %sub3A_74, %select_n3A_71 : i32
      %eq3A_77 = arith.constant -1 : i32
      %eq3A_78 = arith.cmpi eq, %select_n3A_76, %eq3A_77 : i32
      %select_n3A_79 = arith.constant 4 : i32
      %select_n3A_80 = arith.select %eq3A_78, %select_n3A_79, %select_n3A_76 : i32
      %add3A_81 = arith.addi %select_n3A_80, %mul3A_6 : i32
      %add3A_82 = arith.constant 1 : i32
      %add3A_83 = arith.addi %select_n3A_71, %add3A_82 : i32
      %select_n3A_84 = arith.constant true
      %select_n3A_85 = arith.select %select_n3A_84, %add3A_83, %select_n3A_71 : i32
      %eq3A_86 = arith.constant 5 : i32
      %eq3A_87 = arith.cmpi eq, %select_n3A_85, %eq3A_86 : i32
      %select_n3A_88 = arith.constant 0 : i32
      %select_n3A_89 = arith.select %eq3A_87, %select_n3A_88, %select_n3A_85 : i32
      %add3A_90 = arith.addi %select_n3A_89, %mul3A_6 : i32
      %add3A_91 = arith.constant 1 : i32
      %add3A_92 = arith.addi %select_n3A_89, %add3A_91 : i32
      %select_n3A_93 = arith.constant true
      %select_n3A_94 = arith.select %select_n3A_93, %add3A_92, %select_n3A_89 : i32
      %eq3A_95 = arith.constant 5 : i32
      %eq3A_96 = arith.cmpi eq, %select_n3A_94, %eq3A_95 : i32
      %select_n3A_97 = arith.constant 0 : i32
      %select_n3A_98 = arith.select %eq3A_96, %select_n3A_97, %select_n3A_94 : i32
      %add3A_99 = arith.addi %select_n3A_98, %mul3A_6 : i32
      "tpu.trace_start"() <{level = 10 : i32, message = "ep_finalize"}> : () -> ()
      %rem3A_100 = arith.constant 2 : i32
      %rem3A_101 = arith.remui %scan3A_63#3, %rem3A_100 : i32
      %mul3A_102 = arith.constant 2048 : i32
      %mul3A_103 = arith.muli %mul3A_102, %add3A_72 : i32
      %dma_wait3A = arith.constant 0 : i32
      %dma_wait3A_104 = arith.constant 0 : i32
      %dma_wait3A_105 = tpu.memref_slice %run_scoped3A_8[%rem3A_101, %dma_wait3A, %dma_wait3A_104] : memref<2x2048x16xf32, #tpu.memory_space<vmem>> -> memref<1x2048x16xf32, #tpu.memory_space<vmem>>
      %dma_wait3A_106 = tpu.memref_squeeze %dma_wait3A_105 : memref<1x2048x16xf32, #tpu.memory_space<vmem>> -> memref<2048x16xf32, #tpu.memory_space<vmem>>
      %dma_wait3A_107 = arith.constant 0 : i32
      %dma_wait3A_108 = tpu.memref_slice %arg4[%mul3A_103, %dma_wait3A_107] : memref<327680x16xf32, #tpu.memory_space<hbm>> -> memref<2048x16xf32, #tpu.memory_space<hbm>>
      %dma_wait3A_109 = tpu.memref_slice %run_scoped3A_9[%rem3A_101] : memref<2x!tpu.dma_semaphore, #tpu.memory_space<semaphore_mem>> -> memref<1x!tpu.dma_semaphore, #tpu.memory_space<semaphore_mem>>
      %dma_wait3A_110 = tpu.memref_squeeze %dma_wait3A_109 : memref<1x!tpu.dma_semaphore, #tpu.memory_space<semaphore_mem>> -> memref<!tpu.dma_semaphore, #tpu.memory_space<semaphore_mem>>
      %dma_wait3A_111 = arith.constant 0 : i32
      %dma_wait3A_112 = tpu.memref_slice %arg4[%mul3A_103, %dma_wait3A_111] : memref<327680x16xf32, #tpu.memory_space<hbm>> -> memref<2048x16xf32, #tpu.memory_space<hbm>>
      %dma_wait3A_113 = arith.constant 0 : i32
      %dma_wait3A_114 = arith.constant 0 : i32
      %dma_wait3A_115 = tpu.memref_slice %run_scoped3A_8[%rem3A_101, %dma_wait3A_113, %dma_wait3A_114] : memref<2x2048x16xf32, #tpu.memory_space<vmem>> -> memref<1x2048x16xf32, #tpu.memory_space<vmem>>
      %dma_wait3A_116 = tpu.memref_squeeze %dma_wait3A_115 : memref<1x2048x16xf32, #tpu.memory_space<vmem>> -> memref<2048x16xf32, #tpu.memory_space<vmem>>
      tpu.wait_dma2 semaphore(%dma_wait3A_110 : memref<!tpu.dma_semaphore, #tpu.memory_space<semaphore_mem>>) src(%dma_wait3A_116 : memref<2048x16xf32, #tpu.memory_space<vmem>>) dst(%dma_wait3A_112 : memref<2048x16xf32, #tpu.memory_space<hbm>>)
      "tpu.trace_stop"() : () -> ()
      tpu.yield
    }) : () -> ()
    return
  }
}

#map = affine_map<(d0, d1) -> (0, 0)>
#map1 = affine_map<(d0, d1) -> (0)>
module attributes {stable_mosaic.version = 14 : i64} {
  func.func @gather_kernel(%arg0: i32, %arg1: i32, %arg2: memref<1000000x16xf32, #tpu.memory_space<hbm>>, %arg3: memref<327680xi32, #tpu.memory_space<hbm>>, %arg4: memref<327680x16xf32, #tpu.memory_space<hbm>>) attributes {dimension_semantics = [#tpu.dimension_semantics<core_parallel>, #tpu.dimension_semantics<subcore_parallel>], iteration_bounds = array<i64: 2, 16>, scalar_prefetch = 0 : i64, scratch_operands = 0 : i64, tpu.core_type = #tpu.core_type<sc_vector_subcore>, window_params = [{transform_indices = #map}, {transform_indices = #map1}, {transform_indices = #map}]} {
    %mul3A = arith.constant 1 : i32
    %mul3A_0 = arith.muli %arg1, %mul3A : i32
    %add3A = arith.constant 0 : i32
    %add3A_1 = arith.addi %add3A, %mul3A_0 : i32
    %mul3A_2 = arith.constant 16 : i32
    %mul3A_3 = arith.muli %arg0, %mul3A_2 : i32
    %add3A_4 = arith.addi %add3A_1, %mul3A_3 : i32
    %mul3A_5 = arith.constant 5 : i32
    %mul3A_6 = arith.muli %add3A_4, %mul3A_5 : i32
    "tpu.region"() ({
      %run_scoped3A = memref.alloca() : memref<4096xi32, #tpu.memory_space<vmem>>
      %run_scoped3A_7 = tpu.sem_alloc : memref<2x!tpu.dma_semaphore, #tpu.memory_space<semaphore_mem>>
      %run_scoped3A_8 = memref.alloca() : memref<2x2048x16xf32, #tpu.memory_space<vmem>>
      %run_scoped3A_9 = tpu.sem_alloc : memref<2x!tpu.dma_semaphore, #tpu.memory_space<semaphore_mem>>
      %add3A_10 = arith.constant 0 : i32
      %add3A_11 = arith.addi %add3A_10, %mul3A_6 : i32
      %select_n3A = arith.constant true
      %select_n3A_12 = arith.constant 0 : i32
      %select_n3A_13 = arith.constant -1 : i32
      %select_n3A_14 = arith.select %select_n3A, %select_n3A_13, %select_n3A_12 : i32
      %eq3A = arith.constant -1 : i32
      %eq3A_15 = arith.cmpi eq, %select_n3A_14, %eq3A : i32
      %select_n3A_16 = arith.constant 4 : i32
      %select_n3A_17 = arith.select %eq3A_15, %select_n3A_16, %select_n3A_14 : i32
      %add3A_18 = arith.addi %select_n3A_17, %mul3A_6 : i32
      %select_n3A_19 = arith.constant true
      %select_n3A_20 = arith.constant 0 : i32
      %select_n3A_21 = arith.constant 1 : i32
      %select_n3A_22 = arith.select %select_n3A_19, %select_n3A_21, %select_n3A_20 : i32
      %eq3A_23 = arith.constant 5 : i32
      %eq3A_24 = arith.cmpi eq, %select_n3A_22, %eq3A_23 : i32
      %select_n3A_25 = arith.constant 0 : i32
      %select_n3A_26 = arith.select %eq3A_24, %select_n3A_25, %select_n3A_22 : i32
      %add3A_27 = arith.addi %select_n3A_26, %mul3A_6 : i32
      %add3A_28 = arith.constant 1 : i32
      %add3A_29 = arith.addi %select_n3A_26, %add3A_28 : i32
      %select_n3A_30 = arith.constant true
      %select_n3A_31 = arith.select %select_n3A_30, %add3A_29, %select_n3A_26 : i32
      %eq3A_32 = arith.constant 5 : i32
      %eq3A_33 = arith.cmpi eq, %select_n3A_31, %eq3A_32 : i32
      %select_n3A_34 = arith.constant 0 : i32
      %select_n3A_35 = arith.select %eq3A_33, %select_n3A_34, %select_n3A_31 : i32
      %add3A_36 = arith.addi %select_n3A_35, %mul3A_6 : i32
      "tpu.trace_start"() <{level = 10 : i32, message = "ep_initialize_0"}> : () -> ()
      %rem3A = arith.constant 0 : i32
      %rem3A_37 = arith.constant 2 : i32
      %rem3A_38 = arith.remui %rem3A, %rem3A_37 : i32
      %mul3A_39 = arith.constant 2048 : i32
      %mul3A_40 = arith.muli %mul3A_39, %add3A_11 : i32
      %mul3A_41 = arith.constant 2048 : i32
      %mul3A_42 = arith.muli %rem3A_38, %mul3A_41 : i32
      %add3A_43 = arith.constant 0 : i32
      %add3A_44 = arith.addi %mul3A_42, %add3A_43 : i32
      %dma_start3A = tpu.memref_slice %run_scoped3A[%add3A_44] : memref<4096xi32, #tpu.memory_space<vmem>> -> memref<2048xi32, #tpu.memory_space<vmem>>
      %dma_start3A_45 = tpu.memref_slice %arg3[%mul3A_40] : memref<327680xi32, #tpu.memory_space<hbm>> -> memref<2048xi32, #tpu.memory_space<hbm>>
      %dma_start3A_46 = tpu.memref_slice %run_scoped3A_7[%rem3A_38] : memref<2x!tpu.dma_semaphore, #tpu.memory_space<semaphore_mem>> -> memref<1x!tpu.dma_semaphore, #tpu.memory_space<semaphore_mem>>
      %dma_start3A_47 = tpu.memref_squeeze %dma_start3A_46 : memref<1x!tpu.dma_semaphore, #tpu.memory_space<semaphore_mem>> -> memref<!tpu.dma_semaphore, #tpu.memory_space<semaphore_mem>>
      %dma_start3A_48 = tpu.memref_slice %run_scoped3A[%add3A_44] : memref<4096xi32, #tpu.memory_space<vmem>> -> memref<2048xi32, #tpu.memory_space<vmem>>
      %dma_start3A_49 = tpu.memref_slice %arg3[%mul3A_40] : memref<327680xi32, #tpu.memory_space<hbm>> -> memref<2048xi32, #tpu.memory_space<hbm>>
      tpu.enqueue_dma source(%dma_start3A_49 : memref<2048xi32, #tpu.memory_space<hbm>>) target(%dma_start3A_48 : memref<2048xi32, #tpu.memory_space<vmem>>) target_semaphore(%dma_start3A_47 : memref<!tpu.dma_semaphore, #tpu.memory_space<semaphore_mem>>)
      %add3A_50 = arith.constant 0 : i32
      %add3A_51 = arith.constant 1 : i32
      %add3A_52 = arith.addi %add3A_50, %add3A_51 : i32
      %select_n3A_53 = arith.constant true
      %select_n3A_54 = arith.constant 0 : i32
      %select_n3A_55 = arith.select %select_n3A_53, %add3A_52, %select_n3A_54 : i32
      "tpu.trace_stop"() : () -> ()
      %scan3A = arith.constant 0 : i32
      %scan3A_56 = arith.constant 0 : i32
      %scan3A_57 = arith.constant 0 : i32
      %scan3A_58 = arith.constant 0 : i32
      %scan3A_59 = arith.constant 0 : i32
      %scan3A_60 = arith.constant 5 : i32
      %scan3A_61 = arith.addi %scan3A_59, %scan3A_60 : i32
      %scan3A_62 = arith.constant 1 : i32
      %scan3A_63:5 = scf.for %scan3A_117 = %scan3A_59 to %scan3A_61 step %scan3A_62 iter_args(%scan3A_118 = %select_n3A_55, %scan3A_119 = %scan3A, %scan3A_120 = %scan3A_56, %scan3A_121 = %scan3A_57, %scan3A_122 = %scan3A_58) -> (i32, i32, i32, i32, i32)  : i32 {
        %eq3A_123 = arith.constant 0 : i32
        %eq3A_124 = arith.cmpi eq, %scan3A_117, %eq3A_123 : i32
        %eq3A_125 = arith.constant 4 : i32
        %eq3A_126 = arith.cmpi eq, %scan3A_117, %eq3A_125 : i32
        %add3A_127 = arith.addi %scan3A_122, %mul3A_6 : i32
        %sub3A_128 = arith.constant 1 : i32
        %sub3A_129 = arith.subi %scan3A_122, %sub3A_128 : i32
        %select_n3A_130 = arith.constant true
        %select_n3A_131 = arith.select %select_n3A_130, %sub3A_129, %scan3A_122 : i32
        %eq3A_132 = arith.constant -1 : i32
        %eq3A_133 = arith.cmpi eq, %select_n3A_131, %eq3A_132 : i32
        %select_n3A_134 = arith.constant 4 : i32
        %select_n3A_135 = arith.select %eq3A_133, %select_n3A_134, %select_n3A_131 : i32
        %add3A_136 = arith.addi %select_n3A_135, %mul3A_6 : i32
        %add3A_137 = arith.constant 1 : i32
        %add3A_138 = arith.addi %scan3A_122, %add3A_137 : i32
        %select_n3A_139 = arith.constant true
        %select_n3A_140 = arith.select %select_n3A_139, %add3A_138, %scan3A_122 : i32
        %eq3A_141 = arith.constant 5 : i32
        %eq3A_142 = arith.cmpi eq, %select_n3A_140, %eq3A_141 : i32
        %select_n3A_143 = arith.constant 0 : i32
        %select_n3A_144 = arith.select %eq3A_142, %select_n3A_143, %select_n3A_140 : i32
        %add3A_145 = arith.addi %select_n3A_144, %mul3A_6 : i32
        %add3A_146 = arith.constant 1 : i32
        %add3A_147 = arith.addi %select_n3A_144, %add3A_146 : i32
        %select_n3A_148 = arith.constant true
        %select_n3A_149 = arith.select %select_n3A_148, %add3A_147, %select_n3A_144 : i32
        %eq3A_150 = arith.constant 5 : i32
        %eq3A_151 = arith.cmpi eq, %select_n3A_149, %eq3A_150 : i32
        %select_n3A_152 = arith.constant 0 : i32
        %select_n3A_153 = arith.select %eq3A_151, %select_n3A_152, %select_n3A_149 : i32
        %add3A_154 = arith.addi %select_n3A_153, %mul3A_6 : i32
        %ne3A = arith.cmpi ne, %add3A_127, %add3A_145 : i32
        %or3A = arith.constant false
        %or3A_155 = arith.ori %or3A, %ne3A : i1
        %ge3A = arith.constant 4 : i32
        %ge3A_156 = arith.cmpi sge, %scan3A_117, %ge3A : i32
        %not3A = arith.constant true
        %not3A_157 = arith.xori %ge3A_156, %not3A : i1
        %and3A = arith.andi %or3A_155, %not3A_157 : i1
        %convert_element_type3A = arith.extui %and3A : i1 to i32
        %cond3A = arith.constant 0 : i32
        %cond3A_158 = arith.cmpi ne, %convert_element_type3A, %cond3A : i32
        scf.if %cond3A_158 {
          "tpu.trace_start"() <{level = 10 : i32, message = "ep_copy_in"}> : () -> ()
          %rem3A_261 = arith.constant 2 : i32
          %rem3A_262 = arith.remui %scan3A_118, %rem3A_261 : i32
          %mul3A_263 = arith.constant 2048 : i32
          %mul3A_264 = arith.muli %mul3A_263, %add3A_145 : i32
          %mul3A_265 = arith.constant 2048 : i32
          %mul3A_266 = arith.muli %rem3A_262, %mul3A_265 : i32
          %add3A_267 = arith.constant 0 : i32
          %add3A_268 = arith.addi %mul3A_266, %add3A_267 : i32
          %dma_start3A_269 = tpu.memref_slice %run_scoped3A[%add3A_268] : memref<4096xi32, #tpu.memory_space<vmem>> -> memref<2048xi32, #tpu.memory_space<vmem>>
          %dma_start3A_270 = tpu.memref_slice %arg3[%mul3A_264] : memref<327680xi32, #tpu.memory_space<hbm>> -> memref<2048xi32, #tpu.memory_space<hbm>>
          %dma_start3A_271 = tpu.memref_slice %run_scoped3A_7[%rem3A_262] : memref<2x!tpu.dma_semaphore, #tpu.memory_space<semaphore_mem>> -> memref<1x!tpu.dma_semaphore, #tpu.memory_space<semaphore_mem>>
          %dma_start3A_272 = tpu.memref_squeeze %dma_start3A_271 : memref<1x!tpu.dma_semaphore, #tpu.memory_space<semaphore_mem>> -> memref<!tpu.dma_semaphore, #tpu.memory_space<semaphore_mem>>
          %dma_start3A_273 = tpu.memref_slice %run_scoped3A[%add3A_268] : memref<4096xi32, #tpu.memory_space<vmem>> -> memref<2048xi32, #tpu.memory_space<vmem>>
          %dma_start3A_274 = tpu.memref_slice %arg3[%mul3A_264] : memref<327680xi32, #tpu.memory_space<hbm>> -> memref<2048xi32, #tpu.memory_space<hbm>>
          tpu.enqueue_dma source(%dma_start3A_274 : memref<2048xi32, #tpu.memory_space<hbm>>) target(%dma_start3A_273 : memref<2048xi32, #tpu.memory_space<vmem>>) target_semaphore(%dma_start3A_272 : memref<!tpu.dma_semaphore, #tpu.memory_space<semaphore_mem>>)
          "tpu.trace_stop"() : () -> ()
        } else {
        }
        %and3A_159 = arith.constant true
        %and3A_160 = arith.andi %and3A, %and3A_159 : i1
        %add3A_161 = arith.constant 1 : i32
        %add3A_162 = arith.addi %scan3A_118, %add3A_161 : i32
        %select_n3A_163 = arith.select %and3A_160, %add3A_162, %scan3A_118 : i32
        %ne3A_164 = arith.cmpi ne, %add3A_127, %add3A_145 : i32
        %or3A_165 = arith.constant false
        %or3A_166 = arith.ori %or3A_165, %ne3A_164 : i1
        %or3A_167 = arith.constant false
        %or3A_168 = arith.ori %or3A_166, %or3A_167 : i1
        %ge3A_169 = arith.constant 4 : i32
        %ge3A_170 = arith.cmpi sge, %scan3A_117, %ge3A_169 : i32
        %not3A_171 = arith.constant true
        %not3A_172 = arith.xori %ge3A_170, %not3A_171 : i1
        %and3A_173 = arith.andi %or3A_168, %not3A_172 : i1
        %ne3A_174 = arith.cmpi ne, %add3A_127, %add3A_136 : i32
        %or3A_175 = arith.constant false
        %or3A_176 = arith.ori %or3A_175, %ne3A_174 : i1
        %or3A_177 = arith.ori %or3A_176, %eq3A_124 : i1
        %convert_element_type3A_178 = arith.extui %or3A_177 : i1 to i32
        %cond3A_179 = arith.constant 0 : i32
        %cond3A_180 = arith.cmpi ne, %convert_element_type3A_178, %cond3A_179 : i32
        scf.if %cond3A_180 {
          "tpu.trace_start"() <{level = 10 : i32, message = "ep_wait_in"}> : () -> ()
          %mul3A_261 = arith.constant 2048 : i32
          %mul3A_262 = arith.muli %mul3A_261, %add3A_127 : i32
          %rem3A_263 = arith.constant 2 : i32
          %rem3A_264 = arith.remui %scan3A_119, %rem3A_263 : i32
          %mul3A_265 = arith.constant 2048 : i32
          %mul3A_266 = arith.muli %rem3A_264, %mul3A_265 : i32
          %add3A_267 = arith.constant 0 : i32
          %add3A_268 = arith.addi %mul3A_266, %add3A_267 : i32
          %dma_wait3A_269 = tpu.memref_slice %run_scoped3A[%add3A_268] : memref<4096xi32, #tpu.memory_space<vmem>> -> memref<2048xi32, #tpu.memory_space<vmem>>
          %dma_wait3A_270 = tpu.memref_slice %arg3[%mul3A_262] : memref<327680xi32, #tpu.memory_space<hbm>> -> memref<2048xi32, #tpu.memory_space<hbm>>
          %dma_wait3A_271 = tpu.memref_slice %run_scoped3A_7[%rem3A_264] : memref<2x!tpu.dma_semaphore, #tpu.memory_space<semaphore_mem>> -> memref<1x!tpu.dma_semaphore, #tpu.memory_space<semaphore_mem>>
          %dma_wait3A_272 = tpu.memref_squeeze %dma_wait3A_271 : memref<1x!tpu.dma_semaphore, #tpu.memory_space<semaphore_mem>> -> memref<!tpu.dma_semaphore, #tpu.memory_space<semaphore_mem>>
          %dma_wait3A_273 = tpu.memref_slice %run_scoped3A[%add3A_268] : memref<4096xi32, #tpu.memory_space<vmem>> -> memref<2048xi32, #tpu.memory_space<vmem>>
          %dma_wait3A_274 = tpu.memref_slice %arg3[%mul3A_262] : memref<327680xi32, #tpu.memory_space<hbm>> -> memref<2048xi32, #tpu.memory_space<hbm>>
          tpu.wait_dma2 semaphore(%dma_wait3A_272 : memref<!tpu.dma_semaphore, #tpu.memory_space<semaphore_mem>>) src(%dma_wait3A_274 : memref<2048xi32, #tpu.memory_space<hbm>>) dst(%dma_wait3A_273 : memref<2048xi32, #tpu.memory_space<vmem>>)
          "tpu.trace_stop"() : () -> ()
        } else {
        }
        %ne3A_181 = arith.cmpi ne, %add3A_127, %add3A_136 : i32
        %or3A_182 = arith.constant false
        %or3A_183 = arith.ori %or3A_182, %ne3A_181 : i1
        %or3A_184 = arith.constant false
        %or3A_185 = arith.ori %or3A_183, %or3A_184 : i1
        %or3A_186 = arith.ori %or3A_185, %eq3A_124 : i1
        %convert_element_type3A_187 = arith.extui %or3A_186 : i1 to i32
        %cond3A_188 = arith.constant 0 : i32
        %cond3A_189 = arith.cmpi ne, %convert_element_type3A_187, %cond3A_188 : i32
        scf.if %cond3A_189 {
        } else {
        }
        %rem3A_190 = arith.constant 2 : i32
        %rem3A_191 = arith.remui %scan3A_119, %rem3A_190 : i32
        %mul3A_192 = arith.constant 2048 : i32
        %mul3A_193 = arith.muli %rem3A_191, %mul3A_192 : i32
        %rem3A_194 = arith.constant 2 : i32
        %rem3A_195 = arith.remui %scan3A_120, %rem3A_194 : i32
        "tpu.trace_start"() <{level = 10 : i32, message = "ep_run_kernel"}> : () -> ()
        "tpu.region"() ({
          %run_scoped3A_261 = tpu.sem_alloc : memref<!tpu.dma_semaphore, #tpu.memory_space<semaphore_mem>>
          %dma_start3A_262 = arith.constant 0 : i32
          %dma_start3A_263 = arith.constant 0 : i32
          %dma_start3A_264 = tpu.memref_slice %run_scoped3A_8[%rem3A_195, %dma_start3A_262, %dma_start3A_263] : memref<2x2048x16xf32, #tpu.memory_space<vmem>> -> memref<1x2048x16xf32, #tpu.memory_space<vmem>>
          %dma_start3A_265 = tpu.memref_squeeze %dma_start3A_264 : memref<1x2048x16xf32, #tpu.memory_space<vmem>> -> memref<2048x16xf32, #tpu.memory_space<vmem>>
          %dma_start3A_266 = tpu.memref_slice %run_scoped3A[%mul3A_193] : memref<4096xi32, #tpu.memory_space<vmem>> -> memref<2048xi32, #tpu.memory_space<vmem>>
          %dma_start3A_267 = arith.constant 0 : i32
          %dma_start3A_268 = arith.constant 0 : i32
          %dma_start3A_269 = tpu.memref_slice %arg2[%dma_start3A_267, %dma_start3A_268] : memref<1000000x16xf32, #tpu.memory_space<hbm>> -> memref<1000000x16xf32, #tpu.memory_space<hbm>>
          tpu.enqueue_indirect_dma source(%dma_start3A_269 : memref<1000000x16xf32, #tpu.memory_space<hbm>>) target(%dma_start3A_265 : memref<2048x16xf32, #tpu.memory_space<vmem>>) offsets(%dma_start3A_266 : memref<2048xi32, #tpu.memory_space<vmem>>) semaphore(%run_scoped3A_261 : memref<!tpu.dma_semaphore, #tpu.memory_space<semaphore_mem>>)
          %dma_wait3A_270 = arith.constant 0 : i32
          %dma_wait3A_271 = arith.constant 0 : i32
          %dma_wait3A_272 = tpu.memref_slice %run_scoped3A_8[%rem3A_195, %dma_wait3A_270, %dma_wait3A_271] : memref<2x2048x16xf32, #tpu.memory_space<vmem>> -> memref<1x2048x16xf32, #tpu.memory_space<vmem>>
          %dma_wait3A_273 = tpu.memref_squeeze %dma_wait3A_272 : memref<1x2048x16xf32, #tpu.memory_space<vmem>> -> memref<2048x16xf32, #tpu.memory_space<vmem>>
          %dma_wait3A_274 = tpu.memref_slice %run_scoped3A[%mul3A_193] : memref<4096xi32, #tpu.memory_space<vmem>> -> memref<2048xi32, #tpu.memory_space<vmem>>
          %dma_wait3A_275 = arith.constant 0 : i32
          %dma_wait3A_276 = arith.constant 0 : i32
          %dma_wait3A_277 = tpu.memref_slice %arg2[%dma_wait3A_275, %dma_wait3A_276] : memref<1000000x16xf32, #tpu.memory_space<hbm>> -> memref<1000000x16xf32, #tpu.memory_space<hbm>>
          tpu.wait_indirect_dma semaphore(%run_scoped3A_261 : memref<!tpu.dma_semaphore, #tpu.memory_space<semaphore_mem>>) src(%dma_wait3A_277 : memref<1000000x16xf32, #tpu.memory_space<hbm>>) dst(%dma_wait3A_273 : memref<2048x16xf32, #tpu.memory_space<vmem>>)
          tpu.yield
        }) : () -> ()
        "tpu.trace_stop"() : () -> ()
        %ne3A_196 = arith.cmpi ne, %add3A_127, %add3A_145 : i32
        %or3A_197 = arith.constant false
        %or3A_198 = arith.ori %or3A_197, %ne3A_196 : i1
        %or3A_199 = arith.ori %or3A_198, %eq3A_126 : i1
        %convert_element_type3A_200 = arith.extui %or3A_199 : i1 to i32
        %cond3A_201 = arith.constant 0 : i32
        %cond3A_202 = arith.cmpi ne, %convert_element_type3A_200, %cond3A_201 : i32
        scf.if %cond3A_202 {
        } else {
        }
        %and3A_203 = arith.constant false
        %and3A_204 = arith.andi %or3A_199, %and3A_203 : i1
        %ne3A_205 = arith.cmpi ne, %add3A_127, %add3A_145 : i32
        %or3A_206 = arith.constant false
        %or3A_207 = arith.ori %or3A_206, %ne3A_205 : i1
        %or3A_208 = arith.constant false
        %or3A_209 = arith.ori %or3A_207, %or3A_208 : i1
        %or3A_210 = arith.ori %or3A_209, %eq3A_126 : i1
        %convert_element_type3A_211 = arith.extui %or3A_210 : i1 to i32
        %cond3A_212 = arith.constant 0 : i32
        %cond3A_213 = arith.cmpi ne, %convert_element_type3A_211, %cond3A_212 : i32
        scf.if %cond3A_213 {
          "tpu.trace_start"() <{level = 10 : i32, message = "ep_copy_out"}> : () -> ()
          %rem3A_261 = arith.constant 2 : i32
          %rem3A_262 = arith.remui %scan3A_120, %rem3A_261 : i32
          %mul3A_263 = arith.constant 2048 : i32
          %mul3A_264 = arith.muli %mul3A_263, %add3A_127 : i32
          %dma_start3A_265 = arith.constant 0 : i32
          %dma_start3A_266 = arith.constant 0 : i32
          %dma_start3A_267 = tpu.memref_slice %run_scoped3A_8[%rem3A_262, %dma_start3A_265, %dma_start3A_266] : memref<2x2048x16xf32, #tpu.memory_space<vmem>> -> memref<1x2048x16xf32, #tpu.memory_space<vmem>>
          %dma_start3A_268 = tpu.memref_squeeze %dma_start3A_267 : memref<1x2048x16xf32, #tpu.memory_space<vmem>> -> memref<2048x16xf32, #tpu.memory_space<vmem>>
          %dma_start3A_269 = arith.constant 0 : i32
          %dma_start3A_270 = tpu.memref_slice %arg4[%mul3A_264, %dma_start3A_269] : memref<327680x16xf32, #tpu.memory_space<hbm>> -> memref<2048x16xf32, #tpu.memory_space<hbm>>
          %dma_start3A_271 = tpu.memref_slice %run_scoped3A_9[%rem3A_262] : memref<2x!tpu.dma_semaphore, #tpu.memory_space<semaphore_mem>> -> memref<1x!tpu.dma_semaphore, #tpu.memory_space<semaphore_mem>>
          %dma_start3A_272 = tpu.memref_squeeze %dma_start3A_271 : memref<1x!tpu.dma_semaphore, #tpu.memory_space<semaphore_mem>> -> memref<!tpu.dma_semaphore, #tpu.memory_space<semaphore_mem>>
          %dma_start3A_273 = arith.constant 0 : i32
          %dma_start3A_274 = tpu.memref_slice %arg4[%mul3A_264, %dma_start3A_273] : memref<327680x16xf32, #tpu.memory_space<hbm>> -> memref<2048x16xf32, #tpu.memory_space<hbm>>
          %dma_start3A_275 = arith.constant 0 : i32
          %dma_start3A_276 = arith.constant 0 : i32
          %dma_start3A_277 = tpu.memref_slice %run_scoped3A_8[%rem3A_262, %dma_start3A_275, %dma_start3A_276] : memref<2x2048x16xf32, #tpu.memory_space<vmem>> -> memref<1x2048x16xf32, #tpu.memory_space<vmem>>
          %dma_start3A_278 = tpu.memref_squeeze %dma_start3A_277 : memref<1x2048x16xf32, #tpu.memory_space<vmem>> -> memref<2048x16xf32, #tpu.memory_space<vmem>>
          tpu.enqueue_dma source(%dma_start3A_278 : memref<2048x16xf32, #tpu.memory_space<vmem>>) target(%dma_start3A_274 : memref<2048x16xf32, #tpu.memory_space<hbm>>) target_semaphore(%dma_start3A_272 : memref<!tpu.dma_semaphore, #tpu.memory_space<semaphore_mem>>)
          "tpu.trace_stop"() : () -> ()
        } else {
        }
        %and3A_214 = arith.constant true
        %and3A_215 = arith.andi %or3A_210, %and3A_214 : i1
        %add3A_216 = arith.constant 1 : i32
        %add3A_217 = arith.addi %scan3A_120, %add3A_216 : i32
        %select_n3A_218 = arith.select %and3A_215, %add3A_217, %scan3A_120 : i32
        %ne3A_219 = arith.cmpi ne, %add3A_127, %add3A_136 : i32
        %or3A_220 = arith.constant false
        %or3A_221 = arith.ori %or3A_220, %ne3A_219 : i1
        %not3A_222 = arith.constant true
        %not3A_223 = arith.xori %eq3A_124, %not3A_222 : i1
        %and3A_224 = arith.andi %or3A_221, %not3A_223 : i1
        %convert_element_type3A_225 = arith.extui %and3A_224 : i1 to i32
        %cond3A_226 = arith.constant 0 : i32
        %cond3A_227 = arith.cmpi ne, %convert_element_type3A_225, %cond3A_226 : i32
        scf.if %cond3A_227 {
        } else {
        }
        %and3A_228 = arith.constant false
        %and3A_229 = arith.andi %and3A_224, %and3A_228 : i1
        %ne3A_230 = arith.cmpi ne, %add3A_127, %add3A_136 : i32
        %or3A_231 = arith.constant false
        %or3A_232 = arith.ori %or3A_231, %ne3A_230 : i1
        %or3A_233 = arith.constant false
        %or3A_234 = arith.ori %or3A_232, %or3A_233 : i1
        %not3A_235 = arith.constant true
        %not3A_236 = arith.xori %eq3A_124, %not3A_235 : i1
        %and3A_237 = arith.andi %or3A_234, %not3A_236 : i1
        %convert_element_type3A_238 = arith.extui %and3A_237 : i1 to i32
        %cond3A_239 = arith.constant 0 : i32
        %cond3A_240 = arith.cmpi ne, %convert_element_type3A_238, %cond3A_239 : i32
        scf.if %cond3A_240 {
          "tpu.trace_start"() <{level = 10 : i32, message = "ep_wait_out"}> : () -> ()
          %rem3A_261 = arith.constant 2 : i32
          %rem3A_262 = arith.remui %scan3A_121, %rem3A_261 : i32
          %mul3A_263 = arith.constant 2048 : i32
          %mul3A_264 = arith.muli %mul3A_263, %add3A_136 : i32
          %dma_wait3A_265 = arith.constant 0 : i32
          %dma_wait3A_266 = arith.constant 0 : i32
          %dma_wait3A_267 = tpu.memref_slice %run_scoped3A_8[%rem3A_262, %dma_wait3A_265, %dma_wait3A_266] : memref<2x2048x16xf32, #tpu.memory_space<vmem>> -> memref<1x2048x16xf32, #tpu.memory_space<vmem>>
          %dma_wait3A_268 = tpu.memref_squeeze %dma_wait3A_267 : memref<1x2048x16xf32, #tpu.memory_space<vmem>> -> memref<2048x16xf32, #tpu.memory_space<vmem>>
          %dma_wait3A_269 = arith.constant 0 : i32
          %dma_wait3A_270 = tpu.memref_slice %arg4[%mul3A_264, %dma_wait3A_269] : memref<327680x16xf32, #tpu.memory_space<hbm>> -> memref<2048x16xf32, #tpu.memory_space<hbm>>
          %dma_wait3A_271 = tpu.memref_slice %run_scoped3A_9[%rem3A_262] : memref<2x!tpu.dma_semaphore, #tpu.memory_space<semaphore_mem>> -> memref<1x!tpu.dma_semaphore, #tpu.memory_space<semaphore_mem>>
          %dma_wait3A_272 = tpu.memref_squeeze %dma_wait3A_271 : memref<1x!tpu.dma_semaphore, #tpu.memory_space<semaphore_mem>> -> memref<!tpu.dma_semaphore, #tpu.memory_space<semaphore_mem>>
          %dma_wait3A_273 = arith.constant 0 : i32
          %dma_wait3A_274 = tpu.memref_slice %arg4[%mul3A_264, %dma_wait3A_273] : memref<327680x16xf32, #tpu.memory_space<hbm>> -> memref<2048x16xf32, #tpu.memory_space<hbm>>
          %dma_wait3A_275 = arith.constant 0 : i32
          %dma_wait3A_276 = arith.constant 0 : i32
          %dma_wait3A_277 = tpu.memref_slice %run_scoped3A_8[%rem3A_262, %dma_wait3A_275, %dma_wait3A_276] : memref<2x2048x16xf32, #tpu.memory_space<vmem>> -> memref<1x2048x16xf32, #tpu.memory_space<vmem>>
          %dma_wait3A_278 = tpu.memref_squeeze %dma_wait3A_277 : memref<1x2048x16xf32, #tpu.memory_space<vmem>> -> memref<2048x16xf32, #tpu.memory_space<vmem>>
          tpu.wait_dma2 semaphore(%dma_wait3A_272 : memref<!tpu.dma_semaphore, #tpu.memory_space<semaphore_mem>>) src(%dma_wait3A_278 : memref<2048x16xf32, #tpu.memory_space<vmem>>) dst(%dma_wait3A_274 : memref<2048x16xf32, #tpu.memory_space<hbm>>)
          "tpu.trace_stop"() : () -> ()
        } else {
        }
        %and3A_241 = arith.constant true
        %and3A_242 = arith.andi %and3A_237, %and3A_241 : i1
        %add3A_243 = arith.constant 1 : i32
        %add3A_244 = arith.addi %scan3A_121, %add3A_243 : i32
        %select_n3A_245 = arith.select %and3A_242, %add3A_244, %scan3A_121 : i32
        %ne3A_246 = arith.cmpi ne, %add3A_127, %add3A_145 : i32
        %or3A_247 = arith.constant false
        %or3A_248 = arith.ori %or3A_247, %ne3A_246 : i1
        %or3A_249 = arith.ori %or3A_248, %eq3A_126 : i1
        %add3A_250 = arith.constant 1 : i32
        %add3A_251 = arith.addi %scan3A_119, %add3A_250 : i32
        %select_n3A_252 = arith.select %or3A_249, %add3A_251, %scan3A_119 : i32
        %add3A_253 = arith.constant 1 : i32
        %add3A_254 = arith.addi %scan3A_122, %add3A_253 : i32
        %select_n3A_255 = arith.constant true
        %select_n3A_256 = arith.select %select_n3A_255, %add3A_254, %scan3A_122 : i32
        %eq3A_257 = arith.constant 5 : i32
        %eq3A_258 = arith.cmpi eq, %select_n3A_256, %eq3A_257 : i32
        %select_n3A_259 = arith.constant 0 : i32
        %select_n3A_260 = arith.select %eq3A_258, %select_n3A_259, %select_n3A_256 : i32
        scf.yield %select_n3A_163, %select_n3A_252, %select_n3A_218, %select_n3A_245, %select_n3A_260 : i32, i32, i32, i32, i32
      }
      %scan3A_64 = arith.constant 5 : i32
      %sub3A = arith.constant 1 : i32
      %sub3A_65 = arith.subi %scan3A_63#4, %sub3A : i32
      %select_n3A_66 = arith.constant true
      %select_n3A_67 = arith.select %select_n3A_66, %sub3A_65, %scan3A_63#4 : i32
      %eq3A_68 = arith.constant -1 : i32
      %eq3A_69 = arith.cmpi eq, %select_n3A_67, %eq3A_68 : i32
      %select_n3A_70 = arith.constant 4 : i32
      %select_n3A_71 = arith.select %eq3A_69, %select_n3A_70, %select_n3A_67 : i32
      %add3A_72 = arith.addi %select_n3A_71, %mul3A_6 : i32
      %sub3A_73 = arith.constant 1 : i32
      %sub3A_74 = arith.subi %select_n3A_71, %sub3A_73 : i32
      %select_n3A_75 = arith.constant true
      %select_n3A_76 = arith.select %select_n3A_75, %sub3A_74, %select_n3A_71 : i32
      %eq3A_77 = arith.constant -1 : i32
      %eq3A_78 = arith.cmpi eq, %select_n3A_76, %eq3A_77 : i32
      %select_n3A_79 = arith.constant 4 : i32
      %select_n3A_80 = arith.select %eq3A_78, %select_n3A_79, %select_n3A_76 : i32
      %add3A_81 = arith.addi %select_n3A_80, %mul3A_6 : i32
      %add3A_82 = arith.constant 1 : i32
      %add3A_83 = arith.addi %select_n3A_71, %add3A_82 : i32
      %select_n3A_84 = arith.constant true
      %select_n3A_85 = arith.select %select_n3A_84, %add3A_83, %select_n3A_71 : i32
      %eq3A_86 = arith.constant 5 : i32
      %eq3A_87 = arith.cmpi eq, %select_n3A_85, %eq3A_86 : i32
      %select_n3A_88 = arith.constant 0 : i32
      %select_n3A_89 = arith.select %eq3A_87, %select_n3A_88, %select_n3A_85 : i32
      %add3A_90 = arith.addi %select_n3A_89, %mul3A_6 : i32
      %add3A_91 = arith.constant 1 : i32
      %add3A_92 = arith.addi %select_n3A_89, %add3A_91 : i32
      %select_n3A_93 = arith.constant true
      %select_n3A_94 = arith.select %select_n3A_93, %add3A_92, %select_n3A_89 : i32
      %eq3A_95 = arith.constant 5 : i32
      %eq3A_96 = arith.cmpi eq, %select_n3A_94, %eq3A_95 : i32
      %select_n3A_97 = arith.constant 0 : i32
      %select_n3A_98 = arith.select %eq3A_96, %select_n3A_97, %select_n3A_94 : i32
      %add3A_99 = arith.addi %select_n3A_98, %mul3A_6 : i32
      "tpu.trace_start"() <{level = 10 : i32, message = "ep_finalize"}> : () -> ()
      %rem3A_100 = arith.constant 2 : i32
      %rem3A_101 = arith.remui %scan3A_63#3, %rem3A_100 : i32
      %mul3A_102 = arith.constant 2048 : i32
      %mul3A_103 = arith.muli %mul3A_102, %add3A_72 : i32
      %dma_wait3A = arith.constant 0 : i32
      %dma_wait3A_104 = arith.constant 0 : i32
      %dma_wait3A_105 = tpu.memref_slice %run_scoped3A_8[%rem3A_101, %dma_wait3A, %dma_wait3A_104] : memref<2x2048x16xf32, #tpu.memory_space<vmem>> -> memref<1x2048x16xf32, #tpu.memory_space<vmem>>
      %dma_wait3A_106 = tpu.memref_squeeze %dma_wait3A_105 : memref<1x2048x16xf32, #tpu.memory_space<vmem>> -> memref<2048x16xf32, #tpu.memory_space<vmem>>
      %dma_wait3A_107 = arith.constant 0 : i32
      %dma_wait3A_108 = tpu.memref_slice %arg4[%mul3A_103, %dma_wait3A_107] : memref<327680x16xf32, #tpu.memory_space<hbm>> -> memref<2048x16xf32, #tpu.memory_space<hbm>>
      %dma_wait3A_109 = tpu.memref_slice %run_scoped3A_9[%rem3A_101] : memref<2x!tpu.dma_semaphore, #tpu.memory_space<semaphore_mem>> -> memref<1x!tpu.dma_semaphore, #tpu.memory_space<semaphore_mem>>
      %dma_wait3A_110 = tpu.memref_squeeze %dma_wait3A_109 : memref<1x!tpu.dma_semaphore, #tpu.memory_space<semaphore_mem>> -> memref<!tpu.dma_semaphore, #tpu.memory_space<semaphore_mem>>
      %dma_wait3A_111 = arith.constant 0 : i32
      %dma_wait3A_112 = tpu.memref_slice %arg4[%mul3A_103, %dma_wait3A_111] : memref<327680x16xf32, #tpu.memory_space<hbm>> -> memref<2048x16xf32, #tpu.memory_space<hbm>>
      %dma_wait3A_113 = arith.constant 0 : i32
      %dma_wait3A_114 = arith.constant 0 : i32
      %dma_wait3A_115 = tpu.memref_slice %run_scoped3A_8[%rem3A_101, %dma_wait3A_113, %dma_wait3A_114] : memref<2x2048x16xf32, #tpu.memory_space<vmem>> -> memref<1x2048x16xf32, #tpu.memory_space<vmem>>
      %dma_wait3A_116 = tpu.memref_squeeze %dma_wait3A_115 : memref<1x2048x16xf32, #tpu.memory_space<vmem>> -> memref<2048x16xf32, #tpu.memory_space<vmem>>
      tpu.wait_dma2 semaphore(%dma_wait3A_110 : memref<!tpu.dma_semaphore, #tpu.memory_space<semaphore_mem>>) src(%dma_wait3A_116 : memref<2048x16xf32, #tpu.memory_space<vmem>>) dst(%dma_wait3A_112 : memref<2048x16xf32, #tpu.memory_space<hbm>>)
      "tpu.trace_stop"() : () -> ()
      tpu.yield
    }) : () -> ()
    return
  }
}

#map = affine_map<(d0, d1) -> (0, 0)>
#map1 = affine_map<(d0, d1) -> (0)>
module attributes {stable_mosaic.version = 14 : i64} {
  func.func @gather_kernel(%arg0: i32, %arg1: i32, %arg2: memref<1000000x16xf32, #tpu.memory_space<hbm>>, %arg3: memref<327680xi32, #tpu.memory_space<hbm>>, %arg4: memref<327680x16xf32, #tpu.memory_space<hbm>>) attributes {dimension_semantics = [#tpu.dimension_semantics<core_parallel>, #tpu.dimension_semantics<subcore_parallel>], iteration_bounds = array<i64: 2, 16>, scalar_prefetch = 0 : i64, scratch_operands = 0 : i64, tpu.core_type = #tpu.core_type<sc_vector_subcore>, window_params = [{transform_indices = #map}, {transform_indices = #map1}, {transform_indices = #map}]} {
    %mul3A = arith.constant 1 : i32
    %mul3A_0 = arith.muli %arg1, %mul3A : i32
    %add3A = arith.constant 0 : i32
    %add3A_1 = arith.addi %add3A, %mul3A_0 : i32
    %mul3A_2 = arith.constant 16 : i32
    %mul3A_3 = arith.muli %arg0, %mul3A_2 : i32
    %add3A_4 = arith.addi %add3A_1, %mul3A_3 : i32
    %mul3A_5 = arith.constant 5 : i32
    %mul3A_6 = arith.muli %add3A_4, %mul3A_5 : i32
    "tpu.region"() ({
      %run_scoped3A = memref.alloca() : memref<4096xi32, #tpu.memory_space<vmem>>
      %run_scoped3A_7 = tpu.sem_alloc : memref<2x!tpu.dma_semaphore, #tpu.memory_space<semaphore_mem>>
      %run_scoped3A_8 = memref.alloca() : memref<2x2048x16xf32, #tpu.memory_space<vmem>>
      %run_scoped3A_9 = tpu.sem_alloc : memref<2x!tpu.dma_semaphore, #tpu.memory_space<semaphore_mem>>
      %add3A_10 = arith.constant 0 : i32
      %add3A_11 = arith.addi %add3A_10, %mul3A_6 : i32
      %select_n3A = arith.constant true
      %select_n3A_12 = arith.constant 0 : i32
      %select_n3A_13 = arith.constant -1 : i32
      %select_n3A_14 = arith.select %select_n3A, %select_n3A_13, %select_n3A_12 : i32
      %eq3A = arith.constant -1 : i32
      %eq3A_15 = arith.cmpi eq, %select_n3A_14, %eq3A : i32
      %select_n3A_16 = arith.constant 4 : i32
      %select_n3A_17 = arith.select %eq3A_15, %select_n3A_16, %select_n3A_14 : i32
      %add3A_18 = arith.addi %select_n3A_17, %mul3A_6 : i32
      %select_n3A_19 = arith.constant true
      %select_n3A_20 = arith.constant 0 : i32
      %select_n3A_21 = arith.constant 1 : i32
      %select_n3A_22 = arith.select %select_n3A_19, %select_n3A_21, %select_n3A_20 : i32
      %eq3A_23 = arith.constant 5 : i32
      %eq3A_24 = arith.cmpi eq, %select_n3A_22, %eq3A_23 : i32
      %select_n3A_25 = arith.constant 0 : i32
      %select_n3A_26 = arith.select %eq3A_24, %select_n3A_25, %select_n3A_22 : i32
      %add3A_27 = arith.addi %select_n3A_26, %mul3A_6 : i32
      %add3A_28 = arith.constant 1 : i32
      %add3A_29 = arith.addi %select_n3A_26, %add3A_28 : i32
      %select_n3A_30 = arith.constant true
      %select_n3A_31 = arith.select %select_n3A_30, %add3A_29, %select_n3A_26 : i32
      %eq3A_32 = arith.constant 5 : i32
      %eq3A_33 = arith.cmpi eq, %select_n3A_31, %eq3A_32 : i32
      %select_n3A_34 = arith.constant 0 : i32
      %select_n3A_35 = arith.select %eq3A_33, %select_n3A_34, %select_n3A_31 : i32
      %add3A_36 = arith.addi %select_n3A_35, %mul3A_6 : i32
      "tpu.trace_start"() <{level = 10 : i32, message = "ep_initialize_0"}> : () -> ()
      %rem3A = arith.constant 0 : i32
      %rem3A_37 = arith.constant 2 : i32
      %rem3A_38 = arith.remui %rem3A, %rem3A_37 : i32
      %mul3A_39 = arith.constant 2048 : i32
      %mul3A_40 = arith.muli %mul3A_39, %add3A_11 : i32
      %mul3A_41 = arith.constant 2048 : i32
      %mul3A_42 = arith.muli %rem3A_38, %mul3A_41 : i32
      %add3A_43 = arith.constant 0 : i32
      %add3A_44 = arith.addi %mul3A_42, %add3A_43 : i32
      %dma_start3A = tpu.memref_slice %run_scoped3A[%add3A_44] : memref<4096xi32, #tpu.memory_space<vmem>> -> memref<2048xi32, #tpu.memory_space<vmem>>
      %dma_start3A_45 = tpu.memref_slice %arg3[%mul3A_40] : memref<327680xi32, #tpu.memory_space<hbm>> -> memref<2048xi32, #tpu.memory_space<hbm>>
      %dma_start3A_46 = tpu.memref_slice %run_scoped3A_7[%rem3A_38] : memref<2x!tpu.dma_semaphore, #tpu.memory_space<semaphore_mem>> -> memref<1x!tpu.dma_semaphore, #tpu.memory_space<semaphore_mem>>
      %dma_start3A_47 = tpu.memref_squeeze %dma_start3A_46 : memref<1x!tpu.dma_semaphore, #tpu.memory_space<semaphore_mem>> -> memref<!tpu.dma_semaphore, #tpu.memory_space<semaphore_mem>>
      %dma_start3A_48 = tpu.memref_slice %run_scoped3A[%add3A_44] : memref<4096xi32, #tpu.memory_space<vmem>> -> memref<2048xi32, #tpu.memory_space<vmem>>
      %dma_start3A_49 = tpu.memref_slice %arg3[%mul3A_40] : memref<327680xi32, #tpu.memory_space<hbm>> -> memref<2048xi32, #tpu.memory_space<hbm>>
      tpu.enqueue_dma source(%dma_start3A_49 : memref<2048xi32, #tpu.memory_space<hbm>>) target(%dma_start3A_48 : memref<2048xi32, #tpu.memory_space<vmem>>) target_semaphore(%dma_start3A_47 : memref<!tpu.dma_semaphore, #tpu.memory_space<semaphore_mem>>)
      %add3A_50 = arith.constant 0 : i32
      %add3A_51 = arith.constant 1 : i32
      %add3A_52 = arith.addi %add3A_50, %add3A_51 : i32
      %select_n3A_53 = arith.constant true
      %select_n3A_54 = arith.constant 0 : i32
      %select_n3A_55 = arith.select %select_n3A_53, %add3A_52, %select_n3A_54 : i32
      "tpu.trace_stop"() : () -> ()
      %scan3A = arith.constant 0 : i32
      %scan3A_56 = arith.constant 0 : i32
      %scan3A_57 = arith.constant 0 : i32
      %scan3A_58 = arith.constant 0 : i32
      %scan3A_59 = arith.constant 0 : i32
      %scan3A_60 = arith.constant 5 : i32
      %scan3A_61 = arith.addi %scan3A_59, %scan3A_60 : i32
      %scan3A_62 = arith.constant 1 : i32
      %scan3A_63:5 = scf.for %scan3A_117 = %scan3A_59 to %scan3A_61 step %scan3A_62 iter_args(%scan3A_118 = %select_n3A_55, %scan3A_119 = %scan3A, %scan3A_120 = %scan3A_56, %scan3A_121 = %scan3A_57, %scan3A_122 = %scan3A_58) -> (i32, i32, i32, i32, i32)  : i32 {
        %eq3A_123 = arith.constant 0 : i32
        %eq3A_124 = arith.cmpi eq, %scan3A_117, %eq3A_123 : i32
        %eq3A_125 = arith.constant 4 : i32
        %eq3A_126 = arith.cmpi eq, %scan3A_117, %eq3A_125 : i32
        %add3A_127 = arith.addi %scan3A_122, %mul3A_6 : i32
        %sub3A_128 = arith.constant 1 : i32
        %sub3A_129 = arith.subi %scan3A_122, %sub3A_128 : i32
        %select_n3A_130 = arith.constant true
        %select_n3A_131 = arith.select %select_n3A_130, %sub3A_129, %scan3A_122 : i32
        %eq3A_132 = arith.constant -1 : i32
        %eq3A_133 = arith.cmpi eq, %select_n3A_131, %eq3A_132 : i32
        %select_n3A_134 = arith.constant 4 : i32
        %select_n3A_135 = arith.select %eq3A_133, %select_n3A_134, %select_n3A_131 : i32
        %add3A_136 = arith.addi %select_n3A_135, %mul3A_6 : i32
        %add3A_137 = arith.constant 1 : i32
        %add3A_138 = arith.addi %scan3A_122, %add3A_137 : i32
        %select_n3A_139 = arith.constant true
        %select_n3A_140 = arith.select %select_n3A_139, %add3A_138, %scan3A_122 : i32
        %eq3A_141 = arith.constant 5 : i32
        %eq3A_142 = arith.cmpi eq, %select_n3A_140, %eq3A_141 : i32
        %select_n3A_143 = arith.constant 0 : i32
        %select_n3A_144 = arith.select %eq3A_142, %select_n3A_143, %select_n3A_140 : i32
        %add3A_145 = arith.addi %select_n3A_144, %mul3A_6 : i32
        %add3A_146 = arith.constant 1 : i32
        %add3A_147 = arith.addi %select_n3A_144, %add3A_146 : i32
        %select_n3A_148 = arith.constant true
        %select_n3A_149 = arith.select %select_n3A_148, %add3A_147, %select_n3A_144 : i32
        %eq3A_150 = arith.constant 5 : i32
        %eq3A_151 = arith.cmpi eq, %select_n3A_149, %eq3A_150 : i32
        %select_n3A_152 = arith.constant 0 : i32
        %select_n3A_153 = arith.select %eq3A_151, %select_n3A_152, %select_n3A_149 : i32
        %add3A_154 = arith.addi %select_n3A_153, %mul3A_6 : i32
        %ne3A = arith.cmpi ne, %add3A_127, %add3A_145 : i32
        %or3A = arith.constant false
        %or3A_155 = arith.ori %or3A, %ne3A : i1
        %ge3A = arith.constant 4 : i32
        %ge3A_156 = arith.cmpi sge, %scan3A_117, %ge3A : i32
        %not3A = arith.constant true
        %not3A_157 = arith.xori %ge3A_156, %not3A : i1
        %and3A = arith.andi %or3A_155, %not3A_157 : i1
        %convert_element_type3A = arith.extui %and3A : i1 to i32
        %cond3A = arith.constant 0 : i32
        %cond3A_158 = arith.cmpi ne, %convert_element_type3A, %cond3A : i32
        scf.if %cond3A_158 {
          "tpu.trace_start"() <{level = 10 : i32, message = "ep_copy_in"}> : () -> ()
          %rem3A_261 = arith.constant 2 : i32
          %rem3A_262 = arith.remui %scan3A_118, %rem3A_261 : i32
          %mul3A_263 = arith.constant 2048 : i32
          %mul3A_264 = arith.muli %mul3A_263, %add3A_145 : i32
          %mul3A_265 = arith.constant 2048 : i32
          %mul3A_266 = arith.muli %rem3A_262, %mul3A_265 : i32
          %add3A_267 = arith.constant 0 : i32
          %add3A_268 = arith.addi %mul3A_266, %add3A_267 : i32
          %dma_start3A_269 = tpu.memref_slice %run_scoped3A[%add3A_268] : memref<4096xi32, #tpu.memory_space<vmem>> -> memref<2048xi32, #tpu.memory_space<vmem>>
          %dma_start3A_270 = tpu.memref_slice %arg3[%mul3A_264] : memref<327680xi32, #tpu.memory_space<hbm>> -> memref<2048xi32, #tpu.memory_space<hbm>>
          %dma_start3A_271 = tpu.memref_slice %run_scoped3A_7[%rem3A_262] : memref<2x!tpu.dma_semaphore, #tpu.memory_space<semaphore_mem>> -> memref<1x!tpu.dma_semaphore, #tpu.memory_space<semaphore_mem>>
          %dma_start3A_272 = tpu.memref_squeeze %dma_start3A_271 : memref<1x!tpu.dma_semaphore, #tpu.memory_space<semaphore_mem>> -> memref<!tpu.dma_semaphore, #tpu.memory_space<semaphore_mem>>
          %dma_start3A_273 = tpu.memref_slice %run_scoped3A[%add3A_268] : memref<4096xi32, #tpu.memory_space<vmem>> -> memref<2048xi32, #tpu.memory_space<vmem>>
          %dma_start3A_274 = tpu.memref_slice %arg3[%mul3A_264] : memref<327680xi32, #tpu.memory_space<hbm>> -> memref<2048xi32, #tpu.memory_space<hbm>>
          tpu.enqueue_dma source(%dma_start3A_274 : memref<2048xi32, #tpu.memory_space<hbm>>) target(%dma_start3A_273 : memref<2048xi32, #tpu.memory_space<vmem>>) target_semaphore(%dma_start3A_272 : memref<!tpu.dma_semaphore, #tpu.memory_space<semaphore_mem>>)
          "tpu.trace_stop"() : () -> ()
        } else {
        }
        %and3A_159 = arith.constant true
        %and3A_160 = arith.andi %and3A, %and3A_159 : i1
        %add3A_161 = arith.constant 1 : i32
        %add3A_162 = arith.addi %scan3A_118, %add3A_161 : i32
        %select_n3A_163 = arith.select %and3A_160, %add3A_162, %scan3A_118 : i32
        %ne3A_164 = arith.cmpi ne, %add3A_127, %add3A_145 : i32
        %or3A_165 = arith.constant false
        %or3A_166 = arith.ori %or3A_165, %ne3A_164 : i1
        %or3A_167 = arith.constant false
        %or3A_168 = arith.ori %or3A_166, %or3A_167 : i1
        %ge3A_169 = arith.constant 4 : i32
        %ge3A_170 = arith.cmpi sge, %scan3A_117, %ge3A_169 : i32
        %not3A_171 = arith.constant true
        %not3A_172 = arith.xori %ge3A_170, %not3A_171 : i1
        %and3A_173 = arith.andi %or3A_168, %not3A_172 : i1
        %ne3A_174 = arith.cmpi ne, %add3A_127, %add3A_136 : i32
        %or3A_175 = arith.constant false
        %or3A_176 = arith.ori %or3A_175, %ne3A_174 : i1
        %or3A_177 = arith.ori %or3A_176, %eq3A_124 : i1
        %convert_element_type3A_178 = arith.extui %or3A_177 : i1 to i32
        %cond3A_179 = arith.constant 0 : i32
        %cond3A_180 = arith.cmpi ne, %convert_element_type3A_178, %cond3A_179 : i32
        scf.if %cond3A_180 {
          "tpu.trace_start"() <{level = 10 : i32, message = "ep_wait_in"}> : () -> ()
          %mul3A_261 = arith.constant 2048 : i32
          %mul3A_262 = arith.muli %mul3A_261, %add3A_127 : i32
          %rem3A_263 = arith.constant 2 : i32
          %rem3A_264 = arith.remui %scan3A_119, %rem3A_263 : i32
          %mul3A_265 = arith.constant 2048 : i32
          %mul3A_266 = arith.muli %rem3A_264, %mul3A_265 : i32
          %add3A_267 = arith.constant 0 : i32
          %add3A_268 = arith.addi %mul3A_266, %add3A_267 : i32
          %dma_wait3A_269 = tpu.memref_slice %run_scoped3A[%add3A_268] : memref<4096xi32, #tpu.memory_space<vmem>> -> memref<2048xi32, #tpu.memory_space<vmem>>
          %dma_wait3A_270 = tpu.memref_slice %arg3[%mul3A_262] : memref<327680xi32, #tpu.memory_space<hbm>> -> memref<2048xi32, #tpu.memory_space<hbm>>
          %dma_wait3A_271 = tpu.memref_slice %run_scoped3A_7[%rem3A_264] : memref<2x!tpu.dma_semaphore, #tpu.memory_space<semaphore_mem>> -> memref<1x!tpu.dma_semaphore, #tpu.memory_space<semaphore_mem>>
          %dma_wait3A_272 = tpu.memref_squeeze %dma_wait3A_271 : memref<1x!tpu.dma_semaphore, #tpu.memory_space<semaphore_mem>> -> memref<!tpu.dma_semaphore, #tpu.memory_space<semaphore_mem>>
          %dma_wait3A_273 = tpu.memref_slice %run_scoped3A[%add3A_268] : memref<4096xi32, #tpu.memory_space<vmem>> -> memref<2048xi32, #tpu.memory_space<vmem>>
          %dma_wait3A_274 = tpu.memref_slice %arg3[%mul3A_262] : memref<327680xi32, #tpu.memory_space<hbm>> -> memref<2048xi32, #tpu.memory_space<hbm>>
          tpu.wait_dma2 semaphore(%dma_wait3A_272 : memref<!tpu.dma_semaphore, #tpu.memory_space<semaphore_mem>>) src(%dma_wait3A_274 : memref<2048xi32, #tpu.memory_space<hbm>>) dst(%dma_wait3A_273 : memref<2048xi32, #tpu.memory_space<vmem>>)
          "tpu.trace_stop"() : () -> ()
        } else {
        }
        %ne3A_181 = arith.cmpi ne, %add3A_127, %add3A_136 : i32
        %or3A_182 = arith.constant false
        %or3A_183 = arith.ori %or3A_182, %ne3A_181 : i1
        %or3A_184 = arith.constant false
        %or3A_185 = arith.ori %or3A_183, %or3A_184 : i1
        %or3A_186 = arith.ori %or3A_185, %eq3A_124 : i1
        %convert_element_type3A_187 = arith.extui %or3A_186 : i1 to i32
        %cond3A_188 = arith.constant 0 : i32
        %cond3A_189 = arith.cmpi ne, %convert_element_type3A_187, %cond3A_188 : i32
        scf.if %cond3A_189 {
        } else {
        }
        %rem3A_190 = arith.constant 2 : i32
        %rem3A_191 = arith.remui %scan3A_119, %rem3A_190 : i32
        %mul3A_192 = arith.constant 2048 : i32
        %mul3A_193 = arith.muli %rem3A_191, %mul3A_192 : i32
        %rem3A_194 = arith.constant 2 : i32
        %rem3A_195 = arith.remui %scan3A_120, %rem3A_194 : i32
        "tpu.trace_start"() <{level = 10 : i32, message = "ep_run_kernel"}> : () -> ()
        "tpu.region"() ({
          %run_scoped3A_261 = tpu.sem_alloc : memref<!tpu.dma_semaphore, #tpu.memory_space<semaphore_mem>>
          %dma_start3A_262 = arith.constant 0 : i32
          %dma_start3A_263 = arith.constant 0 : i32
          %dma_start3A_264 = tpu.memref_slice %run_scoped3A_8[%rem3A_195, %dma_start3A_262, %dma_start3A_263] : memref<2x2048x16xf32, #tpu.memory_space<vmem>> -> memref<1x2048x16xf32, #tpu.memory_space<vmem>>
          %dma_start3A_265 = tpu.memref_squeeze %dma_start3A_264 : memref<1x2048x16xf32, #tpu.memory_space<vmem>> -> memref<2048x16xf32, #tpu.memory_space<vmem>>
          %dma_start3A_266 = tpu.memref_slice %run_scoped3A[%mul3A_193] : memref<4096xi32, #tpu.memory_space<vmem>> -> memref<2048xi32, #tpu.memory_space<vmem>>
          %dma_start3A_267 = arith.constant 0 : i32
          %dma_start3A_268 = arith.constant 0 : i32
          %dma_start3A_269 = tpu.memref_slice %arg2[%dma_start3A_267, %dma_start3A_268] : memref<1000000x16xf32, #tpu.memory_space<hbm>> -> memref<1000000x16xf32, #tpu.memory_space<hbm>>
          tpu.enqueue_indirect_dma source(%dma_start3A_269 : memref<1000000x16xf32, #tpu.memory_space<hbm>>) target(%dma_start3A_265 : memref<2048x16xf32, #tpu.memory_space<vmem>>) offsets(%dma_start3A_266 : memref<2048xi32, #tpu.memory_space<vmem>>) semaphore(%run_scoped3A_261 : memref<!tpu.dma_semaphore, #tpu.memory_space<semaphore_mem>>)
          %dma_wait3A_270 = arith.constant 0 : i32
          %dma_wait3A_271 = arith.constant 0 : i32
          %dma_wait3A_272 = tpu.memref_slice %run_scoped3A_8[%rem3A_195, %dma_wait3A_270, %dma_wait3A_271] : memref<2x2048x16xf32, #tpu.memory_space<vmem>> -> memref<1x2048x16xf32, #tpu.memory_space<vmem>>
          %dma_wait3A_273 = tpu.memref_squeeze %dma_wait3A_272 : memref<1x2048x16xf32, #tpu.memory_space<vmem>> -> memref<2048x16xf32, #tpu.memory_space<vmem>>
          %dma_wait3A_274 = tpu.memref_slice %run_scoped3A[%mul3A_193] : memref<4096xi32, #tpu.memory_space<vmem>> -> memref<2048xi32, #tpu.memory_space<vmem>>
          %dma_wait3A_275 = arith.constant 0 : i32
          %dma_wait3A_276 = arith.constant 0 : i32
          %dma_wait3A_277 = tpu.memref_slice %arg2[%dma_wait3A_275, %dma_wait3A_276] : memref<1000000x16xf32, #tpu.memory_space<hbm>> -> memref<1000000x16xf32, #tpu.memory_space<hbm>>
          tpu.wait_indirect_dma semaphore(%run_scoped3A_261 : memref<!tpu.dma_semaphore, #tpu.memory_space<semaphore_mem>>) src(%dma_wait3A_277 : memref<1000000x16xf32, #tpu.memory_space<hbm>>) dst(%dma_wait3A_273 : memref<2048x16xf32, #tpu.memory_space<vmem>>)
          tpu.yield
        }) : () -> ()
        "tpu.trace_stop"() : () -> ()
        %ne3A_196 = arith.cmpi ne, %add3A_127, %add3A_145 : i32
        %or3A_197 = arith.constant false
        %or3A_198 = arith.ori %or3A_197, %ne3A_196 : i1
        %or3A_199 = arith.ori %or3A_198, %eq3A_126 : i1
        %convert_element_type3A_200 = arith.extui %or3A_199 : i1 to i32
        %cond3A_201 = arith.constant 0 : i32
        %cond3A_202 = arith.cmpi ne, %convert_element_type3A_200, %cond3A_201 : i32
        scf.if %cond3A_202 {
        } else {
        }
        %and3A_203 = arith.constant false
        %and3A_204 = arith.andi %or3A_199, %and3A_203 : i1
        %ne3A_205 = arith.cmpi ne, %add3A_127, %add3A_145 : i32
        %or3A_206 = arith.constant false
        %or3A_207 = arith.ori %or3A_206, %ne3A_205 : i1
        %or3A_208 = arith.constant false
        %or3A_209 = arith.ori %or3A_207, %or3A_208 : i1
        %or3A_210 = arith.ori %or3A_209, %eq3A_126 : i1
        %convert_element_type3A_211 = arith.extui %or3A_210 : i1 to i32
        %cond3A_212 = arith.constant 0 : i32
        %cond3A_213 = arith.cmpi ne, %convert_element_type3A_211, %cond3A_212 : i32
        scf.if %cond3A_213 {
          "tpu.trace_start"() <{level = 10 : i32, message = "ep_copy_out"}> : () -> ()
          %rem3A_261 = arith.constant 2 : i32
          %rem3A_262 = arith.remui %scan3A_120, %rem3A_261 : i32
          %mul3A_263 = arith.constant 2048 : i32
          %mul3A_264 = arith.muli %mul3A_263, %add3A_127 : i32
          %dma_start3A_265 = arith.constant 0 : i32
          %dma_start3A_266 = arith.constant 0 : i32
          %dma_start3A_267 = tpu.memref_slice %run_scoped3A_8[%rem3A_262, %dma_start3A_265, %dma_start3A_266] : memref<2x2048x16xf32, #tpu.memory_space<vmem>> -> memref<1x2048x16xf32, #tpu.memory_space<vmem>>
          %dma_start3A_268 = tpu.memref_squeeze %dma_start3A_267 : memref<1x2048x16xf32, #tpu.memory_space<vmem>> -> memref<2048x16xf32, #tpu.memory_space<vmem>>
          %dma_start3A_269 = arith.constant 0 : i32
          %dma_start3A_270 = tpu.memref_slice %arg4[%mul3A_264, %dma_start3A_269] : memref<327680x16xf32, #tpu.memory_space<hbm>> -> memref<2048x16xf32, #tpu.memory_space<hbm>>
          %dma_start3A_271 = tpu.memref_slice %run_scoped3A_9[%rem3A_262] : memref<2x!tpu.dma_semaphore, #tpu.memory_space<semaphore_mem>> -> memref<1x!tpu.dma_semaphore, #tpu.memory_space<semaphore_mem>>
          %dma_start3A_272 = tpu.memref_squeeze %dma_start3A_271 : memref<1x!tpu.dma_semaphore, #tpu.memory_space<semaphore_mem>> -> memref<!tpu.dma_semaphore, #tpu.memory_space<semaphore_mem>>
          %dma_start3A_273 = arith.constant 0 : i32
          %dma_start3A_274 = tpu.memref_slice %arg4[%mul3A_264, %dma_start3A_273] : memref<327680x16xf32, #tpu.memory_space<hbm>> -> memref<2048x16xf32, #tpu.memory_space<hbm>>
          %dma_start3A_275 = arith.constant 0 : i32
          %dma_start3A_276 = arith.constant 0 : i32
          %dma_start3A_277 = tpu.memref_slice %run_scoped3A_8[%rem3A_262, %dma_start3A_275, %dma_start3A_276] : memref<2x2048x16xf32, #tpu.memory_space<vmem>> -> memref<1x2048x16xf32, #tpu.memory_space<vmem>>
          %dma_start3A_278 = tpu.memref_squeeze %dma_start3A_277 : memref<1x2048x16xf32, #tpu.memory_space<vmem>> -> memref<2048x16xf32, #tpu.memory_space<vmem>>
          tpu.enqueue_dma source(%dma_start3A_278 : memref<2048x16xf32, #tpu.memory_space<vmem>>) target(%dma_start3A_274 : memref<2048x16xf32, #tpu.memory_space<hbm>>) target_semaphore(%dma_start3A_272 : memref<!tpu.dma_semaphore, #tpu.memory_space<semaphore_mem>>)
          "tpu.trace_stop"() : () -> ()
        } else {
        }
        %and3A_214 = arith.constant true
        %and3A_215 = arith.andi %or3A_210, %and3A_214 : i1
        %add3A_216 = arith.constant 1 : i32
        %add3A_217 = arith.addi %scan3A_120, %add3A_216 : i32
        %select_n3A_218 = arith.select %and3A_215, %add3A_217, %scan3A_120 : i32
        %ne3A_219 = arith.cmpi ne, %add3A_127, %add3A_136 : i32
        %or3A_220 = arith.constant false
        %or3A_221 = arith.ori %or3A_220, %ne3A_219 : i1
        %not3A_222 = arith.constant true
        %not3A_223 = arith.xori %eq3A_124, %not3A_222 : i1
        %and3A_224 = arith.andi %or3A_221, %not3A_223 : i1
        %convert_element_type3A_225 = arith.extui %and3A_224 : i1 to i32
        %cond3A_226 = arith.constant 0 : i32
        %cond3A_227 = arith.cmpi ne, %convert_element_type3A_225, %cond3A_226 : i32
        scf.if %cond3A_227 {
        } else {
        }
        %and3A_228 = arith.constant false
        %and3A_229 = arith.andi %and3A_224, %and3A_228 : i1
        %ne3A_230 = arith.cmpi ne, %add3A_127, %add3A_136 : i32
        %or3A_231 = arith.constant false
        %or3A_232 = arith.ori %or3A_231, %ne3A_230 : i1
        %or3A_233 = arith.constant false
        %or3A_234 = arith.ori %or3A_232, %or3A_233 : i1
        %not3A_235 = arith.constant true
        %not3A_236 = arith.xori %eq3A_124, %not3A_235 : i1
        %and3A_237 = arith.andi %or3A_234, %not3A_236 : i1
        %convert_element_type3A_238 = arith.extui %and3A_237 : i1 to i32
        %cond3A_239 = arith.constant 0 : i32
        %cond3A_240 = arith.cmpi ne, %convert_element_type3A_238, %cond3A_239 : i32
        scf.if %cond3A_240 {
          "tpu.trace_start"() <{level = 10 : i32, message = "ep_wait_out"}> : () -> ()
          %rem3A_261 = arith.constant 2 : i32
          %rem3A_262 = arith.remui %scan3A_121, %rem3A_261 : i32
          %mul3A_263 = arith.constant 2048 : i32
          %mul3A_264 = arith.muli %mul3A_263, %add3A_136 : i32
          %dma_wait3A_265 = arith.constant 0 : i32
          %dma_wait3A_266 = arith.constant 0 : i32
          %dma_wait3A_267 = tpu.memref_slice %run_scoped3A_8[%rem3A_262, %dma_wait3A_265, %dma_wait3A_266] : memref<2x2048x16xf32, #tpu.memory_space<vmem>> -> memref<1x2048x16xf32, #tpu.memory_space<vmem>>
          %dma_wait3A_268 = tpu.memref_squeeze %dma_wait3A_267 : memref<1x2048x16xf32, #tpu.memory_space<vmem>> -> memref<2048x16xf32, #tpu.memory_space<vmem>>
          %dma_wait3A_269 = arith.constant 0 : i32
          %dma_wait3A_270 = tpu.memref_slice %arg4[%mul3A_264, %dma_wait3A_269] : memref<327680x16xf32, #tpu.memory_space<hbm>> -> memref<2048x16xf32, #tpu.memory_space<hbm>>
          %dma_wait3A_271 = tpu.memref_slice %run_scoped3A_9[%rem3A_262] : memref<2x!tpu.dma_semaphore, #tpu.memory_space<semaphore_mem>> -> memref<1x!tpu.dma_semaphore, #tpu.memory_space<semaphore_mem>>
          %dma_wait3A_272 = tpu.memref_squeeze %dma_wait3A_271 : memref<1x!tpu.dma_semaphore, #tpu.memory_space<semaphore_mem>> -> memref<!tpu.dma_semaphore, #tpu.memory_space<semaphore_mem>>
          %dma_wait3A_273 = arith.constant 0 : i32
          %dma_wait3A_274 = tpu.memref_slice %arg4[%mul3A_264, %dma_wait3A_273] : memref<327680x16xf32, #tpu.memory_space<hbm>> -> memref<2048x16xf32, #tpu.memory_space<hbm>>
          %dma_wait3A_275 = arith.constant 0 : i32
          %dma_wait3A_276 = arith.constant 0 : i32
          %dma_wait3A_277 = tpu.memref_slice %run_scoped3A_8[%rem3A_262, %dma_wait3A_275, %dma_wait3A_276] : memref<2x2048x16xf32, #tpu.memory_space<vmem>> -> memref<1x2048x16xf32, #tpu.memory_space<vmem>>
          %dma_wait3A_278 = tpu.memref_squeeze %dma_wait3A_277 : memref<1x2048x16xf32, #tpu.memory_space<vmem>> -> memref<2048x16xf32, #tpu.memory_space<vmem>>
          tpu.wait_dma2 semaphore(%dma_wait3A_272 : memref<!tpu.dma_semaphore, #tpu.memory_space<semaphore_mem>>) src(%dma_wait3A_278 : memref<2048x16xf32, #tpu.memory_space<vmem>>) dst(%dma_wait3A_274 : memref<2048x16xf32, #tpu.memory_space<hbm>>)
          "tpu.trace_stop"() : () -> ()
        } else {
        }
        %and3A_241 = arith.constant true
        %and3A_242 = arith.andi %and3A_237, %and3A_241 : i1
        %add3A_243 = arith.constant 1 : i32
        %add3A_244 = arith.addi %scan3A_121, %add3A_243 : i32
        %select_n3A_245 = arith.select %and3A_242, %add3A_244, %scan3A_121 : i32
        %ne3A_246 = arith.cmpi ne, %add3A_127, %add3A_145 : i32
        %or3A_247 = arith.constant false
        %or3A_248 = arith.ori %or3A_247, %ne3A_246 : i1
        %or3A_249 = arith.ori %or3A_248, %eq3A_126 : i1
        %add3A_250 = arith.constant 1 : i32
        %add3A_251 = arith.addi %scan3A_119, %add3A_250 : i32
        %select_n3A_252 = arith.select %or3A_249, %add3A_251, %scan3A_119 : i32
        %add3A_253 = arith.constant 1 : i32
        %add3A_254 = arith.addi %scan3A_122, %add3A_253 : i32
        %select_n3A_255 = arith.constant true
        %select_n3A_256 = arith.select %select_n3A_255, %add3A_254, %scan3A_122 : i32
        %eq3A_257 = arith.constant 5 : i32
        %eq3A_258 = arith.cmpi eq, %select_n3A_256, %eq3A_257 : i32
        %select_n3A_259 = arith.constant 0 : i32
        %select_n3A_260 = arith.select %eq3A_258, %select_n3A_259, %select_n3A_256 : i32
        scf.yield %select_n3A_163, %select_n3A_252, %select_n3A_218, %select_n3A_245, %select_n3A_260 : i32, i32, i32, i32, i32
      }
      %scan3A_64 = arith.constant 5 : i32
      %sub3A = arith.constant 1 : i32
      %sub3A_65 = arith.subi %scan3A_63#4, %sub3A : i32
      %select_n3A_66 = arith.constant true
      %select_n3A_67 = arith.select %select_n3A_66, %sub3A_65, %scan3A_63#4 : i32
      %eq3A_68 = arith.constant -1 : i32
      %eq3A_69 = arith.cmpi eq, %select_n3A_67, %eq3A_68 : i32
      %select_n3A_70 = arith.constant 4 : i32
      %select_n3A_71 = arith.select %eq3A_69, %select_n3A_70, %select_n3A_67 : i32
      %add3A_72 = arith.addi %select_n3A_71, %mul3A_6 : i32
      %sub3A_73 = arith.constant 1 : i32
      %sub3A_74 = arith.subi %select_n3A_71, %sub3A_73 : i32
      %select_n3A_75 = arith.constant true
      %select_n3A_76 = arith.select %select_n3A_75, %sub3A_74, %select_n3A_71 : i32
      %eq3A_77 = arith.constant -1 : i32
      %eq3A_78 = arith.cmpi eq, %select_n3A_76, %eq3A_77 : i32
      %select_n3A_79 = arith.constant 4 : i32
      %select_n3A_80 = arith.select %eq3A_78, %select_n3A_79, %select_n3A_76 : i32
      %add3A_81 = arith.addi %select_n3A_80, %mul3A_6 : i32
      %add3A_82 = arith.constant 1 : i32
      %add3A_83 = arith.addi %select_n3A_71, %add3A_82 : i32
      %select_n3A_84 = arith.constant true
      %select_n3A_85 = arith.select %select_n3A_84, %add3A_83, %select_n3A_71 : i32
      %eq3A_86 = arith.constant 5 : i32
      %eq3A_87 = arith.cmpi eq, %select_n3A_85, %eq3A_86 : i32
      %select_n3A_88 = arith.constant 0 : i32
      %select_n3A_89 = arith.select %eq3A_87, %select_n3A_88, %select_n3A_85 : i32
      %add3A_90 = arith.addi %select_n3A_89, %mul3A_6 : i32
      %add3A_91 = arith.constant 1 : i32
      %add3A_92 = arith.addi %select_n3A_89, %add3A_91 : i32
      %select_n3A_93 = arith.constant true
      %select_n3A_94 = arith.select %select_n3A_93, %add3A_92, %select_n3A_89 : i32
      %eq3A_95 = arith.constant 5 : i32
      %eq3A_96 = arith.cmpi eq, %select_n3A_94, %eq3A_95 : i32
      %select_n3A_97 = arith.constant 0 : i32
      %select_n3A_98 = arith.select %eq3A_96, %select_n3A_97, %select_n3A_94 : i32
      %add3A_99 = arith.addi %select_n3A_98, %mul3A_6 : i32
      "tpu.trace_start"() <{level = 10 : i32, message = "ep_finalize"}> : () -> ()
      %rem3A_100 = arith.constant 2 : i32
      %rem3A_101 = arith.remui %scan3A_63#3, %rem3A_100 : i32
      %mul3A_102 = arith.constant 2048 : i32
      %mul3A_103 = arith.muli %mul3A_102, %add3A_72 : i32
      %dma_wait3A = arith.constant 0 : i32
      %dma_wait3A_104 = arith.constant 0 : i32
      %dma_wait3A_105 = tpu.memref_slice %run_scoped3A_8[%rem3A_101, %dma_wait3A, %dma_wait3A_104] : memref<2x2048x16xf32, #tpu.memory_space<vmem>> -> memref<1x2048x16xf32, #tpu.memory_space<vmem>>
      %dma_wait3A_106 = tpu.memref_squeeze %dma_wait3A_105 : memref<1x2048x16xf32, #tpu.memory_space<vmem>> -> memref<2048x16xf32, #tpu.memory_space<vmem>>
      %dma_wait3A_107 = arith.constant 0 : i32
      %dma_wait3A_108 = tpu.memref_slice %arg4[%mul3A_103, %dma_wait3A_107] : memref<327680x16xf32, #tpu.memory_space<hbm>> -> memref<2048x16xf32, #tpu.memory_space<hbm>>
      %dma_wait3A_109 = tpu.memref_slice %run_scoped3A_9[%rem3A_101] : memref<2x!tpu.dma_semaphore, #tpu.memory_space<semaphore_mem>> -> memref<1x!tpu.dma_semaphore, #tpu.memory_space<semaphore_mem>>
      %dma_wait3A_110 = tpu.memref_squeeze %dma_wait3A_109 : memref<1x!tpu.dma_semaphore, #tpu.memory_space<semaphore_mem>> -> memref<!tpu.dma_semaphore, #tpu.memory_space<semaphore_mem>>
      %dma_wait3A_111 = arith.constant 0 : i32
      %dma_wait3A_112 = tpu.memref_slice %arg4[%mul3A_103, %dma_wait3A_111] : memref<327680x16xf32, #tpu.memory_space<hbm>> -> memref<2048x16xf32, #tpu.memory_space<hbm>>
      %dma_wait3A_113 = arith.constant 0 : i32
      %dma_wait3A_114 = arith.constant 0 : i32
      %dma_wait3A_115 = tpu.memref_slice %run_scoped3A_8[%rem3A_101, %dma_wait3A_113, %dma_wait3A_114] : memref<2x2048x16xf32, #tpu.memory_space<vmem>> -> memref<1x2048x16xf32, #tpu.memory_space<vmem>>
      %dma_wait3A_116 = tpu.memref_squeeze %dma_wait3A_115 : memref<1x2048x16xf32, #tpu.memory_space<vmem>> -> memref<2048x16xf32, #tpu.memory_space<vmem>>
      tpu.wait_dma2 semaphore(%dma_wait3A_110 : memref<!tpu.dma_semaphore, #tpu.memory_space<semaphore_mem>>) src(%dma_wait3A_116 : memref<2048x16xf32, #tpu.memory_space<vmem>>) dst(%dma_wait3A_112 : memref<2048x16xf32, #tpu.memory_space<hbm>>)
      "tpu.trace_stop"() : () -> ()
      tpu.yield
    }) : () -> ()
    return
  }
}

module attributes {stable_mosaic.version = 14 : i64} {
  func.func @_mlp_body(%arg0: i32, %arg1: memref<5120x128xf32, #tpu.memory_space<vmem>>, %arg2: memref<512x1664xbf16, #tpu.memory_space<vmem>>, %arg3: memref<1x1664xf32, #tpu.memory_space<vmem>>, %arg4: memref<1664x16xbf16, #tpu.memory_space<vmem>>, %arg5: memref<1280x16xf32, #tpu.memory_space<vmem>>, %arg6: memref<1280x16xf32, #tpu.memory_space<vmem>>) attributes {dimension_semantics = [#tpu.dimension_semantics<arbitrary>], iteration_bounds = array<i64: 8>, scalar_prefetch = 0 : i64, scratch_operands = 0 : i64, tpu.core_type = #tpu.core_type<tc>, window_params = [{transform_indices = @transform_0, window_bounds = array<i64: 5120, 128>}, {pipeline_mode = #tpu.pipeline_mode<synchronous>, transform_indices = @transform_1, window_bounds = array<i64: 512, 1664>}, {pipeline_mode = #tpu.pipeline_mode<synchronous>, transform_indices = @transform_2, window_bounds = array<i64: 1, 1664>}, {pipeline_mode = #tpu.pipeline_mode<synchronous>, transform_indices = @transform_3, window_bounds = array<i64: 1664, 16>}, {pipeline_mode = #tpu.pipeline_mode<synchronous>, transform_indices = @transform_4, window_bounds = array<i64: 1280, 16>}, {transform_indices = @transform_5, window_bounds = array<i64: 1280, 16>}]} {
    %get3A = arith.constant 0 : index
    %get3A_0 = arith.constant 0 : index
    %get3A_1 = vector.load %arg1[%get3A, %get3A_0] : memref<5120x128xf32, #tpu.memory_space<vmem>>, vector<5120x128xf32>
    %reshape3A = vector.shape_cast %get3A_1 : vector<5120x128xf32> to vector<1280x512xf32>
    %convert_element_type3A = arith.truncf %reshape3A : vector<1280x512xf32> to vector<1280x512xbf16>
    %get3A_2 = arith.constant 0 : index
    %get3A_3 = arith.constant 0 : index
    %get3A_4 = vector.load %arg2[%get3A_2, %get3A_3] : memref<512x1664xbf16, #tpu.memory_space<vmem>>, vector<512x1664xbf16>
    %dot_general3A = arith.constant dense<0.000000e+00> : vector<1280x1664xf32>
    %dot_general3A_5 = tpu.matmul %convert_element_type3A, %get3A_4, %dot_general3A {dimension_numbers = #tpu.dot_dimension_numbers<[1], [0], [0], [1], [0, 0, 1, 1], [], []>, transpose_lhs_hint = false} : vector<1280x512xbf16>, vector<512x1664xbf16>, vector<1280x1664xf32> -> vector<1280x1664xf32>
    %get3A_6 = arith.constant 0 : index
    %get3A_7 = arith.constant 0 : index
    %get3A_8 = vector.load %arg3[%get3A_6, %get3A_7] : memref<1x1664xf32, #tpu.memory_space<vmem>>, vector<1x1664xf32>
    %add3A = vector.broadcast %get3A_8 : vector<1x1664xf32> to vector<1280x1664xf32>
    %add3A_9 = arith.addf %dot_general3A_5, %add3A : vector<1280x1664xf32>
    %min3A = arith.constant 2.000000e+01 : f32
    %min3A_10 = vector.broadcast %min3A : f32 to vector<1280x1664xf32>
    %min3A_11 = arith.minimumf %add3A_9, %min3A_10 : vector<1280x1664xf32>
    %convert_element_type3A_12 = arith.truncf %min3A_11 : vector<1280x1664xf32> to vector<1280x1664xbf16>
    %exp3A = math.exp %convert_element_type3A_12 : vector<1280x1664xbf16>
    %add3A_13 = arith.constant 2.000000e+00 : bf16
    %add3A_14 = vector.broadcast %add3A_13 : bf16 to vector<1280x1664xbf16>
    %add3A_15 = arith.addf %exp3A, %add3A_14 : vector<1280x1664xbf16>
    %mul3A = arith.mulf %exp3A, %add3A_15 : vector<1280x1664xbf16>
    %add3A_16 = arith.constant 2.000000e+00 : bf16
    %add3A_17 = vector.broadcast %add3A_16 : bf16 to vector<1280x1664xbf16>
    %add3A_18 = arith.addf %mul3A, %add3A_17 : vector<1280x1664xbf16>
    %div3A = arith.divf %mul3A, %add3A_18 : vector<1280x1664xbf16>
    %convert_element_type3A_19 = arith.extf %div3A : vector<1280x1664xbf16> to vector<1280x1664xf32>
    %mul3A_20 = arith.mulf %add3A_9, %convert_element_type3A_19 : vector<1280x1664xf32>
    %convert_element_type3A_21 = arith.truncf %mul3A_20 : vector<1280x1664xf32> to vector<1280x1664xbf16>
    %get3A_22 = arith.constant 0 : index
    %get3A_23 = arith.constant 0 : index
    %get3A_24 = vector.load %arg4[%get3A_22, %get3A_23] : memref<1664x16xbf16, #tpu.memory_space<vmem>>, vector<1664x16xbf16>
    %dot_general3A_25 = arith.constant dense<0.000000e+00> : vector<1280x16xf32>
    %dot_general3A_26 = tpu.matmul %convert_element_type3A_21, %get3A_24, %dot_general3A_25 {dimension_numbers = #tpu.dot_dimension_numbers<[1], [0], [0], [1], [0, 0, 1, 1], [], []>, transpose_lhs_hint = false} : vector<1280x1664xbf16>, vector<1664x16xbf16>, vector<1280x16xf32> -> vector<1280x16xf32>
    %get3A_27 = arith.constant 0 : index
    %get3A_28 = arith.constant 0 : index
    %get3A_29 = vector.load %arg5[%get3A_27, %get3A_28] : memref<1280x16xf32, #tpu.memory_space<vmem>>, vector<1280x16xf32>
    %add3A_30 = arith.addf %dot_general3A_26, %get3A_29 : vector<1280x16xf32>
    %swap3A = arith.constant 0 : index
    %swap3A_31 = arith.constant 0 : index
    %swap3A_32 = vector.load %arg6[%swap3A, %swap3A_31] : memref<1280x16xf32, #tpu.memory_space<vmem>>, vector<1280x16xf32>
    tpu.vector_store %arg6[%swap3A, %swap3A_31], %add3A_30 {strides = array<i32>} : memref<1280x16xf32, #tpu.memory_space<vmem>>, vector<1280x16xf32>,
    return
  }
  func.func @transform_0(%arg0: i32) -> (i32, i32) {
    %c0_i32 = arith.constant 0 : i32
    %c0_i32_0 = arith.constant 0 : i32
    return %arg0, %c0_i32 : i32, i32
  }
  func.func @transform_1(%arg0: i32) -> (i32, i32) {
    %c0_i32 = arith.constant 0 : i32
    %c0_i32_0 = arith.constant 0 : i32
    %c0_i32_1 = arith.constant 0 : i32
    return %c0_i32, %c0_i32_0 : i32, i32
  }
  func.func @transform_2(%arg0: i32) -> (i32, i32) {
    %c0_i32 = arith.constant 0 : i32
    %c0_i32_0 = arith.constant 0 : i32
    %c0_i32_1 = arith.constant 0 : i32
    return %c0_i32, %c0_i32_0 : i32, i32
  }
  func.func @transform_3(%arg0: i32) -> (i32, i32) {
    %c0_i32 = arith.constant 0 : i32
    %c0_i32_0 = arith.constant 0 : i32
    %c0_i32_1 = arith.constant 0 : i32
    return %c0_i32, %c0_i32_0 : i32, i32
  }
  func.func @transform_4(%arg0: i32) -> (i32, i32) {
    %c0_i32 = arith.constant 0 : i32
    %c0_i32_0 = arith.constant 0 : i32
    %c0_i32_1 = arith.constant 0 : i32
    return %c0_i32, %c0_i32_0 : i32, i32
  }
  func.func @transform_5(%arg0: i32) -> (i32, i32) {
    %c0_i32 = arith.constant 0 : i32
    %c0_i32_0 = arith.constant 0 : i32
    return %arg0, %c0_i32 : i32, i32
  }
}

</mosaic_0001>

<sc_bundles>
// kernel: kernel.18.cloned.1.call-start
scs
__scs_entry_jumppad:
0x0: {  	(pc) =	sbr.rel $0x88, $3  }
0x1: {  	(tag) =	ssettag $0x0;
	lr =	simm.s32 $0x1  }
0x2: {  	[smem:$0x3F9B] =	sst lr;
	_ =	strace $0xD0000000  }
0x3: {  	_ = 	snop  }
0x4: {  	_ = 	snop  }
0x5: {  	_ = 	snop  }
0x6: {  	_ = 	snop  }
0x7: {  	_ = 	snop  }
__scs_overlays_trampoline_lowered:
0x8: {  	[smem:$0x3FAA] =	sst s0  }
0x9: {  	[smem:$0x3FAB] =	sst s1  }
0xa: {  	[smem:$0x3FAC] =	sst s2  }
0xb: {  	[smem:$0x3FAD] =	sst s3  }
0xc: {  	[smem:$0x3FAE] =	sst s4  }
0xd: {  	[smem:$0x3FAF] =	sst s5  }
0xe: {  	[smem:$0x3FB0] =	sst s6  }
0xf: {  	[smem:$0x3FB1] =	sst s7  }
0x10: {  	[smem:$0x3FB2] =	sst s8  }
0x11: {  	[smem:$0x3FB3] =	sst s9;
	s0 =	simm.s32 @!p0 $0x0  }
0x12: {  	s1 =	sld [smem:$0x3F99];
	s0 =	simm.s32 @p0 $0x1  }
0x13: {  	[smem:$0x3FB4] =	sst s0;
	s0 =	simm.s32 @!p1 $0x0  }
0x14: {  	s2 =	sld [smem:$0x3F98];
	s0 =	simm.s32 @p1 $0x1  }
0x15: {  	[smem:$0x3FB5] =	sst s0;
	s0 =	simm.s32 @!p2 $0x0  }
0x16: {  	s3 =	sld [smem:$0x3FDB];
	s0 =	simm.s32 @p2 $0x1  }
0x17: {  	s4 =	simm.s32 $0x1BF5;
	[smem:$0x3FB7] =	sst s0  }
0x18: {  	s0 =	sld [smem:$0x3F9A];
	_ =	swait.ge [sflag:s4], $0x0  }
0x19: {  	s7 =	sld [smem:$0x3F9B]  }
0x1a: {  	s8 =	sadd.s32 $0xFFFFE003, lr  }
0x1b: {  	s9 =	sadd.s32 $0xFFFFFEF7, lr;
	s5 =	simm.s32 $0xFFFFFFFF;
	p2 =	slt.u32 s8, $0xFFFFF086  }
0x1c: {  	p1 =	slt.u32 s9, $0xF7A;
	s5 =	simm.s32 @!p2 $0x0  }
0x1d: {  	s5 =	simm.s32 @p1 $0x1;
	p0 =	seq.s32 s7, s2  }
0x1e: {  	s7 =	smul.u32 @!p0 $0xF7A, s2;
	p2 =	seq.s32 @!p0 s5, $0x0  }
0x1f: {  	s9 =	smul.u32 $0xF7A, s1;
	s8 =	simm.s32 @!p0 $0x1BF5;
	p2 =	por !p2, p0  }
0x20: {  	[sflag:s8] =	ssyncset.s32 @!p0 $0xFFFFF086;
	s6 =	sadd.s32 @!p0 s3, s7;
	s7 =	simm.s32 @!p0 $0x108  }
0x21: {  	s3 =	sadd.s32 s3, s9;
	s6 =	sadd.s32 @!p0 $0x88, s6;
	s7 =	simm.s32 @p2 $0x1082  }
0x22: {  	[simem:s7], [sflag:s8] =	dma.local @!p0 [hbm:s6], $0xF7A  }
0x23: {  	s9 =	sor.u32 $0xD0000000, s2;
	s6 =	simm.s32 $0x108;
	_ =	swait.ge @!p0 [sflag:s8], $0x0  }
0x24: {  	s3 =	sadd.s32 $0x88, s3;
	s6 =	simm.s32 @!p1 $0x1082;
	[sflag:s4] =	ssyncset.s32 $0xFFFFF086  }
0x25: {  	[simem:s6], [sflag:s4] =	dma.local [hbm:s3], $0xF7A  }
0x26: {  	[smem:$0x3F9B] =	sst s1;
	(tag) =	ssettag s2;
	_ =	strace s9  }
0x27: {  	s1 =	sld [smem:$0x3FAB]  }
0x28: {  	s2 =	sld [smem:$0x3FAC]  }
0x29: {  	s4 =	sld [smem:$0x3FAE]  }
0x2a: {  	p0 =	seq.s32 s5, $0x0;
	s5 =	sld [smem:$0x3FAF]  }
0x2b: {  	s6 =	sld [smem:$0x3FB0]  }
0x2c: {  	s7 =	sld [smem:$0x3FB1]  }
0x2d: {  	s3 =	simm.s32 $0x108;
	s8 =	sld [smem:$0x3FB2]  }
0x2e: {  	s3 =	simm.s32 @!p0 $0x1082;
	s9 =	sld [smem:$0x3FB3]  }
0x2f: {  	lr =	sadd.s32 s0, s3;
	s0 =	sld [smem:$0x3FAA]  }
0x30: {  	s3 =	sld [smem:$0x3FAD]  }
0x31: {  	[smem:$0x3FB6] =	sst s10  }
0x32: {  	s10 =	sld [smem:$0x3FB4];
	_ =	sdelay $0x3  }
0x33: {  	p0 =	seq.s32 s10, $0x1;
	s10 =	sld [smem:$0x3FB6];
	_ =	sdelay $0x3  }
0x34: {  	[smem:$0x3FB6] =	sst s10  }
0x35: {  	s10 =	sld [smem:$0x3FB5];
	_ =	sdelay $0x3  }
0x36: {  	p1 =	seq.s32 s10, $0x1;
	s10 =	sld [smem:$0x3FB6];
	_ =	sdelay $0x3  }
0x37: {  	[smem:$0x3FB6] =	sst s10  }
0x38: {  	s10 =	sld [smem:$0x3FB7]  }
0x39: {  	_ = 	snop;
	(pc) =	sbr.ind lr, $3  }
0x3a: {  	_ = 	snop  }
0x3b: {  	_ = 	snop  }
0x3c: {  	p2 =	seq.s32 s10, $0x1;
	s10 =	sld [smem:$0x3FB6]  }
0x3d: {  	_ =	shalt  }
0x3e: {  	_ =	shalt  }
0x3f: {  	_ =	shalt  }
0x40: {  	_ =	shalt  }
0x41: {  	_ =	shalt  }
0x42: {  	_ =	shalt  }
0x43: {  	_ =	shalt  }
0x44: {  	_ =	shalt  }
0x45: {  	_ =	shalt  }
0x46: {  	_ =	shalt  }
0x47: {  	_ =	shalt  }
0x48: {  	_ =	shalt  }
0x49: {  	_ =	shalt  }
0x4a: {  	_ =	shalt  }
0x4b: {  	_ =	shalt  }
0x4c: {  	_ =	shalt  }
0x4d: {  	_ =	shalt  }
0x4e: {  	_ =	shalt  }
0x4f: {  	_ =	shalt  }
0x50: {  	_ =	shalt  }
0x51: {  	_ =	shalt  }
0x52: {  	_ =	shalt  }
0x53: {  	_ =	shalt  }
0x54: {  	_ =	shalt  }
0x55: {  	_ =	shalt  }
0x56: {  	_ =	shalt  }
0x57: {  	_ =	shalt  }
0x58: {  	_ =	shalt  }
0x59: {  	_ =	shalt  }
0x5a: {  	_ =	shalt  }
0x5b: {  	_ =	shalt  }
0x5c: {  	_ =	shalt  }
0x5d: {  	_ =	shalt  }
0x5e: {  	_ =	shalt  }
0x5f: {  	_ =	shalt  }
0x60: {  	_ =	shalt  }
0x61: {  	_ =	shalt  }
0x62: {  	_ =	shalt  }
0x63: {  	_ =	shalt  }
0x64: {  	_ =	shalt  }
0x65: {  	_ =	shalt  }
0x66: {  	_ =	shalt  }
0x67: {  	_ =	shalt  }
0x68: {  	_ =	shalt  }
0x69: {  	_ =	shalt  }
0x6a: {  	_ =	shalt  }
0x6b: {  	_ =	shalt  }
0x6c: {  	_ =	shalt  }
0x6d: {  	_ =	shalt  }
0x6e: {  	_ =	shalt  }
0x6f: {  	_ =	shalt  }
0x70: {  	_ =	shalt  }
0x71: {  	_ =	shalt  }
0x72: {  	_ =	shalt  }
0x73: {  	_ =	shalt  }
0x74: {  	_ =	shalt  }
0x75: {  	_ =	shalt  }
0x76: {  	_ =	shalt  }
0x77: {  	_ =	shalt  }
0x78: {  	_ =	shalt  }
0x79: {  	_ =	shalt  }
0x7a: {  	_ =	shalt  }
0x7b: {  	_ =	shalt  }
0x7c: {  	_ =	shalt  }
0x7d: {  	_ =	shalt  }
0x7e: {  	_ =	shalt  }
0x7f: {  	_ =	shalt  }
0x80: {  	_ =	shalt  }
0x81: {  	_ =	shalt  }
0x82: {  	_ =	shalt  }
0x83: {  	_ =	shalt  }
0x84: {  	_ =	shalt  }
0x85: {  	_ =	shalt  }
0x86: {  	_ =	shalt  }
0x87: {  	_ =	shalt  }
.Lfunc_end0:
.L_simem_size_0:
called_computation_lowered:
.L_overlay_start_0:
0x88: {  	s2 =	sld [smem:$0x3FD9]  }
0x89: {  	s3 =	sld [smem:$0x3FFE];
	_ =	sdelay $0x1  }
0x8a: {  	s1 =	srdreg.scid  }
0x8b: {  	s0 =	sand.u32 $0x1, s1  }
0x8c: {  	s16 =	sshll.u32 s0, $0xA;
	s2 =	sadd.s32 s3, s2  }
0x8d: {  	s2 =	sadd.s32 s2, s16  }
0x8e: {  	[smem:$0x3FC2] =	sst s2  }
0x8f: {  	_ = 	snop  }
0x90: {  	(tm) =	ssettm $0x1  }
0x91: {  	s17 =	sld [smem:$0x3FFB];
	_ =	sdelay $0x3  }
0x92: {  	_ =	strace s17  }
0x93: {  	s2 =	sld [smem:$0x3FFC];
	_ =	sdelay $0x3  }
0x94: {  	_ =	strace s2  }
0x95: {  	s2 =	sld [smem:$0x3FFD];
	_ =	sdelay $0x3  }
0x96: {  	_ =	strace s2  }
0x97: {  	_ =	strace $0x8FFFFFFF  }
0x98: {  	s18 =	sld [smem:$0x3FDB];
	_ =	sdelay $0x1  }
0x99: {  	s19 =	simm.s32 $_scs_section_size  }
0x9a: {  	s4 =	simm.s32 $_size__tile_overlayer_lowered;
	s5 =	simm.s32 $_tile_overlayer_lowered  }
0x9b: {  	s22 =	simm.s32 $0x1BFF;
	s21 =	sshll.u32 s5, $0x1;
	s2 =	sadd.s32 s19, s18  }
0x9c: {  	s6 =	simm.s32 $0x0;
	s20 =	sshll.u32 s4, $0x1;
	s4 =	sadd.s32 s21, s2  }
0x9d: {  	[timem:s6], [sflag:s22] =	dma.local [hbm:s4], s20  }
0x9e: {  	_ =	swait.ge [sflag:s22], s20  }
0x9f: {  	s3 =	ssub.s32 $0x0, s20;
	[sflag:s22] =	ssyncset.done $0x0  }
0xa0: {  	[sflag:s22] =	ssyncadd.s32 s3;
	_ =	sdelay $0x1  }
0xa1: {  	s23 =	simm.s32 $0x1B8B  }
0xa2: {  	_ =	swait.ge [sflag:s23], $0x1  }
0xa3: {  	[sflag:s23] =	ssyncset.done $0x0  }
0xa4: {  	s25 =	simm.s32 $0x1B8E;
	s24 =	sld [smem:$0x3FFE];
	[sflag:s23] =	ssyncadd.s32 $0xFFFFFFFF  }
0xa5: {  	s26 =	simm.s32 $execute0_lowered;
	[smem:$0x3FD2] =	sst s25  }
0xa6: {  	s4 =	sshll.u32 s26, $0x1;
	_ =	strace $0x80000046;
	[dreg:$0x1] =	wrdreg $0xFFFFFFFF  }
0xa7: {  	s28 =	simm.s32 $_size_execute0_lowered;
	s2 =	sadd.s32 s2, s4;
	[dreg:$0x0] =	wrdreg $0x0  }
0xa8: {  	s4 =	sshll.u32 s28, $0x1;
	[dreg:$0x2] =	wrdreg s2  }
0xa9: {  	[dreg:$0x3] =	wrdreg s4  }
0xaa: {  	[dreg:$0x4] =	wrdreg $0xC0  }
0xab: {  	_ =	task [dreg:s6], $0x5FFFF  }
0xac: {  	[dreg:$0x1] =	wrdreg $0xFFFFFFFF  }
0xad: {  	[dreg:$0x0] =	wrdreg $0x60  }
0xae: {  	[dreg:$0x2] =	wrdreg s24  }
0xaf: {  	[dreg:$0x3] =	wrdreg $0x9  }
0xb0: {  	_ =	task.clear_ibuf [dreg:s6], $0x4FFFF;
	_ =	strace $0x90000046  }
0xb1: {  	s29 =	simm.s32 $0x9;
	_ =	strace $0x8000004F  }
0xb2: {  	_ =	swait.ge [sflag:s29], $0x1  }
0xb3: {  	[sflag:s29] =	ssyncadd.s32 $0xFFFFFFFF  }
0xb4: {  	_ =	strace $0x9000004F  }
0xb5: {  	_ =	sfence  }
0xb6: {  	s30 =	sld [smem:$0x0];
	_ =	sdelay $0x2  }
0xb7: {  	s31 =	sshll.u32 s1, $0xD;
	s1 =	sshrl.u32 s1, $0x2  }
0xb8: {  	s3 =	sand.u32 $0x4000, s31;
	s1 =	sadd.s32 s1, s30  }
0xb9: {  	s0 =	sor.u32 s3, s0;
	s1 =	sshll.u32 s1, $0x11  }
0xba: {  	s0 =	sor.u32 s1, s0  }
0xbb: {  	s0 =	sadd.s32 $0x8F2B, s0  }
0xbc: {  	[sflag:s0] =	ssyncadd.remote.s32 $0x1  }
0xbd: {  	_ =	sfence.sel $0xFFFF  }
0xbe: {  	[dreg:$0x0] =	wrdreg $0xFFFFFFFF;
	(pc) =	sbr.abs _section_cstart, $3  }
0xbf: {  	[dreg:$0x1] =	wrdreg $0xFFFFFFFF  }
0xc0: {  	_ =	task.clear_ibuf [dreg:s6], $0x2FFFF;
	_ =	strace $0x9FFFFFFF  }
0xc1: {  	(tm) =	ssettm $0x7FFFFFFF  }
tec
execute0_lowered:
.L_overlay_start_1:
0x0: {  	(tag) =	ssettag $0x1  }
0x1: {  	s0 =	srdreg.scid  }
0x2: {  	s22 =	sand.u32 $0x1, s0  }
0x3: {  	s0 =	stileid.u32;
	s1 =	sshll.u32 s22, $0x4  }
0x4: {  	s11 =	sor.u32 s0, s1  }
0x5: {  	s10 =	rddreg [dreg:$0x0];
	s2 =	simm.s32 $0x0;
	s3 =	smul.u32 $0x500, s11  }
0x6: {  	[smem:$0x7FF] =	sst s2  }
0x7: {  	s1 =	rddreg [dreg:$0x1];
	_ =	strace $0x80000047;
	s19 =	sadd.s32 s3, s10  }
0x8: {  	_ =	strace $0x80000048;
	s3 =	sadd.s32 $0x36000, s19  }
0x9: {  	[tilespmem:s2], [sflag:$0x1] =	stream.linear.gather [hbm4b:s3+s2], $0x800, $0x200038;
	[tilespmem:$0x11000] =	vst v63  }
0xa: {  	_ =	strace $0x90000048  }
0xb: {  	s5 =	simm.s32 $0x800;
	s4 =	sadd.s32 $0x36100, s19;
	_ =	strace $0x80000049  }
0xc: {  	[tilespmem:s5], [sflag:$0x2] =	stream.linear.gather [hbm4b:s4+s2], $0x800, $0x200038;
	[tilespmem:$0x11000] =	vst v63  }
0xd: {  	_ =	strace $0x90000049  }
0xe: {  	s6 =	simm.s32 $0x1;
	_ =	strace $0x8000004A  }
0xf: {  	_ =	swait.ge [sflag:s6], $0x800  }
0x10: {  	[sflag:s6] =	ssyncset.done $0x0  }
0x11: {  	[sflag:s6] =	ssyncadd.s32 $0xFFFFF800  }
0x12: {  	s8 =	simm.s32 $0x1000;
	_ =	strace $0x9000004A  }
0x13: {  	s9 =	simm.s32 $0x5;
	s7 =	sadd.s32 $0x10E6400, s10;
	_ =	strace $0x8000004B  }
0x14: {  	[tilespmem:s8], [sflag:$0x5] =	stream.indirect.gather [hbm4b:s7+s5], $0x10, s2, s5, $0x2000b8;
	[tilespmem:$0x11000] =	vst v63  }
0x15: {  	_ =	swait.ge [sflag:s9], $0x8000  }
0x16: {  	s11 =	smul.u32 $0x5000, s11;
	[sflag:s9] =	ssyncset.done $0x0  }
0x17: {  	[sflag:s9] =	ssyncadd.s32 $0xFFFF8000  }
0x18: {  	s21 =	sadd.s32 s11, s10;
	_ =	strace $0x9000004B  }
0x19: {  	s10 =	sadd.s32 $0x40000, s21;
	_ =	strace $0x8000004C  }
0x1a: {  	[hbm4b:s10+s2] =	stream.linear.scatter [tilespmem:s8], [sflag:$0x3], $0x8000, $0x200038;
	[tilespmem:$0x11000] =	vst v63  }
0x1b: {  	_ =	strace $0x9000004C  }
0x1c: {  	s11 =	sadd.s32 $0x36200, s19;
	_ =	strace $0x80000049  }
0x1d: {  	[tilespmem:s2], [sflag:$0x1] =	stream.linear.gather [hbm4b:s11+s2], $0x800, $0x200038;
	[tilespmem:$0x11000] =	vst v63  }
0x1e: {  	_ =	strace $0x90000049  }
0x1f: {  	s12 =	simm.s32 $0x2;
	_ =	strace $0x8000004A  }
0x20: {  	_ =	swait.ge [sflag:s12], $0x800  }
0x21: {  	[sflag:s12] =	ssyncset.done $0x0  }
0x22: {  	[sflag:s12] =	ssyncadd.s32 $0xFFFFF800  }
0x23: {  	_ =	strace $0x9000004A  }
0x24: {  	s13 =	simm.s32 $0x9000;
	_ =	strace $0x8000004B  }
0x25: {  	[tilespmem:s13], [sflag:$0x5] =	stream.indirect.gather [hbm4b:s7+s5], $0x10, s5, s5, $0x2000b8;
	[tilespmem:$0x11000] =	vst v63  }
0x26: {  	_ =	swait.ge [sflag:s9], $0x8000  }
0x27: {  	[sflag:s9] =	ssyncset.done $0x0  }
0x28: {  	[sflag:s9] =	ssyncadd.s32 $0xFFFF8000  }
0x29: {  	_ =	strace $0x9000004B  }
0x2a: {  	s14 =	sadd.s32 $0x41000, s21;
	_ =	strace $0x8000004C  }
0x2b: {  	[hbm4b:s14+s2] =	stream.linear.scatter [tilespmem:s13], [sflag:$0x4], $0x8000, $0x200038;
	[tilespmem:$0x11000] =	vst v63  }
0x2c: {  	_ =	strace $0x9000004C  }
0x2d: {  	s15 =	simm.s32 $0x3;
	_ =	strace $0x8000004D  }
0x2e: {  	_ =	swait.ge [sflag:s15], $0x8000  }
0x2f: {  	[sflag:s15] =	ssyncset.done $0x0  }
0x30: {  	[sflag:s15] =	ssyncadd.s32 $0xFFFF8000  }
0x31: {  	_ =	strace $0x9000004D  }
0x32: {  	s16 =	sadd.s32 $0x36300, s19;
	_ =	strace $0x80000049  }
0x33: {  	[tilespmem:s5], [sflag:$0x2] =	stream.linear.gather [hbm4b:s16+s2], $0x800, $0x200038;
	[tilespmem:$0x11000] =	vst v63  }
0x34: {  	_ =	strace $0x90000049  }
0x35: {  	_ =	strace $0x8000004A  }
0x36: {  	_ =	swait.ge [sflag:s6], $0x800  }
0x37: {  	[sflag:s6] =	ssyncset.done $0x0  }
0x38: {  	[sflag:s6] =	ssyncadd.s32 $0xFFFFF800  }
0x39: {  	_ =	strace $0x9000004A  }
0x3a: {  	_ =	strace $0x8000004B  }
0x3b: {  	[tilespmem:s8], [sflag:$0x5] =	stream.indirect.gather [hbm4b:s7+s5], $0x10, s2, s5, $0x2000b8;
	[tilespmem:$0x11000] =	vst v63  }
0x3c: {  	_ =	swait.ge [sflag:s9], $0x8000  }
0x3d: {  	[sflag:s9] =	ssyncset.done $0x0  }
0x3e: {  	[sflag:s9] =	ssyncadd.s32 $0xFFFF8000  }
0x3f: {  	_ =	strace $0x9000004B  }
0x40: {  	s17 =	sadd.s32 $0x42000, s21;
	_ =	strace $0x8000004C  }
0x41: {  	[hbm4b:s17+s2] =	stream.linear.scatter [tilespmem:s8], [sflag:$0x3], $0x8000, $0x200038;
	[tilespmem:$0x11000] =	vst v63  }
0x42: {  	_ =	strace $0x9000004C  }
0x43: {  	s18 =	simm.s32 $0x4;
	_ =	strace $0x8000004D  }
0x44: {  	_ =	swait.ge [sflag:s18], $0x8000  }
0x45: {  	[sflag:s18] =	ssyncset.done $0x0  }
0x46: {  	[sflag:s18] =	ssyncadd.s32 $0xFFFF8000  }
0x47: {  	_ =	strace $0x9000004D  }
0x48: {  	s19 =	sadd.s32 $0x36400, s19;
	_ =	strace $0x80000049  }
0x49: {  	[tilespmem:s2], [sflag:$0x1] =	stream.linear.gather [hbm4b:s19+s2], $0x800, $0x200038;
	[tilespmem:$0x11000] =	vst v63  }
0x4a: {  	_ =	strace $0x90000049  }
0x4b: {  	_ =	strace $0x8000004A  }
0x4c: {  	_ =	swait.ge [sflag:s12], $0x800  }
0x4d: {  	[sflag:s12] =	ssyncset.done $0x0  }
0x4e: {  	[sflag:s12] =	ssyncadd.s32 $0xFFFFF800  }
0x4f: {  	_ =	strace $0x9000004A  }
0x50: {  	_ =	strace $0x8000004B  }
0x51: {  	[tilespmem:s13], [sflag:$0x5] =	stream.indirect.gather [hbm4b:s7+s5], $0x10, s5, s5, $0x2000b8;
	[tilespmem:$0x11000] =	vst v63  }
0x52: {  	_ =	swait.ge [sflag:s9], $0x8000  }
0x53: {  	[sflag:s9] =	ssyncset.done $0x0  }
0x54: {  	[sflag:s9] =	ssyncadd.s32 $0xFFFF8000  }
0x55: {  	_ =	strace $0x9000004B  }
0x56: {  	s20 =	sadd.s32 $0x43000, s21;
	_ =	strace $0x8000004C  }
0x57: {  	[hbm4b:s20+s2] =	stream.linear.scatter [tilespmem:s13], [sflag:$0x4], $0x8000, $0x200038;
	[tilespmem:$0x11000] =	vst v63  }
0x58: {  	_ =	strace $0x9000004C  }
0x59: {  	_ =	strace $0x8000004D  }
0x5a: {  	_ =	swait.ge [sflag:s15], $0x8000  }
0x5b: {  	[sflag:s15] =	ssyncset.done $0x0  }
0x5c: {  	[sflag:s15] =	ssyncadd.s32 $0xFFFF8000  }
0x5d: {  	_ =	strace $0x9000004D  }
0x5e: {  	_ =	strace $0x8000004A  }
0x5f: {  	_ =	swait.ge [sflag:s6], $0x800  }
0x60: {  	[sflag:s6] =	ssyncset.done $0x0  }
0x61: {  	[sflag:s6] =	ssyncadd.s32 $0xFFFFF800  }
0x62: {  	_ =	strace $0x9000004A  }
0x63: {  	_ =	strace $0x8000004B  }
0x64: {  	[tilespmem:s8], [sflag:$0x5] =	stream.indirect.gather [hbm4b:s7+s5], $0x10, s2, s5, $0x2000b8;
	[tilespmem:$0x11000] =	vst v63  }
0x65: {  	_ =	swait.ge [sflag:s9], $0x8000  }
0x66: {  	[sflag:s9] =	ssyncset.done $0x0  }
0x67: {  	[sflag:s9] =	ssyncadd.s32 $0xFFFF8000  }
0x68: {  	_ =	strace $0x9000004B  }
0x69: {  	s21 =	sadd.s32 $0x44000, s21;
	_ =	strace $0x8000004C  }
0x6a: {  	[hbm4b:s21+s2] =	stream.linear.scatter [tilespmem:s8], [sflag:$0x3], $0x8000, $0x200038;
	[tilespmem:$0x11000] =	vst v63  }
0x6b: {  	s22 =	ssub.s32 $0x2, s22;
	_ =	strace $0x9000004C  }
0x6c: {  	s23 =	sshrl.u32 s22, $0x1;
	_ =	strace $0x8000004D  }
0x6d: {  	s22 =	ssub.s32 s22, s23;
	_ =	swait.ge [sflag:s18], $0x8000  }
0x6e: {  	s22 =	smax.u32 s22, $0x1;
	[sflag:s18] =	ssyncset.done $0x0  }
0x6f: {  	p0 =	sne.s32 s22, $0x1;
	[sflag:s18] =	ssyncadd.s32 $0xFFFF8000  }
.Ltmp0:
0x70: {  	_ =	strace $0x9000004D;
	(pc) =	sbr.rel @!p0 .LBB2_2-.Ltmp0, $4  }
0x71: {  	_ =	strace $0x8000004E  }
0x72: {  	_ =	swait.ge [sflag:s15], $0x8000  }
0x73: {  	[sflag:s15] =	ssyncset.done $0x0  }
0x74: {  	s22 =	sadd.s32 $0xFFFFFFFF, s22;
	[sflag:s15] =	ssyncadd.s32 $0xFFFF8000  }
.LBB2_1:
0x75: {  	p0 =	sne.s32 s22, $0x1;
	s22 =	sadd.s32 $0xFFFFFFFF, s22;
	_ =	strace $0x9000004E  }
0x76: {  	_ =	strace $0x80000048  }
0x77: {  	[tilespmem:s2], [sflag:$0x1] =	stream.linear.gather [hbm4b:s3+s2], $0x800, $0x200038;
	[tilespmem:$0x11000] =	vst v63  }
0x78: {  	_ =	strace $0x90000048  }
0x79: {  	_ =	strace $0x80000049  }
0x7a: {  	[tilespmem:s5], [sflag:$0x2] =	stream.linear.gather [hbm4b:s4+s2], $0x800, $0x200038;
	[tilespmem:$0x11000] =	vst v63  }
0x7b: {  	_ =	strace $0x90000049  }
0x7c: {  	_ =	strace $0x8000004A  }
0x7d: {  	_ =	swait.ge [sflag:s6], $0x800  }
0x7e: {  	[sflag:s6] =	ssyncset.done $0x0  }
0x7f: {  	[sflag:s6] =	ssyncadd.s32 $0xFFFFF800  }
0x80: {  	_ =	strace $0x9000004A  }
0x81: {  	_ =	strace $0x8000004B  }
0x82: {  	[tilespmem:s8], [sflag:$0x5] =	stream.indirect.gather [hbm4b:s7+s5], $0x10, s2, s5, $0x2000b8;
	[tilespmem:$0x11000] =	vst v63  }
0x83: {  	_ =	swait.ge [sflag:s9], $0x8000  }
0x84: {  	[sflag:s9] =	ssyncset.done $0x0  }
0x85: {  	[sflag:s9] =	ssyncadd.s32 $0xFFFF8000  }
0x86: {  	_ =	strace $0x9000004B  }
0x87: {  	_ =	strace $0x8000004C  }
0x88: {  	[hbm4b:s10+s2] =	stream.linear.scatter [tilespmem:s8], [sflag:$0x3], $0x8000, $0x200038;
	[tilespmem:$0x11000] =	vst v63  }
0x89: {  	_ =	strace $0x9000004C  }
0x8a: {  	_ =	strace $0x80000049  }
0x8b: {  	[tilespmem:s2], [sflag:$0x1] =	stream.linear.gather [hbm4b:s11+s2], $0x800, $0x200038;
	[tilespmem:$0x11000] =	vst v63  }
0x8c: {  	_ =	strace $0x90000049  }
0x8d: {  	_ =	strace $0x8000004A  }
0x8e: {  	_ =	swait.ge [sflag:s12], $0x800  }
0x8f: {  	[sflag:s12] =	ssyncset.done $0x0  }
0x90: {  	[sflag:s12] =	ssyncadd.s32 $0xFFFFF800  }
0x91: {  	_ =	strace $0x9000004A  }
0x92: {  	_ =	strace $0x8000004B  }
0x93: {  	[tilespmem:s13], [sflag:$0x5] =	stream.indirect.gather [hbm4b:s7+s5], $0x10, s5, s5, $0x2000b8;
	[tilespmem:$0x11000] =	vst v63  }
0x94: {  	_ =	swait.ge [sflag:s9], $0x8000  }
0x95: {  	[sflag:s9] =	ssyncset.done $0x0  }
0x96: {  	[sflag:s9] =	ssyncadd.s32 $0xFFFF8000  }
0x97: {  	_ =	strace $0x9000004B  }
0x98: {  	_ =	strace $0x8000004C  }
0x99: {  	[hbm4b:s14+s2] =	stream.linear.scatter [tilespmem:s13], [sflag:$0x4], $0x8000, $0x200038;
	[tilespmem:$0x11000] =	vst v63  }
0x9a: {  	_ =	strace $0x9000004C  }
0x9b: {  	_ =	strace $0x8000004D  }
0x9c: {  	_ =	swait.ge [sflag:s15], $0x8000  }
0x9d: {  	[sflag:s15] =	ssyncset.done $0x0  }
0x9e: {  	[sflag:s15] =	ssyncadd.s32 $0xFFFF8000  }
0x9f: {  	_ =	strace $0x9000004D  }
0xa0: {  	_ =	strace $0x80000049  }
0xa1: {  	[tilespmem:s5], [sflag:$0x2] =	stream.linear.gather [hbm4b:s16+s2], $0x800, $0x200038;
	[tilespmem:$0x11000] =	vst v63  }
0xa2: {  	_ =	strace $0x90000049  }
0xa3: {  	_ =	strace $0x8000004A  }
0xa4: {  	_ =	swait.ge [sflag:s6], $0x800  }
0xa5: {  	[sflag:s6] =	ssyncset.done $0x0  }
0xa6: {  	[sflag:s6] =	ssyncadd.s32 $0xFFFFF800  }
0xa7: {  	_ =	strace $0x9000004A  }
0xa8: {  	_ =	strace $0x8000004B  }
0xa9: {  	[tilespmem:s8], [sflag:$0x5] =	stream.indirect.gather [hbm4b:s7+s5], $0x10, s2, s5, $0x2000b8;
	[tilespmem:$0x11000] =	vst v63  }
0xaa: {  	_ =	swait.ge [sflag:s9], $0x8000  }
0xab: {  	[sflag:s9] =	ssyncset.done $0x0  }
0xac: {  	[sflag:s9] =	ssyncadd.s32 $0xFFFF8000  }
0xad: {  	_ =	strace $0x9000004B  }
0xae: {  	_ =	strace $0x8000004C  }
0xaf: {  	[hbm4b:s17+s2] =	stream.linear.scatter [tilespmem:s8], [sflag:$0x3], $0x8000, $0x200038;
	[tilespmem:$0x11000] =	vst v63  }
0xb0: {  	_ =	strace $0x9000004C  }
0xb1: {  	_ =	strace $0x8000004D  }
0xb2: {  	_ =	swait.ge [sflag:s18], $0x8000  }
0xb3: {  	[sflag:s18] =	ssyncset.done $0x0  }
0xb4: {  	[sflag:s18] =	ssyncadd.s32 $0xFFFF8000  }
0xb5: {  	_ =	strace $0x9000004D  }
0xb6: {  	_ =	strace $0x80000049  }
0xb7: {  	[tilespmem:s2], [sflag:$0x1] =	stream.linear.gather [hbm4b:s19+s2], $0x800, $0x200038;
	[tilespmem:$0x11000] =	vst v63  }
0xb8: {  	_ =	strace $0x90000049  }
0xb9: {  	_ =	strace $0x8000004A  }
0xba: {  	_ =	swait.ge [sflag:s12], $0x800  }
0xbb: {  	[sflag:s12] =	ssyncset.done $0x0  }
0xbc: {  	[sflag:s12] =	ssyncadd.s32 $0xFFFFF800  }
0xbd: {  	_ =	strace $0x9000004A  }
0xbe: {  	_ =	strace $0x8000004B  }
0xbf: {  	[tilespmem:s13], [sflag:$0x5] =	stream.indirect.gather [hbm4b:s7+s5], $0x10, s5, s5, $0x2000b8;
	[tilespmem:$0x11000] =	vst v63  }
0xc0: {  	_ =	swait.ge [sflag:s9], $0x8000  }
0xc1: {  	[sflag:s9] =	ssyncset.done $0x0  }
0xc2: {  	[sflag:s9] =	ssyncadd.s32 $0xFFFF8000  }
0xc3: {  	_ =	strace $0x9000004B  }
0xc4: {  	_ =	strace $0x8000004C  }
0xc5: {  	[hbm4b:s20+s2] =	stream.linear.scatter [tilespmem:s13], [sflag:$0x4], $0x8000, $0x200038;
	[tilespmem:$0x11000] =	vst v63  }
0xc6: {  	_ =	strace $0x9000004C  }
0xc7: {  	_ =	strace $0x8000004D  }
0xc8: {  	_ =	swait.ge [sflag:s15], $0x8000  }
0xc9: {  	[sflag:s15] =	ssyncset.done $0x0  }
0xca: {  	[sflag:s15] =	ssyncadd.s32 $0xFFFF8000  }
0xcb: {  	_ =	strace $0x9000004D  }
0xcc: {  	_ =	strace $0x8000004A  }
0xcd: {  	_ =	swait.ge [sflag:s6], $0x800  }
0xce: {  	[sflag:s6] =	ssyncset.done $0x0  }
0xcf: {  	[sflag:s6] =	ssyncadd.s32 $0xFFFFF800  }
0xd0: {  	_ =	strace $0x9000004A  }
0xd1: {  	_ =	strace $0x8000004B  }
0xd2: {  	[tilespmem:s8], [sflag:$0x5] =	stream.indirect.gather [hbm4b:s7+s5], $0x10, s2, s5, $0x2000b8;
	[tilespmem:$0x11000] =	vst v63  }
0xd3: {  	_ =	swait.ge [sflag:s9], $0x8000  }
0xd4: {  	[sflag:s9] =	ssyncset.done $0x0  }
0xd5: {  	[sflag:s9] =	ssyncadd.s32 $0xFFFF8000  }
0xd6: {  	_ =	strace $0x9000004B  }
0xd7: {  	_ =	strace $0x8000004C  }
0xd8: {  	[hbm4b:s21+s2] =	stream.linear.scatter [tilespmem:s8], [sflag:$0x3], $0x8000, $0x200038;
	[tilespmem:$0x11000] =	vst v63  }
0xd9: {  	_ =	strace $0x9000004C  }
0xda: {  	_ =	strace $0x8000004D  }
0xdb: {  	_ =	swait.ge [sflag:s18], $0x8000  }
0xdc: {  	[sflag:s18] =	ssyncset.done $0x0  }
0xdd: {  	[sflag:s18] =	ssyncadd.s32 $0xFFFF8000  }
.Ltmp1:
0xde: {  	_ =	strace $0x9000004D;
	(pc) =	sbr.rel @p0 .LBB2_1-.Ltmp1, $4  }
0xdf: {  	_ =	strace $0x8000004E  }
0xe0: {  	_ =	swait.ge [sflag:s15], $0x8000  }
0xe1: {  	[sflag:s15] =	ssyncset.done $0x0  }
0xe2: {  	[sflag:s15] =	ssyncadd.s32 $0xFFFF8000  }
.LBB2_2:
0xe3: {  	_ =	strace $0x9000004E  }
0xe4: {  	_ =	sfence.sel $0x180000  }
0xe5: {  	[bflag:$0x0] =	sbarrier.arrive $0xFFFF  }
0xe6: {  	p0 =	sne.s32 s0, $0x0;
	_ =	strace $0x90000047  }
0xe7: {  	s0 =	sadd.s32 @!p0 $0x100000, s1;
	[bflag:$0x2] =	sbarrier.arrive $0xFFFF  }
0xe8: {  	[sflag:s0] =	ssyncadd.tile.s32 @!p0 $0x1;
	_ =	shalt  }
.Lfunc_end2:
_tile_overlayer_lowered:
.L_overlay_start_2:
0xe9: {  	(tag) =	ssettag $0x2  }
0xea: {  	s0 =	rddreg [dreg:$0x0];
	s2 =	stileid.u32  }
0xeb: {  	s1 =	rddreg [dreg:$0x1];
	p0 =	sne.s32 s2, $0x0  }
0xec: {  	s3 =	rddreg [dreg:$0x2];
	[bflag:$0x3] =	sbarrier.arrive $0xFFFF;
	s2 =	simm.s32 @!p0 $0x1C01  }
0xed: {  	[timem:s3], [sflag:s2] =	dma.local @!p0 [hbm:s0], s1  }
0xee: {  	s0 =	simm.s32 @!p0 $0x1  }
0xef: {  	_ =	swait.ge @!p0 [sflag:s0], s1  }
0xf0: {  	s1 =	ssub.s32 @!p0 $0x0, s1;
	[sflag:s0] =	ssyncset.done @!p0 $0x0  }
0xf1: {  	[sflag:s0] =	ssyncadd.s32 @!p0 s1  }
0xf2: {  	[bflag:$0x3] =	sbarrier.arrive $0xFFFF  }
0xf3: {  	_ =	shalt  }

// kernel: kernel.21.cloned.1.call-start
scs
__scs_entry_jumppad:
0x0: {  	(pc) =	sbr.rel $0x88, $3  }
0x1: {  	(tag) =	ssettag $0x0;
	lr =	simm.s32 $0x1  }
0x2: {  	[smem:$0x3F9B] =	sst lr;
	_ =	strace $0xD0000000  }
0x3: {  	_ = 	snop  }
0x4: {  	_ = 	snop  }
0x5: {  	_ = 	snop  }
0x6: {  	_ = 	snop  }
0x7: {  	_ = 	snop  }
__scs_overlays_trampoline_lowered:
0x8: {  	[smem:$0x3FAA] =	sst s0  }
0x9: {  	[smem:$0x3FAB] =	sst s1  }
0xa: {  	[smem:$0x3FAC] =	sst s2  }
0xb: {  	[smem:$0x3FAD] =	sst s3  }
0xc: {  	[smem:$0x3FAE] =	sst s4  }
0xd: {  	[smem:$0x3FAF] =	sst s5  }
0xe: {  	[smem:$0x3FB0] =	sst s6  }
0xf: {  	[smem:$0x3FB1] =	sst s7  }
0x10: {  	[smem:$0x3FB2] =	sst s8  }
0x11: {  	[smem:$0x3FB3] =	sst s9;
	s0 =	simm.s32 @!p0 $0x0  }
0x12: {  	s1 =	sld [smem:$0x3F99];
	s0 =	simm.s32 @p0 $0x1  }
0x13: {  	[smem:$0x3FB4] =	sst s0;
	s0 =	simm.s32 @!p1 $0x0  }
0x14: {  	s2 =	sld [smem:$0x3F98];
	s0 =	simm.s32 @p1 $0x1  }
0x15: {  	[smem:$0x3FB5] =	sst s0;
	s0 =	simm.s32 @!p2 $0x0  }
0x16: {  	s3 =	sld [smem:$0x3FDB];
	s0 =	simm.s32 @p2 $0x1  }
0x17: {  	s4 =	simm.s32 $0x1BF5;
	[smem:$0x3FB7] =	sst s0  }
0x18: {  	s0 =	sld [smem:$0x3F9A];
	_ =	swait.ge [sflag:s4], $0x0  }
0x19: {  	s7 =	sld [smem:$0x3F9B]  }
0x1a: {  	s8 =	sadd.s32 $0xFFFFE003, lr  }
0x1b: {  	s9 =	sadd.s32 $0xFFFFFEF7, lr;
	s5 =	simm.s32 $0xFFFFFFFF;
	p2 =	slt.u32 s8, $0xFFFFF086  }
0x1c: {  	p1 =	slt.u32 s9, $0xF7A;
	s5 =	simm.s32 @!p2 $0x0  }
0x1d: {  	s5 =	simm.s32 @p1 $0x1;
	p0 =	seq.s32 s7, s2  }
0x1e: {  	s7 =	smul.u32 @!p0 $0xF7A, s2;
	p2 =	seq.s32 @!p0 s5, $0x0  }
0x1f: {  	s9 =	smul.u32 $0xF7A, s1;
	s8 =	simm.s32 @!p0 $0x1BF5;
	p2 =	por !p2, p0  }
0x20: {  	[sflag:s8] =	ssyncset.s32 @!p0 $0xFFFFF086;
	s6 =	sadd.s32 @!p0 s3, s7;
	s7 =	simm.s32 @!p0 $0x108  }
0x21: {  	s3 =	sadd.s32 s3, s9;
	s6 =	sadd.s32 @!p0 $0x88, s6;
	s7 =	simm.s32 @p2 $0x1082  }
0x22: {  	[simem:s7], [sflag:s8] =	dma.local @!p0 [hbm:s6], $0xF7A  }
0x23: {  	s9 =	sor.u32 $0xD0000000, s2;
	s6 =	simm.s32 $0x108;
	_ =	swait.ge @!p0 [sflag:s8], $0x0  }
0x24: {  	s3 =	sadd.s32 $0x88, s3;
	s6 =	simm.s32 @!p1 $0x1082;
	[sflag:s4] =	ssyncset.s32 $0xFFFFF086  }
0x25: {  	[simem:s6], [sflag:s4] =	dma.local [hbm:s3], $0xF7A  }
0x26: {  	[smem:$0x3F9B] =	sst s1;
	(tag) =	ssettag s2;
	_ =	strace s9  }
0x27: {  	s1 =	sld [smem:$0x3FAB]  }
0x28: {  	s2 =	sld [smem:$0x3FAC]  }
0x29: {  	s4 =	sld [smem:$0x3FAE]  }
0x2a: {  	p0 =	seq.s32 s5, $0x0;
	s5 =	sld [smem:$0x3FAF]  }
0x2b: {  	s6 =	sld [smem:$0x3FB0]  }
0x2c: {  	s7 =	sld [smem:$0x3FB1]  }
0x2d: {  	s3 =	simm.s32 $0x108;
	s8 =	sld [smem:$0x3FB2]  }
0x2e: {  	s3 =	simm.s32 @!p0 $0x1082;
	s9 =	sld [smem:$0x3FB3]  }
0x2f: {  	lr =	sadd.s32 s0, s3;
	s0 =	sld [smem:$0x3FAA]  }
0x30: {  	s3 =	sld [smem:$0x3FAD]  }
0x31: {  	[smem:$0x3FB6] =	sst s10  }
0x32: {  	s10 =	sld [smem:$0x3FB4];
	_ =	sdelay $0x3  }
0x33: {  	p0 =	seq.s32 s10, $0x1;
	s10 =	sld [smem:$0x3FB6];
	_ =	sdelay $0x3  }
0x34: {  	[smem:$0x3FB6] =	sst s10  }
0x35: {  	s10 =	sld [smem:$0x3FB5];
	_ =	sdelay $0x3  }
0x36: {  	p1 =	seq.s32 s10, $0x1;
	s10 =	sld [smem:$0x3FB6];
	_ =	sdelay $0x3  }
0x37: {  	[smem:$0x3FB6] =	sst s10  }
0x38: {  	s10 =	sld [smem:$0x3FB7]  }
0x39: {  	_ = 	snop;
	(pc) =	sbr.ind lr, $3  }
0x3a: {  	_ = 	snop  }
0x3b: {  	_ = 	snop  }
0x3c: {  	p2 =	seq.s32 s10, $0x1;
	s10 =	sld [smem:$0x3FB6]  }
0x3d: {  	_ =	shalt  }
0x3e: {  	_ =	shalt  }
0x3f: {  	_ =	shalt  }
0x40: {  	_ =	shalt  }
0x41: {  	_ =	shalt  }
0x42: {  	_ =	shalt  }
0x43: {  	_ =	shalt  }
0x44: {  	_ =	shalt  }
0x45: {  	_ =	shalt  }
0x46: {  	_ =	shalt  }
0x47: {  	_ =	shalt  }
0x48: {  	_ =	shalt  }
0x49: {  	_ =	shalt  }
0x4a: {  	_ =	shalt  }
0x4b: {  	_ =	shalt  }
0x4c: {  	_ =	shalt  }
0x4d: {  	_ =	shalt  }
0x4e: {  	_ =	shalt  }
0x4f: {  	_ =	shalt  }
0x50: {  	_ =	shalt  }
0x51: {  	_ =	shalt  }
0x52: {  	_ =	shalt  }
0x53: {  	_ =	shalt  }
0x54: {  	_ =	shalt  }
0x55: {  	_ =	shalt  }
0x56: {  	_ =	shalt  }
0x57: {  	_ =	shalt  }
0x58: {  	_ =	shalt  }
0x59: {  	_ =	shalt  }
0x5a: {  	_ =	shalt  }
0x5b: {  	_ =	shalt  }
0x5c: {  	_ =	shalt  }
0x5d: {  	_ =	shalt  }
0x5e: {  	_ =	shalt  }
0x5f: {  	_ =	shalt  }
0x60: {  	_ =	shalt  }
0x61: {  	_ =	shalt  }
0x62: {  	_ =	shalt  }
0x63: {  	_ =	shalt  }
0x64: {  	_ =	shalt  }
0x65: {  	_ =	shalt  }
0x66: {  	_ =	shalt  }
0x67: {  	_ =	shalt  }
0x68: {  	_ =	shalt  }
0x69: {  	_ =	shalt  }
0x6a: {  	_ =	shalt  }
0x6b: {  	_ =	shalt  }
0x6c: {  	_ =	shalt  }
0x6d: {  	_ =	shalt  }
0x6e: {  	_ =	shalt  }
0x6f: {  	_ =	shalt  }
0x70: {  	_ =	shalt  }
0x71: {  	_ =	shalt  }
0x72: {  	_ =	shalt  }
0x73: {  	_ =	shalt  }
0x74: {  	_ =	shalt  }
0x75: {  	_ =	shalt  }
0x76: {  	_ =	shalt  }
0x77: {  	_ =	shalt  }
0x78: {  	_ =	shalt  }
0x79: {  	_ =	shalt  }
0x7a: {  	_ =	shalt  }
0x7b: {  	_ =	shalt  }
0x7c: {  	_ =	shalt  }
0x7d: {  	_ =	shalt  }
0x7e: {  	_ =	shalt  }
0x7f: {  	_ =	shalt  }
0x80: {  	_ =	shalt  }
0x81: {  	_ =	shalt  }
0x82: {  	_ =	shalt  }
0x83: {  	_ =	shalt  }
0x84: {  	_ =	shalt  }
0x85: {  	_ =	shalt  }
0x86: {  	_ =	shalt  }
0x87: {  	_ =	shalt  }
.Lfunc_end0:
.L_simem_size_0:
called_computation.1_lowered:
.L_overlay_start_0:
0x88: {  	s2 =	sld [smem:$0x3FD9]  }
0x89: {  	s3 =	sld [smem:$0x3FFE];
	_ =	sdelay $0x1  }
0x8a: {  	s1 =	srdreg.scid  }
0x8b: {  	s0 =	sand.u32 $0x1, s1  }
0x8c: {  	s17 =	sshll.u32 s0, $0xA;
	s2 =	sadd.s32 s3, s2  }
0x8d: {  	s2 =	sadd.s32 s2, s17  }
0x8e: {  	[smem:$0x3FC2] =	sst s2  }
0x8f: {  	_ = 	snop  }
0x90: {  	(tm) =	ssettm $0x1  }
0x91: {  	s18 =	sld [smem:$0x3FFB];
	_ =	sdelay $0x3  }
0x92: {  	_ =	strace s18  }
0x93: {  	s2 =	sld [smem:$0x3FFC];
	_ =	sdelay $0x3  }
0x94: {  	_ =	strace s2  }
0x95: {  	s2 =	sld [smem:$0x3FFD];
	_ =	sdelay $0x3  }
0x96: {  	_ =	strace s2  }
0x97: {  	_ =	strace $0x8FFFFFFF  }
0x98: {  	s19 =	sld [smem:$0x3FDB];
	_ =	sdelay $0x1  }
0x99: {  	s20 =	simm.s32 $_scs_section_size  }
0x9a: {  	s4 =	simm.s32 $_size__tile_overlayer_lowered;
	s5 =	simm.s32 $_tile_overlayer_lowered  }
0x9b: {  	s6 =	simm.s32 $0x1BFF;
	s21 =	sshll.u32 s5, $0x1;
	s3 =	sadd.s32 s20, s19  }
0x9c: {  	s22 =	simm.s32 $0x0;
	s4 =	sshll.u32 s4, $0x1;
	s5 =	sadd.s32 s21, s3  }
0x9d: {  	[timem:s22], [sflag:s6] =	dma.local [hbm:s5], s4  }
0x9e: {  	_ =	swait.ge [sflag:s6], s4  }
0x9f: {  	s4 =	ssub.s32 $0x0, s4;
	[sflag:s6] =	ssyncset.done $0x0  }
0xa0: {  	[sflag:s6] =	ssyncadd.s32 s4;
	_ =	sdelay $0x1  }
0xa1: {  	s23 =	simm.s32 $0x1B8B  }
0xa2: {  	_ =	swait.ge [sflag:s23], $0x1  }
0xa3: {  	[sflag:s23] =	ssyncset.done $0x0  }
0xa4: {  	[sflag:s23] =	ssyncadd.s32 $0xFFFFFFFF  }
0xa5: {  	s4 =	sld [smem:$0x0]  }
0xa6: {  	s5 =	sand.u32 $0xFFFFFFFE, s1  }
0xa7: {  	p0 =	sne.s32 s1, s5  }
0xa8: {  	s5 =	sshll.u32 @p0 s5, $0xE  }
0xa9: {  	s5 =	sadd.s32 @p0 $0x11B8D, s5;
	s6 =	sshll.u32 @p0 s4, $0x11  }
0xaa: {  	s5 =	sor.u32 @p0 s6, s5  }
0xab: {  	[sflag:s5] =	ssyncadd.remote.s32 @p0 $0x1;
	_ =	sdelay $0x1  }
0xac: {  	s5 =	simm.s32 @p0 $0x1B8D  }
0xad: {  	_ =	swait.eq @p0 [sflag:s5], $0x1  }
0xae: {  	[sflag:s5] =	ssyncadd.s32 @p0 $0xFFFFFFFF  }
0xaf: {  	s6 =	sshll.u32 @!p0 s1, $0xE  }
0xb0: {  	s6 =	sor.u32 @!p0 $0x4000, s6;
	s5 =	simm.s32 @!p0 $0x1B8D  }
0xb1: {  	s4 =	sshll.u32 @!p0 s4, $0x11;
	s6 =	sadd.s32 @!p0 $0x11B8D, s6;
	_ =	swait.eq @!p0 [sflag:s5], $0x1  }
0xb2: {  	s4 =	sor.u32 @!p0 s4, s6;
	[sflag:s5] =	ssyncadd.s32 @!p0 $0xFFFFFFFF  }
0xb3: {  	s25 =	simm.s32 $0x1B8E;
	s24 =	sld [smem:$0x3FFE];
	[sflag:s4] =	ssyncadd.remote.s32 @!p0 $0x1  }
0xb4: {  	s26 =	simm.s32 $execute0_lowered;
	[smem:$0x3FD2] =	sst s25  }
0xb5: {  	s5 =	sshll.u32 s26, $0x1;
	_ =	strace $0x80000050;
	[dreg:$0x1] =	wrdreg $0xFFFFFFFF  }
0xb6: {  	s28 =	simm.s32 $_size_execute0_lowered;
	s3 =	sadd.s32 s3, s5;
	[dreg:$0x0] =	wrdreg $0x0  }
0xb7: {  	s5 =	sshll.u32 s28, $0x1;
	[dreg:$0x2] =	wrdreg s3  }
0xb8: {  	[dreg:$0x3] =	wrdreg s5  }
0xb9: {  	[dreg:$0x4] =	wrdreg $0xC0  }
0xba: {  	_ =	task [dreg:s22], $0x5FFFF  }
0xbb: {  	[dreg:$0x1] =	wrdreg $0xFFFFFFFF  }
0xbc: {  	[dreg:$0x0] =	wrdreg $0x60  }
0xbd: {  	[dreg:$0x2] =	wrdreg s24  }
0xbe: {  	[dreg:$0x3] =	wrdreg $0xA  }
0xbf: {  	_ =	task.clear_ibuf [dreg:s22], $0x4FFFF;
	_ =	strace $0x90000050  }
0xc0: {  	s29 =	simm.s32 $0xA;
	_ =	strace $0x80000059  }
0xc1: {  	_ =	swait.ge [sflag:s29], $0x1  }
0xc2: {  	[sflag:s29] =	ssyncadd.s32 $0xFFFFFFFF  }
0xc3: {  	_ =	strace $0x90000059  }
0xc4: {  	_ =	sfence  }
0xc5: {  	s30 =	sld [smem:$0x0];
	_ =	sdelay $0x2  }
0xc6: {  	s31 =	sshll.u32 s1, $0xD;
	s1 =	sshrl.u32 s1, $0x2  }
0xc7: {  	s4 =	sand.u32 $0x4000, s31;
	s1 =	sadd.s32 s1, s30  }
0xc8: {  	s0 =	sor.u32 s4, s0;
	s1 =	sshll.u32 s1, $0x11  }
0xc9: {  	s0 =	sor.u32 s1, s0  }
0xca: {  	s0 =	sadd.s32 $0x8F2B, s0  }
0xcb: {  	[sflag:s0] =	ssyncadd.remote.s32 $0x1  }
0xcc: {  	_ =	sfence.sel $0xFFFF  }
0xcd: {  	[dreg:$0x0] =	wrdreg $0xFFFFFFFF;
	(pc) =	sbr.abs _section_cstart, $3  }
0xce: {  	[dreg:$0x1] =	wrdreg $0xFFFFFFFF  }
0xcf: {  	_ =	task.clear_ibuf [dreg:s22], $0x2FFFF;
	_ =	strace $0x9FFFFFFF  }
0xd0: {  	(tm) =	ssettm $0x7FFFFFFF  }
0xd1: {  	_ =	shalt  }
tec
execute0_lowered:
.L_overlay_start_1:
0x0: {  	(tag) =	ssettag $0x1  }
0x1: {  	s0 =	srdreg.scid  }
0x2: {  	s22 =	sand.u32 $0x1, s0  }
0x3: {  	s0 =	stileid.u32;
	s1 =	sshll.u32 s22, $0x4  }
0x4: {  	s11 =	sor.u32 s0, s1  }
0x5: {  	s10 =	rddreg [dreg:$0x0];
	s2 =	simm.s32 $0x0;
	s3 =	smul.u32 $0x500, s11  }
0x6: {  	[smem:$0x7FF] =	sst s2  }
0x7: {  	s1 =	rddreg [dreg:$0x1];
	_ =	strace $0x80000051;
	s19 =	sadd.s32 s3, s10  }
0x8: {  	_ =	strace $0x80000052;
	s3 =	sadd.s32 $0xE0000, s19  }
0x9: {  	[tilespmem:s2], [sflag:$0x1] =	stream.linear.gather [hbm4b:s3+s2], $0x800, $0x200038;
	[tilespmem:$0x11000] =	vst v63  }
0xa: {  	_ =	strace $0x90000052  }
0xb: {  	s5 =	simm.s32 $0x800;
	s4 =	sadd.s32 $0xE0100, s19;
	_ =	strace $0x80000053  }
0xc: {  	[tilespmem:s5], [sflag:$0x2] =	stream.linear.gather [hbm4b:s4+s2], $0x800, $0x200038;
	[tilespmem:$0x11000] =	vst v63  }
0xd: {  	_ =	strace $0x90000053  }
0xe: {  	s6 =	simm.s32 $0x1;
	_ =	strace $0x80000054  }
0xf: {  	_ =	swait.ge [sflag:s6], $0x800  }
0x10: {  	[sflag:s6] =	ssyncset.done $0x0  }
0x11: {  	[sflag:s6] =	ssyncadd.s32 $0xFFFFF800  }
0x12: {  	s8 =	simm.s32 $0x1000;
	_ =	strace $0x90000054  }
0x13: {  	s9 =	simm.s32 $0x5;
	s7 =	sadd.s32 $0x10E6400, s10;
	_ =	strace $0x80000055  }
0x14: {  	[tilespmem:s8], [sflag:$0x5] =	stream.indirect.gather [hbm4b:s7+s5], $0x10, s2, s5, $0x2000b8;
	[tilespmem:$0x11000] =	vst v63  }
0x15: {  	_ =	swait.ge [sflag:s9], $0x8000  }
0x16: {  	s11 =	smul.u32 $0x5000, s11;
	[sflag:s9] =	ssyncset.done $0x0  }
0x17: {  	[sflag:s9] =	ssyncadd.s32 $0xFFFF8000  }
0x18: {  	s21 =	sadd.s32 s11, s10;
	_ =	strace $0x90000055  }
0x19: {  	s10 =	sadd.s32 $0xEA000, s21;
	_ =	strace $0x80000056  }
0x1a: {  	[hbm4b:s10+s2] =	stream.linear.scatter [tilespmem:s8], [sflag:$0x3], $0x8000, $0x200038;
	[tilespmem:$0x11000] =	vst v63  }
0x1b: {  	_ =	strace $0x90000056  }
0x1c: {  	s11 =	sadd.s32 $0xE0200, s19;
	_ =	strace $0x80000053  }
0x1d: {  	[tilespmem:s2], [sflag:$0x1] =	stream.linear.gather [hbm4b:s11+s2], $0x800, $0x200038;
	[tilespmem:$0x11000] =	vst v63  }
0x1e: {  	_ =	strace $0x90000053  }
0x1f: {  	s12 =	simm.s32 $0x2;
	_ =	strace $0x80000054  }
0x20: {  	_ =	swait.ge [sflag:s12], $0x800  }
0x21: {  	[sflag:s12] =	ssyncset.done $0x0  }
0x22: {  	[sflag:s12] =	ssyncadd.s32 $0xFFFFF800  }
0x23: {  	_ =	strace $0x90000054  }
0x24: {  	s13 =	simm.s32 $0x9000;
	_ =	strace $0x80000055  }
0x25: {  	[tilespmem:s13], [sflag:$0x5] =	stream.indirect.gather [hbm4b:s7+s5], $0x10, s5, s5, $0x2000b8;
	[tilespmem:$0x11000] =	vst v63  }
0x26: {  	_ =	swait.ge [sflag:s9], $0x8000  }
0x27: {  	[sflag:s9] =	ssyncset.done $0x0  }
0x28: {  	[sflag:s9] =	ssyncadd.s32 $0xFFFF8000  }
0x29: {  	_ =	strace $0x90000055  }
0x2a: {  	s14 =	sadd.s32 $0xEB000, s21;
	_ =	strace $0x80000056  }
0x2b: {  	[hbm4b:s14+s2] =	stream.linear.scatter [tilespmem:s13], [sflag:$0x4], $0x8000, $0x200038;
	[tilespmem:$0x11000] =	vst v63  }
0x2c: {  	_ =	strace $0x90000056  }
0x2d: {  	s15 =	simm.s32 $0x3;
	_ =	strace $0x80000057  }
0x2e: {  	_ =	swait.ge [sflag:s15], $0x8000  }
0x2f: {  	[sflag:s15] =	ssyncset.done $0x0  }
0x30: {  	[sflag:s15] =	ssyncadd.s32 $0xFFFF8000  }
0x31: {  	_ =	strace $0x90000057  }
0x32: {  	s16 =	sadd.s32 $0xE0300, s19;
	_ =	strace $0x80000053  }
0x33: {  	[tilespmem:s5], [sflag:$0x2] =	stream.linear.gather [hbm4b:s16+s2], $0x800, $0x200038;
	[tilespmem:$0x11000] =	vst v63  }
0x34: {  	_ =	strace $0x90000053  }
0x35: {  	_ =	strace $0x80000054  }
0x36: {  	_ =	swait.ge [sflag:s6], $0x800  }
0x37: {  	[sflag:s6] =	ssyncset.done $0x0  }
0x38: {  	[sflag:s6] =	ssyncadd.s32 $0xFFFFF800  }
0x39: {  	_ =	strace $0x90000054  }
0x3a: {  	_ =	strace $0x80000055  }
0x3b: {  	[tilespmem:s8], [sflag:$0x5] =	stream.indirect.gather [hbm4b:s7+s5], $0x10, s2, s5, $0x2000b8;
	[tilespmem:$0x11000] =	vst v63  }
0x3c: {  	_ =	swait.ge [sflag:s9], $0x8000  }
0x3d: {  	[sflag:s9] =	ssyncset.done $0x0  }
0x3e: {  	[sflag:s9] =	ssyncadd.s32 $0xFFFF8000  }
0x3f: {  	_ =	strace $0x90000055  }
0x40: {  	s17 =	sadd.s32 $0xEC000, s21;
	_ =	strace $0x80000056  }
0x41: {  	[hbm4b:s17+s2] =	stream.linear.scatter [tilespmem:s8], [sflag:$0x3], $0x8000, $0x200038;
	[tilespmem:$0x11000] =	vst v63  }
0x42: {  	_ =	strace $0x90000056  }
0x43: {  	s18 =	simm.s32 $0x4;
	_ =	strace $0x80000057  }
0x44: {  	_ =	swait.ge [sflag:s18], $0x8000  }
0x45: {  	[sflag:s18] =	ssyncset.done $0x0  }
0x46: {  	[sflag:s18] =	ssyncadd.s32 $0xFFFF8000  }
0x47: {  	_ =	strace $0x90000057  }
0x48: {  	s19 =	sadd.s32 $0xE0400, s19;
	_ =	strace $0x80000053  }
0x49: {  	[tilespmem:s2], [sflag:$0x1] =	stream.linear.gather [hbm4b:s19+s2], $0x800, $0x200038;
	[tilespmem:$0x11000] =	vst v63  }
0x4a: {  	_ =	strace $0x90000053  }
0x4b: {  	_ =	strace $0x80000054  }
0x4c: {  	_ =	swait.ge [sflag:s12], $0x800  }
0x4d: {  	[sflag:s12] =	ssyncset.done $0x0  }
0x4e: {  	[sflag:s12] =	ssyncadd.s32 $0xFFFFF800  }
0x4f: {  	_ =	strace $0x90000054  }
0x50: {  	_ =	strace $0x80000055  }
0x51: {  	[tilespmem:s13], [sflag:$0x5] =	stream.indirect.gather [hbm4b:s7+s5], $0x10, s5, s5, $0x2000b8;
	[tilespmem:$0x11000] =	vst v63  }
0x52: {  	_ =	swait.ge [sflag:s9], $0x8000  }
0x53: {  	[sflag:s9] =	ssyncset.done $0x0  }
0x54: {  	[sflag:s9] =	ssyncadd.s32 $0xFFFF8000  }
0x55: {  	_ =	strace $0x90000055  }
0x56: {  	s20 =	sadd.s32 $0xED000, s21;
	_ =	strace $0x80000056  }
0x57: {  	[hbm4b:s20+s2] =	stream.linear.scatter [tilespmem:s13], [sflag:$0x4], $0x8000, $0x200038;
	[tilespmem:$0x11000] =	vst v63  }
0x58: {  	_ =	strace $0x90000056  }
0x59: {  	_ =	strace $0x80000057  }
0x5a: {  	_ =	swait.ge [sflag:s15], $0x8000  }
0x5b: {  	[sflag:s15] =	ssyncset.done $0x0  }
0x5c: {  	[sflag:s15] =	ssyncadd.s32 $0xFFFF8000  }
0x5d: {  	_ =	strace $0x90000057  }
0x5e: {  	_ =	strace $0x80000054  }
0x5f: {  	_ =	swait.ge [sflag:s6], $0x800  }
0x60: {  	[sflag:s6] =	ssyncset.done $0x0  }
0x61: {  	[sflag:s6] =	ssyncadd.s32 $0xFFFFF800  }
0x62: {  	_ =	strace $0x90000054  }
0x63: {  	_ =	strace $0x80000055  }
0x64: {  	[tilespmem:s8], [sflag:$0x5] =	stream.indirect.gather [hbm4b:s7+s5], $0x10, s2, s5, $0x2000b8;
	[tilespmem:$0x11000] =	vst v63  }
0x65: {  	_ =	swait.ge [sflag:s9], $0x8000  }
0x66: {  	[sflag:s9] =	ssyncset.done $0x0  }
0x67: {  	[sflag:s9] =	ssyncadd.s32 $0xFFFF8000  }
0x68: {  	_ =	strace $0x90000055  }
0x69: {  	s21 =	sadd.s32 $0xEE000, s21;
	_ =	strace $0x80000056  }
0x6a: {  	[hbm4b:s21+s2] =	stream.linear.scatter [tilespmem:s8], [sflag:$0x3], $0x8000, $0x200038;
	[tilespmem:$0x11000] =	vst v63  }
0x6b: {  	s22 =	ssub.s32 $0x2, s22;
	_ =	strace $0x90000056  }
0x6c: {  	s23 =	sshrl.u32 s22, $0x1;
	_ =	strace $0x80000057  }
0x6d: {  	s22 =	ssub.s32 s22, s23;
	_ =	swait.ge [sflag:s18], $0x8000  }
0x6e: {  	s22 =	smax.u32 s22, $0x1;
	[sflag:s18] =	ssyncset.done $0x0  }
0x6f: {  	p0 =	sne.s32 s22, $0x1;
	[sflag:s18] =	ssyncadd.s32 $0xFFFF8000  }
.Ltmp0:
0x70: {  	_ =	strace $0x90000057;
	(pc) =	sbr.rel @!p0 .LBB2_2-.Ltmp0, $4  }
0x71: {  	_ =	strace $0x80000058  }
0x72: {  	_ =	swait.ge [sflag:s15], $0x8000  }
0x73: {  	[sflag:s15] =	ssyncset.done $0x0  }
0x74: {  	s22 =	sadd.s32 $0xFFFFFFFF, s22;
	[sflag:s15] =	ssyncadd.s32 $0xFFFF8000  }
.LBB2_1:
0x75: {  	p0 =	sne.s32 s22, $0x1;
	s22 =	sadd.s32 $0xFFFFFFFF, s22;
	_ =	strace $0x90000058  }
0x76: {  	_ =	strace $0x80000052  }
0x77: {  	[tilespmem:s2], [sflag:$0x1] =	stream.linear.gather [hbm4b:s3+s2], $0x800, $0x200038;
	[tilespmem:$0x11000] =	vst v63  }
0x78: {  	_ =	strace $0x90000052  }
0x79: {  	_ =	strace $0x80000053  }
0x7a: {  	[tilespmem:s5], [sflag:$0x2] =	stream.linear.gather [hbm4b:s4+s2], $0x800, $0x200038;
	[tilespmem:$0x11000] =	vst v63  }
0x7b: {  	_ =	strace $0x90000053  }
0x7c: {  	_ =	strace $0x80000054  }
0x7d: {  	_ =	swait.ge [sflag:s6], $0x800  }
0x7e: {  	[sflag:s6] =	ssyncset.done $0x0  }
0x7f: {  	[sflag:s6] =	ssyncadd.s32 $0xFFFFF800  }
0x80: {  	_ =	strace $0x90000054  }
0x81: {  	_ =	strace $0x80000055  }
0x82: {  	[tilespmem:s8], [sflag:$0x5] =	stream.indirect.gather [hbm4b:s7+s5], $0x10, s2, s5, $0x2000b8;
	[tilespmem:$0x11000] =	vst v63  }
0x83: {  	_ =	swait.ge [sflag:s9], $0x8000  }
0x84: {  	[sflag:s9] =	ssyncset.done $0x0  }
0x85: {  	[sflag:s9] =	ssyncadd.s32 $0xFFFF8000  }
0x86: {  	_ =	strace $0x90000055  }
0x87: {  	_ =	strace $0x80000056  }
0x88: {  	[hbm4b:s10+s2] =	stream.linear.scatter [tilespmem:s8], [sflag:$0x3], $0x8000, $0x200038;
	[tilespmem:$0x11000] =	vst v63  }
0x89: {  	_ =	strace $0x90000056  }
0x8a: {  	_ =	strace $0x80000053  }
0x8b: {  	[tilespmem:s2], [sflag:$0x1] =	stream.linear.gather [hbm4b:s11+s2], $0x800, $0x200038;
	[tilespmem:$0x11000] =	vst v63  }
0x8c: {  	_ =	strace $0x90000053  }
0x8d: {  	_ =	strace $0x80000054  }
0x8e: {  	_ =	swait.ge [sflag:s12], $0x800  }
0x8f: {  	[sflag:s12] =	ssyncset.done $0x0  }
0x90: {  	[sflag:s12] =	ssyncadd.s32 $0xFFFFF800  }
0x91: {  	_ =	strace $0x90000054  }
0x92: {  	_ =	strace $0x80000055  }
0x93: {  	[tilespmem:s13], [sflag:$0x5] =	stream.indirect.gather [hbm4b:s7+s5], $0x10, s5, s5, $0x2000b8;
	[tilespmem:$0x11000] =	vst v63  }
0x94: {  	_ =	swait.ge [sflag:s9], $0x8000  }
0x95: {  	[sflag:s9] =	ssyncset.done $0x0  }
0x96: {  	[sflag:s9] =	ssyncadd.s32 $0xFFFF8000  }
0x97: {  	_ =	strace $0x90000055  }
0x98: {  	_ =	strace $0x80000056  }
0x99: {  	[hbm4b:s14+s2] =	stream.linear.scatter [tilespmem:s13], [sflag:$0x4], $0x8000, $0x200038;
	[tilespmem:$0x11000] =	vst v63  }
0x9a: {  	_ =	strace $0x90000056  }
0x9b: {  	_ =	strace $0x80000057  }
0x9c: {  	_ =	swait.ge [sflag:s15], $0x8000  }
0x9d: {  	[sflag:s15] =	ssyncset.done $0x0  }
0x9e: {  	[sflag:s15] =	ssyncadd.s32 $0xFFFF8000  }
0x9f: {  	_ =	strace $0x90000057  }
0xa0: {  	_ =	strace $0x80000053  }
0xa1: {  	[tilespmem:s5], [sflag:$0x2] =	stream.linear.gather [hbm4b:s16+s2], $0x800, $0x200038;
	[tilespmem:$0x11000] =	vst v63  }
0xa2: {  	_ =	strace $0x90000053  }
0xa3: {  	_ =	strace $0x80000054  }
0xa4: {  	_ =	swait.ge [sflag:s6], $0x800  }
0xa5: {  	[sflag:s6] =	ssyncset.done $0x0  }
0xa6: {  	[sflag:s6] =	ssyncadd.s32 $0xFFFFF800  }
0xa7: {  	_ =	strace $0x90000054  }
0xa8: {  	_ =	strace $0x80000055  }
0xa9: {  	[tilespmem:s8], [sflag:$0x5] =	stream.indirect.gather [hbm4b:s7+s5], $0x10, s2, s5, $0x2000b8;
	[tilespmem:$0x11000] =	vst v63  }
0xaa: {  	_ =	swait.ge [sflag:s9], $0x8000  }
0xab: {  	[sflag:s9] =	ssyncset.done $0x0  }
0xac: {  	[sflag:s9] =	ssyncadd.s32 $0xFFFF8000  }
0xad: {  	_ =	strace $0x90000055  }
0xae: {  	_ =	strace $0x80000056  }
0xaf: {  	[hbm4b:s17+s2] =	stream.linear.scatter [tilespmem:s8], [sflag:$0x3], $0x8000, $0x200038;
	[tilespmem:$0x11000] =	vst v63  }
0xb0: {  	_ =	strace $0x90000056  }
0xb1: {  	_ =	strace $0x80000057  }
0xb2: {  	_ =	swait.ge [sflag:s18], $0x8000  }
0xb3: {  	[sflag:s18] =	ssyncset.done $0x0  }
0xb4: {  	[sflag:s18] =	ssyncadd.s32 $0xFFFF8000  }
0xb5: {  	_ =	strace $0x90000057  }
0xb6: {  	_ =	strace $0x80000053  }
0xb7: {  	[tilespmem:s2], [sflag:$0x1] =	stream.linear.gather [hbm4b:s19+s2], $0x800, $0x200038;
	[tilespmem:$0x11000] =	vst v63  }
0xb8: {  	_ =	strace $0x90000053  }
0xb9: {  	_ =	strace $0x80000054  }
0xba: {  	_ =	swait.ge [sflag:s12], $0x800  }
0xbb: {  	[sflag:s12] =	ssyncset.done $0x0  }
0xbc: {  	[sflag:s12] =	ssyncadd.s32 $0xFFFFF800  }
0xbd: {  	_ =	strace $0x90000054  }
0xbe: {  	_ =	strace $0x80000055  }
0xbf: {  	[tilespmem:s13], [sflag:$0x5] =	stream.indirect.gather [hbm4b:s7+s5], $0x10, s5, s5, $0x2000b8;
	[tilespmem:$0x11000] =	vst v63  }
0xc0: {  	_ =	swait.ge [sflag:s9], $0x8000  }
0xc1: {  	[sflag:s9] =	ssyncset.done $0x0  }
0xc2: {  	[sflag:s9] =	ssyncadd.s32 $0xFFFF8000  }
0xc3: {  	_ =	strace $0x90000055  }
0xc4: {  	_ =	strace $0x80000056  }
0xc5: {  	[hbm4b:s20+s2] =	stream.linear.scatter [tilespmem:s13], [sflag:$0x4], $0x8000, $0x200038;
	[tilespmem:$0x11000] =	vst v63  }
0xc6: {  	_ =	strace $0x90000056  }
0xc7: {  	_ =	strace $0x80000057  }
0xc8: {  	_ =	swait.ge [sflag:s15], $0x8000  }
0xc9: {  	[sflag:s15] =	ssyncset.done $0x0  }
0xca: {  	[sflag:s15] =	ssyncadd.s32 $0xFFFF8000  }
0xcb: {  	_ =	strace $0x90000057  }
0xcc: {  	_ =	strace $0x80000054  }
0xcd: {  	_ =	swait.ge [sflag:s6], $0x800  }
0xce: {  	[sflag:s6] =	ssyncset.done $0x0  }
0xcf: {  	[sflag:s6] =	ssyncadd.s32 $0xFFFFF800  }
0xd0: {  	_ =	strace $0x90000054  }
0xd1: {  	_ =	strace $0x80000055  }
0xd2: {  	[tilespmem:s8], [sflag:$0x5] =	stream.indirect.gather [hbm4b:s7+s5], $0x10, s2, s5, $0x2000b8;
	[tilespmem:$0x11000] =	vst v63  }
0xd3: {  	_ =	swait.ge [sflag:s9], $0x8000  }
0xd4: {  	[sflag:s9] =	ssyncset.done $0x0  }
0xd5: {  	[sflag:s9] =	ssyncadd.s32 $0xFFFF8000  }
0xd6: {  	_ =	strace $0x90000055  }
0xd7: {  	_ =	strace $0x80000056  }
0xd8: {  	[hbm4b:s21+s2] =	stream.linear.scatter [tilespmem:s8], [sflag:$0x3], $0x8000, $0x200038;
	[tilespmem:$0x11000] =	vst v63  }
0xd9: {  	_ =	strace $0x90000056  }
0xda: {  	_ =	strace $0x80000057  }
0xdb: {  	_ =	swait.ge [sflag:s18], $0x8000  }
0xdc: {  	[sflag:s18] =	ssyncset.done $0x0  }
0xdd: {  	[sflag:s18] =	ssyncadd.s32 $0xFFFF8000  }
.Ltmp1:
0xde: {  	_ =	strace $0x90000057;
	(pc) =	sbr.rel @p0 .LBB2_1-.Ltmp1, $4  }
0xdf: {  	_ =	strace $0x80000058  }
0xe0: {  	_ =	swait.ge [sflag:s15], $0x8000  }
0xe1: {  	[sflag:s15] =	ssyncset.done $0x0  }
0xe2: {  	[sflag:s15] =	ssyncadd.s32 $0xFFFF8000  }
.LBB2_2:
0xe3: {  	_ =	strace $0x90000058  }
0xe4: {  	_ =	sfence.sel $0x180000  }
0xe5: {  	[bflag:$0x0] =	sbarrier.arrive $0xFFFF  }
0xe6: {  	p0 =	sne.s32 s0, $0x0;
	_ =	strace $0x90000051  }
0xe7: {  	s0 =	sadd.s32 @!p0 $0x100000, s1;
	[bflag:$0x2] =	sbarrier.arrive $0xFFFF  }
0xe8: {  	[sflag:s0] =	ssyncadd.tile.s32 @!p0 $0x1;
	_ =	shalt  }
.Lfunc_end2:
_tile_overlayer_lowered:
.L_overlay_start_2:
0xe9: {  	(tag) =	ssettag $0x2  }
0xea: {  	s0 =	rddreg [dreg:$0x0];
	s2 =	stileid.u32  }
0xeb: {  	s1 =	rddreg [dreg:$0x1];
	p0 =	sne.s32 s2, $0x0  }
0xec: {  	s3 =	rddreg [dreg:$0x2];
	[bflag:$0x3] =	sbarrier.arrive $0xFFFF;
	s2 =	simm.s32 @!p0 $0x1C01  }
0xed: {  	[timem:s3], [sflag:s2] =	dma.local @!p0 [hbm:s0], s1  }
0xee: {  	s0 =	simm.s32 @!p0 $0x1  }
0xef: {  	_ =	swait.ge @!p0 [sflag:s0], s1  }
0xf0: {  	s1 =	ssub.s32 @!p0 $0x0, s1;
	[sflag:s0] =	ssyncset.done @!p0 $0x0  }
0xf1: {  	[sflag:s0] =	ssyncadd.s32 @!p0 s1  }
0xf2: {  	[bflag:$0x3] =	sbarrier.arrive $0xFFFF  }
0xf3: {  	_ =	shalt  }

// kernel: kernel.24.cloned.1.call-start
scs
__scs_entry_jumppad:
0x0: {  	(pc) =	sbr.rel $0x88, $3  }
0x1: {  	(tag) =	ssettag $0x0;
	lr =	simm.s32 $0x1  }
0x2: {  	[smem:$0x3F9B] =	sst lr;
	_ =	strace $0xD0000000  }
0x3: {  	_ = 	snop  }
0x4: {  	_ = 	snop  }
0x5: {  	_ = 	snop  }
0x6: {  	_ = 	snop  }
0x7: {  	_ = 	snop  }
__scs_overlays_trampoline_lowered:
0x8: {  	[smem:$0x3FAA] =	sst s0  }
0x9: {  	[smem:$0x3FAB] =	sst s1  }
0xa: {  	[smem:$0x3FAC] =	sst s2  }
0xb: {  	[smem:$0x3FAD] =	sst s3  }
0xc: {  	[smem:$0x3FAE] =	sst s4  }
0xd: {  	[smem:$0x3FAF] =	sst s5  }
0xe: {  	[smem:$0x3FB0] =	sst s6  }
0xf: {  	[smem:$0x3FB1] =	sst s7  }
0x10: {  	[smem:$0x3FB2] =	sst s8  }
0x11: {  	[smem:$0x3FB3] =	sst s9;
	s0 =	simm.s32 @!p0 $0x0  }
0x12: {  	s1 =	sld [smem:$0x3F99];
	s0 =	simm.s32 @p0 $0x1  }
0x13: {  	[smem:$0x3FB4] =	sst s0;
	s0 =	simm.s32 @!p1 $0x0  }
0x14: {  	s2 =	sld [smem:$0x3F98];
	s0 =	simm.s32 @p1 $0x1  }
0x15: {  	[smem:$0x3FB5] =	sst s0;
	s0 =	simm.s32 @!p2 $0x0  }
0x16: {  	s3 =	sld [smem:$0x3FDB];
	s0 =	simm.s32 @p2 $0x1  }
0x17: {  	s4 =	simm.s32 $0x1BF5;
	[smem:$0x3FB7] =	sst s0  }
0x18: {  	s0 =	sld [smem:$0x3F9A];
	_ =	swait.ge [sflag:s4], $0x0  }
0x19: {  	s7 =	sld [smem:$0x3F9B]  }
0x1a: {  	s8 =	sadd.s32 $0xFFFFE003, lr  }
0x1b: {  	s9 =	sadd.s32 $0xFFFFFEF7, lr;
	s5 =	simm.s32 $0xFFFFFFFF;
	p2 =	slt.u32 s8, $0xFFFFF086  }
0x1c: {  	p1 =	slt.u32 s9, $0xF7A;
	s5 =	simm.s32 @!p2 $0x0  }
0x1d: {  	s5 =	simm.s32 @p1 $0x1;
	p0 =	seq.s32 s7, s2  }
0x1e: {  	s7 =	smul.u32 @!p0 $0xF7A, s2;
	p2 =	seq.s32 @!p0 s5, $0x0  }
0x1f: {  	s9 =	smul.u32 $0xF7A, s1;
	s8 =	simm.s32 @!p0 $0x1BF5;
	p2 =	por !p2, p0  }
0x20: {  	[sflag:s8] =	ssyncset.s32 @!p0 $0xFFFFF086;
	s6 =	sadd.s32 @!p0 s3, s7;
	s7 =	simm.s32 @!p0 $0x108  }
0x21: {  	s3 =	sadd.s32 s3, s9;
	s6 =	sadd.s32 @!p0 $0x88, s6;
	s7 =	simm.s32 @p2 $0x1082  }
0x22: {  	[simem:s7], [sflag:s8] =	dma.local @!p0 [hbm:s6], $0xF7A  }
0x23: {  	s9 =	sor.u32 $0xD0000000, s2;
	s6 =	simm.s32 $0x108;
	_ =	swait.ge @!p0 [sflag:s8], $0x0  }
0x24: {  	s3 =	sadd.s32 $0x88, s3;
	s6 =	simm.s32 @!p1 $0x1082;
	[sflag:s4] =	ssyncset.s32 $0xFFFFF086  }
0x25: {  	[simem:s6], [sflag:s4] =	dma.local [hbm:s3], $0xF7A  }
0x26: {  	[smem:$0x3F9B] =	sst s1;
	(tag) =	ssettag s2;
	_ =	strace s9  }
0x27: {  	s1 =	sld [smem:$0x3FAB]  }
0x28: {  	s2 =	sld [smem:$0x3FAC]  }
0x29: {  	s4 =	sld [smem:$0x3FAE]  }
0x2a: {  	p0 =	seq.s32 s5, $0x0;
	s5 =	sld [smem:$0x3FAF]  }
0x2b: {  	s6 =	sld [smem:$0x3FB0]  }
0x2c: {  	s7 =	sld [smem:$0x3FB1]  }
0x2d: {  	s3 =	simm.s32 $0x108;
	s8 =	sld [smem:$0x3FB2]  }
0x2e: {  	s3 =	simm.s32 @!p0 $0x1082;
	s9 =	sld [smem:$0x3FB3]  }
0x2f: {  	lr =	sadd.s32 s0, s3;
	s0 =	sld [smem:$0x3FAA]  }
0x30: {  	s3 =	sld [smem:$0x3FAD]  }
0x31: {  	[smem:$0x3FB6] =	sst s10  }
0x32: {  	s10 =	sld [smem:$0x3FB4];
	_ =	sdelay $0x3  }
0x33: {  	p0 =	seq.s32 s10, $0x1;
	s10 =	sld [smem:$0x3FB6];
	_ =	sdelay $0x3  }
0x34: {  	[smem:$0x3FB6] =	sst s10  }
0x35: {  	s10 =	sld [smem:$0x3FB5];
	_ =	sdelay $0x3  }
0x36: {  	p1 =	seq.s32 s10, $0x1;
	s10 =	sld [smem:$0x3FB6];
	_ =	sdelay $0x3  }
0x37: {  	[smem:$0x3FB6] =	sst s10  }
0x38: {  	s10 =	sld [smem:$0x3FB7]  }
0x39: {  	_ = 	snop;
	(pc) =	sbr.ind lr, $3  }
0x3a: {  	_ = 	snop  }
0x3b: {  	_ = 	snop  }
0x3c: {  	p2 =	seq.s32 s10, $0x1;
	s10 =	sld [smem:$0x3FB6]  }
0x3d: {  	_ =	shalt  }
0x3e: {  	_ =	shalt  }
0x3f: {  	_ =	shalt  }
0x40: {  	_ =	shalt  }
0x41: {  	_ =	shalt  }
0x42: {  	_ =	shalt  }
0x43: {  	_ =	shalt  }
0x44: {  	_ =	shalt  }
0x45: {  	_ =	shalt  }
0x46: {  	_ =	shalt  }
0x47: {  	_ =	shalt  }
0x48: {  	_ =	shalt  }
0x49: {  	_ =	shalt  }
0x4a: {  	_ =	shalt  }
0x4b: {  	_ =	shalt  }
0x4c: {  	_ =	shalt  }
0x4d: {  	_ =	shalt  }
0x4e: {  	_ =	shalt  }
0x4f: {  	_ =	shalt  }
0x50: {  	_ =	shalt  }
0x51: {  	_ =	shalt  }
0x52: {  	_ =	shalt  }
0x53: {  	_ =	shalt  }
0x54: {  	_ =	shalt  }
0x55: {  	_ =	shalt  }
0x56: {  	_ =	shalt  }
0x57: {  	_ =	shalt  }
0x58: {  	_ =	shalt  }
0x59: {  	_ =	shalt  }
0x5a: {  	_ =	shalt  }
0x5b: {  	_ =	shalt  }
0x5c: {  	_ =	shalt  }
0x5d: {  	_ =	shalt  }
0x5e: {  	_ =	shalt  }
0x5f: {  	_ =	shalt  }
0x60: {  	_ =	shalt  }
0x61: {  	_ =	shalt  }
0x62: {  	_ =	shalt  }
0x63: {  	_ =	shalt  }
0x64: {  	_ =	shalt  }
0x65: {  	_ =	shalt  }
0x66: {  	_ =	shalt  }
0x67: {  	_ =	shalt  }
0x68: {  	_ =	shalt  }
0x69: {  	_ =	shalt  }
0x6a: {  	_ =	shalt  }
0x6b: {  	_ =	shalt  }
0x6c: {  	_ =	shalt  }
0x6d: {  	_ =	shalt  }
0x6e: {  	_ =	shalt  }
0x6f: {  	_ =	shalt  }
0x70: {  	_ =	shalt  }
0x71: {  	_ =	shalt  }
0x72: {  	_ =	shalt  }
0x73: {  	_ =	shalt  }
0x74: {  	_ =	shalt  }
0x75: {  	_ =	shalt  }
0x76: {  	_ =	shalt  }
0x77: {  	_ =	shalt  }
0x78: {  	_ =	shalt  }
0x79: {  	_ =	shalt  }
0x7a: {  	_ =	shalt  }
0x7b: {  	_ =	shalt  }
0x7c: {  	_ =	shalt  }
0x7d: {  	_ =	shalt  }
0x7e: {  	_ =	shalt  }
0x7f: {  	_ =	shalt  }
0x80: {  	_ =	shalt  }
0x81: {  	_ =	shalt  }
0x82: {  	_ =	shalt  }
0x83: {  	_ =	shalt  }
0x84: {  	_ =	shalt  }
0x85: {  	_ =	shalt  }
0x86: {  	_ =	shalt  }
0x87: {  	_ =	shalt  }
.Lfunc_end0:
.L_simem_size_0:
called_computation.2_lowered:
.L_overlay_start_0:
0x88: {  	s2 =	sld [smem:$0x3FD9]  }
0x89: {  	s3 =	sld [smem:$0x3FFE];
	_ =	sdelay $0x1  }
0x8a: {  	s1 =	srdreg.scid  }
0x8b: {  	s0 =	sand.u32 $0x1, s1  }
0x8c: {  	s17 =	sshll.u32 s0, $0xA;
	s2 =	sadd.s32 s3, s2  }
0x8d: {  	s2 =	sadd.s32 s2, s17  }
0x8e: {  	[smem:$0x3FC2] =	sst s2  }
0x8f: {  	_ = 	snop  }
0x90: {  	(tm) =	ssettm $0x1  }
0x91: {  	s18 =	sld [smem:$0x3FFB];
	_ =	sdelay $0x3  }
0x92: {  	_ =	strace s18  }
0x93: {  	s2 =	sld [smem:$0x3FFC];
	_ =	sdelay $0x3  }
0x94: {  	_ =	strace s2  }
0x95: {  	s2 =	sld [smem:$0x3FFD];
	_ =	sdelay $0x3  }
0x96: {  	_ =	strace s2  }
0x97: {  	_ =	strace $0x8FFFFFFF  }
0x98: {  	s19 =	sld [smem:$0x3FDB];
	_ =	sdelay $0x1  }
0x99: {  	s20 =	simm.s32 $_scs_section_size  }
0x9a: {  	s4 =	simm.s32 $_size__tile_overlayer_lowered;
	s5 =	simm.s32 $_tile_overlayer_lowered  }
0x9b: {  	s6 =	simm.s32 $0x1BFF;
	s21 =	sshll.u32 s5, $0x1;
	s3 =	sadd.s32 s20, s19  }
0x9c: {  	s22 =	simm.s32 $0x0;
	s4 =	sshll.u32 s4, $0x1;
	s5 =	sadd.s32 s21, s3  }
0x9d: {  	[timem:s22], [sflag:s6] =	dma.local [hbm:s5], s4  }
0x9e: {  	_ =	swait.ge [sflag:s6], s4  }
0x9f: {  	s4 =	ssub.s32 $0x0, s4;
	[sflag:s6] =	ssyncset.done $0x0  }
0xa0: {  	[sflag:s6] =	ssyncadd.s32 s4;
	_ =	sdelay $0x1  }
0xa1: {  	s23 =	simm.s32 $0x1B8B  }
0xa2: {  	_ =	swait.ge [sflag:s23], $0x1  }
0xa3: {  	[sflag:s23] =	ssyncset.done $0x0  }
0xa4: {  	[sflag:s23] =	ssyncadd.s32 $0xFFFFFFFF  }
0xa5: {  	s4 =	sld [smem:$0x0]  }
0xa6: {  	s5 =	sand.u32 $0xFFFFFFFE, s1  }
0xa7: {  	p0 =	sne.s32 s1, s5  }
0xa8: {  	s5 =	sshll.u32 @p0 s5, $0xE  }
0xa9: {  	s5 =	sadd.s32 @p0 $0x11B8D, s5;
	s6 =	sshll.u32 @p0 s4, $0x11  }
0xaa: {  	s5 =	sor.u32 @p0 s6, s5  }
0xab: {  	[sflag:s5] =	ssyncadd.remote.s32 @p0 $0x1;
	_ =	sdelay $0x1  }
0xac: {  	s5 =	simm.s32 @p0 $0x1B8D  }
0xad: {  	_ =	swait.eq @p0 [sflag:s5], $0x1  }
0xae: {  	[sflag:s5] =	ssyncadd.s32 @p0 $0xFFFFFFFF  }
0xaf: {  	s6 =	sshll.u32 @!p0 s1, $0xE  }
0xb0: {  	s6 =	sor.u32 @!p0 $0x4000, s6;
	s5 =	simm.s32 @!p0 $0x1B8D  }
0xb1: {  	s4 =	sshll.u32 @!p0 s4, $0x11;
	s6 =	sadd.s32 @!p0 $0x11B8D, s6;
	_ =	swait.eq @!p0 [sflag:s5], $0x1  }
0xb2: {  	s4 =	sor.u32 @!p0 s4, s6;
	[sflag:s5] =	ssyncadd.s32 @!p0 $0xFFFFFFFF  }
0xb3: {  	s25 =	simm.s32 $0x1B8E;
	s24 =	sld [smem:$0x3FFE];
	[sflag:s4] =	ssyncadd.remote.s32 @!p0 $0x1  }
0xb4: {  	s26 =	simm.s32 $execute0_lowered;
	[smem:$0x3FD2] =	sst s25  }
0xb5: {  	s5 =	sshll.u32 s26, $0x1;
	_ =	strace $0x8000005A;
	[dreg:$0x1] =	wrdreg $0xFFFFFFFF  }
0xb6: {  	s28 =	simm.s32 $_size_execute0_lowered;
	s3 =	sadd.s32 s3, s5;
	[dreg:$0x0] =	wrdreg $0x0  }
0xb7: {  	s5 =	sshll.u32 s28, $0x1;
	[dreg:$0x2] =	wrdreg s3  }
0xb8: {  	[dreg:$0x3] =	wrdreg s5  }
0xb9: {  	[dreg:$0x4] =	wrdreg $0xC0  }
0xba: {  	_ =	task [dreg:s22], $0x5FFFF  }
0xbb: {  	[dreg:$0x1] =	wrdreg $0xFFFFFFFF  }
0xbc: {  	[dreg:$0x0] =	wrdreg $0x60  }
0xbd: {  	[dreg:$0x2] =	wrdreg s24  }
0xbe: {  	[dreg:$0x3] =	wrdreg $0xB  }
0xbf: {  	_ =	task.clear_ibuf [dreg:s22], $0x4FFFF;
	_ =	strace $0x9000005A  }
0xc0: {  	s29 =	simm.s32 $0xB;
	_ =	strace $0x80000063  }
0xc1: {  	_ =	swait.ge [sflag:s29], $0x1  }
0xc2: {  	[sflag:s29] =	ssyncadd.s32 $0xFFFFFFFF  }
0xc3: {  	_ =	strace $0x90000063  }
0xc4: {  	_ =	sfence  }
0xc5: {  	s30 =	sld [smem:$0x0];
	_ =	sdelay $0x2  }
0xc6: {  	s31 =	sshll.u32 s1, $0xD;
	s1 =	sshrl.u32 s1, $0x2  }
0xc7: {  	s4 =	sand.u32 $0x4000, s31;
	s1 =	sadd.s32 s1, s30  }
0xc8: {  	s0 =	sor.u32 s4, s0;
	s1 =	sshll.u32 s1, $0x11  }
0xc9: {  	s0 =	sor.u32 s1, s0  }
0xca: {  	s0 =	sadd.s32 $0x8F2B, s0  }
0xcb: {  	[sflag:s0] =	ssyncadd.remote.s32 $0x1  }
0xcc: {  	_ =	sfence.sel $0xFFFF  }
0xcd: {  	[dreg:$0x0] =	wrdreg $0xFFFFFFFF;
	(pc) =	sbr.abs _section_cstart, $3  }
0xce: {  	[dreg:$0x1] =	wrdreg $0xFFFFFFFF  }
0xcf: {  	_ =	task.clear_ibuf [dreg:s22], $0x2FFFF;
	_ =	strace $0x9FFFFFFF  }
0xd0: {  	(tm) =	ssettm $0x7FFFFFFF  }
0xd1: {  	_ =	shalt  }
tec
execute0_lowered:
.L_overlay_start_1:
0x0: {  	(tag) =	ssettag $0x1  }
0x1: {  	s0 =	srdreg.scid  }
0x2: {  	s22 =	sand.u32 $0x1, s0  }
0x3: {  	s0 =	stileid.u32;
	s1 =	sshll.u32 s22, $0x4  }
0x4: {  	s11 =	sor.u32 s0, s1  }
0x5: {  	s10 =	rddreg [dreg:$0x0];
	s2 =	simm.s32 $0x0;
	s3 =	smul.u32 $0x500, s11  }
0x6: {  	[smem:$0x7FF] =	sst s2  }
0x7: {  	s1 =	rddreg [dreg:$0x1];
	_ =	strace $0x8000005B;
	s19 =	sadd.s32 s3, s10  }
0x8: {  	_ =	strace $0x8000005C;
	s3 =	sadd.s32 $0x4000, s19  }
0x9: {  	[tilespmem:s2], [sflag:$0x1] =	stream.linear.gather [hbm4b:s3+s2], $0x800, $0x200038;
	[tilespmem:$0x11000] =	vst v63  }
0xa: {  	_ =	strace $0x9000005C  }
0xb: {  	s5 =	simm.s32 $0x800;
	s4 =	sadd.s32 $0x4100, s19;
	_ =	strace $0x8000005D  }
0xc: {  	[tilespmem:s5], [sflag:$0x2] =	stream.linear.gather [hbm4b:s4+s2], $0x800, $0x200038;
	[tilespmem:$0x11000] =	vst v63  }
0xd: {  	_ =	strace $0x9000005D  }
0xe: {  	s6 =	simm.s32 $0x1;
	_ =	strace $0x8000005E  }
0xf: {  	_ =	swait.ge [sflag:s6], $0x800  }
0x10: {  	[sflag:s6] =	ssyncset.done $0x0  }
0x11: {  	[sflag:s6] =	ssyncadd.s32 $0xFFFFF800  }
0x12: {  	s8 =	simm.s32 $0x1000;
	_ =	strace $0x9000005E  }
0x13: {  	s9 =	simm.s32 $0x5;
	s7 =	sadd.s32 $0x10E6400, s10;
	_ =	strace $0x8000005F  }
0x14: {  	[tilespmem:s8], [sflag:$0x5] =	stream.indirect.gather [hbm4b:s7+s5], $0x10, s2, s5, $0x2000b8;
	[tilespmem:$0x11000] =	vst v63  }
0x15: {  	_ =	swait.ge [sflag:s9], $0x8000  }
0x16: {  	s11 =	smul.u32 $0x5000, s11;
	[sflag:s9] =	ssyncset.done $0x0  }
0x17: {  	[sflag:s9] =	ssyncadd.s32 $0xFFFF8000  }
0x18: {  	s21 =	sadd.s32 s11, s10;
	_ =	strace $0x9000005F  }
0x19: {  	s10 =	sadd.s32 $0x18A000, s21;
	_ =	strace $0x80000060  }
0x1a: {  	[hbm4b:s10+s2] =	stream.linear.scatter [tilespmem:s8], [sflag:$0x3], $0x8000, $0x200038;
	[tilespmem:$0x11000] =	vst v63  }
0x1b: {  	_ =	strace $0x90000060  }
0x1c: {  	s11 =	sadd.s32 $0x4200, s19;
	_ =	strace $0x8000005D  }
0x1d: {  	[tilespmem:s2], [sflag:$0x1] =	stream.linear.gather [hbm4b:s11+s2], $0x800, $0x200038;
	[tilespmem:$0x11000] =	vst v63  }
0x1e: {  	_ =	strace $0x9000005D  }
0x1f: {  	s12 =	simm.s32 $0x2;
	_ =	strace $0x8000005E  }
0x20: {  	_ =	swait.ge [sflag:s12], $0x800  }
0x21: {  	[sflag:s12] =	ssyncset.done $0x0  }
0x22: {  	[sflag:s12] =	ssyncadd.s32 $0xFFFFF800  }
0x23: {  	_ =	strace $0x9000005E  }
0x24: {  	s13 =	simm.s32 $0x9000;
	_ =	strace $0x8000005F  }
0x25: {  	[tilespmem:s13], [sflag:$0x5] =	stream.indirect.gather [hbm4b:s7+s5], $0x10, s5, s5, $0x2000b8;
	[tilespmem:$0x11000] =	vst v63  }
0x26: {  	_ =	swait.ge [sflag:s9], $0x8000  }
0x27: {  	[sflag:s9] =	ssyncset.done $0x0  }
0x28: {  	[sflag:s9] =	ssyncadd.s32 $0xFFFF8000  }
0x29: {  	_ =	strace $0x9000005F  }
0x2a: {  	s14 =	sadd.s32 $0x18B000, s21;
	_ =	strace $0x80000060  }
0x2b: {  	[hbm4b:s14+s2] =	stream.linear.scatter [tilespmem:s13], [sflag:$0x4], $0x8000, $0x200038;
	[tilespmem:$0x11000] =	vst v63  }
0x2c: {  	_ =	strace $0x90000060  }
0x2d: {  	s15 =	simm.s32 $0x3;
	_ =	strace $0x80000061  }
0x2e: {  	_ =	swait.ge [sflag:s15], $0x8000  }
0x2f: {  	[sflag:s15] =	ssyncset.done $0x0  }
0x30: {  	[sflag:s15] =	ssyncadd.s32 $0xFFFF8000  }
0x31: {  	_ =	strace $0x90000061  }
0x32: {  	s16 =	sadd.s32 $0x4300, s19;
	_ =	strace $0x8000005D  }
0x33: {  	[tilespmem:s5], [sflag:$0x2] =	stream.linear.gather [hbm4b:s16+s2], $0x800, $0x200038;
	[tilespmem:$0x11000] =	vst v63  }
0x34: {  	_ =	strace $0x9000005D  }
0x35: {  	_ =	strace $0x8000005E  }
0x36: {  	_ =	swait.ge [sflag:s6], $0x800  }
0x37: {  	[sflag:s6] =	ssyncset.done $0x0  }
0x38: {  	[sflag:s6] =	ssyncadd.s32 $0xFFFFF800  }
0x39: {  	_ =	strace $0x9000005E  }
0x3a: {  	_ =	strace $0x8000005F  }
0x3b: {  	[tilespmem:s8], [sflag:$0x5] =	stream.indirect.gather [hbm4b:s7+s5], $0x10, s2, s5, $0x2000b8;
	[tilespmem:$0x11000] =	vst v63  }
0x3c: {  	_ =	swait.ge [sflag:s9], $0x8000  }
0x3d: {  	[sflag:s9] =	ssyncset.done $0x0  }
0x3e: {  	[sflag:s9] =	ssyncadd.s32 $0xFFFF8000  }
0x3f: {  	_ =	strace $0x9000005F  }
0x40: {  	s17 =	sadd.s32 $0x18C000, s21;
	_ =	strace $0x80000060  }
0x41: {  	[hbm4b:s17+s2] =	stream.linear.scatter [tilespmem:s8], [sflag:$0x3], $0x8000, $0x200038;
	[tilespmem:$0x11000] =	vst v63  }
0x42: {  	_ =	strace $0x90000060  }
0x43: {  	s18 =	simm.s32 $0x4;
	_ =	strace $0x80000061  }
0x44: {  	_ =	swait.ge [sflag:s18], $0x8000  }
0x45: {  	[sflag:s18] =	ssyncset.done $0x0  }
0x46: {  	[sflag:s18] =	ssyncadd.s32 $0xFFFF8000  }
0x47: {  	_ =	strace $0x90000061  }
0x48: {  	s19 =	sadd.s32 $0x4400, s19;
	_ =	strace $0x8000005D  }
0x49: {  	[tilespmem:s2], [sflag:$0x1] =	stream.linear.gather [hbm4b:s19+s2], $0x800, $0x200038;
	[tilespmem:$0x11000] =	vst v63  }
0x4a: {  	_ =	strace $0x9000005D  }
0x4b: {  	_ =	strace $0x8000005E  }
0x4c: {  	_ =	swait.ge [sflag:s12], $0x800  }
0x4d: {  	[sflag:s12] =	ssyncset.done $0x0  }
0x4e: {  	[sflag:s12] =	ssyncadd.s32 $0xFFFFF800  }
0x4f: {  	_ =	strace $0x9000005E  }
0x50: {  	_ =	strace $0x8000005F  }
0x51: {  	[tilespmem:s13], [sflag:$0x5] =	stream.indirect.gather [hbm4b:s7+s5], $0x10, s5, s5, $0x2000b8;
	[tilespmem:$0x11000] =	vst v63  }
0x52: {  	_ =	swait.ge [sflag:s9], $0x8000  }
0x53: {  	[sflag:s9] =	ssyncset.done $0x0  }
0x54: {  	[sflag:s9] =	ssyncadd.s32 $0xFFFF8000  }
0x55: {  	_ =	strace $0x9000005F  }
0x56: {  	s20 =	sadd.s32 $0x18D000, s21;
	_ =	strace $0x80000060  }
0x57: {  	[hbm4b:s20+s2] =	stream.linear.scatter [tilespmem:s13], [sflag:$0x4], $0x8000, $0x200038;
	[tilespmem:$0x11000] =	vst v63  }
0x58: {  	_ =	strace $0x90000060  }
0x59: {  	_ =	strace $0x80000061  }
0x5a: {  	_ =	swait.ge [sflag:s15], $0x8000  }
0x5b: {  	[sflag:s15] =	ssyncset.done $0x0  }
0x5c: {  	[sflag:s15] =	ssyncadd.s32 $0xFFFF8000  }
0x5d: {  	_ =	strace $0x90000061  }
0x5e: {  	_ =	strace $0x8000005E  }
0x5f: {  	_ =	swait.ge [sflag:s6], $0x800  }
0x60: {  	[sflag:s6] =	ssyncset.done $0x0  }
0x61: {  	[sflag:s6] =	ssyncadd.s32 $0xFFFFF800  }
0x62: {  	_ =	strace $0x9000005E  }
0x63: {  	_ =	strace $0x8000005F  }
0x64: {  	[tilespmem:s8], [sflag:$0x5] =	stream.indirect.gather [hbm4b:s7+s5], $0x10, s2, s5, $0x2000b8;
	[tilespmem:$0x11000] =	vst v63  }
0x65: {  	_ =	swait.ge [sflag:s9], $0x8000  }
0x66: {  	[sflag:s9] =	ssyncset.done $0x0  }
0x67: {  	[sflag:s9] =	ssyncadd.s32 $0xFFFF8000  }
0x68: {  	_ =	strace $0x9000005F  }
0x69: {  	s21 =	sadd.s32 $0x18E000, s21;
	_ =	strace $0x80000060  }
0x6a: {  	[hbm4b:s21+s2] =	stream.linear.scatter [tilespmem:s8], [sflag:$0x3], $0x8000, $0x200038;
	[tilespmem:$0x11000] =	vst v63  }
0x6b: {  	s22 =	ssub.s32 $0x2, s22;
	_ =	strace $0x90000060  }
0x6c: {  	s23 =	sshrl.u32 s22, $0x1;
	_ =	strace $0x80000061  }
0x6d: {  	s22 =	ssub.s32 s22, s23;
	_ =	swait.ge [sflag:s18], $0x8000  }
0x6e: {  	s22 =	smax.u32 s22, $0x1;
	[sflag:s18] =	ssyncset.done $0x0  }
0x6f: {  	p0 =	sne.s32 s22, $0x1;
	[sflag:s18] =	ssyncadd.s32 $0xFFFF8000  }
.Ltmp0:
0x70: {  	_ =	strace $0x90000061;
	(pc) =	sbr.rel @!p0 .LBB2_2-.Ltmp0, $4  }
0x71: {  	_ =	strace $0x80000062  }
0x72: {  	_ =	swait.ge [sflag:s15], $0x8000  }
0x73: {  	[sflag:s15] =	ssyncset.done $0x0  }
0x74: {  	s22 =	sadd.s32 $0xFFFFFFFF, s22;
	[sflag:s15] =	ssyncadd.s32 $0xFFFF8000  }
.LBB2_1:
0x75: {  	p0 =	sne.s32 s22, $0x1;
	s22 =	sadd.s32 $0xFFFFFFFF, s22;
	_ =	strace $0x90000062  }
0x76: {  	_ =	strace $0x8000005C  }
0x77: {  	[tilespmem:s2], [sflag:$0x1] =	stream.linear.gather [hbm4b:s3+s2], $0x800, $0x200038;
	[tilespmem:$0x11000] =	vst v63  }
0x78: {  	_ =	strace $0x9000005C  }
0x79: {  	_ =	strace $0x8000005D  }
0x7a: {  	[tilespmem:s5], [sflag:$0x2] =	stream.linear.gather [hbm4b:s4+s2], $0x800, $0x200038;
	[tilespmem:$0x11000] =	vst v63  }
0x7b: {  	_ =	strace $0x9000005D  }
0x7c: {  	_ =	strace $0x8000005E  }
0x7d: {  	_ =	swait.ge [sflag:s6], $0x800  }
0x7e: {  	[sflag:s6] =	ssyncset.done $0x0  }
0x7f: {  	[sflag:s6] =	ssyncadd.s32 $0xFFFFF800  }
0x80: {  	_ =	strace $0x9000005E  }
0x81: {  	_ =	strace $0x8000005F  }
0x82: {  	[tilespmem:s8], [sflag:$0x5] =	stream.indirect.gather [hbm4b:s7+s5], $0x10, s2, s5, $0x2000b8;
	[tilespmem:$0x11000] =	vst v63  }
0x83: {  	_ =	swait.ge [sflag:s9], $0x8000  }
0x84: {  	[sflag:s9] =	ssyncset.done $0x0  }
0x85: {  	[sflag:s9] =	ssyncadd.s32 $0xFFFF8000  }
0x86: {  	_ =	strace $0x9000005F  }
0x87: {  	_ =	strace $0x80000060  }
0x88: {  	[hbm4b:s10+s2] =	stream.linear.scatter [tilespmem:s8], [sflag:$0x3], $0x8000, $0x200038;
	[tilespmem:$0x11000] =	vst v63  }
0x89: {  	_ =	strace $0x90000060  }
0x8a: {  	_ =	strace $0x8000005D  }
0x8b: {  	[tilespmem:s2], [sflag:$0x1] =	stream.linear.gather [hbm4b:s11+s2], $0x800, $0x200038;
	[tilespmem:$0x11000] =	vst v63  }
0x8c: {  	_ =	strace $0x9000005D  }
0x8d: {  	_ =	strace $0x8000005E  }
0x8e: {  	_ =	swait.ge [sflag:s12], $0x800  }
0x8f: {  	[sflag:s12] =	ssyncset.done $0x0  }
0x90: {  	[sflag:s12] =	ssyncadd.s32 $0xFFFFF800  }
0x91: {  	_ =	strace $0x9000005E  }
0x92: {  	_ =	strace $0x8000005F  }
0x93: {  	[tilespmem:s13], [sflag:$0x5] =	stream.indirect.gather [hbm4b:s7+s5], $0x10, s5, s5, $0x2000b8;
	[tilespmem:$0x11000] =	vst v63  }
0x94: {  	_ =	swait.ge [sflag:s9], $0x8000  }
0x95: {  	[sflag:s9] =	ssyncset.done $0x0  }
0x96: {  	[sflag:s9] =	ssyncadd.s32 $0xFFFF8000  }
0x97: {  	_ =	strace $0x9000005F  }
0x98: {  	_ =	strace $0x80000060  }
0x99: {  	[hbm4b:s14+s2] =	stream.linear.scatter [tilespmem:s13], [sflag:$0x4], $0x8000, $0x200038;
	[tilespmem:$0x11000] =	vst v63  }
0x9a: {  	_ =	strace $0x90000060  }
0x9b: {  	_ =	strace $0x80000061  }
0x9c: {  	_ =	swait.ge [sflag:s15], $0x8000  }
0x9d: {  	[sflag:s15] =	ssyncset.done $0x0  }
0x9e: {  	[sflag:s15] =	ssyncadd.s32 $0xFFFF8000  }
0x9f: {  	_ =	strace $0x90000061  }
0xa0: {  	_ =	strace $0x8000005D  }
0xa1: {  	[tilespmem:s5], [sflag:$0x2] =	stream.linear.gather [hbm4b:s16+s2], $0x800, $0x200038;
	[tilespmem:$0x11000] =	vst v63  }
0xa2: {  	_ =	strace $0x9000005D  }
0xa3: {  	_ =	strace $0x8000005E  }
0xa4: {  	_ =	swait.ge [sflag:s6], $0x800  }
0xa5: {  	[sflag:s6] =	ssyncset.done $0x0  }
0xa6: {  	[sflag:s6] =	ssyncadd.s32 $0xFFFFF800  }
0xa7: {  	_ =	strace $0x9000005E  }
0xa8: {  	_ =	strace $0x8000005F  }
0xa9: {  	[tilespmem:s8], [sflag:$0x5] =	stream.indirect.gather [hbm4b:s7+s5], $0x10, s2, s5, $0x2000b8;
	[tilespmem:$0x11000] =	vst v63  }
0xaa: {  	_ =	swait.ge [sflag:s9], $0x8000  }
0xab: {  	[sflag:s9] =	ssyncset.done $0x0  }
0xac: {  	[sflag:s9] =	ssyncadd.s32 $0xFFFF8000  }
0xad: {  	_ =	strace $0x9000005F  }
0xae: {  	_ =	strace $0x80000060  }
0xaf: {  	[hbm4b:s17+s2] =	stream.linear.scatter [tilespmem:s8], [sflag:$0x3], $0x8000, $0x200038;
	[tilespmem:$0x11000] =	vst v63  }
0xb0: {  	_ =	strace $0x90000060  }
0xb1: {  	_ =	strace $0x80000061  }
0xb2: {  	_ =	swait.ge [sflag:s18], $0x8000  }
0xb3: {  	[sflag:s18] =	ssyncset.done $0x0  }
0xb4: {  	[sflag:s18] =	ssyncadd.s32 $0xFFFF8000  }
0xb5: {  	_ =	strace $0x90000061  }
0xb6: {  	_ =	strace $0x8000005D  }
0xb7: {  	[tilespmem:s2], [sflag:$0x1] =	stream.linear.gather [hbm4b:s19+s2], $0x800, $0x200038;
	[tilespmem:$0x11000] =	vst v63  }
0xb8: {  	_ =	strace $0x9000005D  }
0xb9: {  	_ =	strace $0x8000005E  }
0xba: {  	_ =	swait.ge [sflag:s12], $0x800  }
0xbb: {  	[sflag:s12] =	ssyncset.done $0x0  }
0xbc: {  	[sflag:s12] =	ssyncadd.s32 $0xFFFFF800  }
0xbd: {  	_ =	strace $0x9000005E  }
0xbe: {  	_ =	strace $0x8000005F  }
0xbf: {  	[tilespmem:s13], [sflag:$0x5] =	stream.indirect.gather [hbm4b:s7+s5], $0x10, s5, s5, $0x2000b8;
	[tilespmem:$0x11000] =	vst v63  }
0xc0: {  	_ =	swait.ge [sflag:s9], $0x8000  }
0xc1: {  	[sflag:s9] =	ssyncset.done $0x0  }
0xc2: {  	[sflag:s9] =	ssyncadd.s32 $0xFFFF8000  }
0xc3: {  	_ =	strace $0x9000005F  }
0xc4: {  	_ =	strace $0x80000060  }
0xc5: {  	[hbm4b:s20+s2] =	stream.linear.scatter [tilespmem:s13], [sflag:$0x4], $0x8000, $0x200038;
	[tilespmem:$0x11000] =	vst v63  }
0xc6: {  	_ =	strace $0x90000060  }
0xc7: {  	_ =	strace $0x80000061  }
0xc8: {  	_ =	swait.ge [sflag:s15], $0x8000  }
0xc9: {  	[sflag:s15] =	ssyncset.done $0x0  }
0xca: {  	[sflag:s15] =	ssyncadd.s32 $0xFFFF8000  }
0xcb: {  	_ =	strace $0x90000061  }
0xcc: {  	_ =	strace $0x8000005E  }
0xcd: {  	_ =	swait.ge [sflag:s6], $0x800  }
0xce: {  	[sflag:s6] =	ssyncset.done $0x0  }
0xcf: {  	[sflag:s6] =	ssyncadd.s32 $0xFFFFF800  }
0xd0: {  	_ =	strace $0x9000005E  }
0xd1: {  	_ =	strace $0x8000005F  }
0xd2: {  	[tilespmem:s8], [sflag:$0x5] =	stream.indirect.gather [hbm4b:s7+s5], $0x10, s2, s5, $0x2000b8;
	[tilespmem:$0x11000] =	vst v63  }
0xd3: {  	_ =	swait.ge [sflag:s9], $0x8000  }
0xd4: {  	[sflag:s9] =	ssyncset.done $0x0  }
0xd5: {  	[sflag:s9] =	ssyncadd.s32 $0xFFFF8000  }
0xd6: {  	_ =	strace $0x9000005F  }
0xd7: {  	_ =	strace $0x80000060  }
0xd8: {  	[hbm4b:s21+s2] =	stream.linear.scatter [tilespmem:s8], [sflag:$0x3], $0x8000, $0x200038;
	[tilespmem:$0x11000] =	vst v63  }
0xd9: {  	_ =	strace $0x90000060  }
0xda: {  	_ =	strace $0x80000061  }
0xdb: {  	_ =	swait.ge [sflag:s18], $0x8000  }
0xdc: {  	[sflag:s18] =	ssyncset.done $0x0  }
0xdd: {  	[sflag:s18] =	ssyncadd.s32 $0xFFFF8000  }
.Ltmp1:
0xde: {  	_ =	strace $0x90000061;
	(pc) =	sbr.rel @p0 .LBB2_1-.Ltmp1, $4  }
0xdf: {  	_ =	strace $0x80000062  }
0xe0: {  	_ =	swait.ge [sflag:s15], $0x8000  }
0xe1: {  	[sflag:s15] =	ssyncset.done $0x0  }
0xe2: {  	[sflag:s15] =	ssyncadd.s32 $0xFFFF8000  }
.LBB2_2:
0xe3: {  	_ =	strace $0x90000062  }
0xe4: {  	_ =	sfence.sel $0x180000  }
0xe5: {  	[bflag:$0x0] =	sbarrier.arrive $0xFFFF  }
0xe6: {  	p0 =	sne.s32 s0, $0x0;
	_ =	strace $0x9000005B  }
0xe7: {  	s0 =	sadd.s32 @!p0 $0x100000, s1;
	[bflag:$0x2] =	sbarrier.arrive $0xFFFF  }
0xe8: {  	[sflag:s0] =	ssyncadd.tile.s32 @!p0 $0x1;
	_ =	shalt  }
.Lfunc_end2:
_tile_overlayer_lowered:
.L_overlay_start_2:
0xe9: {  	(tag) =	ssettag $0x2  }
0xea: {  	s0 =	rddreg [dreg:$0x0];
	s2 =	stileid.u32  }
0xeb: {  	s1 =	rddreg [dreg:$0x1];
	p0 =	sne.s32 s2, $0x0  }
0xec: {  	s3 =	rddreg [dreg:$0x2];
	[bflag:$0x3] =	sbarrier.arrive $0xFFFF;
	s2 =	simm.s32 @!p0 $0x1C01  }
0xed: {  	[timem:s3], [sflag:s2] =	dma.local @!p0 [hbm:s0], s1  }
0xee: {  	s0 =	simm.s32 @!p0 $0x1  }
0xef: {  	_ =	swait.ge @!p0 [sflag:s0], s1  }
0xf0: {  	s1 =	ssub.s32 @!p0 $0x0, s1;
	[sflag:s0] =	ssyncset.done @!p0 $0x0  }
0xf1: {  	[sflag:s0] =	ssyncadd.s32 @!p0 s1  }
0xf2: {  	[bflag:$0x3] =	sbarrier.arrive $0xFFFF  }
0xf3: {  	_ =	shalt  }

// kernel: kernel.27.cloned.1.call-start
scs
__scs_entry_jumppad:
0x0: {  	(pc) =	sbr.rel $0x88, $3  }
0x1: {  	(tag) =	ssettag $0x0;
	lr =	simm.s32 $0x1  }
0x2: {  	[smem:$0x3F9B] =	sst lr;
	_ =	strace $0xD0000000  }
0x3: {  	_ = 	snop  }
0x4: {  	_ = 	snop  }
0x5: {  	_ = 	snop  }
0x6: {  	_ = 	snop  }
0x7: {  	_ = 	snop  }
__scs_overlays_trampoline_lowered:
0x8: {  	[smem:$0x3FAA] =	sst s0  }
0x9: {  	[smem:$0x3FAB] =	sst s1  }
0xa: {  	[smem:$0x3FAC] =	sst s2  }
0xb: {  	[smem:$0x3FAD] =	sst s3  }
0xc: {  	[smem:$0x3FAE] =	sst s4  }
0xd: {  	[smem:$0x3FAF] =	sst s5  }
0xe: {  	[smem:$0x3FB0] =	sst s6  }
0xf: {  	[smem:$0x3FB1] =	sst s7  }
0x10: {  	[smem:$0x3FB2] =	sst s8  }
0x11: {  	[smem:$0x3FB3] =	sst s9;
	s0 =	simm.s32 @!p0 $0x0  }
0x12: {  	s1 =	sld [smem:$0x3F99];
	s0 =	simm.s32 @p0 $0x1  }
0x13: {  	[smem:$0x3FB4] =	sst s0;
	s0 =	simm.s32 @!p1 $0x0  }
0x14: {  	s2 =	sld [smem:$0x3F98];
	s0 =	simm.s32 @p1 $0x1  }
0x15: {  	[smem:$0x3FB5] =	sst s0;
	s0 =	simm.s32 @!p2 $0x0  }
0x16: {  	s3 =	sld [smem:$0x3FDB];
	s0 =	simm.s32 @p2 $0x1  }
0x17: {  	s4 =	simm.s32 $0x1BF5;
	[smem:$0x3FB7] =	sst s0  }
0x18: {  	s0 =	sld [smem:$0x3F9A];
	_ =	swait.ge [sflag:s4], $0x0  }
0x19: {  	s7 =	sld [smem:$0x3F9B]  }
0x1a: {  	s8 =	sadd.s32 $0xFFFFE003, lr  }
0x1b: {  	s9 =	sadd.s32 $0xFFFFFEF7, lr;
	s5 =	simm.s32 $0xFFFFFFFF;
	p2 =	slt.u32 s8, $0xFFFFF086  }
0x1c: {  	p1 =	slt.u32 s9, $0xF7A;
	s5 =	simm.s32 @!p2 $0x0  }
0x1d: {  	s5 =	simm.s32 @p1 $0x1;
	p0 =	seq.s32 s7, s2  }
0x1e: {  	s7 =	smul.u32 @!p0 $0xF7A, s2;
	p2 =	seq.s32 @!p0 s5, $0x0  }
0x1f: {  	s9 =	smul.u32 $0xF7A, s1;
	s8 =	simm.s32 @!p0 $0x1BF5;
	p2 =	por !p2, p0  }
0x20: {  	[sflag:s8] =	ssyncset.s32 @!p0 $0xFFFFF086;
	s6 =	sadd.s32 @!p0 s3, s7;
	s7 =	simm.s32 @!p0 $0x108  }
0x21: {  	s3 =	sadd.s32 s3, s9;
	s6 =	sadd.s32 @!p0 $0x88, s6;
	s7 =	simm.s32 @p2 $0x1082  }
0x22: {  	[simem:s7], [sflag:s8] =	dma.local @!p0 [hbm:s6], $0xF7A  }
0x23: {  	s9 =	sor.u32 $0xD0000000, s2;
	s6 =	simm.s32 $0x108;
	_ =	swait.ge @!p0 [sflag:s8], $0x0  }
0x24: {  	s3 =	sadd.s32 $0x88, s3;
	s6 =	simm.s32 @!p1 $0x1082;
	[sflag:s4] =	ssyncset.s32 $0xFFFFF086  }
0x25: {  	[simem:s6], [sflag:s4] =	dma.local [hbm:s3], $0xF7A  }
0x26: {  	[smem:$0x3F9B] =	sst s1;
	(tag) =	ssettag s2;
	_ =	strace s9  }
0x27: {  	s1 =	sld [smem:$0x3FAB]  }
0x28: {  	s2 =	sld [smem:$0x3FAC]  }
0x29: {  	s4 =	sld [smem:$0x3FAE]  }
0x2a: {  	p0 =	seq.s32 s5, $0x0;
	s5 =	sld [smem:$0x3FAF]  }
0x2b: {  	s6 =	sld [smem:$0x3FB0]  }
0x2c: {  	s7 =	sld [smem:$0x3FB1]  }
0x2d: {  	s3 =	simm.s32 $0x108;
	s8 =	sld [smem:$0x3FB2]  }
0x2e: {  	s3 =	simm.s32 @!p0 $0x1082;
	s9 =	sld [smem:$0x3FB3]  }
0x2f: {  	lr =	sadd.s32 s0, s3;
	s0 =	sld [smem:$0x3FAA]  }
0x30: {  	s3 =	sld [smem:$0x3FAD]  }
0x31: {  	[smem:$0x3FB6] =	sst s10  }
0x32: {  	s10 =	sld [smem:$0x3FB4];
	_ =	sdelay $0x3  }
0x33: {  	p0 =	seq.s32 s10, $0x1;
	s10 =	sld [smem:$0x3FB6];
	_ =	sdelay $0x3  }
0x34: {  	[smem:$0x3FB6] =	sst s10  }
0x35: {  	s10 =	sld [smem:$0x3FB5];
	_ =	sdelay $0x3  }
0x36: {  	p1 =	seq.s32 s10, $0x1;
	s10 =	sld [smem:$0x3FB6];
	_ =	sdelay $0x3  }
0x37: {  	[smem:$0x3FB6] =	sst s10  }
0x38: {  	s10 =	sld [smem:$0x3FB7]  }
0x39: {  	_ = 	snop;
	(pc) =	sbr.ind lr, $3  }
0x3a: {  	_ = 	snop  }
0x3b: {  	_ = 	snop  }
0x3c: {  	p2 =	seq.s32 s10, $0x1;
	s10 =	sld [smem:$0x3FB6]  }
0x3d: {  	_ =	shalt  }
0x3e: {  	_ =	shalt  }
0x3f: {  	_ =	shalt  }
0x40: {  	_ =	shalt  }
0x41: {  	_ =	shalt  }
0x42: {  	_ =	shalt  }
0x43: {  	_ =	shalt  }
0x44: {  	_ =	shalt  }
0x45: {  	_ =	shalt  }
0x46: {  	_ =	shalt  }
0x47: {  	_ =	shalt  }
0x48: {  	_ =	shalt  }
0x49: {  	_ =	shalt  }
0x4a: {  	_ =	shalt  }
0x4b: {  	_ =	shalt  }
0x4c: {  	_ =	shalt  }
0x4d: {  	_ =	shalt  }
0x4e: {  	_ =	shalt  }
0x4f: {  	_ =	shalt  }
0x50: {  	_ =	shalt  }
0x51: {  	_ =	shalt  }
0x52: {  	_ =	shalt  }
0x53: {  	_ =	shalt  }
0x54: {  	_ =	shalt  }
0x55: {  	_ =	shalt  }
0x56: {  	_ =	shalt  }
0x57: {  	_ =	shalt  }
0x58: {  	_ =	shalt  }
0x59: {  	_ =	shalt  }
0x5a: {  	_ =	shalt  }
0x5b: {  	_ =	shalt  }
0x5c: {  	_ =	shalt  }
0x5d: {  	_ =	shalt  }
0x5e: {  	_ =	shalt  }
0x5f: {  	_ =	shalt  }
0x60: {  	_ =	shalt  }
0x61: {  	_ =	shalt  }
0x62: {  	_ =	shalt  }
0x63: {  	_ =	shalt  }
0x64: {  	_ =	shalt  }
0x65: {  	_ =	shalt  }
0x66: {  	_ =	shalt  }
0x67: {  	_ =	shalt  }
0x68: {  	_ =	shalt  }
0x69: {  	_ =	shalt  }
0x6a: {  	_ =	shalt  }
0x6b: {  	_ =	shalt  }
0x6c: {  	_ =	shalt  }
0x6d: {  	_ =	shalt  }
0x6e: {  	_ =	shalt  }
0x6f: {  	_ =	shalt  }
0x70: {  	_ =	shalt  }
0x71: {  	_ =	shalt  }
0x72: {  	_ =	shalt  }
0x73: {  	_ =	shalt  }
0x74: {  	_ =	shalt  }
0x75: {  	_ =	shalt  }
0x76: {  	_ =	shalt  }
0x77: {  	_ =	shalt  }
0x78: {  	_ =	shalt  }
0x79: {  	_ =	shalt  }
0x7a: {  	_ =	shalt  }
0x7b: {  	_ =	shalt  }
0x7c: {  	_ =	shalt  }
0x7d: {  	_ =	shalt  }
0x7e: {  	_ =	shalt  }
0x7f: {  	_ =	shalt  }
0x80: {  	_ =	shalt  }
0x81: {  	_ =	shalt  }
0x82: {  	_ =	shalt  }
0x83: {  	_ =	shalt  }
0x84: {  	_ =	shalt  }
0x85: {  	_ =	shalt  }
0x86: {  	_ =	shalt  }
0x87: {  	_ =	shalt  }
.Lfunc_end0:
.L_simem_size_0:
called_computation.3_lowered:
.L_overlay_start_0:
0x88: {  	s2 =	sld [smem:$0x3FD9]  }
0x89: {  	s3 =	sld [smem:$0x3FFE];
	_ =	sdelay $0x1  }
0x8a: {  	s1 =	srdreg.scid  }
0x8b: {  	s0 =	sand.u32 $0x1, s1  }
0x8c: {  	s17 =	sshll.u32 s0, $0xA;
	s2 =	sadd.s32 s3, s2  }
0x8d: {  	s2 =	sadd.s32 s2, s17  }
0x8e: {  	[smem:$0x3FC2] =	sst s2  }
0x8f: {  	_ = 	snop  }
0x90: {  	(tm) =	ssettm $0x1  }
0x91: {  	s18 =	sld [smem:$0x3FFB];
	_ =	sdelay $0x3  }
0x92: {  	_ =	strace s18  }
0x93: {  	s2 =	sld [smem:$0x3FFC];
	_ =	sdelay $0x3  }
0x94: {  	_ =	strace s2  }
0x95: {  	s2 =	sld [smem:$0x3FFD];
	_ =	sdelay $0x3  }
0x96: {  	_ =	strace s2  }
0x97: {  	_ =	strace $0x8FFFFFFF  }
0x98: {  	s19 =	sld [smem:$0x3FDB];
	_ =	sdelay $0x1  }
0x99: {  	s20 =	simm.s32 $_scs_section_size  }
0x9a: {  	s4 =	simm.s32 $_size__tile_overlayer_lowered;
	s5 =	simm.s32 $_tile_overlayer_lowered  }
0x9b: {  	s6 =	simm.s32 $0x1BFF;
	s21 =	sshll.u32 s5, $0x1;
	s3 =	sadd.s32 s20, s19  }
0x9c: {  	s22 =	simm.s32 $0x0;
	s4 =	sshll.u32 s4, $0x1;
	s5 =	sadd.s32 s21, s3  }
0x9d: {  	[timem:s22], [sflag:s6] =	dma.local [hbm:s5], s4  }
0x9e: {  	_ =	swait.ge [sflag:s6], s4  }
0x9f: {  	s4 =	ssub.s32 $0x0, s4;
	[sflag:s6] =	ssyncset.done $0x0  }
0xa0: {  	[sflag:s6] =	ssyncadd.s32 s4;
	_ =	sdelay $0x1  }
0xa1: {  	s23 =	simm.s32 $0x1B8B  }
0xa2: {  	_ =	swait.ge [sflag:s23], $0x1  }
0xa3: {  	[sflag:s23] =	ssyncset.done $0x0  }
0xa4: {  	[sflag:s23] =	ssyncadd.s32 $0xFFFFFFFF  }
0xa5: {  	s4 =	sld [smem:$0x0]  }
0xa6: {  	s5 =	sand.u32 $0xFFFFFFFE, s1  }
0xa7: {  	p0 =	sne.s32 s1, s5  }
0xa8: {  	s5 =	sshll.u32 @p0 s5, $0xE  }
0xa9: {  	s5 =	sadd.s32 @p0 $0x11B8D, s5;
	s6 =	sshll.u32 @p0 s4, $0x11  }
0xaa: {  	s5 =	sor.u32 @p0 s6, s5  }
0xab: {  	[sflag:s5] =	ssyncadd.remote.s32 @p0 $0x1;
	_ =	sdelay $0x1  }
0xac: {  	s5 =	simm.s32 @p0 $0x1B8D  }
0xad: {  	_ =	swait.eq @p0 [sflag:s5], $0x1  }
0xae: {  	[sflag:s5] =	ssyncadd.s32 @p0 $0xFFFFFFFF  }
0xaf: {  	s6 =	sshll.u32 @!p0 s1, $0xE  }
0xb0: {  	s6 =	sor.u32 @!p0 $0x4000, s6;
	s5 =	simm.s32 @!p0 $0x1B8D  }
0xb1: {  	s4 =	sshll.u32 @!p0 s4, $0x11;
	s6 =	sadd.s32 @!p0 $0x11B8D, s6;
	_ =	swait.eq @!p0 [sflag:s5], $0x1  }
0xb2: {  	s4 =	sor.u32 @!p0 s4, s6;
	[sflag:s5] =	ssyncadd.s32 @!p0 $0xFFFFFFFF  }
0xb3: {  	s25 =	simm.s32 $0x1B8E;
	s24 =	sld [smem:$0x3FFE];
	[sflag:s4] =	ssyncadd.remote.s32 @!p0 $0x1  }
0xb4: {  	s26 =	simm.s32 $execute0_lowered;
	[smem:$0x3FD2] =	sst s25  }
0xb5: {  	s5 =	sshll.u32 s26, $0x1;
	_ =	strace $0x80000064;
	[dreg:$0x1] =	wrdreg $0xFFFFFFFF  }
0xb6: {  	s28 =	simm.s32 $_size_execute0_lowered;
	s3 =	sadd.s32 s3, s5;
	[dreg:$0x0] =	wrdreg $0x0  }
0xb7: {  	s5 =	sshll.u32 s28, $0x1;
	[dreg:$0x2] =	wrdreg s3  }
0xb8: {  	[dreg:$0x3] =	wrdreg s5  }
0xb9: {  	[dreg:$0x4] =	wrdreg $0xC0  }
0xba: {  	_ =	task [dreg:s22], $0x5FFFF  }
0xbb: {  	[dreg:$0x1] =	wrdreg $0xFFFFFFFF  }
0xbc: {  	[dreg:$0x0] =	wrdreg $0x60  }
0xbd: {  	[dreg:$0x2] =	wrdreg s24  }
0xbe: {  	[dreg:$0x3] =	wrdreg $0xC  }
0xbf: {  	_ =	task.clear_ibuf [dreg:s22], $0x4FFFF;
	_ =	strace $0x90000064  }
0xc0: {  	s29 =	simm.s32 $0xC;
	_ =	strace $0x8000006D  }
0xc1: {  	_ =	swait.ge [sflag:s29], $0x1  }
0xc2: {  	[sflag:s29] =	ssyncadd.s32 $0xFFFFFFFF  }
0xc3: {  	_ =	strace $0x9000006D  }
0xc4: {  	_ =	sfence  }
0xc5: {  	s30 =	sld [smem:$0x0];
	_ =	sdelay $0x2  }
0xc6: {  	s31 =	sshll.u32 s1, $0xD;
	s1 =	sshrl.u32 s1, $0x2  }
0xc7: {  	s4 =	sand.u32 $0x4000, s31;
	s1 =	sadd.s32 s1, s30  }
0xc8: {  	s0 =	sor.u32 s4, s0;
	s1 =	sshll.u32 s1, $0x11  }
0xc9: {  	s0 =	sor.u32 s1, s0  }
0xca: {  	s0 =	sadd.s32 $0x8F2B, s0  }
0xcb: {  	[sflag:s0] =	ssyncadd.remote.s32 $0x1  }
0xcc: {  	_ =	sfence.sel $0xFFFF  }
0xcd: {  	[dreg:$0x0] =	wrdreg $0xFFFFFFFF;
	(pc) =	sbr.abs _section_cstart, $3  }
0xce: {  	[dreg:$0x1] =	wrdreg $0xFFFFFFFF  }
0xcf: {  	_ =	task.clear_ibuf [dreg:s22], $0x2FFFF;
	_ =	strace $0x9FFFFFFF  }
0xd0: {  	(tm) =	ssettm $0x7FFFFFFF  }
0xd1: {  	_ =	shalt  }
tec
execute0_lowered:
.L_overlay_start_1:
0x0: {  	(tag) =	ssettag $0x1  }
0x1: {  	s0 =	srdreg.scid  }
0x2: {  	s22 =	sand.u32 $0x1, s0  }
0x3: {  	s0 =	stileid.u32;
	s1 =	sshll.u32 s22, $0x4  }
0x4: {  	s11 =	sor.u32 s0, s1  }
0x5: {  	s10 =	rddreg [dreg:$0x0];
	s2 =	simm.s32 $0x0;
	s3 =	smul.u32 $0x500, s11  }
0x6: {  	[smem:$0x7FF] =	sst s2  }
0x7: {  	s1 =	rddreg [dreg:$0x1];
	_ =	strace $0x80000065;
	s19 =	sadd.s32 s3, s10  }
0x8: {  	_ =	strace $0x80000066;
	s3 =	sadd.s32 $0xE000, s19  }
0x9: {  	[tilespmem:s2], [sflag:$0x1] =	stream.linear.gather [hbm4b:s3+s2], $0x800, $0x200038;
	[tilespmem:$0x11000] =	vst v63  }
0xa: {  	_ =	strace $0x90000066  }
0xb: {  	s5 =	simm.s32 $0x800;
	s4 =	sadd.s32 $0xE100, s19;
	_ =	strace $0x80000067  }
0xc: {  	[tilespmem:s5], [sflag:$0x2] =	stream.linear.gather [hbm4b:s4+s2], $0x800, $0x200038;
	[tilespmem:$0x11000] =	vst v63  }
0xd: {  	_ =	strace $0x90000067  }
0xe: {  	s6 =	simm.s32 $0x1;
	_ =	strace $0x80000068  }
0xf: {  	_ =	swait.ge [sflag:s6], $0x800  }
0x10: {  	[sflag:s6] =	ssyncset.done $0x0  }
0x11: {  	[sflag:s6] =	ssyncadd.s32 $0xFFFFF800  }
0x12: {  	s8 =	simm.s32 $0x1000;
	_ =	strace $0x90000068  }
0x13: {  	s9 =	simm.s32 $0x5;
	s7 =	sadd.s32 $0x10E6400, s10;
	_ =	strace $0x80000069  }
0x14: {  	[tilespmem:s8], [sflag:$0x5] =	stream.indirect.gather [hbm4b:s7+s5], $0x10, s2, s5, $0x2000b8;
	[tilespmem:$0x11000] =	vst v63  }
0x15: {  	_ =	swait.ge [sflag:s9], $0x8000  }
0x16: {  	s11 =	smul.u32 $0x5000, s11;
	[sflag:s9] =	ssyncset.done $0x0  }
0x17: {  	[sflag:s9] =	ssyncadd.s32 $0xFFFF8000  }
0x18: {  	s21 =	sadd.s32 s11, s10;
	_ =	strace $0x90000069  }
0x19: {  	s10 =	sadd.s32 $0x22A000, s21;
	_ =	strace $0x8000006A  }
0x1a: {  	[hbm4b:s10+s2] =	stream.linear.scatter [tilespmem:s8], [sflag:$0x3], $0x8000, $0x200038;
	[tilespmem:$0x11000] =	vst v63  }
0x1b: {  	_ =	strace $0x9000006A  }
0x1c: {  	s11 =	sadd.s32 $0xE200, s19;
	_ =	strace $0x80000067  }
0x1d: {  	[tilespmem:s2], [sflag:$0x1] =	stream.linear.gather [hbm4b:s11+s2], $0x800, $0x200038;
	[tilespmem:$0x11000] =	vst v63  }
0x1e: {  	_ =	strace $0x90000067  }
0x1f: {  	s12 =	simm.s32 $0x2;
	_ =	strace $0x80000068  }
0x20: {  	_ =	swait.ge [sflag:s12], $0x800  }
0x21: {  	[sflag:s12] =	ssyncset.done $0x0  }
0x22: {  	[sflag:s12] =	ssyncadd.s32 $0xFFFFF800  }
0x23: {  	_ =	strace $0x90000068  }
0x24: {  	s13 =	simm.s32 $0x9000;
	_ =	strace $0x80000069  }
0x25: {  	[tilespmem:s13], [sflag:$0x5] =	stream.indirect.gather [hbm4b:s7+s5], $0x10, s5, s5, $0x2000b8;
	[tilespmem:$0x11000] =	vst v63  }
0x26: {  	_ =	swait.ge [sflag:s9], $0x8000  }
0x27: {  	[sflag:s9] =	ssyncset.done $0x0  }
0x28: {  	[sflag:s9] =	ssyncadd.s32 $0xFFFF8000  }
0x29: {  	_ =	strace $0x90000069  }
0x2a: {  	s14 =	sadd.s32 $0x22B000, s21;
	_ =	strace $0x8000006A  }
0x2b: {  	[hbm4b:s14+s2] =	stream.linear.scatter [tilespmem:s13], [sflag:$0x4], $0x8000, $0x200038;
	[tilespmem:$0x11000] =	vst v63  }
0x2c: {  	_ =	strace $0x9000006A  }
0x2d: {  	s15 =	simm.s32 $0x3;
	_ =	strace $0x8000006B  }
0x2e: {  	_ =	swait.ge [sflag:s15], $0x8000  }
0x2f: {  	[sflag:s15] =	ssyncset.done $0x0  }
0x30: {  	[sflag:s15] =	ssyncadd.s32 $0xFFFF8000  }
0x31: {  	_ =	strace $0x9000006B  }
0x32: {  	s16 =	sadd.s32 $0xE300, s19;
	_ =	strace $0x80000067  }
0x33: {  	[tilespmem:s5], [sflag:$0x2] =	stream.linear.gather [hbm4b:s16+s2], $0x800, $0x200038;
	[tilespmem:$0x11000] =	vst v63  }
0x34: {  	_ =	strace $0x90000067  }
0x35: {  	_ =	strace $0x80000068  }
0x36: {  	_ =	swait.ge [sflag:s6], $0x800  }
0x37: {  	[sflag:s6] =	ssyncset.done $0x0  }
0x38: {  	[sflag:s6] =	ssyncadd.s32 $0xFFFFF800  }
0x39: {  	_ =	strace $0x90000068  }
0x3a: {  	_ =	strace $0x80000069  }
0x3b: {  	[tilespmem:s8], [sflag:$0x5] =	stream.indirect.gather [hbm4b:s7+s5], $0x10, s2, s5, $0x2000b8;
	[tilespmem:$0x11000] =	vst v63  }
0x3c: {  	_ =	swait.ge [sflag:s9], $0x8000  }
0x3d: {  	[sflag:s9] =	ssyncset.done $0x0  }
0x3e: {  	[sflag:s9] =	ssyncadd.s32 $0xFFFF8000  }
0x3f: {  	_ =	strace $0x90000069  }
0x40: {  	s17 =	sadd.s32 $0x22C000, s21;
	_ =	strace $0x8000006A  }
0x41: {  	[hbm4b:s17+s2] =	stream.linear.scatter [tilespmem:s8], [sflag:$0x3], $0x8000, $0x200038;
	[tilespmem:$0x11000] =	vst v63  }
0x42: {  	_ =	strace $0x9000006A  }
0x43: {  	s18 =	simm.s32 $0x4;
	_ =	strace $0x8000006B  }
0x44: {  	_ =	swait.ge [sflag:s18], $0x8000  }
0x45: {  	[sflag:s18] =	ssyncset.done $0x0  }
0x46: {  	[sflag:s18] =	ssyncadd.s32 $0xFFFF8000  }
0x47: {  	_ =	strace $0x9000006B  }
0x48: {  	s19 =	sadd.s32 $0xE400, s19;
	_ =	strace $0x80000067  }
0x49: {  	[tilespmem:s2], [sflag:$0x1] =	stream.linear.gather [hbm4b:s19+s2], $0x800, $0x200038;
	[tilespmem:$0x11000] =	vst v63  }
0x4a: {  	_ =	strace $0x90000067  }
0x4b: {  	_ =	strace $0x80000068  }
0x4c: {  	_ =	swait.ge [sflag:s12], $0x800  }
0x4d: {  	[sflag:s12] =	ssyncset.done $0x0  }
0x4e: {  	[sflag:s12] =	ssyncadd.s32 $0xFFFFF800  }
0x4f: {  	_ =	strace $0x90000068  }
0x50: {  	_ =	strace $0x80000069  }
0x51: {  	[tilespmem:s13], [sflag:$0x5] =	stream.indirect.gather [hbm4b:s7+s5], $0x10, s5, s5, $0x2000b8;
	[tilespmem:$0x11000] =	vst v63  }
0x52: {  	_ =	swait.ge [sflag:s9], $0x8000  }
0x53: {  	[sflag:s9] =	ssyncset.done $0x0  }
0x54: {  	[sflag:s9] =	ssyncadd.s32 $0xFFFF8000  }
0x55: {  	_ =	strace $0x90000069  }
0x56: {  	s20 =	sadd.s32 $0x22D000, s21;
	_ =	strace $0x8000006A  }
0x57: {  	[hbm4b:s20+s2] =	stream.linear.scatter [tilespmem:s13], [sflag:$0x4], $0x8000, $0x200038;
	[tilespmem:$0x11000] =	vst v63  }
0x58: {  	_ =	strace $0x9000006A  }
0x59: {  	_ =	strace $0x8000006B  }
0x5a: {  	_ =	swait.ge [sflag:s15], $0x8000  }
0x5b: {  	[sflag:s15] =	ssyncset.done $0x0  }
0x5c: {  	[sflag:s15] =	ssyncadd.s32 $0xFFFF8000  }
0x5d: {  	_ =	strace $0x9000006B  }
0x5e: {  	_ =	strace $0x80000068  }
0x5f: {  	_ =	swait.ge [sflag:s6], $0x800  }
0x60: {  	[sflag:s6] =	ssyncset.done $0x0  }
0x61: {  	[sflag:s6] =	ssyncadd.s32 $0xFFFFF800  }
0x62: {  	_ =	strace $0x90000068  }
0x63: {  	_ =	strace $0x80000069  }
0x64: {  	[tilespmem:s8], [sflag:$0x5] =	stream.indirect.gather [hbm4b:s7+s5], $0x10, s2, s5, $0x2000b8;
	[tilespmem:$0x11000] =	vst v63  }
0x65: {  	_ =	swait.ge [sflag:s9], $0x8000  }
0x66: {  	[sflag:s9] =	ssyncset.done $0x0  }
0x67: {  	[sflag:s9] =	ssyncadd.s32 $0xFFFF8000  }
0x68: {  	_ =	strace $0x90000069  }
0x69: {  	s21 =	sadd.s32 $0x22E000, s21;
	_ =	strace $0x8000006A  }
0x6a: {  	[hbm4b:s21+s2] =	stream.linear.scatter [tilespmem:s8], [sflag:$0x3], $0x8000, $0x200038;
	[tilespmem:$0x11000] =	vst v63  }
0x6b: {  	s22 =	ssub.s32 $0x2, s22;
	_ =	strace $0x9000006A  }
0x6c: {  	s23 =	sshrl.u32 s22, $0x1;
	_ =	strace $0x8000006B  }
0x6d: {  	s22 =	ssub.s32 s22, s23;
	_ =	swait.ge [sflag:s18], $0x8000  }
0x6e: {  	s22 =	smax.u32 s22, $0x1;
	[sflag:s18] =	ssyncset.done $0x0  }
0x6f: {  	p0 =	sne.s32 s22, $0x1;
	[sflag:s18] =	ssyncadd.s32 $0xFFFF8000  }
.Ltmp0:
0x70: {  	_ =	strace $0x9000006B;
	(pc) =	sbr.rel @!p0 .LBB2_2-.Ltmp0, $4  }
0x71: {  	_ =	strace $0x8000006C  }
0x72: {  	_ =	swait.ge [sflag:s15], $0x8000  }
0x73: {  	[sflag:s15] =	ssyncset.done $0x0  }
0x74: {  	s22 =	sadd.s32 $0xFFFFFFFF, s22;
	[sflag:s15] =	ssyncadd.s32 $0xFFFF8000  }
.LBB2_1:
0x75: {  	p0 =	sne.s32 s22, $0x1;
	s22 =	sadd.s32 $0xFFFFFFFF, s22;
	_ =	strace $0x9000006C  }
0x76: {  	_ =	strace $0x80000066  }
0x77: {  	[tilespmem:s2], [sflag:$0x1] =	stream.linear.gather [hbm4b:s3+s2], $0x800, $0x200038;
	[tilespmem:$0x11000] =	vst v63  }
0x78: {  	_ =	strace $0x90000066  }
0x79: {  	_ =	strace $0x80000067  }
0x7a: {  	[tilespmem:s5], [sflag:$0x2] =	stream.linear.gather [hbm4b:s4+s2], $0x800, $0x200038;
	[tilespmem:$0x11000] =	vst v63  }
0x7b: {  	_ =	strace $0x90000067  }
0x7c: {  	_ =	strace $0x80000068  }
0x7d: {  	_ =	swait.ge [sflag:s6], $0x800  }
0x7e: {  	[sflag:s6] =	ssyncset.done $0x0  }
0x7f: {  	[sflag:s6] =	ssyncadd.s32 $0xFFFFF800  }
0x80: {  	_ =	strace $0x90000068  }
0x81: {  	_ =	strace $0x80000069  }
0x82: {  	[tilespmem:s8], [sflag:$0x5] =	stream.indirect.gather [hbm4b:s7+s5], $0x10, s2, s5, $0x2000b8;
	[tilespmem:$0x11000] =	vst v63  }
0x83: {  	_ =	swait.ge [sflag:s9], $0x8000  }
0x84: {  	[sflag:s9] =	ssyncset.done $0x0  }
0x85: {  	[sflag:s9] =	ssyncadd.s32 $0xFFFF8000  }
0x86: {  	_ =	strace $0x90000069  }
0x87: {  	_ =	strace $0x8000006A  }
0x88: {  	[hbm4b:s10+s2] =	stream.linear.scatter [tilespmem:s8], [sflag:$0x3], $0x8000, $0x200038;
	[tilespmem:$0x11000] =	vst v63  }
0x89: {  	_ =	strace $0x9000006A  }
0x8a: {  	_ =	strace $0x80000067  }
0x8b: {  	[tilespmem:s2], [sflag:$0x1] =	stream.linear.gather [hbm4b:s11+s2], $0x800, $0x200038;
	[tilespmem:$0x11000] =	vst v63  }
0x8c: {  	_ =	strace $0x90000067  }
0x8d: {  	_ =	strace $0x80000068  }
0x8e: {  	_ =	swait.ge [sflag:s12], $0x800  }
0x8f: {  	[sflag:s12] =	ssyncset.done $0x0  }
0x90: {  	[sflag:s12] =	ssyncadd.s32 $0xFFFFF800  }
0x91: {  	_ =	strace $0x90000068  }
0x92: {  	_ =	strace $0x80000069  }
0x93: {  	[tilespmem:s13], [sflag:$0x5] =	stream.indirect.gather [hbm4b:s7+s5], $0x10, s5, s5, $0x2000b8;
	[tilespmem:$0x11000] =	vst v63  }
0x94: {  	_ =	swait.ge [sflag:s9], $0x8000  }
0x95: {  	[sflag:s9] =	ssyncset.done $0x0  }
0x96: {  	[sflag:s9] =	ssyncadd.s32 $0xFFFF8000  }
0x97: {  	_ =	strace $0x90000069  }
0x98: {  	_ =	strace $0x8000006A  }
0x99: {  	[hbm4b:s14+s2] =	stream.linear.scatter [tilespmem:s13], [sflag:$0x4], $0x8000, $0x200038;
	[tilespmem:$0x11000] =	vst v63  }
0x9a: {  	_ =	strace $0x9000006A  }
0x9b: {  	_ =	strace $0x8000006B  }
0x9c: {  	_ =	swait.ge [sflag:s15], $0x8000  }
0x9d: {  	[sflag:s15] =	ssyncset.done $0x0  }
0x9e: {  	[sflag:s15] =	ssyncadd.s32 $0xFFFF8000  }
0x9f: {  	_ =	strace $0x9000006B  }
0xa0: {  	_ =	strace $0x80000067  }
0xa1: {  	[tilespmem:s5], [sflag:$0x2] =	stream.linear.gather [hbm4b:s16+s2], $0x800, $0x200038;
	[tilespmem:$0x11000] =	vst v63  }
0xa2: {  	_ =	strace $0x90000067  }
0xa3: {  	_ =	strace $0x80000068  }
0xa4: {  	_ =	swait.ge [sflag:s6], $0x800  }
0xa5: {  	[sflag:s6] =	ssyncset.done $0x0  }
0xa6: {  	[sflag:s6] =	ssyncadd.s32 $0xFFFFF800  }
0xa7: {  	_ =	strace $0x90000068  }
0xa8: {  	_ =	strace $0x80000069  }
0xa9: {  	[tilespmem:s8], [sflag:$0x5] =	stream.indirect.gather [hbm4b:s7+s5], $0x10, s2, s5, $0x2000b8;
	[tilespmem:$0x11000] =	vst v63  }
0xaa: {  	_ =	swait.ge [sflag:s9], $0x8000  }
0xab: {  	[sflag:s9] =	ssyncset.done $0x0  }
0xac: {  	[sflag:s9] =	ssyncadd.s32 $0xFFFF8000  }
0xad: {  	_ =	strace $0x90000069  }
0xae: {  	_ =	strace $0x8000006A  }
0xaf: {  	[hbm4b:s17+s2] =	stream.linear.scatter [tilespmem:s8], [sflag:$0x3], $0x8000, $0x200038;
	[tilespmem:$0x11000] =	vst v63  }
0xb0: {  	_ =	strace $0x9000006A  }
0xb1: {  	_ =	strace $0x8000006B  }
0xb2: {  	_ =	swait.ge [sflag:s18], $0x8000  }
0xb3: {  	[sflag:s18] =	ssyncset.done $0x0  }
0xb4: {  	[sflag:s18] =	ssyncadd.s32 $0xFFFF8000  }
0xb5: {  	_ =	strace $0x9000006B  }
0xb6: {  	_ =	strace $0x80000067  }
0xb7: {  	[tilespmem:s2], [sflag:$0x1] =	stream.linear.gather [hbm4b:s19+s2], $0x800, $0x200038;
	[tilespmem:$0x11000] =	vst v63  }
0xb8: {  	_ =	strace $0x90000067  }
0xb9: {  	_ =	strace $0x80000068  }
0xba: {  	_ =	swait.ge [sflag:s12], $0x800  }
0xbb: {  	[sflag:s12] =	ssyncset.done $0x0  }
0xbc: {  	[sflag:s12] =	ssyncadd.s32 $0xFFFFF800  }
0xbd: {  	_ =	strace $0x90000068  }
0xbe: {  	_ =	strace $0x80000069  }
0xbf: {  	[tilespmem:s13], [sflag:$0x5] =	stream.indirect.gather [hbm4b:s7+s5], $0x10, s5, s5, $0x2000b8;
	[tilespmem:$0x11000] =	vst v63  }
0xc0: {  	_ =	swait.ge [sflag:s9], $0x8000  }
0xc1: {  	[sflag:s9] =	ssyncset.done $0x0  }
0xc2: {  	[sflag:s9] =	ssyncadd.s32 $0xFFFF8000  }
0xc3: {  	_ =	strace $0x90000069  }
0xc4: {  	_ =	strace $0x8000006A  }
0xc5: {  	[hbm4b:s20+s2] =	stream.linear.scatter [tilespmem:s13], [sflag:$0x4], $0x8000, $0x200038;
	[tilespmem:$0x11000] =	vst v63  }
0xc6: {  	_ =	strace $0x9000006A  }
0xc7: {  	_ =	strace $0x8000006B  }
0xc8: {  	_ =	swait.ge [sflag:s15], $0x8000  }
0xc9: {  	[sflag:s15] =	ssyncset.done $0x0  }
0xca: {  	[sflag:s15] =	ssyncadd.s32 $0xFFFF8000  }
0xcb: {  	_ =	strace $0x9000006B  }
0xcc: {  	_ =	strace $0x80000068  }
0xcd: {  	_ =	swait.ge [sflag:s6], $0x800  }
0xce: {  	[sflag:s6] =	ssyncset.done $0x0  }
0xcf: {  	[sflag:s6] =	ssyncadd.s32 $0xFFFFF800  }
0xd0: {  	_ =	strace $0x90000068  }
0xd1: {  	_ =	strace $0x80000069  }
0xd2: {  	[tilespmem:s8], [sflag:$0x5] =	stream.indirect.gather [hbm4b:s7+s5], $0x10, s2, s5, $0x2000b8;
	[tilespmem:$0x11000] =	vst v63  }
0xd3: {  	_ =	swait.ge [sflag:s9], $0x8000  }
0xd4: {  	[sflag:s9] =	ssyncset.done $0x0  }
0xd5: {  	[sflag:s9] =	ssyncadd.s32 $0xFFFF8000  }
0xd6: {  	_ =	strace $0x90000069  }
0xd7: {  	_ =	strace $0x8000006A  }
0xd8: {  	[hbm4b:s21+s2] =	stream.linear.scatter [tilespmem:s8], [sflag:$0x3], $0x8000, $0x200038;
	[tilespmem:$0x11000] =	vst v63  }
0xd9: {  	_ =	strace $0x9000006A  }
0xda: {  	_ =	strace $0x8000006B  }
0xdb: {  	_ =	swait.ge [sflag:s18], $0x8000  }
0xdc: {  	[sflag:s18] =	ssyncset.done $0x0  }
0xdd: {  	[sflag:s18] =	ssyncadd.s32 $0xFFFF8000  }
.Ltmp1:
0xde: {  	_ =	strace $0x9000006B;
	(pc) =	sbr.rel @p0 .LBB2_1-.Ltmp1, $4  }
0xdf: {  	_ =	strace $0x8000006C  }
0xe0: {  	_ =	swait.ge [sflag:s15], $0x8000  }
0xe1: {  	[sflag:s15] =	ssyncset.done $0x0  }
0xe2: {  	[sflag:s15] =	ssyncadd.s32 $0xFFFF8000  }
.LBB2_2:
0xe3: {  	_ =	strace $0x9000006C  }
0xe4: {  	_ =	sfence.sel $0x180000  }
0xe5: {  	[bflag:$0x0] =	sbarrier.arrive $0xFFFF  }
0xe6: {  	p0 =	sne.s32 s0, $0x0;
	_ =	strace $0x90000065  }
0xe7: {  	s0 =	sadd.s32 @!p0 $0x100000, s1;
	[bflag:$0x2] =	sbarrier.arrive $0xFFFF  }
0xe8: {  	[sflag:s0] =	ssyncadd.tile.s32 @!p0 $0x1;
	_ =	shalt  }
.Lfunc_end2:
_tile_overlayer_lowered:
.L_overlay_start_2:
0xe9: {  	(tag) =	ssettag $0x2  }
0xea: {  	s0 =	rddreg [dreg:$0x0];
	s2 =	stileid.u32  }
0xeb: {  	s1 =	rddreg [dreg:$0x1];
	p0 =	sne.s32 s2, $0x0  }
0xec: {  	s3 =	rddreg [dreg:$0x2];
	[bflag:$0x3] =	sbarrier.arrive $0xFFFF;
	s2 =	simm.s32 @!p0 $0x1C01  }
0xed: {  	[timem:s3], [sflag:s2] =	dma.local @!p0 [hbm:s0], s1  }
0xee: {  	s0 =	simm.s32 @!p0 $0x1  }
0xef: {  	_ =	swait.ge @!p0 [sflag:s0], s1  }
0xf0: {  	s1 =	ssub.s32 @!p0 $0x0, s1;
	[sflag:s0] =	ssyncset.done @!p0 $0x0  }
0xf1: {  	[sflag:s0] =	ssyncadd.s32 @!p0 s1  }
0xf2: {  	[bflag:$0x3] =	sbarrier.arrive $0xFFFF  }
0xf3: {  	_ =	shalt  }

// kernel: kernel.30.cloned.1.call-start
scs
__scs_entry_jumppad:
0x0: {  	(pc) =	sbr.rel $0x88, $3  }
0x1: {  	(tag) =	ssettag $0x0;
	lr =	simm.s32 $0x1  }
0x2: {  	[smem:$0x3F9B] =	sst lr;
	_ =	strace $0xD0000000  }
0x3: {  	_ = 	snop  }
0x4: {  	_ = 	snop  }
0x5: {  	_ = 	snop  }
0x6: {  	_ = 	snop  }
0x7: {  	_ = 	snop  }
__scs_overlays_trampoline_lowered:
0x8: {  	[smem:$0x3FAA] =	sst s0  }
0x9: {  	[smem:$0x3FAB] =	sst s1  }
0xa: {  	[smem:$0x3FAC] =	sst s2  }
0xb: {  	[smem:$0x3FAD] =	sst s3  }
0xc: {  	[smem:$0x3FAE] =	sst s4  }
0xd: {  	[smem:$0x3FAF] =	sst s5  }
0xe: {  	[smem:$0x3FB0] =	sst s6  }
0xf: {  	[smem:$0x3FB1] =	sst s7  }
0x10: {  	[smem:$0x3FB2] =	sst s8  }
0x11: {  	[smem:$0x3FB3] =	sst s9;
	s0 =	simm.s32 @!p0 $0x0  }
0x12: {  	s1 =	sld [smem:$0x3F99];
	s0 =	simm.s32 @p0 $0x1  }
0x13: {  	[smem:$0x3FB4] =	sst s0;
	s0 =	simm.s32 @!p1 $0x0  }
0x14: {  	s2 =	sld [smem:$0x3F98];
	s0 =	simm.s32 @p1 $0x1  }
0x15: {  	[smem:$0x3FB5] =	sst s0;
	s0 =	simm.s32 @!p2 $0x0  }
0x16: {  	s3 =	sld [smem:$0x3FDB];
	s0 =	simm.s32 @p2 $0x1  }
0x17: {  	s4 =	simm.s32 $0x1BF5;
	[smem:$0x3FB7] =	sst s0  }
0x18: {  	s0 =	sld [smem:$0x3F9A];
	_ =	swait.ge [sflag:s4], $0x0  }
0x19: {  	s7 =	sld [smem:$0x3F9B]  }
0x1a: {  	s8 =	sadd.s32 $0xFFFFE003, lr  }
0x1b: {  	s9 =	sadd.s32 $0xFFFFFEF7, lr;
	s5 =	simm.s32 $0xFFFFFFFF;
	p2 =	slt.u32 s8, $0xFFFFF086  }
0x1c: {  	p1 =	slt.u32 s9, $0xF7A;
	s5 =	simm.s32 @!p2 $0x0  }
0x1d: {  	s5 =	simm.s32 @p1 $0x1;
	p0 =	seq.s32 s7, s2  }
0x1e: {  	s7 =	smul.u32 @!p0 $0xF7A, s2;
	p2 =	seq.s32 @!p0 s5, $0x0  }
0x1f: {  	s9 =	smul.u32 $0xF7A, s1;
	s8 =	simm.s32 @!p0 $0x1BF5;
	p2 =	por !p2, p0  }
0x20: {  	[sflag:s8] =	ssyncset.s32 @!p0 $0xFFFFF086;
	s6 =	sadd.s32 @!p0 s3, s7;
	s7 =	simm.s32 @!p0 $0x108  }
0x21: {  	s3 =	sadd.s32 s3, s9;
	s6 =	sadd.s32 @!p0 $0x88, s6;
	s7 =	simm.s32 @p2 $0x1082  }
0x22: {  	[simem:s7], [sflag:s8] =	dma.local @!p0 [hbm:s6], $0xF7A  }
0x23: {  	s9 =	sor.u32 $0xD0000000, s2;
	s6 =	simm.s32 $0x108;
	_ =	swait.ge @!p0 [sflag:s8], $0x0  }
0x24: {  	s3 =	sadd.s32 $0x88, s3;
	s6 =	simm.s32 @!p1 $0x1082;
	[sflag:s4] =	ssyncset.s32 $0xFFFFF086  }
0x25: {  	[simem:s6], [sflag:s4] =	dma.local [hbm:s3], $0xF7A  }
0x26: {  	[smem:$0x3F9B] =	sst s1;
	(tag) =	ssettag s2;
	_ =	strace s9  }
0x27: {  	s1 =	sld [smem:$0x3FAB]  }
0x28: {  	s2 =	sld [smem:$0x3FAC]  }
0x29: {  	s4 =	sld [smem:$0x3FAE]  }
0x2a: {  	p0 =	seq.s32 s5, $0x0;
	s5 =	sld [smem:$0x3FAF]  }
0x2b: {  	s6 =	sld [smem:$0x3FB0]  }
0x2c: {  	s7 =	sld [smem:$0x3FB1]  }
0x2d: {  	s3 =	simm.s32 $0x108;
	s8 =	sld [smem:$0x3FB2]  }
0x2e: {  	s3 =	simm.s32 @!p0 $0x1082;
	s9 =	sld [smem:$0x3FB3]  }
0x2f: {  	lr =	sadd.s32 s0, s3;
	s0 =	sld [smem:$0x3FAA]  }
0x30: {  	s3 =	sld [smem:$0x3FAD]  }
0x31: {  	[smem:$0x3FB6] =	sst s10  }
0x32: {  	s10 =	sld [smem:$0x3FB4];
	_ =	sdelay $0x3  }
0x33: {  	p0 =	seq.s32 s10, $0x1;
	s10 =	sld [smem:$0x3FB6];
	_ =	sdelay $0x3  }
0x34: {  	[smem:$0x3FB6] =	sst s10  }
0x35: {  	s10 =	sld [smem:$0x3FB5];
	_ =	sdelay $0x3  }
0x36: {  	p1 =	seq.s32 s10, $0x1;
	s10 =	sld [smem:$0x3FB6];
	_ =	sdelay $0x3  }
0x37: {  	[smem:$0x3FB6] =	sst s10  }
0x38: {  	s10 =	sld [smem:$0x3FB7]  }
0x39: {  	_ = 	snop;
	(pc) =	sbr.ind lr, $3  }
0x3a: {  	_ = 	snop  }
0x3b: {  	_ = 	snop  }
0x3c: {  	p2 =	seq.s32 s10, $0x1;
	s10 =	sld [smem:$0x3FB6]  }
0x3d: {  	_ =	shalt  }
0x3e: {  	_ =	shalt  }
0x3f: {  	_ =	shalt  }
0x40: {  	_ =	shalt  }
0x41: {  	_ =	shalt  }
0x42: {  	_ =	shalt  }
0x43: {  	_ =	shalt  }
0x44: {  	_ =	shalt  }
0x45: {  	_ =	shalt  }
0x46: {  	_ =	shalt  }
0x47: {  	_ =	shalt  }
0x48: {  	_ =	shalt  }
0x49: {  	_ =	shalt  }
0x4a: {  	_ =	shalt  }
0x4b: {  	_ =	shalt  }
0x4c: {  	_ =	shalt  }
0x4d: {  	_ =	shalt  }
0x4e: {  	_ =	shalt  }
0x4f: {  	_ =	shalt  }
0x50: {  	_ =	shalt  }
0x51: {  	_ =	shalt  }
0x52: {  	_ =	shalt  }
0x53: {  	_ =	shalt  }
0x54: {  	_ =	shalt  }
0x55: {  	_ =	shalt  }
0x56: {  	_ =	shalt  }
0x57: {  	_ =	shalt  }
0x58: {  	_ =	shalt  }
0x59: {  	_ =	shalt  }
0x5a: {  	_ =	shalt  }
0x5b: {  	_ =	shalt  }
0x5c: {  	_ =	shalt  }
0x5d: {  	_ =	shalt  }
0x5e: {  	_ =	shalt  }
0x5f: {  	_ =	shalt  }
0x60: {  	_ =	shalt  }
0x61: {  	_ =	shalt  }
0x62: {  	_ =	shalt  }
0x63: {  	_ =	shalt  }
0x64: {  	_ =	shalt  }
0x65: {  	_ =	shalt  }
0x66: {  	_ =	shalt  }
0x67: {  	_ =	shalt  }
0x68: {  	_ =	shalt  }
0x69: {  	_ =	shalt  }
0x6a: {  	_ =	shalt  }
0x6b: {  	_ =	shalt  }
0x6c: {  	_ =	shalt  }
0x6d: {  	_ =	shalt  }
0x6e: {  	_ =	shalt  }
0x6f: {  	_ =	shalt  }
0x70: {  	_ =	shalt  }
0x71: {  	_ =	shalt  }
0x72: {  	_ =	shalt  }
0x73: {  	_ =	shalt  }
0x74: {  	_ =	shalt  }
0x75: {  	_ =	shalt  }
0x76: {  	_ =	shalt  }
0x77: {  	_ =	shalt  }
0x78: {  	_ =	shalt  }
0x79: {  	_ =	shalt  }
0x7a: {  	_ =	shalt  }
0x7b: {  	_ =	shalt  }
0x7c: {  	_ =	shalt  }
0x7d: {  	_ =	shalt  }
0x7e: {  	_ =	shalt  }
0x7f: {  	_ =	shalt  }
0x80: {  	_ =	shalt  }
0x81: {  	_ =	shalt  }
0x82: {  	_ =	shalt  }
0x83: {  	_ =	shalt  }
0x84: {  	_ =	shalt  }
0x85: {  	_ =	shalt  }
0x86: {  	_ =	shalt  }
0x87: {  	_ =	shalt  }
.Lfunc_end0:
.L_simem_size_0:
called_computation.4_lowered:
.L_overlay_start_0:
0x88: {  	s2 =	sld [smem:$0x3FD9]  }
0x89: {  	s3 =	sld [smem:$0x3FFE];
	_ =	sdelay $0x1  }
0x8a: {  	s1 =	srdreg.scid  }
0x8b: {  	s0 =	sand.u32 $0x1, s1  }
0x8c: {  	s17 =	sshll.u32 s0, $0xA;
	s2 =	sadd.s32 s3, s2  }
0x8d: {  	s2 =	sadd.s32 s2, s17  }
0x8e: {  	[smem:$0x3FC2] =	sst s2  }
0x8f: {  	_ = 	snop  }
0x90: {  	(tm) =	ssettm $0x1  }
0x91: {  	s18 =	sld [smem:$0x3FFB];
	_ =	sdelay $0x3  }
0x92: {  	_ =	strace s18  }
0x93: {  	s2 =	sld [smem:$0x3FFC];
	_ =	sdelay $0x3  }
0x94: {  	_ =	strace s2  }
0x95: {  	s2 =	sld [smem:$0x3FFD];
	_ =	sdelay $0x3  }
0x96: {  	_ =	strace s2  }
0x97: {  	_ =	strace $0x8FFFFFFF  }
0x98: {  	s19 =	sld [smem:$0x3FDB];
	_ =	sdelay $0x1  }
0x99: {  	s20 =	simm.s32 $_scs_section_size  }
0x9a: {  	s4 =	simm.s32 $_size__tile_overlayer_lowered;
	s5 =	simm.s32 $_tile_overlayer_lowered  }
0x9b: {  	s6 =	simm.s32 $0x1BFF;
	s21 =	sshll.u32 s5, $0x1;
	s3 =	sadd.s32 s20, s19  }
0x9c: {  	s22 =	simm.s32 $0x0;
	s4 =	sshll.u32 s4, $0x1;
	s5 =	sadd.s32 s21, s3  }
0x9d: {  	[timem:s22], [sflag:s6] =	dma.local [hbm:s5], s4  }
0x9e: {  	_ =	swait.ge [sflag:s6], s4  }
0x9f: {  	s4 =	ssub.s32 $0x0, s4;
	[sflag:s6] =	ssyncset.done $0x0  }
0xa0: {  	[sflag:s6] =	ssyncadd.s32 s4;
	_ =	sdelay $0x1  }
0xa1: {  	s23 =	simm.s32 $0x1B8B  }
0xa2: {  	_ =	swait.ge [sflag:s23], $0x1  }
0xa3: {  	[sflag:s23] =	ssyncset.done $0x0  }
0xa4: {  	[sflag:s23] =	ssyncadd.s32 $0xFFFFFFFF  }
0xa5: {  	s4 =	sld [smem:$0x0]  }
0xa6: {  	s5 =	sand.u32 $0xFFFFFFFE, s1  }
0xa7: {  	p0 =	sne.s32 s1, s5  }
0xa8: {  	s5 =	sshll.u32 @p0 s5, $0xE  }
0xa9: {  	s5 =	sadd.s32 @p0 $0x11B8D, s5;
	s6 =	sshll.u32 @p0 s4, $0x11  }
0xaa: {  	s5 =	sor.u32 @p0 s6, s5  }
0xab: {  	[sflag:s5] =	ssyncadd.remote.s32 @p0 $0x1;
	_ =	sdelay $0x1  }
0xac: {  	s5 =	simm.s32 @p0 $0x1B8D  }
0xad: {  	_ =	swait.eq @p0 [sflag:s5], $0x1  }
0xae: {  	[sflag:s5] =	ssyncadd.s32 @p0 $0xFFFFFFFF  }
0xaf: {  	s6 =	sshll.u32 @!p0 s1, $0xE  }
0xb0: {  	s6 =	sor.u32 @!p0 $0x4000, s6;
	s5 =	simm.s32 @!p0 $0x1B8D  }
0xb1: {  	s4 =	sshll.u32 @!p0 s4, $0x11;
	s6 =	sadd.s32 @!p0 $0x11B8D, s6;
	_ =	swait.eq @!p0 [sflag:s5], $0x1  }
0xb2: {  	s4 =	sor.u32 @!p0 s4, s6;
	[sflag:s5] =	ssyncadd.s32 @!p0 $0xFFFFFFFF  }
0xb3: {  	s25 =	simm.s32 $0x1B8E;
	s24 =	sld [smem:$0x3FFE];
	[sflag:s4] =	ssyncadd.remote.s32 @!p0 $0x1  }
0xb4: {  	s26 =	simm.s32 $execute0_lowered;
	[smem:$0x3FD2] =	sst s25  }
0xb5: {  	s5 =	sshll.u32 s26, $0x1;
	_ =	strace $0x8000006E;
	[dreg:$0x1] =	wrdreg $0xFFFFFFFF  }
0xb6: {  	s28 =	simm.s32 $_size_execute0_lowered;
	s3 =	sadd.s32 s3, s5;
	[dreg:$0x0] =	wrdreg $0x0  }
0xb7: {  	s5 =	sshll.u32 s28, $0x1;
	[dreg:$0x2] =	wrdreg s3  }
0xb8: {  	[dreg:$0x3] =	wrdreg s5  }
0xb9: {  	[dreg:$0x4] =	wrdreg $0xC0  }
0xba: {  	_ =	task [dreg:s22], $0x5FFFF  }
0xbb: {  	[dreg:$0x1] =	wrdreg $0xFFFFFFFF  }
0xbc: {  	[dreg:$0x0] =	wrdreg $0x60  }
0xbd: {  	[dreg:$0x2] =	wrdreg s24  }
0xbe: {  	[dreg:$0x3] =	wrdreg $0xD  }
0xbf: {  	_ =	task.clear_ibuf [dreg:s22], $0x4FFFF;
	_ =	strace $0x9000006E  }
0xc0: {  	s29 =	simm.s32 $0xD;
	_ =	strace $0x80000077  }
0xc1: {  	_ =	swait.ge [sflag:s29], $0x1  }
0xc2: {  	[sflag:s29] =	ssyncadd.s32 $0xFFFFFFFF  }
0xc3: {  	_ =	strace $0x90000077  }
0xc4: {  	_ =	sfence  }
0xc5: {  	s30 =	sld [smem:$0x0];
	_ =	sdelay $0x2  }
0xc6: {  	s31 =	sshll.u32 s1, $0xD;
	s1 =	sshrl.u32 s1, $0x2  }
0xc7: {  	s4 =	sand.u32 $0x4000, s31;
	s1 =	sadd.s32 s1, s30  }
0xc8: {  	s0 =	sor.u32 s4, s0;
	s1 =	sshll.u32 s1, $0x11  }
0xc9: {  	s0 =	sor.u32 s1, s0  }
0xca: {  	s0 =	sadd.s32 $0x8F2B, s0  }
0xcb: {  	[sflag:s0] =	ssyncadd.remote.s32 $0x1  }
0xcc: {  	_ =	sfence.sel $0xFFFF  }
0xcd: {  	[dreg:$0x0] =	wrdreg $0xFFFFFFFF;
	(pc) =	sbr.abs _section_cstart, $3  }
0xce: {  	[dreg:$0x1] =	wrdreg $0xFFFFFFFF  }
0xcf: {  	_ =	task.clear_ibuf [dreg:s22], $0x2FFFF;
	_ =	strace $0x9FFFFFFF  }
0xd0: {  	(tm) =	ssettm $0x7FFFFFFF  }
0xd1: {  	_ =	shalt  }
tec
execute0_lowered:
.L_overlay_start_1:
0x0: {  	(tag) =	ssettag $0x1  }
0x1: {  	s0 =	srdreg.scid  }
0x2: {  	s22 =	sand.u32 $0x1, s0  }
0x3: {  	s0 =	stileid.u32;
	s1 =	sshll.u32 s22, $0x4  }
0x4: {  	s11 =	sor.u32 s0, s1  }
0x5: {  	s10 =	rddreg [dreg:$0x0];
	s2 =	simm.s32 $0x0;
	s3 =	smul.u32 $0x500, s11  }
0x6: {  	[smem:$0x7FF] =	sst s2  }
0x7: {  	s1 =	rddreg [dreg:$0x1];
	_ =	strace $0x8000006F;
	s19 =	sadd.s32 s3, s10  }
0x8: {  	_ =	strace $0x80000070;
	s3 =	sadd.s32 $0x18000, s19  }
0x9: {  	[tilespmem:s2], [sflag:$0x1] =	stream.linear.gather [hbm4b:s3+s2], $0x800, $0x200038;
	[tilespmem:$0x11000] =	vst v63  }
0xa: {  	_ =	strace $0x90000070  }
0xb: {  	s5 =	simm.s32 $0x800;
	s4 =	sadd.s32 $0x18100, s19;
	_ =	strace $0x80000071  }
0xc: {  	[tilespmem:s5], [sflag:$0x2] =	stream.linear.gather [hbm4b:s4+s2], $0x800, $0x200038;
	[tilespmem:$0x11000] =	vst v63  }
0xd: {  	_ =	strace $0x90000071  }
0xe: {  	s6 =	simm.s32 $0x1;
	_ =	strace $0x80000072  }
0xf: {  	_ =	swait.ge [sflag:s6], $0x800  }
0x10: {  	[sflag:s6] =	ssyncset.done $0x0  }
0x11: {  	[sflag:s6] =	ssyncadd.s32 $0xFFFFF800  }
0x12: {  	s8 =	simm.s32 $0x1000;
	_ =	strace $0x90000072  }
0x13: {  	s9 =	simm.s32 $0x5;
	s7 =	sadd.s32 $0x10E6400, s10;
	_ =	strace $0x80000073  }
0x14: {  	[tilespmem:s8], [sflag:$0x5] =	stream.indirect.gather [hbm4b:s7+s5], $0x10, s2, s5, $0x2000b8;
	[tilespmem:$0x11000] =	vst v63  }
0x15: {  	_ =	swait.ge [sflag:s9], $0x8000  }
0x16: {  	s11 =	smul.u32 $0x5000, s11;
	[sflag:s9] =	ssyncset.done $0x0  }
0x17: {  	[sflag:s9] =	ssyncadd.s32 $0xFFFF8000  }
0x18: {  	s21 =	sadd.s32 s11, s10;
	_ =	strace $0x90000073  }
0x19: {  	s10 =	sadd.s32 $0x2CA000, s21;
	_ =	strace $0x80000074  }
0x1a: {  	[hbm4b:s10+s2] =	stream.linear.scatter [tilespmem:s8], [sflag:$0x3], $0x8000, $0x200038;
	[tilespmem:$0x11000] =	vst v63  }
0x1b: {  	_ =	strace $0x90000074  }
0x1c: {  	s11 =	sadd.s32 $0x18200, s19;
	_ =	strace $0x80000071  }
0x1d: {  	[tilespmem:s2], [sflag:$0x1] =	stream.linear.gather [hbm4b:s11+s2], $0x800, $0x200038;
	[tilespmem:$0x11000] =	vst v63  }
0x1e: {  	_ =	strace $0x90000071  }
0x1f: {  	s12 =	simm.s32 $0x2;
	_ =	strace $0x80000072  }
0x20: {  	_ =	swait.ge [sflag:s12], $0x800  }
0x21: {  	[sflag:s12] =	ssyncset.done $0x0  }
0x22: {  	[sflag:s12] =	ssyncadd.s32 $0xFFFFF800  }
0x23: {  	_ =	strace $0x90000072  }
0x24: {  	s13 =	simm.s32 $0x9000;
	_ =	strace $0x80000073  }
0x25: {  	[tilespmem:s13], [sflag:$0x5] =	stream.indirect.gather [hbm4b:s7+s5], $0x10, s5, s5, $0x2000b8;
	[tilespmem:$0x11000] =	vst v63  }
0x26: {  	_ =	swait.ge [sflag:s9], $0x8000  }
0x27: {  	[sflag:s9] =	ssyncset.done $0x0  }
0x28: {  	[sflag:s9] =	ssyncadd.s32 $0xFFFF8000  }
0x29: {  	_ =	strace $0x90000073  }
0x2a: {  	s14 =	sadd.s32 $0x2CB000, s21;
	_ =	strace $0x80000074  }
0x2b: {  	[hbm4b:s14+s2] =	stream.linear.scatter [tilespmem:s13], [sflag:$0x4], $0x8000, $0x200038;
	[tilespmem:$0x11000] =	vst v63  }
0x2c: {  	_ =	strace $0x90000074  }
0x2d: {  	s15 =	simm.s32 $0x3;
	_ =	strace $0x80000075  }
0x2e: {  	_ =	swait.ge [sflag:s15], $0x8000  }
0x2f: {  	[sflag:s15] =	ssyncset.done $0x0  }
0x30: {  	[sflag:s15] =	ssyncadd.s32 $0xFFFF8000  }
0x31: {  	_ =	strace $0x90000075  }
0x32: {  	s16 =	sadd.s32 $0x18300, s19;
	_ =	strace $0x80000071  }
0x33: {  	[tilespmem:s5], [sflag:$0x2] =	stream.linear.gather [hbm4b:s16+s2], $0x800, $0x200038;
	[tilespmem:$0x11000] =	vst v63  }
0x34: {  	_ =	strace $0x90000071  }
0x35: {  	_ =	strace $0x80000072  }
0x36: {  	_ =	swait.ge [sflag:s6], $0x800  }
0x37: {  	[sflag:s6] =	ssyncset.done $0x0  }
0x38: {  	[sflag:s6] =	ssyncadd.s32 $0xFFFFF800  }
0x39: {  	_ =	strace $0x90000072  }
0x3a: {  	_ =	strace $0x80000073  }
0x3b: {  	[tilespmem:s8], [sflag:$0x5] =	stream.indirect.gather [hbm4b:s7+s5], $0x10, s2, s5, $0x2000b8;
	[tilespmem:$0x11000] =	vst v63  }
0x3c: {  	_ =	swait.ge [sflag:s9], $0x8000  }
0x3d: {  	[sflag:s9] =	ssyncset.done $0x0  }
0x3e: {  	[sflag:s9] =	ssyncadd.s32 $0xFFFF8000  }
0x3f: {  	_ =	strace $0x90000073  }
0x40: {  	s17 =	sadd.s32 $0x2CC000, s21;
	_ =	strace $0x80000074  }
0x41: {  	[hbm4b:s17+s2] =	stream.linear.scatter [tilespmem:s8], [sflag:$0x3], $0x8000, $0x200038;
	[tilespmem:$0x11000] =	vst v63  }
0x42: {  	_ =	strace $0x90000074  }
0x43: {  	s18 =	simm.s32 $0x4;
	_ =	strace $0x80000075  }
0x44: {  	_ =	swait.ge [sflag:s18], $0x8000  }
0x45: {  	[sflag:s18] =	ssyncset.done $0x0  }
0x46: {  	[sflag:s18] =	ssyncadd.s32 $0xFFFF8000  }
0x47: {  	_ =	strace $0x90000075  }
0x48: {  	s19 =	sadd.s32 $0x18400, s19;
	_ =	strace $0x80000071  }
0x49: {  	[tilespmem:s2], [sflag:$0x1] =	stream.linear.gather [hbm4b:s19+s2], $0x800, $0x200038;
	[tilespmem:$0x11000] =	vst v63  }
0x4a: {  	_ =	strace $0x90000071  }
0x4b: {  	_ =	strace $0x80000072  }
0x4c: {  	_ =	swait.ge [sflag:s12], $0x800  }
0x4d: {  	[sflag:s12] =	ssyncset.done $0x0  }
0x4e: {  	[sflag:s12] =	ssyncadd.s32 $0xFFFFF800  }
0x4f: {  	_ =	strace $0x90000072  }
0x50: {  	_ =	strace $0x80000073  }
0x51: {  	[tilespmem:s13], [sflag:$0x5] =	stream.indirect.gather [hbm4b:s7+s5], $0x10, s5, s5, $0x2000b8;
	[tilespmem:$0x11000] =	vst v63  }
0x52: {  	_ =	swait.ge [sflag:s9], $0x8000  }
0x53: {  	[sflag:s9] =	ssyncset.done $0x0  }
0x54: {  	[sflag:s9] =	ssyncadd.s32 $0xFFFF8000  }
0x55: {  	_ =	strace $0x90000073  }
0x56: {  	s20 =	sadd.s32 $0x2CD000, s21;
	_ =	strace $0x80000074  }
0x57: {  	[hbm4b:s20+s2] =	stream.linear.scatter [tilespmem:s13], [sflag:$0x4], $0x8000, $0x200038;
	[tilespmem:$0x11000] =	vst v63  }
0x58: {  	_ =	strace $0x90000074  }
0x59: {  	_ =	strace $0x80000075  }
0x5a: {  	_ =	swait.ge [sflag:s15], $0x8000  }
0x5b: {  	[sflag:s15] =	ssyncset.done $0x0  }
0x5c: {  	[sflag:s15] =	ssyncadd.s32 $0xFFFF8000  }
0x5d: {  	_ =	strace $0x90000075  }
0x5e: {  	_ =	strace $0x80000072  }
0x5f: {  	_ =	swait.ge [sflag:s6], $0x800  }
0x60: {  	[sflag:s6] =	ssyncset.done $0x0  }
0x61: {  	[sflag:s6] =	ssyncadd.s32 $0xFFFFF800  }
0x62: {  	_ =	strace $0x90000072  }
0x63: {  	_ =	strace $0x80000073  }
0x64: {  	[tilespmem:s8], [sflag:$0x5] =	stream.indirect.gather [hbm4b:s7+s5], $0x10, s2, s5, $0x2000b8;
	[tilespmem:$0x11000] =	vst v63  }
0x65: {  	_ =	swait.ge [sflag:s9], $0x8000  }
0x66: {  	[sflag:s9] =	ssyncset.done $0x0  }
0x67: {  	[sflag:s9] =	ssyncadd.s32 $0xFFFF8000  }
0x68: {  	_ =	strace $0x90000073  }
0x69: {  	s21 =	sadd.s32 $0x2CE000, s21;
	_ =	strace $0x80000074  }
0x6a: {  	[hbm4b:s21+s2] =	stream.linear.scatter [tilespmem:s8], [sflag:$0x3], $0x8000, $0x200038;
	[tilespmem:$0x11000] =	vst v63  }
0x6b: {  	s22 =	ssub.s32 $0x2, s22;
	_ =	strace $0x90000074  }
0x6c: {  	s23 =	sshrl.u32 s22, $0x1;
	_ =	strace $0x80000075  }
0x6d: {  	s22 =	ssub.s32 s22, s23;
	_ =	swait.ge [sflag:s18], $0x8000  }
0x6e: {  	s22 =	smax.u32 s22, $0x1;
	[sflag:s18] =	ssyncset.done $0x0  }
0x6f: {  	p0 =	sne.s32 s22, $0x1;
	[sflag:s18] =	ssyncadd.s32 $0xFFFF8000  }
.Ltmp0:
0x70: {  	_ =	strace $0x90000075;
	(pc) =	sbr.rel @!p0 .LBB2_2-.Ltmp0, $4  }
0x71: {  	_ =	strace $0x80000076  }
0x72: {  	_ =	swait.ge [sflag:s15], $0x8000  }
0x73: {  	[sflag:s15] =	ssyncset.done $0x0  }
0x74: {  	s22 =	sadd.s32 $0xFFFFFFFF, s22;
	[sflag:s15] =	ssyncadd.s32 $0xFFFF8000  }
.LBB2_1:
0x75: {  	p0 =	sne.s32 s22, $0x1;
	s22 =	sadd.s32 $0xFFFFFFFF, s22;
	_ =	strace $0x90000076  }
0x76: {  	_ =	strace $0x80000070  }
0x77: {  	[tilespmem:s2], [sflag:$0x1] =	stream.linear.gather [hbm4b:s3+s2], $0x800, $0x200038;
	[tilespmem:$0x11000] =	vst v63  }
0x78: {  	_ =	strace $0x90000070  }
0x79: {  	_ =	strace $0x80000071  }
0x7a: {  	[tilespmem:s5], [sflag:$0x2] =	stream.linear.gather [hbm4b:s4+s2], $0x800, $0x200038;
	[tilespmem:$0x11000] =	vst v63  }
0x7b: {  	_ =	strace $0x90000071  }
0x7c: {  	_ =	strace $0x80000072  }
0x7d: {  	_ =	swait.ge [sflag:s6], $0x800  }
0x7e: {  	[sflag:s6] =	ssyncset.done $0x0  }
0x7f: {  	[sflag:s6] =	ssyncadd.s32 $0xFFFFF800  }
0x80: {  	_ =	strace $0x90000072  }
0x81: {  	_ =	strace $0x80000073  }
0x82: {  	[tilespmem:s8], [sflag:$0x5] =	stream.indirect.gather [hbm4b:s7+s5], $0x10, s2, s5, $0x2000b8;
	[tilespmem:$0x11000] =	vst v63  }
0x83: {  	_ =	swait.ge [sflag:s9], $0x8000  }
0x84: {  	[sflag:s9] =	ssyncset.done $0x0  }
0x85: {  	[sflag:s9] =	ssyncadd.s32 $0xFFFF8000  }
0x86: {  	_ =	strace $0x90000073  }
0x87: {  	_ =	strace $0x80000074  }
0x88: {  	[hbm4b:s10+s2] =	stream.linear.scatter [tilespmem:s8], [sflag:$0x3], $0x8000, $0x200038;
	[tilespmem:$0x11000] =	vst v63  }
0x89: {  	_ =	strace $0x90000074  }
0x8a: {  	_ =	strace $0x80000071  }
0x8b: {  	[tilespmem:s2], [sflag:$0x1] =	stream.linear.gather [hbm4b:s11+s2], $0x800, $0x200038;
	[tilespmem:$0x11000] =	vst v63  }
0x8c: {  	_ =	strace $0x90000071  }
0x8d: {  	_ =	strace $0x80000072  }
0x8e: {  	_ =	swait.ge [sflag:s12], $0x800  }
0x8f: {  	[sflag:s12] =	ssyncset.done $0x0  }
0x90: {  	[sflag:s12] =	ssyncadd.s32 $0xFFFFF800  }
0x91: {  	_ =	strace $0x90000072  }
0x92: {  	_ =	strace $0x80000073  }
0x93: {  	[tilespmem:s13], [sflag:$0x5] =	stream.indirect.gather [hbm4b:s7+s5], $0x10, s5, s5, $0x2000b8;
	[tilespmem:$0x11000] =	vst v63  }
0x94: {  	_ =	swait.ge [sflag:s9], $0x8000  }
0x95: {  	[sflag:s9] =	ssyncset.done $0x0  }
0x96: {  	[sflag:s9] =	ssyncadd.s32 $0xFFFF8000  }
0x97: {  	_ =	strace $0x90000073  }
0x98: {  	_ =	strace $0x80000074  }
0x99: {  	[hbm4b:s14+s2] =	stream.linear.scatter [tilespmem:s13], [sflag:$0x4], $0x8000, $0x200038;
	[tilespmem:$0x11000] =	vst v63  }
0x9a: {  	_ =	strace $0x90000074  }
0x9b: {  	_ =	strace $0x80000075  }
0x9c: {  	_ =	swait.ge [sflag:s15], $0x8000  }
0x9d: {  	[sflag:s15] =	ssyncset.done $0x0  }
0x9e: {  	[sflag:s15] =	ssyncadd.s32 $0xFFFF8000  }
0x9f: {  	_ =	strace $0x90000075  }
0xa0: {  	_ =	strace $0x80000071  }
0xa1: {  	[tilespmem:s5], [sflag:$0x2] =	stream.linear.gather [hbm4b:s16+s2], $0x800, $0x200038;
	[tilespmem:$0x11000] =	vst v63  }
0xa2: {  	_ =	strace $0x90000071  }
0xa3: {  	_ =	strace $0x80000072  }
0xa4: {  	_ =	swait.ge [sflag:s6], $0x800  }
0xa5: {  	[sflag:s6] =	ssyncset.done $0x0  }
0xa6: {  	[sflag:s6] =	ssyncadd.s32 $0xFFFFF800  }
0xa7: {  	_ =	strace $0x90000072  }
0xa8: {  	_ =	strace $0x80000073  }
0xa9: {  	[tilespmem:s8], [sflag:$0x5] =	stream.indirect.gather [hbm4b:s7+s5], $0x10, s2, s5, $0x2000b8;
	[tilespmem:$0x11000] =	vst v63  }
0xaa: {  	_ =	swait.ge [sflag:s9], $0x8000  }
0xab: {  	[sflag:s9] =	ssyncset.done $0x0  }
0xac: {  	[sflag:s9] =	ssyncadd.s32 $0xFFFF8000  }
0xad: {  	_ =	strace $0x90000073  }
0xae: {  	_ =	strace $0x80000074  }
0xaf: {  	[hbm4b:s17+s2] =	stream.linear.scatter [tilespmem:s8], [sflag:$0x3], $0x8000, $0x200038;
	[tilespmem:$0x11000] =	vst v63  }
0xb0: {  	_ =	strace $0x90000074  }
0xb1: {  	_ =	strace $0x80000075  }
0xb2: {  	_ =	swait.ge [sflag:s18], $0x8000  }
0xb3: {  	[sflag:s18] =	ssyncset.done $0x0  }
0xb4: {  	[sflag:s18] =	ssyncadd.s32 $0xFFFF8000  }
0xb5: {  	_ =	strace $0x90000075  }
0xb6: {  	_ =	strace $0x80000071  }
0xb7: {  	[tilespmem:s2], [sflag:$0x1] =	stream.linear.gather [hbm4b:s19+s2], $0x800, $0x200038;
	[tilespmem:$0x11000] =	vst v63  }
0xb8: {  	_ =	strace $0x90000071  }
0xb9: {  	_ =	strace $0x80000072  }
0xba: {  	_ =	swait.ge [sflag:s12], $0x800  }
0xbb: {  	[sflag:s12] =	ssyncset.done $0x0  }
0xbc: {  	[sflag:s12] =	ssyncadd.s32 $0xFFFFF800  }
0xbd: {  	_ =	strace $0x90000072  }
0xbe: {  	_ =	strace $0x80000073  }
0xbf: {  	[tilespmem:s13], [sflag:$0x5] =	stream.indirect.gather [hbm4b:s7+s5], $0x10, s5, s5, $0x2000b8;
	[tilespmem:$0x11000] =	vst v63  }
0xc0: {  	_ =	swait.ge [sflag:s9], $0x8000  }
0xc1: {  	[sflag:s9] =	ssyncset.done $0x0  }
0xc2: {  	[sflag:s9] =	ssyncadd.s32 $0xFFFF8000  }
0xc3: {  	_ =	strace $0x90000073  }
0xc4: {  	_ =	strace $0x80000074  }
0xc5: {  	[hbm4b:s20+s2] =	stream.linear.scatter [tilespmem:s13], [sflag:$0x4], $0x8000, $0x200038;
	[tilespmem:$0x11000] =	vst v63  }
0xc6: {  	_ =	strace $0x90000074  }
0xc7: {  	_ =	strace $0x80000075  }
0xc8: {  	_ =	swait.ge [sflag:s15], $0x8000  }
0xc9: {  	[sflag:s15] =	ssyncset.done $0x0  }
0xca: {  	[sflag:s15] =	ssyncadd.s32 $0xFFFF8000  }
0xcb: {  	_ =	strace $0x90000075  }
0xcc: {  	_ =	strace $0x80000072  }
0xcd: {  	_ =	swait.ge [sflag:s6], $0x800  }
0xce: {  	[sflag:s6] =	ssyncset.done $0x0  }
0xcf: {  	[sflag:s6] =	ssyncadd.s32 $0xFFFFF800  }
0xd0: {  	_ =	strace $0x90000072  }
0xd1: {  	_ =	strace $0x80000073  }
0xd2: {  	[tilespmem:s8], [sflag:$0x5] =	stream.indirect.gather [hbm4b:s7+s5], $0x10, s2, s5, $0x2000b8;
	[tilespmem:$0x11000] =	vst v63  }
0xd3: {  	_ =	swait.ge [sflag:s9], $0x8000  }
0xd4: {  	[sflag:s9] =	ssyncset.done $0x0  }
0xd5: {  	[sflag:s9] =	ssyncadd.s32 $0xFFFF8000  }
0xd6: {  	_ =	strace $0x90000073  }
0xd7: {  	_ =	strace $0x80000074  }
0xd8: {  	[hbm4b:s21+s2] =	stream.linear.scatter [tilespmem:s8], [sflag:$0x3], $0x8000, $0x200038;
	[tilespmem:$0x11000] =	vst v63  }
0xd9: {  	_ =	strace $0x90000074  }
0xda: {  	_ =	strace $0x80000075  }
0xdb: {  	_ =	swait.ge [sflag:s18], $0x8000  }
0xdc: {  	[sflag:s18] =	ssyncset.done $0x0  }
0xdd: {  	[sflag:s18] =	ssyncadd.s32 $0xFFFF8000  }
.Ltmp1:
0xde: {  	_ =	strace $0x90000075;
	(pc) =	sbr.rel @p0 .LBB2_1-.Ltmp1, $4  }
0xdf: {  	_ =	strace $0x80000076  }
0xe0: {  	_ =	swait.ge [sflag:s15], $0x8000  }
0xe1: {  	[sflag:s15] =	ssyncset.done $0x0  }
0xe2: {  	[sflag:s15] =	ssyncadd.s32 $0xFFFF8000  }
.LBB2_2:
0xe3: {  	_ =	strace $0x90000076  }
0xe4: {  	_ =	sfence.sel $0x180000  }
0xe5: {  	[bflag:$0x0] =	sbarrier.arrive $0xFFFF  }
0xe6: {  	p0 =	sne.s32 s0, $0x0;
	_ =	strace $0x9000006F  }
0xe7: {  	s0 =	sadd.s32 @!p0 $0x100000, s1;
	[bflag:$0x2] =	sbarrier.arrive $0xFFFF  }
0xe8: {  	[sflag:s0] =	ssyncadd.tile.s32 @!p0 $0x1;
	_ =	shalt  }
.Lfunc_end2:
_tile_overlayer_lowered:
.L_overlay_start_2:
0xe9: {  	(tag) =	ssettag $0x2  }
0xea: {  	s0 =	rddreg [dreg:$0x0];
	s2 =	stileid.u32  }
0xeb: {  	s1 =	rddreg [dreg:$0x1];
	p0 =	sne.s32 s2, $0x0  }
0xec: {  	s3 =	rddreg [dreg:$0x2];
	[bflag:$0x3] =	sbarrier.arrive $0xFFFF;
	s2 =	simm.s32 @!p0 $0x1C01  }
0xed: {  	[timem:s3], [sflag:s2] =	dma.local @!p0 [hbm:s0], s1  }
0xee: {  	s0 =	simm.s32 @!p0 $0x1  }
0xef: {  	_ =	swait.ge @!p0 [sflag:s0], s1  }
0xf0: {  	s1 =	ssub.s32 @!p0 $0x0, s1;
	[sflag:s0] =	ssyncset.done @!p0 $0x0  }
0xf1: {  	[sflag:s0] =	ssyncadd.s32 @!p0 s1  }
0xf2: {  	[bflag:$0x3] =	sbarrier.arrive $0xFFFF  }
0xf3: {  	_ =	shalt  }

// kernel: kernel.33.cloned.1.call-start
scs
__scs_entry_jumppad:
0x0: {  	(pc) =	sbr.rel $0x88, $3  }
0x1: {  	(tag) =	ssettag $0x0;
	lr =	simm.s32 $0x1  }
0x2: {  	[smem:$0x3F9B] =	sst lr;
	_ =	strace $0xD0000000  }
0x3: {  	_ = 	snop  }
0x4: {  	_ = 	snop  }
0x5: {  	_ = 	snop  }
0x6: {  	_ = 	snop  }
0x7: {  	_ = 	snop  }
__scs_overlays_trampoline_lowered:
0x8: {  	[smem:$0x3FAA] =	sst s0  }
0x9: {  	[smem:$0x3FAB] =	sst s1  }
0xa: {  	[smem:$0x3FAC] =	sst s2  }
0xb: {  	[smem:$0x3FAD] =	sst s3  }
0xc: {  	[smem:$0x3FAE] =	sst s4  }
0xd: {  	[smem:$0x3FAF] =	sst s5  }
0xe: {  	[smem:$0x3FB0] =	sst s6  }
0xf: {  	[smem:$0x3FB1] =	sst s7  }
0x10: {  	[smem:$0x3FB2] =	sst s8  }
0x11: {  	[smem:$0x3FB3] =	sst s9;
	s0 =	simm.s32 @!p0 $0x0  }
0x12: {  	s1 =	sld [smem:$0x3F99];
	s0 =	simm.s32 @p0 $0x1  }
0x13: {  	[smem:$0x3FB4] =	sst s0;
	s0 =	simm.s32 @!p1 $0x0  }
0x14: {  	s2 =	sld [smem:$0x3F98];
	s0 =	simm.s32 @p1 $0x1  }
0x15: {  	[smem:$0x3FB5] =	sst s0;
	s0 =	simm.s32 @!p2 $0x0  }
0x16: {  	s3 =	sld [smem:$0x3FDB];
	s0 =	simm.s32 @p2 $0x1  }
0x17: {  	s4 =	simm.s32 $0x1BF5;
	[smem:$0x3FB7] =	sst s0  }
0x18: {  	s0 =	sld [smem:$0x3F9A];
	_ =	swait.ge [sflag:s4], $0x0  }
0x19: {  	s7 =	sld [smem:$0x3F9B]  }
0x1a: {  	s8 =	sadd.s32 $0xFFFFE003, lr  }
0x1b: {  	s9 =	sadd.s32 $0xFFFFFEF7, lr;
	s5 =	simm.s32 $0xFFFFFFFF;
	p2 =	slt.u32 s8, $0xFFFFF086  }
0x1c: {  	p1 =	slt.u32 s9, $0xF7A;
	s5 =	simm.s32 @!p2 $0x0  }
0x1d: {  	s5 =	simm.s32 @p1 $0x1;
	p0 =	seq.s32 s7, s2  }
0x1e: {  	s7 =	smul.u32 @!p0 $0xF7A, s2;
	p2 =	seq.s32 @!p0 s5, $0x0  }
0x1f: {  	s9 =	smul.u32 $0xF7A, s1;
	s8 =	simm.s32 @!p0 $0x1BF5;
	p2 =	por !p2, p0  }
0x20: {  	[sflag:s8] =	ssyncset.s32 @!p0 $0xFFFFF086;
	s6 =	sadd.s32 @!p0 s3, s7;
	s7 =	simm.s32 @!p0 $0x108  }
0x21: {  	s3 =	sadd.s32 s3, s9;
	s6 =	sadd.s32 @!p0 $0x88, s6;
	s7 =	simm.s32 @p2 $0x1082  }
0x22: {  	[simem:s7], [sflag:s8] =	dma.local @!p0 [hbm:s6], $0xF7A  }
0x23: {  	s9 =	sor.u32 $0xD0000000, s2;
	s6 =	simm.s32 $0x108;
	_ =	swait.ge @!p0 [sflag:s8], $0x0  }
0x24: {  	s3 =	sadd.s32 $0x88, s3;
	s6 =	simm.s32 @!p1 $0x1082;
	[sflag:s4] =	ssyncset.s32 $0xFFFFF086  }
0x25: {  	[simem:s6], [sflag:s4] =	dma.local [hbm:s3], $0xF7A  }
0x26: {  	[smem:$0x3F9B] =	sst s1;
	(tag) =	ssettag s2;
	_ =	strace s9  }
0x27: {  	s1 =	sld [smem:$0x3FAB]  }
0x28: {  	s2 =	sld [smem:$0x3FAC]  }
0x29: {  	s4 =	sld [smem:$0x3FAE]  }
0x2a: {  	p0 =	seq.s32 s5, $0x0;
	s5 =	sld [smem:$0x3FAF]  }
0x2b: {  	s6 =	sld [smem:$0x3FB0]  }
0x2c: {  	s7 =	sld [smem:$0x3FB1]  }
0x2d: {  	s3 =	simm.s32 $0x108;
	s8 =	sld [smem:$0x3FB2]  }
0x2e: {  	s3 =	simm.s32 @!p0 $0x1082;
	s9 =	sld [smem:$0x3FB3]  }
0x2f: {  	lr =	sadd.s32 s0, s3;
	s0 =	sld [smem:$0x3FAA]  }
0x30: {  	s3 =	sld [smem:$0x3FAD]  }
0x31: {  	[smem:$0x3FB6] =	sst s10  }
0x32: {  	s10 =	sld [smem:$0x3FB4];
	_ =	sdelay $0x3  }
0x33: {  	p0 =	seq.s32 s10, $0x1;
	s10 =	sld [smem:$0x3FB6];
	_ =	sdelay $0x3  }
0x34: {  	[smem:$0x3FB6] =	sst s10  }
0x35: {  	s10 =	sld [smem:$0x3FB5];
	_ =	sdelay $0x3  }
0x36: {  	p1 =	seq.s32 s10, $0x1;
	s10 =	sld [smem:$0x3FB6];
	_ =	sdelay $0x3  }
0x37: {  	[smem:$0x3FB6] =	sst s10  }
0x38: {  	s10 =	sld [smem:$0x3FB7]  }
0x39: {  	_ = 	snop;
	(pc) =	sbr.ind lr, $3  }
0x3a: {  	_ = 	snop  }
0x3b: {  	_ = 	snop  }
0x3c: {  	p2 =	seq.s32 s10, $0x1;
	s10 =	sld [smem:$0x3FB6]  }
0x3d: {  	_ =	shalt  }
0x3e: {  	_ =	shalt  }
0x3f: {  	_ =	shalt  }
0x40: {  	_ =	shalt  }
0x41: {  	_ =	shalt  }
0x42: {  	_ =	shalt  }
0x43: {  	_ =	shalt  }
0x44: {  	_ =	shalt  }
0x45: {  	_ =	shalt  }
0x46: {  	_ =	shalt  }
0x47: {  	_ =	shalt  }
0x48: {  	_ =	shalt  }
0x49: {  	_ =	shalt  }
0x4a: {  	_ =	shalt  }
0x4b: {  	_ =	shalt  }
0x4c: {  	_ =	shalt  }
0x4d: {  	_ =	shalt  }
0x4e: {  	_ =	shalt  }
0x4f: {  	_ =	shalt  }
0x50: {  	_ =	shalt  }
0x51: {  	_ =	shalt  }
0x52: {  	_ =	shalt  }
0x53: {  	_ =	shalt  }
0x54: {  	_ =	shalt  }
0x55: {  	_ =	shalt  }
0x56: {  	_ =	shalt  }
0x57: {  	_ =	shalt  }
0x58: {  	_ =	shalt  }
0x59: {  	_ =	shalt  }
0x5a: {  	_ =	shalt  }
0x5b: {  	_ =	shalt  }
0x5c: {  	_ =	shalt  }
0x5d: {  	_ =	shalt  }
0x5e: {  	_ =	shalt  }
0x5f: {  	_ =	shalt  }
0x60: {  	_ =	shalt  }
0x61: {  	_ =	shalt  }
0x62: {  	_ =	shalt  }
0x63: {  	_ =	shalt  }
0x64: {  	_ =	shalt  }
0x65: {  	_ =	shalt  }
0x66: {  	_ =	shalt  }
0x67: {  	_ =	shalt  }
0x68: {  	_ =	shalt  }
0x69: {  	_ =	shalt  }
0x6a: {  	_ =	shalt  }
0x6b: {  	_ =	shalt  }
0x6c: {  	_ =	shalt  }
0x6d: {  	_ =	shalt  }
0x6e: {  	_ =	shalt  }
0x6f: {  	_ =	shalt  }
0x70: {  	_ =	shalt  }
0x71: {  	_ =	shalt  }
0x72: {  	_ =	shalt  }
0x73: {  	_ =	shalt  }
0x74: {  	_ =	shalt  }
0x75: {  	_ =	shalt  }
0x76: {  	_ =	shalt  }
0x77: {  	_ =	shalt  }
0x78: {  	_ =	shalt  }
0x79: {  	_ =	shalt  }
0x7a: {  	_ =	shalt  }
0x7b: {  	_ =	shalt  }
0x7c: {  	_ =	shalt  }
0x7d: {  	_ =	shalt  }
0x7e: {  	_ =	shalt  }
0x7f: {  	_ =	shalt  }
0x80: {  	_ =	shalt  }
0x81: {  	_ =	shalt  }
0x82: {  	_ =	shalt  }
0x83: {  	_ =	shalt  }
0x84: {  	_ =	shalt  }
0x85: {  	_ =	shalt  }
0x86: {  	_ =	shalt  }
0x87: {  	_ =	shalt  }
.Lfunc_end0:
.L_simem_size_0:
called_computation.5_lowered:
.L_overlay_start_0:
0x88: {  	s2 =	sld [smem:$0x3FD9]  }
0x89: {  	s3 =	sld [smem:$0x3FFE];
	_ =	sdelay $0x1  }
0x8a: {  	s1 =	srdreg.scid  }
0x8b: {  	s0 =	sand.u32 $0x1, s1  }
0x8c: {  	s17 =	sshll.u32 s0, $0xA;
	s2 =	sadd.s32 s3, s2  }
0x8d: {  	s2 =	sadd.s32 s2, s17  }
0x8e: {  	[smem:$0x3FC2] =	sst s2  }
0x8f: {  	_ = 	snop  }
0x90: {  	(tm) =	ssettm $0x1  }
0x91: {  	s18 =	sld [smem:$0x3FFB];
	_ =	sdelay $0x3  }
0x92: {  	_ =	strace s18  }
0x93: {  	s2 =	sld [smem:$0x3FFC];
	_ =	sdelay $0x3  }
0x94: {  	_ =	strace s2  }
0x95: {  	s2 =	sld [smem:$0x3FFD];
	_ =	sdelay $0x3  }
0x96: {  	_ =	strace s2  }
0x97: {  	_ =	strace $0x8FFFFFFF  }
0x98: {  	s19 =	sld [smem:$0x3FDB];
	_ =	sdelay $0x1  }
0x99: {  	s20 =	simm.s32 $_scs_section_size  }
0x9a: {  	s4 =	simm.s32 $_size__tile_overlayer_lowered;
	s5 =	simm.s32 $_tile_overlayer_lowered  }
0x9b: {  	s6 =	simm.s32 $0x1BFF;
	s21 =	sshll.u32 s5, $0x1;
	s3 =	sadd.s32 s20, s19  }
0x9c: {  	s22 =	simm.s32 $0x0;
	s4 =	sshll.u32 s4, $0x1;
	s5 =	sadd.s32 s21, s3  }
0x9d: {  	[timem:s22], [sflag:s6] =	dma.local [hbm:s5], s4  }
0x9e: {  	_ =	swait.ge [sflag:s6], s4  }
0x9f: {  	s4 =	ssub.s32 $0x0, s4;
	[sflag:s6] =	ssyncset.done $0x0  }
0xa0: {  	[sflag:s6] =	ssyncadd.s32 s4;
	_ =	sdelay $0x1  }
0xa1: {  	s23 =	simm.s32 $0x1B8B  }
0xa2: {  	_ =	swait.ge [sflag:s23], $0x1  }
0xa3: {  	[sflag:s23] =	ssyncset.done $0x0  }
0xa4: {  	[sflag:s23] =	ssyncadd.s32 $0xFFFFFFFF  }
0xa5: {  	s4 =	sld [smem:$0x0]  }
0xa6: {  	s5 =	sand.u32 $0xFFFFFFFE, s1  }
0xa7: {  	p0 =	sne.s32 s1, s5  }
0xa8: {  	s5 =	sshll.u32 @p0 s5, $0xE  }
0xa9: {  	s5 =	sadd.s32 @p0 $0x11B8D, s5;
	s6 =	sshll.u32 @p0 s4, $0x11  }
0xaa: {  	s5 =	sor.u32 @p0 s6, s5  }
0xab: {  	[sflag:s5] =	ssyncadd.remote.s32 @p0 $0x1;
	_ =	sdelay $0x1  }
0xac: {  	s5 =	simm.s32 @p0 $0x1B8D  }
0xad: {  	_ =	swait.eq @p0 [sflag:s5], $0x1  }
0xae: {  	[sflag:s5] =	ssyncadd.s32 @p0 $0xFFFFFFFF  }
0xaf: {  	s6 =	sshll.u32 @!p0 s1, $0xE  }
0xb0: {  	s6 =	sor.u32 @!p0 $0x4000, s6;
	s5 =	simm.s32 @!p0 $0x1B8D  }
0xb1: {  	s4 =	sshll.u32 @!p0 s4, $0x11;
	s6 =	sadd.s32 @!p0 $0x11B8D, s6;
	_ =	swait.eq @!p0 [sflag:s5], $0x1  }
0xb2: {  	s4 =	sor.u32 @!p0 s4, s6;
	[sflag:s5] =	ssyncadd.s32 @!p0 $0xFFFFFFFF  }
0xb3: {  	s25 =	simm.s32 $0x1B8E;
	s24 =	sld [smem:$0x3FFE];
	[sflag:s4] =	ssyncadd.remote.s32 @!p0 $0x1  }
0xb4: {  	s26 =	simm.s32 $execute0_lowered;
	[smem:$0x3FD2] =	sst s25  }
0xb5: {  	s5 =	sshll.u32 s26, $0x1;
	_ =	strace $0x80000078;
	[dreg:$0x1] =	wrdreg $0xFFFFFFFF  }
0xb6: {  	s28 =	simm.s32 $_size_execute0_lowered;
	s3 =	sadd.s32 s3, s5;
	[dreg:$0x0] =	wrdreg $0x0  }
0xb7: {  	s5 =	sshll.u32 s28, $0x1;
	[dreg:$0x2] =	wrdreg s3  }
0xb8: {  	[dreg:$0x3] =	wrdreg s5  }
0xb9: {  	[dreg:$0x4] =	wrdreg $0xC0  }
0xba: {  	_ =	task [dreg:s22], $0x5FFFF  }
0xbb: {  	[dreg:$0x1] =	wrdreg $0xFFFFFFFF  }
0xbc: {  	[dreg:$0x0] =	wrdreg $0x60  }
0xbd: {  	[dreg:$0x2] =	wrdreg s24  }
0xbe: {  	[dreg:$0x3] =	wrdreg $0xE  }
0xbf: {  	_ =	task.clear_ibuf [dreg:s22], $0x4FFFF;
	_ =	strace $0x90000078  }
0xc0: {  	s29 =	simm.s32 $0xE;
	_ =	strace $0x80000081  }
0xc1: {  	_ =	swait.ge [sflag:s29], $0x1  }
0xc2: {  	[sflag:s29] =	ssyncadd.s32 $0xFFFFFFFF  }
0xc3: {  	_ =	strace $0x90000081  }
0xc4: {  	_ =	sfence  }
0xc5: {  	s30 =	sld [smem:$0x0];
	_ =	sdelay $0x2  }
0xc6: {  	s31 =	sshll.u32 s1, $0xD;
	s1 =	sshrl.u32 s1, $0x2  }
0xc7: {  	s4 =	sand.u32 $0x4000, s31;
	s1 =	sadd.s32 s1, s30  }
0xc8: {  	s0 =	sor.u32 s4, s0;
	s1 =	sshll.u32 s1, $0x11  }
0xc9: {  	s0 =	sor.u32 s1, s0  }
0xca: {  	s0 =	sadd.s32 $0x8F2B, s0  }
0xcb: {  	[sflag:s0] =	ssyncadd.remote.s32 $0x1  }
0xcc: {  	_ =	sfence.sel $0xFFFF  }
0xcd: {  	[dreg:$0x0] =	wrdreg $0xFFFFFFFF;
	(pc) =	sbr.abs _section_cstart, $3  }
0xce: {  	[dreg:$0x1] =	wrdreg $0xFFFFFFFF  }
0xcf: {  	_ =	task.clear_ibuf [dreg:s22], $0x2FFFF;
	_ =	strace $0x9FFFFFFF  }
0xd0: {  	(tm) =	ssettm $0x7FFFFFFF  }
0xd1: {  	_ =	shalt  }
tec
execute0_lowered:
.L_overlay_start_1:
0x0: {  	(tag) =	ssettag $0x1  }
0x1: {  	s0 =	srdreg.scid  }
0x2: {  	s22 =	sand.u32 $0x1, s0  }
0x3: {  	s0 =	stileid.u32;
	s1 =	sshll.u32 s22, $0x4  }
0x4: {  	s11 =	sor.u32 s0, s1  }
0x5: {  	s10 =	rddreg [dreg:$0x0];
	s2 =	simm.s32 $0x0;
	s3 =	smul.u32 $0x500, s11  }
0x6: {  	[smem:$0x7FF] =	sst s2  }
0x7: {  	s1 =	rddreg [dreg:$0x1];
	_ =	strace $0x80000079;
	s19 =	sadd.s32 s3, s10  }
0x8: {  	_ =	strace $0x8000007A;
	s3 =	sadd.s32 $0x22000, s19  }
0x9: {  	[tilespmem:s2], [sflag:$0x1] =	stream.linear.gather [hbm4b:s3+s2], $0x800, $0x200038;
	[tilespmem:$0x11000] =	vst v63  }
0xa: {  	_ =	strace $0x9000007A  }
0xb: {  	s5 =	simm.s32 $0x800;
	s4 =	sadd.s32 $0x22100, s19;
	_ =	strace $0x8000007B  }
0xc: {  	[tilespmem:s5], [sflag:$0x2] =	stream.linear.gather [hbm4b:s4+s2], $0x800, $0x200038;
	[tilespmem:$0x11000] =	vst v63  }
0xd: {  	_ =	strace $0x9000007B  }
0xe: {  	s6 =	simm.s32 $0x1;
	_ =	strace $0x8000007C  }
0xf: {  	_ =	swait.ge [sflag:s6], $0x800  }
0x10: {  	[sflag:s6] =	ssyncset.done $0x0  }
0x11: {  	[sflag:s6] =	ssyncadd.s32 $0xFFFFF800  }
0x12: {  	s8 =	simm.s32 $0x1000;
	_ =	strace $0x9000007C  }
0x13: {  	s9 =	simm.s32 $0x5;
	s7 =	sadd.s32 $0x10E6400, s10;
	_ =	strace $0x8000007D  }
0x14: {  	[tilespmem:s8], [sflag:$0x5] =	stream.indirect.gather [hbm4b:s7+s5], $0x10, s2, s5, $0x2000b8;
	[tilespmem:$0x11000] =	vst v63  }
0x15: {  	_ =	swait.ge [sflag:s9], $0x8000  }
0x16: {  	s11 =	smul.u32 $0x5000, s11;
	[sflag:s9] =	ssyncset.done $0x0  }
0x17: {  	[sflag:s9] =	ssyncadd.s32 $0xFFFF8000  }
0x18: {  	s21 =	sadd.s32 s11, s10;
	_ =	strace $0x9000007D  }
0x19: {  	s10 =	sadd.s32 $0x36A000, s21;
	_ =	strace $0x8000007E  }
0x1a: {  	[hbm4b:s10+s2] =	stream.linear.scatter [tilespmem:s8], [sflag:$0x3], $0x8000, $0x200038;
	[tilespmem:$0x11000] =	vst v63  }
0x1b: {  	_ =	strace $0x9000007E  }
0x1c: {  	s11 =	sadd.s32 $0x22200, s19;
	_ =	strace $0x8000007B  }
0x1d: {  	[tilespmem:s2], [sflag:$0x1] =	stream.linear.gather [hbm4b:s11+s2], $0x800, $0x200038;
	[tilespmem:$0x11000] =	vst v63  }
0x1e: {  	_ =	strace $0x9000007B  }
0x1f: {  	s12 =	simm.s32 $0x2;
	_ =	strace $0x8000007C  }
0x20: {  	_ =	swait.ge [sflag:s12], $0x800  }
0x21: {  	[sflag:s12] =	ssyncset.done $0x0  }
0x22: {  	[sflag:s12] =	ssyncadd.s32 $0xFFFFF800  }
0x23: {  	_ =	strace $0x9000007C  }
0x24: {  	s13 =	simm.s32 $0x9000;
	_ =	strace $0x8000007D  }
0x25: {  	[tilespmem:s13], [sflag:$0x5] =	stream.indirect.gather [hbm4b:s7+s5], $0x10, s5, s5, $0x2000b8;
	[tilespmem:$0x11000] =	vst v63  }
0x26: {  	_ =	swait.ge [sflag:s9], $0x8000  }
0x27: {  	[sflag:s9] =	ssyncset.done $0x0  }
0x28: {  	[sflag:s9] =	ssyncadd.s32 $0xFFFF8000  }
0x29: {  	_ =	strace $0x9000007D  }
0x2a: {  	s14 =	sadd.s32 $0x36B000, s21;
	_ =	strace $0x8000007E  }
0x2b: {  	[hbm4b:s14+s2] =	stream.linear.scatter [tilespmem:s13], [sflag:$0x4], $0x8000, $0x200038;
	[tilespmem:$0x11000] =	vst v63  }
0x2c: {  	_ =	strace $0x9000007E  }
0x2d: {  	s15 =	simm.s32 $0x3;
	_ =	strace $0x8000007F  }
0x2e: {  	_ =	swait.ge [sflag:s15], $0x8000  }
0x2f: {  	[sflag:s15] =	ssyncset.done $0x0  }
0x30: {  	[sflag:s15] =	ssyncadd.s32 $0xFFFF8000  }
0x31: {  	_ =	strace $0x9000007F  }
0x32: {  	s16 =	sadd.s32 $0x22300, s19;
	_ =	strace $0x8000007B  }
0x33: {  	[tilespmem:s5], [sflag:$0x2] =	stream.linear.gather [hbm4b:s16+s2], $0x800, $0x200038;
	[tilespmem:$0x11000] =	vst v63  }
0x34: {  	_ =	strace $0x9000007B  }
0x35: {  	_ =	strace $0x8000007C  }
0x36: {  	_ =	swait.ge [sflag:s6], $0x800  }
0x37: {  	[sflag:s6] =	ssyncset.done $0x0  }
0x38: {  	[sflag:s6] =	ssyncadd.s32 $0xFFFFF800  }
0x39: {  	_ =	strace $0x9000007C  }
0x3a: {  	_ =	strace $0x8000007D  }
0x3b: {  	[tilespmem:s8], [sflag:$0x5] =	stream.indirect.gather [hbm4b:s7+s5], $0x10, s2, s5, $0x2000b8;
	[tilespmem:$0x11000] =	vst v63  }
0x3c: {  	_ =	swait.ge [sflag:s9], $0x8000  }
0x3d: {  	[sflag:s9] =	ssyncset.done $0x0  }
0x3e: {  	[sflag:s9] =	ssyncadd.s32 $0xFFFF8000  }
0x3f: {  	_ =	strace $0x9000007D  }
0x40: {  	s17 =	sadd.s32 $0x36C000, s21;
	_ =	strace $0x8000007E  }
0x41: {  	[hbm4b:s17+s2] =	stream.linear.scatter [tilespmem:s8], [sflag:$0x3], $0x8000, $0x200038;
	[tilespmem:$0x11000] =	vst v63  }
0x42: {  	_ =	strace $0x9000007E  }
0x43: {  	s18 =	simm.s32 $0x4;
	_ =	strace $0x8000007F  }
0x44: {  	_ =	swait.ge [sflag:s18], $0x8000  }
0x45: {  	[sflag:s18] =	ssyncset.done $0x0  }
0x46: {  	[sflag:s18] =	ssyncadd.s32 $0xFFFF8000  }
0x47: {  	_ =	strace $0x9000007F  }
0x48: {  	s19 =	sadd.s32 $0x22400, s19;
	_ =	strace $0x8000007B  }
0x49: {  	[tilespmem:s2], [sflag:$0x1] =	stream.linear.gather [hbm4b:s19+s2], $0x800, $0x200038;
	[tilespmem:$0x11000] =	vst v63  }
0x4a: {  	_ =	strace $0x9000007B  }
0x4b: {  	_ =	strace $0x8000007C  }
0x4c: {  	_ =	swait.ge [sflag:s12], $0x800  }
0x4d: {  	[sflag:s12] =	ssyncset.done $0x0  }
0x4e: {  	[sflag:s12] =	ssyncadd.s32 $0xFFFFF800  }
0x4f: {  	_ =	strace $0x9000007C  }
0x50: {  	_ =	strace $0x8000007D  }
0x51: {  	[tilespmem:s13], [sflag:$0x5] =	stream.indirect.gather [hbm4b:s7+s5], $0x10, s5, s5, $0x2000b8;
	[tilespmem:$0x11000] =	vst v63  }
0x52: {  	_ =	swait.ge [sflag:s9], $0x8000  }
0x53: {  	[sflag:s9] =	ssyncset.done $0x0  }
0x54: {  	[sflag:s9] =	ssyncadd.s32 $0xFFFF8000  }
0x55: {  	_ =	strace $0x9000007D  }
0x56: {  	s20 =	sadd.s32 $0x36D000, s21;
	_ =	strace $0x8000007E  }
0x57: {  	[hbm4b:s20+s2] =	stream.linear.scatter [tilespmem:s13], [sflag:$0x4], $0x8000, $0x200038;
	[tilespmem:$0x11000] =	vst v63  }
0x58: {  	_ =	strace $0x9000007E  }
0x59: {  	_ =	strace $0x8000007F  }
0x5a: {  	_ =	swait.ge [sflag:s15], $0x8000  }
0x5b: {  	[sflag:s15] =	ssyncset.done $0x0  }
0x5c: {  	[sflag:s15] =	ssyncadd.s32 $0xFFFF8000  }
0x5d: {  	_ =	strace $0x9000007F  }
0x5e: {  	_ =	strace $0x8000007C  }
0x5f: {  	_ =	swait.ge [sflag:s6], $0x800  }
0x60: {  	[sflag:s6] =	ssyncset.done $0x0  }
0x61: {  	[sflag:s6] =	ssyncadd.s32 $0xFFFFF800  }
0x62: {  	_ =	strace $0x9000007C  }
0x63: {  	_ =	strace $0x8000007D  }
0x64: {  	[tilespmem:s8], [sflag:$0x5] =	stream.indirect.gather [hbm4b:s7+s5], $0x10, s2, s5, $0x2000b8;
	[tilespmem:$0x11000] =	vst v63  }
0x65: {  	_ =	swait.ge [sflag:s9], $0x8000  }
0x66: {  	[sflag:s9] =	ssyncset.done $0x0  }
0x67: {  	[sflag:s9] =	ssyncadd.s32 $0xFFFF8000  }
0x68: {  	_ =	strace $0x9000007D  }
0x69: {  	s21 =	sadd.s32 $0x36E000, s21;
	_ =	strace $0x8000007E  }
0x6a: {  	[hbm4b:s21+s2] =	stream.linear.scatter [tilespmem:s8], [sflag:$0x3], $0x8000, $0x200038;
	[tilespmem:$0x11000] =	vst v63  }
0x6b: {  	s22 =	ssub.s32 $0x2, s22;
	_ =	strace $0x9000007E  }
0x6c: {  	s23 =	sshrl.u32 s22, $0x1;
	_ =	strace $0x8000007F  }
0x6d: {  	s22 =	ssub.s32 s22, s23;
	_ =	swait.ge [sflag:s18], $0x8000  }
0x6e: {  	s22 =	smax.u32 s22, $0x1;
	[sflag:s18] =	ssyncset.done $0x0  }
0x6f: {  	p0 =	sne.s32 s22, $0x1;
	[sflag:s18] =	ssyncadd.s32 $0xFFFF8000  }
.Ltmp0:
0x70: {  	_ =	strace $0x9000007F;
	(pc) =	sbr.rel @!p0 .LBB2_2-.Ltmp0, $4  }
0x71: {  	_ =	strace $0x80000080  }
0x72: {  	_ =	swait.ge [sflag:s15], $0x8000  }
0x73: {  	[sflag:s15] =	ssyncset.done $0x0  }
0x74: {  	s22 =	sadd.s32 $0xFFFFFFFF, s22;
	[sflag:s15] =	ssyncadd.s32 $0xFFFF8000  }
.LBB2_1:
0x75: {  	p0 =	sne.s32 s22, $0x1;
	s22 =	sadd.s32 $0xFFFFFFFF, s22;
	_ =	strace $0x90000080  }
0x76: {  	_ =	strace $0x8000007A  }
0x77: {  	[tilespmem:s2], [sflag:$0x1] =	stream.linear.gather [hbm4b:s3+s2], $0x800, $0x200038;
	[tilespmem:$0x11000] =	vst v63  }
0x78: {  	_ =	strace $0x9000007A  }
0x79: {  	_ =	strace $0x8000007B  }
0x7a: {  	[tilespmem:s5], [sflag:$0x2] =	stream.linear.gather [hbm4b:s4+s2], $0x800, $0x200038;
	[tilespmem:$0x11000] =	vst v63  }
0x7b: {  	_ =	strace $0x9000007B  }
0x7c: {  	_ =	strace $0x8000007C  }
0x7d: {  	_ =	swait.ge [sflag:s6], $0x800  }
0x7e: {  	[sflag:s6] =	ssyncset.done $0x0  }
0x7f: {  	[sflag:s6] =	ssyncadd.s32 $0xFFFFF800  }
0x80: {  	_ =	strace $0x9000007C  }
0x81: {  	_ =	strace $0x8000007D  }
0x82: {  	[tilespmem:s8], [sflag:$0x5] =	stream.indirect.gather [hbm4b:s7+s5], $0x10, s2, s5, $0x2000b8;
	[tilespmem:$0x11000] =	vst v63  }
0x83: {  	_ =	swait.ge [sflag:s9], $0x8000  }
0x84: {  	[sflag:s9] =	ssyncset.done $0x0  }
0x85: {  	[sflag:s9] =	ssyncadd.s32 $0xFFFF8000  }
0x86: {  	_ =	strace $0x9000007D  }
0x87: {  	_ =	strace $0x8000007E  }
0x88: {  	[hbm4b:s10+s2] =	stream.linear.scatter [tilespmem:s8], [sflag:$0x3], $0x8000, $0x200038;
	[tilespmem:$0x11000] =	vst v63  }
0x89: {  	_ =	strace $0x9000007E  }
0x8a: {  	_ =	strace $0x8000007B  }
0x8b: {  	[tilespmem:s2], [sflag:$0x1] =	stream.linear.gather [hbm4b:s11+s2], $0x800, $0x200038;
	[tilespmem:$0x11000] =	vst v63  }
0x8c: {  	_ =	strace $0x9000007B  }
0x8d: {  	_ =	strace $0x8000007C  }
0x8e: {  	_ =	swait.ge [sflag:s12], $0x800  }
0x8f: {  	[sflag:s12] =	ssyncset.done $0x0  }
0x90: {  	[sflag:s12] =	ssyncadd.s32 $0xFFFFF800  }
0x91: {  	_ =	strace $0x9000007C  }
0x92: {  	_ =	strace $0x8000007D  }
0x93: {  	[tilespmem:s13], [sflag:$0x5] =	stream.indirect.gather [hbm4b:s7+s5], $0x10, s5, s5, $0x2000b8;
	[tilespmem:$0x11000] =	vst v63  }
0x94: {  	_ =	swait.ge [sflag:s9], $0x8000  }
0x95: {  	[sflag:s9] =	ssyncset.done $0x0  }
0x96: {  	[sflag:s9] =	ssyncadd.s32 $0xFFFF8000  }
0x97: {  	_ =	strace $0x9000007D  }
0x98: {  	_ =	strace $0x8000007E  }
0x99: {  	[hbm4b:s14+s2] =	stream.linear.scatter [tilespmem:s13], [sflag:$0x4], $0x8000, $0x200038;
	[tilespmem:$0x11000] =	vst v63  }
0x9a: {  	_ =	strace $0x9000007E  }
0x9b: {  	_ =	strace $0x8000007F  }
0x9c: {  	_ =	swait.ge [sflag:s15], $0x8000  }
0x9d: {  	[sflag:s15] =	ssyncset.done $0x0  }
0x9e: {  	[sflag:s15] =	ssyncadd.s32 $0xFFFF8000  }
0x9f: {  	_ =	strace $0x9000007F  }
0xa0: {  	_ =	strace $0x8000007B  }
0xa1: {  	[tilespmem:s5], [sflag:$0x2] =	stream.linear.gather [hbm4b:s16+s2], $0x800, $0x200038;
	[tilespmem:$0x11000] =	vst v63  }
0xa2: {  	_ =	strace $0x9000007B  }
0xa3: {  	_ =	strace $0x8000007C  }
0xa4: {  	_ =	swait.ge [sflag:s6], $0x800  }
0xa5: {  	[sflag:s6] =	ssyncset.done $0x0  }
0xa6: {  	[sflag:s6] =	ssyncadd.s32 $0xFFFFF800  }
0xa7: {  	_ =	strace $0x9000007C  }
0xa8: {  	_ =	strace $0x8000007D  }
0xa9: {  	[tilespmem:s8], [sflag:$0x5] =	stream.indirect.gather [hbm4b:s7+s5], $0x10, s2, s5, $0x2000b8;
	[tilespmem:$0x11000] =	vst v63  }
0xaa: {  	_ =	swait.ge [sflag:s9], $0x8000  }
0xab: {  	[sflag:s9] =	ssyncset.done $0x0  }
0xac: {  	[sflag:s9] =	ssyncadd.s32 $0xFFFF8000  }
0xad: {  	_ =	strace $0x9000007D  }
0xae: {  	_ =	strace $0x8000007E  }
0xaf: {  	[hbm4b:s17+s2] =	stream.linear.scatter [tilespmem:s8], [sflag:$0x3], $0x8000, $0x200038;
	[tilespmem:$0x11000] =	vst v63  }
0xb0: {  	_ =	strace $0x9000007E  }
0xb1: {  	_ =	strace $0x8000007F  }
0xb2: {  	_ =	swait.ge [sflag:s18], $0x8000  }
0xb3: {  	[sflag:s18] =	ssyncset.done $0x0  }
0xb4: {  	[sflag:s18] =	ssyncadd.s32 $0xFFFF8000  }
0xb5: {  	_ =	strace $0x9000007F  }
0xb6: {  	_ =	strace $0x8000007B  }
0xb7: {  	[tilespmem:s2], [sflag:$0x1] =	stream.linear.gather [hbm4b:s19+s2], $0x800, $0x200038;
	[tilespmem:$0x11000] =	vst v63  }
0xb8: {  	_ =	strace $0x9000007B  }
0xb9: {  	_ =	strace $0x8000007C  }
0xba: {  	_ =	swait.ge [sflag:s12], $0x800  }
0xbb: {  	[sflag:s12] =	ssyncset.done $0x0  }
0xbc: {  	[sflag:s12] =	ssyncadd.s32 $0xFFFFF800  }
0xbd: {  	_ =	strace $0x9000007C  }
0xbe: {  	_ =	strace $0x8000007D  }
0xbf: {  	[tilespmem:s13], [sflag:$0x5] =	stream.indirect.gather [hbm4b:s7+s5], $0x10, s5, s5, $0x2000b8;
	[tilespmem:$0x11000] =	vst v63  }
0xc0: {  	_ =	swait.ge [sflag:s9], $0x8000  }
0xc1: {  	[sflag:s9] =	ssyncset.done $0x0  }
0xc2: {  	[sflag:s9] =	ssyncadd.s32 $0xFFFF8000  }
0xc3: {  	_ =	strace $0x9000007D  }
0xc4: {  	_ =	strace $0x8000007E  }
0xc5: {  	[hbm4b:s20+s2] =	stream.linear.scatter [tilespmem:s13], [sflag:$0x4], $0x8000, $0x200038;
	[tilespmem:$0x11000] =	vst v63  }
0xc6: {  	_ =	strace $0x9000007E  }
0xc7: {  	_ =	strace $0x8000007F  }
0xc8: {  	_ =	swait.ge [sflag:s15], $0x8000  }
0xc9: {  	[sflag:s15] =	ssyncset.done $0x0  }
0xca: {  	[sflag:s15] =	ssyncadd.s32 $0xFFFF8000  }
0xcb: {  	_ =	strace $0x9000007F  }
0xcc: {  	_ =	strace $0x8000007C  }
0xcd: {  	_ =	swait.ge [sflag:s6], $0x800  }
0xce: {  	[sflag:s6] =	ssyncset.done $0x0  }
0xcf: {  	[sflag:s6] =	ssyncadd.s32 $0xFFFFF800  }
0xd0: {  	_ =	strace $0x9000007C  }
0xd1: {  	_ =	strace $0x8000007D  }
0xd2: {  	[tilespmem:s8], [sflag:$0x5] =	stream.indirect.gather [hbm4b:s7+s5], $0x10, s2, s5, $0x2000b8;
	[tilespmem:$0x11000] =	vst v63  }
0xd3: {  	_ =	swait.ge [sflag:s9], $0x8000  }
0xd4: {  	[sflag:s9] =	ssyncset.done $0x0  }
0xd5: {  	[sflag:s9] =	ssyncadd.s32 $0xFFFF8000  }
0xd6: {  	_ =	strace $0x9000007D  }
0xd7: {  	_ =	strace $0x8000007E  }
0xd8: {  	[hbm4b:s21+s2] =	stream.linear.scatter [tilespmem:s8], [sflag:$0x3], $0x8000, $0x200038;
	[tilespmem:$0x11000] =	vst v63  }
0xd9: {  	_ =	strace $0x9000007E  }
0xda: {  	_ =	strace $0x8000007F  }
0xdb: {  	_ =	swait.ge [sflag:s18], $0x8000  }
0xdc: {  	[sflag:s18] =	ssyncset.done $0x0  }
0xdd: {  	[sflag:s18] =	ssyncadd.s32 $0xFFFF8000  }
.Ltmp1:
0xde: {  	_ =	strace $0x9000007F;
	(pc) =	sbr.rel @p0 .LBB2_1-.Ltmp1, $4  }
0xdf: {  	_ =	strace $0x80000080  }
0xe0: {  	_ =	swait.ge [sflag:s15], $0x8000  }
0xe1: {  	[sflag:s15] =	ssyncset.done $0x0  }
0xe2: {  	[sflag:s15] =	ssyncadd.s32 $0xFFFF8000  }
.LBB2_2:
0xe3: {  	_ =	strace $0x90000080  }
0xe4: {  	_ =	sfence.sel $0x180000  }
0xe5: {  	[bflag:$0x0] =	sbarrier.arrive $0xFFFF  }
0xe6: {  	p0 =	sne.s32 s0, $0x0;
	_ =	strace $0x90000079  }
0xe7: {  	s0 =	sadd.s32 @!p0 $0x100000, s1;
	[bflag:$0x2] =	sbarrier.arrive $0xFFFF  }
0xe8: {  	[sflag:s0] =	ssyncadd.tile.s32 @!p0 $0x1;
	_ =	shalt  }
.Lfunc_end2:
_tile_overlayer_lowered:
.L_overlay_start_2:
0xe9: {  	(tag) =	ssettag $0x2  }
0xea: {  	s0 =	rddreg [dreg:$0x0];
	s2 =	stileid.u32  }
0xeb: {  	s1 =	rddreg [dreg:$0x1];
	p0 =	sne.s32 s2, $0x0  }
0xec: {  	s3 =	rddreg [dreg:$0x2];
	[bflag:$0x3] =	sbarrier.arrive $0xFFFF;
	s2 =	simm.s32 @!p0 $0x1C01  }
0xed: {  	[timem:s3], [sflag:s2] =	dma.local @!p0 [hbm:s0], s1  }
0xee: {  	s0 =	simm.s32 @!p0 $0x1  }
0xef: {  	_ =	swait.ge @!p0 [sflag:s0], s1  }
0xf0: {  	s1 =	ssub.s32 @!p0 $0x0, s1;
	[sflag:s0] =	ssyncset.done @!p0 $0x0  }
0xf1: {  	[sflag:s0] =	ssyncadd.s32 @!p0 s1  }
0xf2: {  	[bflag:$0x3] =	sbarrier.arrive $0xFFFF  }
0xf3: {  	_ =	shalt  }

// kernel: kernel.36.cloned.1.call-start
scs
__scs_entry_jumppad:
0x0: {  	(pc) =	sbr.rel $0x88, $3  }
0x1: {  	(tag) =	ssettag $0x0;
	lr =	simm.s32 $0x1  }
0x2: {  	[smem:$0x3F9B] =	sst lr;
	_ =	strace $0xD0000000  }
0x3: {  	_ = 	snop  }
0x4: {  	_ = 	snop  }
0x5: {  	_ = 	snop  }
0x6: {  	_ = 	snop  }
0x7: {  	_ = 	snop  }
__scs_overlays_trampoline_lowered:
0x8: {  	[smem:$0x3FAA] =	sst s0  }
0x9: {  	[smem:$0x3FAB] =	sst s1  }
0xa: {  	[smem:$0x3FAC] =	sst s2  }
0xb: {  	[smem:$0x3FAD] =	sst s3  }
0xc: {  	[smem:$0x3FAE] =	sst s4  }
0xd: {  	[smem:$0x3FAF] =	sst s5  }
0xe: {  	[smem:$0x3FB0] =	sst s6  }
0xf: {  	[smem:$0x3FB1] =	sst s7  }
0x10: {  	[smem:$0x3FB2] =	sst s8  }
0x11: {  	[smem:$0x3FB3] =	sst s9;
	s0 =	simm.s32 @!p0 $0x0  }
0x12: {  	s1 =	sld [smem:$0x3F99];
	s0 =	simm.s32 @p0 $0x1  }
0x13: {  	[smem:$0x3FB4] =	sst s0;
	s0 =	simm.s32 @!p1 $0x0  }
0x14: {  	s2 =	sld [smem:$0x3F98];
	s0 =	simm.s32 @p1 $0x1  }
0x15: {  	[smem:$0x3FB5] =	sst s0;
	s0 =	simm.s32 @!p2 $0x0  }
0x16: {  	s3 =	sld [smem:$0x3FDB];
	s0 =	simm.s32 @p2 $0x1  }
0x17: {  	s4 =	simm.s32 $0x1BF5;
	[smem:$0x3FB7] =	sst s0  }
0x18: {  	s0 =	sld [smem:$0x3F9A];
	_ =	swait.ge [sflag:s4], $0x0  }
0x19: {  	s7 =	sld [smem:$0x3F9B]  }
0x1a: {  	s8 =	sadd.s32 $0xFFFFE003, lr  }
0x1b: {  	s9 =	sadd.s32 $0xFFFFFEF7, lr;
	s5 =	simm.s32 $0xFFFFFFFF;
	p2 =	slt.u32 s8, $0xFFFFF086  }
0x1c: {  	p1 =	slt.u32 s9, $0xF7A;
	s5 =	simm.s32 @!p2 $0x0  }
0x1d: {  	s5 =	simm.s32 @p1 $0x1;
	p0 =	seq.s32 s7, s2  }
0x1e: {  	s7 =	smul.u32 @!p0 $0xF7A, s2;
	p2 =	seq.s32 @!p0 s5, $0x0  }
0x1f: {  	s9 =	smul.u32 $0xF7A, s1;
	s8 =	simm.s32 @!p0 $0x1BF5;
	p2 =	por !p2, p0  }
0x20: {  	[sflag:s8] =	ssyncset.s32 @!p0 $0xFFFFF086;
	s6 =	sadd.s32 @!p0 s3, s7;
	s7 =	simm.s32 @!p0 $0x108  }
0x21: {  	s3 =	sadd.s32 s3, s9;
	s6 =	sadd.s32 @!p0 $0x88, s6;
	s7 =	simm.s32 @p2 $0x1082  }
0x22: {  	[simem:s7], [sflag:s8] =	dma.local @!p0 [hbm:s6], $0xF7A  }
0x23: {  	s9 =	sor.u32 $0xD0000000, s2;
	s6 =	simm.s32 $0x108;
	_ =	swait.ge @!p0 [sflag:s8], $0x0  }
0x24: {  	s3 =	sadd.s32 $0x88, s3;
	s6 =	simm.s32 @!p1 $0x1082;
	[sflag:s4] =	ssyncset.s32 $0xFFFFF086  }
0x25: {  	[simem:s6], [sflag:s4] =	dma.local [hbm:s3], $0xF7A  }
0x26: {  	[smem:$0x3F9B] =	sst s1;
	(tag) =	ssettag s2;
	_ =	strace s9  }
0x27: {  	s1 =	sld [smem:$0x3FAB]  }
0x28: {  	s2 =	sld [smem:$0x3FAC]  }
0x29: {  	s4 =	sld [smem:$0x3FAE]  }
0x2a: {  	p0 =	seq.s32 s5, $0x0;
	s5 =	sld [smem:$0x3FAF]  }
0x2b: {  	s6 =	sld [smem:$0x3FB0]  }
0x2c: {  	s7 =	sld [smem:$0x3FB1]  }
0x2d: {  	s3 =	simm.s32 $0x108;
	s8 =	sld [smem:$0x3FB2]  }
0x2e: {  	s3 =	simm.s32 @!p0 $0x1082;
	s9 =	sld [smem:$0x3FB3]  }
0x2f: {  	lr =	sadd.s32 s0, s3;
	s0 =	sld [smem:$0x3FAA]  }
0x30: {  	s3 =	sld [smem:$0x3FAD]  }
0x31: {  	[smem:$0x3FB6] =	sst s10  }
0x32: {  	s10 =	sld [smem:$0x3FB4];
	_ =	sdelay $0x3  }
0x33: {  	p0 =	seq.s32 s10, $0x1;
	s10 =	sld [smem:$0x3FB6];
	_ =	sdelay $0x3  }
0x34: {  	[smem:$0x3FB6] =	sst s10  }
0x35: {  	s10 =	sld [smem:$0x3FB5];
	_ =	sdelay $0x3  }
0x36: {  	p1 =	seq.s32 s10, $0x1;
	s10 =	sld [smem:$0x3FB6];
	_ =	sdelay $0x3  }
0x37: {  	[smem:$0x3FB6] =	sst s10  }
0x38: {  	s10 =	sld [smem:$0x3FB7]  }
0x39: {  	_ = 	snop;
	(pc) =	sbr.ind lr, $3  }
0x3a: {  	_ = 	snop  }
0x3b: {  	_ = 	snop  }
0x3c: {  	p2 =	seq.s32 s10, $0x1;
	s10 =	sld [smem:$0x3FB6]  }
0x3d: {  	_ =	shalt  }
0x3e: {  	_ =	shalt  }
0x3f: {  	_ =	shalt  }
0x40: {  	_ =	shalt  }
0x41: {  	_ =	shalt  }
0x42: {  	_ =	shalt  }
0x43: {  	_ =	shalt  }
0x44: {  	_ =	shalt  }
0x45: {  	_ =	shalt  }
0x46: {  	_ =	shalt  }
0x47: {  	_ =	shalt  }
0x48: {  	_ =	shalt  }
0x49: {  	_ =	shalt  }
0x4a: {  	_ =	shalt  }
0x4b: {  	_ =	shalt  }
0x4c: {  	_ =	shalt  }
0x4d: {  	_ =	shalt  }
0x4e: {  	_ =	shalt  }
0x4f: {  	_ =	shalt  }
0x50: {  	_ =	shalt  }
0x51: {  	_ =	shalt  }
0x52: {  	_ =	shalt  }
0x53: {  	_ =	shalt  }
0x54: {  	_ =	shalt  }
0x55: {  	_ =	shalt  }
0x56: {  	_ =	shalt  }
0x57: {  	_ =	shalt  }
0x58: {  	_ =	shalt  }
0x59: {  	_ =	shalt  }
0x5a: {  	_ =	shalt  }
0x5b: {  	_ =	shalt  }
0x5c: {  	_ =	shalt  }
0x5d: {  	_ =	shalt  }
0x5e: {  	_ =	shalt  }
0x5f: {  	_ =	shalt  }
0x60: {  	_ =	shalt  }
0x61: {  	_ =	shalt  }
0x62: {  	_ =	shalt  }
0x63: {  	_ =	shalt  }
0x64: {  	_ =	shalt  }
0x65: {  	_ =	shalt  }
0x66: {  	_ =	shalt  }
0x67: {  	_ =	shalt  }
0x68: {  	_ =	shalt  }
0x69: {  	_ =	shalt  }
0x6a: {  	_ =	shalt  }
0x6b: {  	_ =	shalt  }
0x6c: {  	_ =	shalt  }
0x6d: {  	_ =	shalt  }
0x6e: {  	_ =	shalt  }
0x6f: {  	_ =	shalt  }
0x70: {  	_ =	shalt  }
0x71: {  	_ =	shalt  }
0x72: {  	_ =	shalt  }
0x73: {  	_ =	shalt  }
0x74: {  	_ =	shalt  }
0x75: {  	_ =	shalt  }
0x76: {  	_ =	shalt  }
0x77: {  	_ =	shalt  }
0x78: {  	_ =	shalt  }
0x79: {  	_ =	shalt  }
0x7a: {  	_ =	shalt  }
0x7b: {  	_ =	shalt  }
0x7c: {  	_ =	shalt  }
0x7d: {  	_ =	shalt  }
0x7e: {  	_ =	shalt  }
0x7f: {  	_ =	shalt  }
0x80: {  	_ =	shalt  }
0x81: {  	_ =	shalt  }
0x82: {  	_ =	shalt  }
0x83: {  	_ =	shalt  }
0x84: {  	_ =	shalt  }
0x85: {  	_ =	shalt  }
0x86: {  	_ =	shalt  }
0x87: {  	_ =	shalt  }
.Lfunc_end0:
.L_simem_size_0:
called_computation.6_lowered:
.L_overlay_start_0:
0x88: {  	s2 =	sld [smem:$0x3FD9]  }
0x89: {  	s3 =	sld [smem:$0x3FFE];
	_ =	sdelay $0x1  }
0x8a: {  	s1 =	srdreg.scid  }
0x8b: {  	s0 =	sand.u32 $0x1, s1  }
0x8c: {  	s17 =	sshll.u32 s0, $0xA;
	s2 =	sadd.s32 s3, s2  }
0x8d: {  	s2 =	sadd.s32 s2, s17  }
0x8e: {  	[smem:$0x3FC2] =	sst s2  }
0x8f: {  	_ = 	snop  }
0x90: {  	(tm) =	ssettm $0x1  }
0x91: {  	s18 =	sld [smem:$0x3FFB];
	_ =	sdelay $0x3  }
0x92: {  	_ =	strace s18  }
0x93: {  	s2 =	sld [smem:$0x3FFC];
	_ =	sdelay $0x3  }
0x94: {  	_ =	strace s2  }
0x95: {  	s2 =	sld [smem:$0x3FFD];
	_ =	sdelay $0x3  }
0x96: {  	_ =	strace s2  }
0x97: {  	_ =	strace $0x8FFFFFFF  }
0x98: {  	s19 =	sld [smem:$0x3FDB];
	_ =	sdelay $0x1  }
0x99: {  	s20 =	simm.s32 $_scs_section_size  }
0x9a: {  	s4 =	simm.s32 $_size__tile_overlayer_lowered;
	s5 =	simm.s32 $_tile_overlayer_lowered  }
0x9b: {  	s6 =	simm.s32 $0x1BFF;
	s21 =	sshll.u32 s5, $0x1;
	s3 =	sadd.s32 s20, s19  }
0x9c: {  	s22 =	simm.s32 $0x0;
	s4 =	sshll.u32 s4, $0x1;
	s5 =	sadd.s32 s21, s3  }
0x9d: {  	[timem:s22], [sflag:s6] =	dma.local [hbm:s5], s4  }
0x9e: {  	_ =	swait.ge [sflag:s6], s4  }
0x9f: {  	s4 =	ssub.s32 $0x0, s4;
	[sflag:s6] =	ssyncset.done $0x0  }
0xa0: {  	[sflag:s6] =	ssyncadd.s32 s4;
	_ =	sdelay $0x1  }
0xa1: {  	s23 =	simm.s32 $0x1B8B  }
0xa2: {  	_ =	swait.ge [sflag:s23], $0x1  }
0xa3: {  	[sflag:s23] =	ssyncset.done $0x0  }
0xa4: {  	[sflag:s23] =	ssyncadd.s32 $0xFFFFFFFF  }
0xa5: {  	s4 =	sld [smem:$0x0]  }
0xa6: {  	s5 =	sand.u32 $0xFFFFFFFE, s1  }
0xa7: {  	p0 =	sne.s32 s1, s5  }
0xa8: {  	s5 =	sshll.u32 @p0 s5, $0xE  }
0xa9: {  	s5 =	sadd.s32 @p0 $0x11B8D, s5;
	s6 =	sshll.u32 @p0 s4, $0x11  }
0xaa: {  	s5 =	sor.u32 @p0 s6, s5  }
0xab: {  	[sflag:s5] =	ssyncadd.remote.s32 @p0 $0x1;
	_ =	sdelay $0x1  }
0xac: {  	s5 =	simm.s32 @p0 $0x1B8D  }
0xad: {  	_ =	swait.eq @p0 [sflag:s5], $0x1  }
0xae: {  	[sflag:s5] =	ssyncadd.s32 @p0 $0xFFFFFFFF  }
0xaf: {  	s6 =	sshll.u32 @!p0 s1, $0xE  }
0xb0: {  	s6 =	sor.u32 @!p0 $0x4000, s6;
	s5 =	simm.s32 @!p0 $0x1B8D  }
0xb1: {  	s4 =	sshll.u32 @!p0 s4, $0x11;
	s6 =	sadd.s32 @!p0 $0x11B8D, s6;
	_ =	swait.eq @!p0 [sflag:s5], $0x1  }
0xb2: {  	s4 =	sor.u32 @!p0 s4, s6;
	[sflag:s5] =	ssyncadd.s32 @!p0 $0xFFFFFFFF  }
0xb3: {  	s25 =	simm.s32 $0x1B8E;
	s24 =	sld [smem:$0x3FFE];
	[sflag:s4] =	ssyncadd.remote.s32 @!p0 $0x1  }
0xb4: {  	s26 =	simm.s32 $execute0_lowered;
	[smem:$0x3FD2] =	sst s25  }
0xb5: {  	s5 =	sshll.u32 s26, $0x1;
	_ =	strace $0x80000082;
	[dreg:$0x1] =	wrdreg $0xFFFFFFFF  }
0xb6: {  	s28 =	simm.s32 $_size_execute0_lowered;
	s3 =	sadd.s32 s3, s5;
	[dreg:$0x0] =	wrdreg $0x0  }
0xb7: {  	s5 =	sshll.u32 s28, $0x1;
	[dreg:$0x2] =	wrdreg s3  }
0xb8: {  	[dreg:$0x3] =	wrdreg s5  }
0xb9: {  	[dreg:$0x4] =	wrdreg $0xC0  }
0xba: {  	_ =	task [dreg:s22], $0x5FFFF  }
0xbb: {  	[dreg:$0x1] =	wrdreg $0xFFFFFFFF  }
0xbc: {  	[dreg:$0x0] =	wrdreg $0x60  }
0xbd: {  	[dreg:$0x2] =	wrdreg s24  }
0xbe: {  	[dreg:$0x3] =	wrdreg $0xF  }
0xbf: {  	_ =	task.clear_ibuf [dreg:s22], $0x4FFFF;
	_ =	strace $0x90000082  }
0xc0: {  	s29 =	simm.s32 $0xF;
	_ =	strace $0x8000008B  }
0xc1: {  	_ =	swait.ge [sflag:s29], $0x1  }
0xc2: {  	[sflag:s29] =	ssyncadd.s32 $0xFFFFFFFF  }
0xc3: {  	_ =	strace $0x9000008B  }
0xc4: {  	_ =	sfence  }
0xc5: {  	s30 =	sld [smem:$0x0];
	_ =	sdelay $0x2  }
0xc6: {  	s31 =	sshll.u32 s1, $0xD;
	s1 =	sshrl.u32 s1, $0x2  }
0xc7: {  	s4 =	sand.u32 $0x4000, s31;
	s1 =	sadd.s32 s1, s30  }
0xc8: {  	s0 =	sor.u32 s4, s0;
	s1 =	sshll.u32 s1, $0x11  }
0xc9: {  	s0 =	sor.u32 s1, s0  }
0xca: {  	s0 =	sadd.s32 $0x8F2B, s0  }
0xcb: {  	[sflag:s0] =	ssyncadd.remote.s32 $0x1  }
0xcc: {  	_ =	sfence.sel $0xFFFF  }
0xcd: {  	[dreg:$0x0] =	wrdreg $0xFFFFFFFF;
	(pc) =	sbr.abs _section_cstart, $3  }
0xce: {  	[dreg:$0x1] =	wrdreg $0xFFFFFFFF  }
0xcf: {  	_ =	task.clear_ibuf [dreg:s22], $0x2FFFF;
	_ =	strace $0x9FFFFFFF  }
0xd0: {  	(tm) =	ssettm $0x7FFFFFFF  }
0xd1: {  	_ =	shalt  }
tec
execute0_lowered:
.L_overlay_start_1:
0x0: {  	(tag) =	ssettag $0x1  }
0x1: {  	s0 =	srdreg.scid  }
0x2: {  	s22 =	sand.u32 $0x1, s0  }
0x3: {  	s0 =	stileid.u32;
	s1 =	sshll.u32 s22, $0x4  }
0x4: {  	s11 =	sor.u32 s0, s1  }
0x5: {  	s10 =	rddreg [dreg:$0x0];
	s2 =	simm.s32 $0x0;
	s3 =	smul.u32 $0x500, s11  }
0x6: {  	[smem:$0x7FF] =	sst s2  }
0x7: {  	s1 =	rddreg [dreg:$0x1];
	_ =	strace $0x80000083;
	s19 =	sadd.s32 s3, s10  }
0x8: {  	_ =	strace $0x80000084;
	s3 =	sadd.s32 $0x2C000, s19  }
0x9: {  	[tilespmem:s2], [sflag:$0x1] =	stream.linear.gather [hbm4b:s3+s2], $0x800, $0x200038;
	[tilespmem:$0x11000] =	vst v63  }
0xa: {  	_ =	strace $0x90000084  }
0xb: {  	s5 =	simm.s32 $0x800;
	s4 =	sadd.s32 $0x2C100, s19;
	_ =	strace $0x80000085  }
0xc: {  	[tilespmem:s5], [sflag:$0x2] =	stream.linear.gather [hbm4b:s4+s2], $0x800, $0x200038;
	[tilespmem:$0x11000] =	vst v63  }
0xd: {  	_ =	strace $0x90000085  }
0xe: {  	s6 =	simm.s32 $0x1;
	_ =	strace $0x80000086  }
0xf: {  	_ =	swait.ge [sflag:s6], $0x800  }
0x10: {  	[sflag:s6] =	ssyncset.done $0x0  }
0x11: {  	[sflag:s6] =	ssyncadd.s32 $0xFFFFF800  }
0x12: {  	s8 =	simm.s32 $0x1000;
	_ =	strace $0x90000086  }
0x13: {  	s9 =	simm.s32 $0x5;
	s7 =	sadd.s32 $0x10E6400, s10;
	_ =	strace $0x80000087  }
0x14: {  	[tilespmem:s8], [sflag:$0x5] =	stream.indirect.gather [hbm4b:s7+s5], $0x10, s2, s5, $0x2000b8;
	[tilespmem:$0x11000] =	vst v63  }
0x15: {  	_ =	swait.ge [sflag:s9], $0x8000  }
0x16: {  	s11 =	smul.u32 $0x5000, s11;
	[sflag:s9] =	ssyncset.done $0x0  }
0x17: {  	[sflag:s9] =	ssyncadd.s32 $0xFFFF8000  }
0x18: {  	s21 =	sadd.s32 s11, s10;
	_ =	strace $0x90000087  }
0x19: {  	s10 =	sadd.s32 $0x40A000, s21;
	_ =	strace $0x80000088  }
0x1a: {  	[hbm4b:s10+s2] =	stream.linear.scatter [tilespmem:s8], [sflag:$0x3], $0x8000, $0x200038;
	[tilespmem:$0x11000] =	vst v63  }
0x1b: {  	_ =	strace $0x90000088  }
0x1c: {  	s11 =	sadd.s32 $0x2C200, s19;
	_ =	strace $0x80000085  }
0x1d: {  	[tilespmem:s2], [sflag:$0x1] =	stream.linear.gather [hbm4b:s11+s2], $0x800, $0x200038;
	[tilespmem:$0x11000] =	vst v63  }
0x1e: {  	_ =	strace $0x90000085  }
0x1f: {  	s12 =	simm.s32 $0x2;
	_ =	strace $0x80000086  }
0x20: {  	_ =	swait.ge [sflag:s12], $0x800  }
0x21: {  	[sflag:s12] =	ssyncset.done $0x0  }
0x22: {  	[sflag:s12] =	ssyncadd.s32 $0xFFFFF800  }
0x23: {  	_ =	strace $0x90000086  }
0x24: {  	s13 =	simm.s32 $0x9000;
	_ =	strace $0x80000087  }
0x25: {  	[tilespmem:s13], [sflag:$0x5] =	stream.indirect.gather [hbm4b:s7+s5], $0x10, s5, s5, $0x2000b8;
	[tilespmem:$0x11000] =	vst v63  }
0x26: {  	_ =	swait.ge [sflag:s9], $0x8000  }
0x27: {  	[sflag:s9] =	ssyncset.done $0x0  }
0x28: {  	[sflag:s9] =	ssyncadd.s32 $0xFFFF8000  }
0x29: {  	_ =	strace $0x90000087  }
0x2a: {  	s14 =	sadd.s32 $0x40B000, s21;
	_ =	strace $0x80000088  }
0x2b: {  	[hbm4b:s14+s2] =	stream.linear.scatter [tilespmem:s13], [sflag:$0x4], $0x8000, $0x200038;
	[tilespmem:$0x11000] =	vst v63  }
0x2c: {  	_ =	strace $0x90000088  }
0x2d: {  	s15 =	simm.s32 $0x3;
	_ =	strace $0x80000089  }
0x2e: {  	_ =	swait.ge [sflag:s15], $0x8000  }
0x2f: {  	[sflag:s15] =	ssyncset.done $0x0  }
0x30: {  	[sflag:s15] =	ssyncadd.s32 $0xFFFF8000  }
0x31: {  	_ =	strace $0x90000089  }
0x32: {  	s16 =	sadd.s32 $0x2C300, s19;
	_ =	strace $0x80000085  }
0x33: {  	[tilespmem:s5], [sflag:$0x2] =	stream.linear.gather [hbm4b:s16+s2], $0x800, $0x200038;
	[tilespmem:$0x11000] =	vst v63  }
0x34: {  	_ =	strace $0x90000085  }
0x35: {  	_ =	strace $0x80000086  }
0x36: {  	_ =	swait.ge [sflag:s6], $0x800  }
0x37: {  	[sflag:s6] =	ssyncset.done $0x0  }
0x38: {  	[sflag:s6] =	ssyncadd.s32 $0xFFFFF800  }
0x39: {  	_ =	strace $0x90000086  }
0x3a: {  	_ =	strace $0x80000087  }
0x3b: {  	[tilespmem:s8], [sflag:$0x5] =	stream.indirect.gather [hbm4b:s7+s5], $0x10, s2, s5, $0x2000b8;
	[tilespmem:$0x11000] =	vst v63  }
0x3c: {  	_ =	swait.ge [sflag:s9], $0x8000  }
0x3d: {  	[sflag:s9] =	ssyncset.done $0x0  }
0x3e: {  	[sflag:s9] =	ssyncadd.s32 $0xFFFF8000  }
0x3f: {  	_ =	strace $0x90000087  }
0x40: {  	s17 =	sadd.s32 $0x40C000, s21;
	_ =	strace $0x80000088  }
0x41: {  	[hbm4b:s17+s2] =	stream.linear.scatter [tilespmem:s8], [sflag:$0x3], $0x8000, $0x200038;
	[tilespmem:$0x11000] =	vst v63  }
0x42: {  	_ =	strace $0x90000088  }
0x43: {  	s18 =	simm.s32 $0x4;
	_ =	strace $0x80000089  }
0x44: {  	_ =	swait.ge [sflag:s18], $0x8000  }
0x45: {  	[sflag:s18] =	ssyncset.done $0x0  }
0x46: {  	[sflag:s18] =	ssyncadd.s32 $0xFFFF8000  }
0x47: {  	_ =	strace $0x90000089  }
0x48: {  	s19 =	sadd.s32 $0x2C400, s19;
	_ =	strace $0x80000085  }
0x49: {  	[tilespmem:s2], [sflag:$0x1] =	stream.linear.gather [hbm4b:s19+s2], $0x800, $0x200038;
	[tilespmem:$0x11000] =	vst v63  }
0x4a: {  	_ =	strace $0x90000085  }
0x4b: {  	_ =	strace $0x80000086  }
0x4c: {  	_ =	swait.ge [sflag:s12], $0x800  }
0x4d: {  	[sflag:s12] =	ssyncset.done $0x0  }
0x4e: {  	[sflag:s12] =	ssyncadd.s32 $0xFFFFF800  }
0x4f: {  	_ =	strace $0x90000086  }
0x50: {  	_ =	strace $0x80000087  }
0x51: {  	[tilespmem:s13], [sflag:$0x5] =	stream.indirect.gather [hbm4b:s7+s5], $0x10, s5, s5, $0x2000b8;
	[tilespmem:$0x11000] =	vst v63  }
0x52: {  	_ =	swait.ge [sflag:s9], $0x8000  }
0x53: {  	[sflag:s9] =	ssyncset.done $0x0  }
0x54: {  	[sflag:s9] =	ssyncadd.s32 $0xFFFF8000  }
0x55: {  	_ =	strace $0x90000087  }
0x56: {  	s20 =	sadd.s32 $0x40D000, s21;
	_ =	strace $0x80000088  }
0x57: {  	[hbm4b:s20+s2] =	stream.linear.scatter [tilespmem:s13], [sflag:$0x4], $0x8000, $0x200038;
	[tilespmem:$0x11000] =	vst v63  }
0x58: {  	_ =	strace $0x90000088  }
0x59: {  	_ =	strace $0x80000089  }
0x5a: {  	_ =	swait.ge [sflag:s15], $0x8000  }
0x5b: {  	[sflag:s15] =	ssyncset.done $0x0  }
0x5c: {  	[sflag:s15] =	ssyncadd.s32 $0xFFFF8000  }
0x5d: {  	_ =	strace $0x90000089  }
0x5e: {  	_ =	strace $0x80000086  }
0x5f: {  	_ =	swait.ge [sflag:s6], $0x800  }
0x60: {  	[sflag:s6] =	ssyncset.done $0x0  }
0x61: {  	[sflag:s6] =	ssyncadd.s32 $0xFFFFF800  }
0x62: {  	_ =	strace $0x90000086  }
0x63: {  	_ =	strace $0x80000087  }
0x64: {  	[tilespmem:s8], [sflag:$0x5] =	stream.indirect.gather [hbm4b:s7+s5], $0x10, s2, s5, $0x2000b8;
	[tilespmem:$0x11000] =	vst v63  }
0x65: {  	_ =	swait.ge [sflag:s9], $0x8000  }
0x66: {  	[sflag:s9] =	ssyncset.done $0x0  }
0x67: {  	[sflag:s9] =	ssyncadd.s32 $0xFFFF8000  }
0x68: {  	_ =	strace $0x90000087  }
0x69: {  	s21 =	sadd.s32 $0x40E000, s21;
	_ =	strace $0x80000088  }
0x6a: {  	[hbm4b:s21+s2] =	stream.linear.scatter [tilespmem:s8], [sflag:$0x3], $0x8000, $0x200038;
	[tilespmem:$0x11000] =	vst v63  }
0x6b: {  	s22 =	ssub.s32 $0x2, s22;
	_ =	strace $0x90000088  }
0x6c: {  	s23 =	sshrl.u32 s22, $0x1;
	_ =	strace $0x80000089  }
0x6d: {  	s22 =	ssub.s32 s22, s23;
	_ =	swait.ge [sflag:s18], $0x8000  }
0x6e: {  	s22 =	smax.u32 s22, $0x1;
	[sflag:s18] =	ssyncset.done $0x0  }
0x6f: {  	p0 =	sne.s32 s22, $0x1;
	[sflag:s18] =	ssyncadd.s32 $0xFFFF8000  }
.Ltmp0:
0x70: {  	_ =	strace $0x90000089;
	(pc) =	sbr.rel @!p0 .LBB2_2-.Ltmp0, $4  }
0x71: {  	_ =	strace $0x8000008A  }
0x72: {  	_ =	swait.ge [sflag:s15], $0x8000  }
0x73: {  	[sflag:s15] =	ssyncset.done $0x0  }
0x74: {  	s22 =	sadd.s32 $0xFFFFFFFF, s22;
	[sflag:s15] =	ssyncadd.s32 $0xFFFF8000  }
.LBB2_1:
0x75: {  	p0 =	sne.s32 s22, $0x1;
	s22 =	sadd.s32 $0xFFFFFFFF, s22;
	_ =	strace $0x9000008A  }
0x76: {  	_ =	strace $0x80000084  }
0x77: {  	[tilespmem:s2], [sflag:$0x1] =	stream.linear.gather [hbm4b:s3+s2], $0x800, $0x200038;
	[tilespmem:$0x11000] =	vst v63  }
0x78: {  	_ =	strace $0x90000084  }
0x79: {  	_ =	strace $0x80000085  }
0x7a: {  	[tilespmem:s5], [sflag:$0x2] =	stream.linear.gather [hbm4b:s4+s2], $0x800, $0x200038;
	[tilespmem:$0x11000] =	vst v63  }
0x7b: {  	_ =	strace $0x90000085  }
0x7c: {  	_ =	strace $0x80000086  }
0x7d: {  	_ =	swait.ge [sflag:s6], $0x800  }
0x7e: {  	[sflag:s6] =	ssyncset.done $0x0  }
0x7f: {  	[sflag:s6] =	ssyncadd.s32 $0xFFFFF800  }
0x80: {  	_ =	strace $0x90000086  }
0x81: {  	_ =	strace $0x80000087  }
0x82: {  	[tilespmem:s8], [sflag:$0x5] =	stream.indirect.gather [hbm4b:s7+s5], $0x10, s2, s5, $0x2000b8;
	[tilespmem:$0x11000] =	vst v63  }
0x83: {  	_ =	swait.ge [sflag:s9], $0x8000  }
0x84: {  	[sflag:s9] =	ssyncset.done $0x0  }
0x85: {  	[sflag:s9] =	ssyncadd.s32 $0xFFFF8000  }
0x86: {  	_ =	strace $0x90000087  }
0x87: {  	_ =	strace $0x80000088  }
0x88: {  	[hbm4b:s10+s2] =	stream.linear.scatter [tilespmem:s8], [sflag:$0x3], $0x8000, $0x200038;
	[tilespmem:$0x11000] =	vst v63  }
0x89: {  	_ =	strace $0x90000088  }
0x8a: {  	_ =	strace $0x80000085  }
0x8b: {  	[tilespmem:s2], [sflag:$0x1] =	stream.linear.gather [hbm4b:s11+s2], $0x800, $0x200038;
	[tilespmem:$0x11000] =	vst v63  }
0x8c: {  	_ =	strace $0x90000085  }
0x8d: {  	_ =	strace $0x80000086  }
0x8e: {  	_ =	swait.ge [sflag:s12], $0x800  }
0x8f: {  	[sflag:s12] =	ssyncset.done $0x0  }
0x90: {  	[sflag:s12] =	ssyncadd.s32 $0xFFFFF800  }
0x91: {  	_ =	strace $0x90000086  }
0x92: {  	_ =	strace $0x80000087  }
0x93: {  	[tilespmem:s13], [sflag:$0x5] =	stream.indirect.gather [hbm4b:s7+s5], $0x10, s5, s5, $0x2000b8;
	[tilespmem:$0x11000] =	vst v63  }
0x94: {  	_ =	swait.ge [sflag:s9], $0x8000  }
0x95: {  	[sflag:s9] =	ssyncset.done $0x0  }
0x96: {  	[sflag:s9] =	ssyncadd.s32 $0xFFFF8000  }
0x97: {  	_ =	strace $0x90000087  }
0x98: {  	_ =	strace $0x80000088  }
0x99: {  	[hbm4b:s14+s2] =	stream.linear.scatter [tilespmem:s13], [sflag:$0x4], $0x8000, $0x200038;
	[tilespmem:$0x11000] =	vst v63  }
0x9a: {  	_ =	strace $0x90000088  }
0x9b: {  	_ =	strace $0x80000089  }
0x9c: {  	_ =	swait.ge [sflag:s15], $0x8000  }
0x9d: {  	[sflag:s15] =	ssyncset.done $0x0  }
0x9e: {  	[sflag:s15] =	ssyncadd.s32 $0xFFFF8000  }
0x9f: {  	_ =	strace $0x90000089  }
0xa0: {  	_ =	strace $0x80000085  }
0xa1: {  	[tilespmem:s5], [sflag:$0x2] =	stream.linear.gather [hbm4b:s16+s2], $0x800, $0x200038;
	[tilespmem:$0x11000] =	vst v63  }
0xa2: {  	_ =	strace $0x90000085  }
0xa3: {  	_ =	strace $0x80000086  }
0xa4: {  	_ =	swait.ge [sflag:s6], $0x800  }
0xa5: {  	[sflag:s6] =	ssyncset.done $0x0  }
0xa6: {  	[sflag:s6] =	ssyncadd.s32 $0xFFFFF800  }
0xa7: {  	_ =	strace $0x90000086  }
0xa8: {  	_ =	strace $0x80000087  }
0xa9: {  	[tilespmem:s8], [sflag:$0x5] =	stream.indirect.gather [hbm4b:s7+s5], $0x10, s2, s5, $0x2000b8;
	[tilespmem:$0x11000] =	vst v63  }
0xaa: {  	_ =	swait.ge [sflag:s9], $0x8000  }
0xab: {  	[sflag:s9] =	ssyncset.done $0x0  }
0xac: {  	[sflag:s9] =	ssyncadd.s32 $0xFFFF8000  }
0xad: {  	_ =	strace $0x90000087  }
0xae: {  	_ =	strace $0x80000088  }
0xaf: {  	[hbm4b:s17+s2] =	stream.linear.scatter [tilespmem:s8], [sflag:$0x3], $0x8000, $0x200038;
	[tilespmem:$0x11000] =	vst v63  }
0xb0: {  	_ =	strace $0x90000088  }
0xb1: {  	_ =	strace $0x80000089  }
0xb2: {  	_ =	swait.ge [sflag:s18], $0x8000  }
0xb3: {  	[sflag:s18] =	ssyncset.done $0x0  }
0xb4: {  	[sflag:s18] =	ssyncadd.s32 $0xFFFF8000  }
0xb5: {  	_ =	strace $0x90000089  }
0xb6: {  	_ =	strace $0x80000085  }
0xb7: {  	[tilespmem:s2], [sflag:$0x1] =	stream.linear.gather [hbm4b:s19+s2], $0x800, $0x200038;
	[tilespmem:$0x11000] =	vst v63  }
0xb8: {  	_ =	strace $0x90000085  }
0xb9: {  	_ =	strace $0x80000086  }
0xba: {  	_ =	swait.ge [sflag:s12], $0x800  }
0xbb: {  	[sflag:s12] =	ssyncset.done $0x0  }
0xbc: {  	[sflag:s12] =	ssyncadd.s32 $0xFFFFF800  }
0xbd: {  	_ =	strace $0x90000086  }
0xbe: {  	_ =	strace $0x80000087  }
0xbf: {  	[tilespmem:s13], [sflag:$0x5] =	stream.indirect.gather [hbm4b:s7+s5], $0x10, s5, s5, $0x2000b8;
	[tilespmem:$0x11000] =	vst v63  }
0xc0: {  	_ =	swait.ge [sflag:s9], $0x8000  }
0xc1: {  	[sflag:s9] =	ssyncset.done $0x0  }
0xc2: {  	[sflag:s9] =	ssyncadd.s32 $0xFFFF8000  }
0xc3: {  	_ =	strace $0x90000087  }
0xc4: {  	_ =	strace $0x80000088  }
0xc5: {  	[hbm4b:s20+s2] =	stream.linear.scatter [tilespmem:s13], [sflag:$0x4], $0x8000, $0x200038;
	[tilespmem:$0x11000] =	vst v63  }
0xc6: {  	_ =	strace $0x90000088  }
0xc7: {  	_ =	strace $0x80000089  }
0xc8: {  	_ =	swait.ge [sflag:s15], $0x8000  }
0xc9: {  	[sflag:s15] =	ssyncset.done $0x0  }
0xca: {  	[sflag:s15] =	ssyncadd.s32 $0xFFFF8000  }
0xcb: {  	_ =	strace $0x90000089  }
0xcc: {  	_ =	strace $0x80000086  }
0xcd: {  	_ =	swait.ge [sflag:s6], $0x800  }
0xce: {  	[sflag:s6] =	ssyncset.done $0x0  }
0xcf: {  	[sflag:s6] =	ssyncadd.s32 $0xFFFFF800  }
0xd0: {  	_ =	strace $0x90000086  }
0xd1: {  	_ =	strace $0x80000087  }
0xd2: {  	[tilespmem:s8], [sflag:$0x5] =	stream.indirect.gather [hbm4b:s7+s5], $0x10, s2, s5, $0x2000b8;
	[tilespmem:$0x11000] =	vst v63  }
0xd3: {  	_ =	swait.ge [sflag:s9], $0x8000  }
0xd4: {  	[sflag:s9] =	ssyncset.done $0x0  }
0xd5: {  	[sflag:s9] =	ssyncadd.s32 $0xFFFF8000  }
0xd6: {  	_ =	strace $0x90000087  }
0xd7: {  	_ =	strace $0x80000088  }
0xd8: {  	[hbm4b:s21+s2] =	stream.linear.scatter [tilespmem:s8], [sflag:$0x3], $0x8000, $0x200038;
	[tilespmem:$0x11000] =	vst v63  }
0xd9: {  	_ =	strace $0x90000088  }
0xda: {  	_ =	strace $0x80000089  }
0xdb: {  	_ =	swait.ge [sflag:s18], $0x8000  }
0xdc: {  	[sflag:s18] =	ssyncset.done $0x0  }
0xdd: {  	[sflag:s18] =	ssyncadd.s32 $0xFFFF8000  }
.Ltmp1:
0xde: {  	_ =	strace $0x90000089;
	(pc) =	sbr.rel @p0 .LBB2_1-.Ltmp1, $4  }
0xdf: {  	_ =	strace $0x8000008A  }
0xe0: {  	_ =	swait.ge [sflag:s15], $0x8000  }
0xe1: {  	[sflag:s15] =	ssyncset.done $0x0  }
0xe2: {  	[sflag:s15] =	ssyncadd.s32 $0xFFFF8000  }
.LBB2_2:
0xe3: {  	_ =	strace $0x9000008A  }
0xe4: {  	_ =	sfence.sel $0x180000  }
0xe5: {  	[bflag:$0x0] =	sbarrier.arrive $0xFFFF  }
0xe6: {  	p0 =	sne.s32 s0, $0x0;
	_ =	strace $0x90000083  }
0xe7: {  	s0 =	sadd.s32 @!p0 $0x100000, s1;
	[bflag:$0x2] =	sbarrier.arrive $0xFFFF  }
0xe8: {  	[sflag:s0] =	ssyncadd.tile.s32 @!p0 $0x1;
	_ =	shalt  }
.Lfunc_end2:
_tile_overlayer_lowered:
.L_overlay_start_2:
0xe9: {  	(tag) =	ssettag $0x2  }
0xea: {  	s0 =	rddreg [dreg:$0x0];
	s2 =	stileid.u32  }
0xeb: {  	s1 =	rddreg [dreg:$0x1];
	p0 =	sne.s32 s2, $0x0  }
0xec: {  	s3 =	rddreg [dreg:$0x2];
	[bflag:$0x3] =	sbarrier.arrive $0xFFFF;
	s2 =	simm.s32 @!p0 $0x1C01  }
0xed: {  	[timem:s3], [sflag:s2] =	dma.local @!p0 [hbm:s0], s1  }
0xee: {  	s0 =	simm.s32 @!p0 $0x1  }
0xef: {  	_ =	swait.ge @!p0 [sflag:s0], s1  }
0xf0: {  	s1 =	ssub.s32 @!p0 $0x0, s1;
	[sflag:s0] =	ssyncset.done @!p0 $0x0  }
0xf1: {  	[sflag:s0] =	ssyncadd.s32 @!p0 s1  }
0xf2: {  	[bflag:$0x3] =	sbarrier.arrive $0xFFFF  }
0xf3: {  	_ =	shalt  }

// kernel: kernel.39.cloned.1.call-start
scs
__scs_entry_jumppad:
0x0: {  	(pc) =	sbr.rel $0x88, $3  }
0x1: {  	(tag) =	ssettag $0x0;
	lr =	simm.s32 $0x1  }
0x2: {  	[smem:$0x3F9B] =	sst lr;
	_ =	strace $0xD0000000  }
0x3: {  	_ = 	snop  }
0x4: {  	_ = 	snop  }
0x5: {  	_ = 	snop  }
0x6: {  	_ = 	snop  }
0x7: {  	_ = 	snop  }
__scs_overlays_trampoline_lowered:
0x8: {  	[smem:$0x3FAA] =	sst s0  }
0x9: {  	[smem:$0x3FAB] =	sst s1  }
0xa: {  	[smem:$0x3FAC] =	sst s2  }
0xb: {  	[smem:$0x3FAD] =	sst s3  }
0xc: {  	[smem:$0x3FAE] =	sst s4  }
0xd: {  	[smem:$0x3FAF] =	sst s5  }
0xe: {  	[smem:$0x3FB0] =	sst s6  }
0xf: {  	[smem:$0x3FB1] =	sst s7  }
0x10: {  	[smem:$0x3FB2] =	sst s8  }
0x11: {  	[smem:$0x3FB3] =	sst s9;
	s0 =	simm.s32 @!p0 $0x0  }
0x12: {  	s1 =	sld [smem:$0x3F99];
	s0 =	simm.s32 @p0 $0x1  }
0x13: {  	[smem:$0x3FB4] =	sst s0;
	s0 =	simm.s32 @!p1 $0x0  }
0x14: {  	s2 =	sld [smem:$0x3F98];
	s0 =	simm.s32 @p1 $0x1  }
0x15: {  	[smem:$0x3FB5] =	sst s0;
	s0 =	simm.s32 @!p2 $0x0  }
0x16: {  	s3 =	sld [smem:$0x3FDB];
	s0 =	simm.s32 @p2 $0x1  }
0x17: {  	s4 =	simm.s32 $0x1BF5;
	[smem:$0x3FB7] =	sst s0  }
0x18: {  	s0 =	sld [smem:$0x3F9A];
	_ =	swait.ge [sflag:s4], $0x0  }
0x19: {  	s7 =	sld [smem:$0x3F9B]  }
0x1a: {  	s8 =	sadd.s32 $0xFFFFE003, lr  }
0x1b: {  	s9 =	sadd.s32 $0xFFFFFEF7, lr;
	s5 =	simm.s32 $0xFFFFFFFF;
	p2 =	slt.u32 s8, $0xFFFFF086  }
0x1c: {  	p1 =	slt.u32 s9, $0xF7A;
	s5 =	simm.s32 @!p2 $0x0  }
0x1d: {  	s5 =	simm.s32 @p1 $0x1;
	p0 =	seq.s32 s7, s2  }
0x1e: {  	s7 =	smul.u32 @!p0 $0xF7A, s2;
	p2 =	seq.s32 @!p0 s5, $0x0  }
0x1f: {  	s9 =	smul.u32 $0xF7A, s1;
	s8 =	simm.s32 @!p0 $0x1BF5;
	p2 =	por !p2, p0  }
0x20: {  	[sflag:s8] =	ssyncset.s32 @!p0 $0xFFFFF086;
	s6 =	sadd.s32 @!p0 s3, s7;
	s7 =	simm.s32 @!p0 $0x108  }
0x21: {  	s3 =	sadd.s32 s3, s9;
	s6 =	sadd.s32 @!p0 $0x88, s6;
	s7 =	simm.s32 @p2 $0x1082  }
0x22: {  	[simem:s7], [sflag:s8] =	dma.local @!p0 [hbm:s6], $0xF7A  }
0x23: {  	s9 =	sor.u32 $0xD0000000, s2;
	s6 =	simm.s32 $0x108;
	_ =	swait.ge @!p0 [sflag:s8], $0x0  }
0x24: {  	s3 =	sadd.s32 $0x88, s3;
	s6 =	simm.s32 @!p1 $0x1082;
	[sflag:s4] =	ssyncset.s32 $0xFFFFF086  }
0x25: {  	[simem:s6], [sflag:s4] =	dma.local [hbm:s3], $0xF7A  }
0x26: {  	[smem:$0x3F9B] =	sst s1;
	(tag) =	ssettag s2;
	_ =	strace s9  }
0x27: {  	s1 =	sld [smem:$0x3FAB]  }
0x28: {  	s2 =	sld [smem:$0x3FAC]  }
0x29: {  	s4 =	sld [smem:$0x3FAE]  }
0x2a: {  	p0 =	seq.s32 s5, $0x0;
	s5 =	sld [smem:$0x3FAF]  }
0x2b: {  	s6 =	sld [smem:$0x3FB0]  }
0x2c: {  	s7 =	sld [smem:$0x3FB1]  }
0x2d: {  	s3 =	simm.s32 $0x108;
	s8 =	sld [smem:$0x3FB2]  }
0x2e: {  	s3 =	simm.s32 @!p0 $0x1082;
	s9 =	sld [smem:$0x3FB3]  }
0x2f: {  	lr =	sadd.s32 s0, s3;
	s0 =	sld [smem:$0x3FAA]  }
0x30: {  	s3 =	sld [smem:$0x3FAD]  }
0x31: {  	[smem:$0x3FB6] =	sst s10  }
0x32: {  	s10 =	sld [smem:$0x3FB4];
	_ =	sdelay $0x3  }
0x33: {  	p0 =	seq.s32 s10, $0x1;
	s10 =	sld [smem:$0x3FB6];
	_ =	sdelay $0x3  }
0x34: {  	[smem:$0x3FB6] =	sst s10  }
0x35: {  	s10 =	sld [smem:$0x3FB5];
	_ =	sdelay $0x3  }
0x36: {  	p1 =	seq.s32 s10, $0x1;
	s10 =	sld [smem:$0x3FB6];
	_ =	sdelay $0x3  }
0x37: {  	[smem:$0x3FB6] =	sst s10  }
0x38: {  	s10 =	sld [smem:$0x3FB7]  }
0x39: {  	_ = 	snop;
	(pc) =	sbr.ind lr, $3  }
0x3a: {  	_ = 	snop  }
0x3b: {  	_ = 	snop  }
0x3c: {  	p2 =	seq.s32 s10, $0x1;
	s10 =	sld [smem:$0x3FB6]  }
0x3d: {  	_ =	shalt  }
0x3e: {  	_ =	shalt  }
0x3f: {  	_ =	shalt  }
0x40: {  	_ =	shalt  }
0x41: {  	_ =	shalt  }
0x42: {  	_ =	shalt  }
0x43: {  	_ =	shalt  }
0x44: {  	_ =	shalt  }
0x45: {  	_ =	shalt  }
0x46: {  	_ =	shalt  }
0x47: {  	_ =	shalt  }
0x48: {  	_ =	shalt  }
0x49: {  	_ =	shalt  }
0x4a: {  	_ =	shalt  }
0x4b: {  	_ =	shalt  }
0x4c: {  	_ =	shalt  }
0x4d: {  	_ =	shalt  }
0x4e: {  	_ =	shalt  }
0x4f: {  	_ =	shalt  }
0x50: {  	_ =	shalt  }
0x51: {  	_ =	shalt  }
0x52: {  	_ =	shalt  }
0x53: {  	_ =	shalt  }
0x54: {  	_ =	shalt  }
0x55: {  	_ =	shalt  }
0x56: {  	_ =	shalt  }
0x57: {  	_ =	shalt  }
0x58: {  	_ =	shalt  }
0x59: {  	_ =	shalt  }
0x5a: {  	_ =	shalt  }
0x5b: {  	_ =	shalt  }
0x5c: {  	_ =	shalt  }
0x5d: {  	_ =	shalt  }
0x5e: {  	_ =	shalt  }
0x5f: {  	_ =	shalt  }
0x60: {  	_ =	shalt  }
0x61: {  	_ =	shalt  }
0x62: {  	_ =	shalt  }
0x63: {  	_ =	shalt  }
0x64: {  	_ =	shalt  }
0x65: {  	_ =	shalt  }
0x66: {  	_ =	shalt  }
0x67: {  	_ =	shalt  }
0x68: {  	_ =	shalt  }
0x69: {  	_ =	shalt  }
0x6a: {  	_ =	shalt  }
0x6b: {  	_ =	shalt  }
0x6c: {  	_ =	shalt  }
0x6d: {  	_ =	shalt  }
0x6e: {  	_ =	shalt  }
0x6f: {  	_ =	shalt  }
0x70: {  	_ =	shalt  }
0x71: {  	_ =	shalt  }
0x72: {  	_ =	shalt  }
0x73: {  	_ =	shalt  }
0x74: {  	_ =	shalt  }
0x75: {  	_ =	shalt  }
0x76: {  	_ =	shalt  }
0x77: {  	_ =	shalt  }
0x78: {  	_ =	shalt  }
0x79: {  	_ =	shalt  }
0x7a: {  	_ =	shalt  }
0x7b: {  	_ =	shalt  }
0x7c: {  	_ =	shalt  }
0x7d: {  	_ =	shalt  }
0x7e: {  	_ =	shalt  }
0x7f: {  	_ =	shalt  }
0x80: {  	_ =	shalt  }
0x81: {  	_ =	shalt  }
0x82: {  	_ =	shalt  }
0x83: {  	_ =	shalt  }
0x84: {  	_ =	shalt  }
0x85: {  	_ =	shalt  }
0x86: {  	_ =	shalt  }
0x87: {  	_ =	shalt  }
.Lfunc_end0:
.L_simem_size_0:
called_computation.7_lowered:
.L_overlay_start_0:
0x88: {  	s2 =	sld [smem:$0x3FD9]  }
0x89: {  	s3 =	sld [smem:$0x3FFE];
	_ =	sdelay $0x1  }
0x8a: {  	s1 =	srdreg.scid  }
0x8b: {  	s0 =	sand.u32 $0x1, s1  }
0x8c: {  	s17 =	sshll.u32 s0, $0xA;
	s2 =	sadd.s32 s3, s2  }
0x8d: {  	s2 =	sadd.s32 s2, s17  }
0x8e: {  	[smem:$0x3FC2] =	sst s2  }
0x8f: {  	_ = 	snop  }
0x90: {  	s18 =	sld [smem:$0x3FD0];
	(tm) =	ssettm $0x1  }
0x91: {  	s19 =	sld [smem:$0x3FFB];
	_ =	sdelay $0x3  }
0x92: {  	_ =	strace s19  }
0x93: {  	s2 =	sld [smem:$0x3FFC];
	_ =	sdelay $0x3  }
0x94: {  	_ =	strace s2  }
0x95: {  	s2 =	sld [smem:$0x3FFD];
	_ =	sdelay $0x3  }
0x96: {  	_ =	strace s2  }
0x97: {  	_ =	strace $0x8FFFFFFF  }
0x98: {  	s20 =	sld [smem:$0x3FDB];
	_ =	sdelay $0x1  }
0x99: {  	s4 =	simm.s32 $_scs_section_size  }
0x9a: {  	s5 =	simm.s32 $_size__tile_overlayer_lowered;
	s6 =	simm.s32 $_tile_overlayer_lowered  }
0x9b: {  	s7 =	simm.s32 $0x1BFF;
	s21 =	sshll.u32 s6, $0x1;
	s4 =	sadd.s32 s4, s20  }
0x9c: {  	s22 =	simm.s32 $0x0;
	s5 =	sshll.u32 s5, $0x1;
	s6 =	sadd.s32 s21, s4  }
0x9d: {  	[timem:s22], [sflag:s7] =	dma.local [hbm:s6], s5  }
0x9e: {  	_ =	swait.ge [sflag:s7], s5  }
0x9f: {  	s5 =	ssub.s32 $0x0, s5;
	[sflag:s7] =	ssyncset.done $0x0  }
0xa0: {  	[sflag:s7] =	ssyncadd.s32 s5;
	_ =	sdelay $0x1  }
0xa1: {  	s23 =	simm.s32 $0x1B8B  }
0xa2: {  	_ =	swait.ge [sflag:s23], $0x1  }
0xa3: {  	[sflag:s23] =	ssyncset.done $0x0  }
0xa4: {  	[sflag:s23] =	ssyncadd.s32 $0xFFFFFFFF  }
0xa5: {  	s5 =	sld [smem:$0x0]  }
0xa6: {  	s6 =	sand.u32 $0xFFFFFFFE, s1  }
0xa7: {  	p0 =	sne.s32 s1, s6  }
0xa8: {  	s6 =	sshll.u32 @p0 s6, $0xE  }
0xa9: {  	s6 =	sadd.s32 @p0 $0x11B8D, s6;
	s7 =	sshll.u32 @p0 s5, $0x11  }
0xaa: {  	s6 =	sor.u32 @p0 s7, s6  }
0xab: {  	[sflag:s6] =	ssyncadd.remote.s32 @p0 $0x1;
	_ =	sdelay $0x1  }
0xac: {  	s6 =	simm.s32 @p0 $0x1B8D  }
0xad: {  	_ =	swait.eq @p0 [sflag:s6], $0x1  }
0xae: {  	[sflag:s6] =	ssyncadd.s32 @p0 $0xFFFFFFFF  }
0xaf: {  	s7 =	sshll.u32 @!p0 s1, $0xE  }
0xb0: {  	s7 =	sor.u32 @!p0 $0x4000, s7;
	s6 =	simm.s32 @!p0 $0x1B8D  }
0xb1: {  	s5 =	sshll.u32 @!p0 s5, $0x11;
	s7 =	sadd.s32 @!p0 $0x11B8D, s7;
	_ =	swait.eq @!p0 [sflag:s6], $0x1  }
0xb2: {  	s5 =	sor.u32 @!p0 s5, s7;
	[sflag:s6] =	ssyncadd.s32 @!p0 $0xFFFFFFFF  }
0xb3: {  	s25 =	simm.s32 $0x1B8E;
	s24 =	sld [smem:$0x3FFE];
	[sflag:s5] =	ssyncadd.remote.s32 @!p0 $0x1  }
0xb4: {  	s26 =	simm.s32 $execute0_lowered;
	[smem:$0x3FD2] =	sst s25  }
0xb5: {  	s6 =	sshll.u32 s26, $0x1;
	_ =	strace $0x8000008C;
	[dreg:$0x1] =	wrdreg $0xFFFFFFFF  }
0xb6: {  	s28 =	simm.s32 $_size_execute0_lowered;
	s4 =	sadd.s32 s4, s6;
	[dreg:$0x0] =	wrdreg $0x0  }
0xb7: {  	s6 =	sshll.u32 s28, $0x1;
	[dreg:$0x2] =	wrdreg s4  }
0xb8: {  	[dreg:$0x3] =	wrdreg s6  }
0xb9: {  	[dreg:$0x4] =	wrdreg $0xC0  }
0xba: {  	_ =	task [dreg:s22], $0x5FFFF  }
0xbb: {  	[dreg:$0x1] =	wrdreg $0xFFFFFFFF  }
0xbc: {  	[dreg:$0x0] =	wrdreg $0x60  }
0xbd: {  	[dreg:$0x2] =	wrdreg s24  }
0xbe: {  	[dreg:$0x3] =	wrdreg s18  }
0xbf: {  	[dreg:$0x4] =	wrdreg $0x10  }
0xc0: {  	_ =	task.clear_ibuf [dreg:s22], $0x5FFFF;
	_ =	strace $0x9000008C  }
0xc1: {  	s29 =	simm.s32 $0x10;
	_ =	strace $0x80000095  }
0xc2: {  	_ =	swait.ge [sflag:s29], $0x1  }
0xc3: {  	[sflag:s29] =	ssyncadd.s32 $0xFFFFFFFF  }
0xc4: {  	_ =	strace $0x90000095  }
0xc5: {  	_ =	sfence  }
0xc6: {  	s30 =	sld [smem:$0x0];
	_ =	sdelay $0x2  }
0xc7: {  	s31 =	sshll.u32 s1, $0xD;
	s1 =	sshrl.u32 s1, $0x2  }
0xc8: {  	s4 =	sand.u32 $0x4000, s31;
	s1 =	sadd.s32 s1, s30  }
0xc9: {  	s0 =	sor.u32 s4, s0;
	s1 =	sshll.u32 s1, $0x11  }
0xca: {  	s0 =	sor.u32 s1, s0  }
0xcb: {  	s0 =	sadd.s32 $0x8F2B, s0  }
0xcc: {  	[sflag:s0] =	ssyncadd.remote.s32 $0x1  }
0xcd: {  	_ =	sfence.sel $0xFFFF  }
0xce: {  	[dreg:$0x0] =	wrdreg $0xFFFFFFFF;
	(pc) =	sbr.abs _section_cstart, $3  }
0xcf: {  	[dreg:$0x1] =	wrdreg $0xFFFFFFFF  }
0xd0: {  	_ =	task.clear_ibuf [dreg:s22], $0x2FFFF;
	_ =	strace $0x9FFFFFFF  }
0xd1: {  	(tm) =	ssettm $0x7FFFFFFF  }
tec
execute0_lowered:
.L_overlay_start_1:
0x0: {  	(tag) =	ssettag $0x1  }
0x1: {  	s0 =	srdreg.scid  }
0x2: {  	s22 =	sand.u32 $0x1, s0  }
0x3: {  	s10 =	rddreg [dreg:$0x0];
	s1 =	stileid.u32;
	s4 =	sshll.u32 s22, $0x4  }
0x4: {  	s3 =	rddreg [dreg:$0x1];
	s2 =	simm.s32 $0x0;
	s11 =	sor.u32 s1, s4  }
0x5: {  	[smem:$0x7FF] =	sst s2;
	s4 =	smul.u32 $0x500, s11  }
0x6: {  	s0 =	rddreg [dreg:$0x2];
	_ =	strace $0x8000008D  }
0x7: {  	_ =	strace $0x8000008E;
	s3 =	sadd.s32 s3, s4  }
0x8: {  	[tilespmem:s2], [sflag:$0x1] =	stream.linear.gather [hbm4b:s3+s2], $0x800, $0x200038;
	[tilespmem:$0x11000] =	vst v63  }
0x9: {  	_ =	strace $0x9000008E  }
0xa: {  	s5 =	simm.s32 $0x800;
	s4 =	sadd.s32 $0x100, s3;
	_ =	strace $0x8000008F  }
0xb: {  	[tilespmem:s5], [sflag:$0x2] =	stream.linear.gather [hbm4b:s4+s2], $0x800, $0x200038;
	[tilespmem:$0x11000] =	vst v63  }
0xc: {  	_ =	strace $0x9000008F  }
0xd: {  	s6 =	simm.s32 $0x1;
	_ =	strace $0x80000090  }
0xe: {  	_ =	swait.ge [sflag:s6], $0x800  }
0xf: {  	[sflag:s6] =	ssyncset.done $0x0  }
0x10: {  	[sflag:s6] =	ssyncadd.s32 $0xFFFFF800  }
0x11: {  	s8 =	simm.s32 $0x1000;
	_ =	strace $0x90000090  }
0x12: {  	s9 =	simm.s32 $0x5;
	s7 =	sadd.s32 $0x10E6400, s10;
	_ =	strace $0x80000091  }
0x13: {  	[tilespmem:s8], [sflag:$0x5] =	stream.indirect.gather [hbm4b:s7+s5], $0x10, s2, s5, $0x2000b8;
	[tilespmem:$0x11000] =	vst v63  }
0x14: {  	_ =	swait.ge [sflag:s9], $0x8000  }
0x15: {  	s11 =	smul.u32 $0x5000, s11;
	[sflag:s9] =	ssyncset.done $0x0  }
0x16: {  	[sflag:s9] =	ssyncadd.s32 $0xFFFF8000  }
0x17: {  	s21 =	sadd.s32 s11, s10;
	_ =	strace $0x90000091  }
0x18: {  	s10 =	sadd.s32 $0x4AA000, s21;
	_ =	strace $0x80000092  }
0x19: {  	[hbm4b:s10+s2] =	stream.linear.scatter [tilespmem:s8], [sflag:$0x3], $0x8000, $0x200038;
	[tilespmem:$0x11000] =	vst v63  }
0x1a: {  	_ =	strace $0x90000092  }
0x1b: {  	s11 =	sadd.s32 $0x200, s3;
	_ =	strace $0x8000008F  }
0x1c: {  	[tilespmem:s2], [sflag:$0x1] =	stream.linear.gather [hbm4b:s11+s2], $0x800, $0x200038;
	[tilespmem:$0x11000] =	vst v63  }
0x1d: {  	_ =	strace $0x9000008F  }
0x1e: {  	s12 =	simm.s32 $0x2;
	_ =	strace $0x80000090  }
0x1f: {  	_ =	swait.ge [sflag:s12], $0x800  }
0x20: {  	[sflag:s12] =	ssyncset.done $0x0  }
0x21: {  	[sflag:s12] =	ssyncadd.s32 $0xFFFFF800  }
0x22: {  	_ =	strace $0x90000090  }
0x23: {  	s13 =	simm.s32 $0x9000;
	_ =	strace $0x80000091  }
0x24: {  	[tilespmem:s13], [sflag:$0x5] =	stream.indirect.gather [hbm4b:s7+s5], $0x10, s5, s5, $0x2000b8;
	[tilespmem:$0x11000] =	vst v63  }
0x25: {  	_ =	swait.ge [sflag:s9], $0x8000  }
0x26: {  	[sflag:s9] =	ssyncset.done $0x0  }
0x27: {  	[sflag:s9] =	ssyncadd.s32 $0xFFFF8000  }
0x28: {  	_ =	strace $0x90000091  }
0x29: {  	s14 =	sadd.s32 $0x4AB000, s21;
	_ =	strace $0x80000092  }
0x2a: {  	[hbm4b:s14+s2] =	stream.linear.scatter [tilespmem:s13], [sflag:$0x4], $0x8000, $0x200038;
	[tilespmem:$0x11000] =	vst v63  }
0x2b: {  	_ =	strace $0x90000092  }
0x2c: {  	s15 =	simm.s32 $0x3;
	_ =	strace $0x80000093  }
0x2d: {  	_ =	swait.ge [sflag:s15], $0x8000  }
0x2e: {  	[sflag:s15] =	ssyncset.done $0x0  }
0x2f: {  	[sflag:s15] =	ssyncadd.s32 $0xFFFF8000  }
0x30: {  	_ =	strace $0x90000093  }
0x31: {  	s16 =	sadd.s32 $0x300, s3;
	_ =	strace $0x8000008F  }
0x32: {  	[tilespmem:s5], [sflag:$0x2] =	stream.linear.gather [hbm4b:s16+s2], $0x800, $0x200038;
	[tilespmem:$0x11000] =	vst v63  }
0x33: {  	_ =	strace $0x9000008F  }
0x34: {  	_ =	strace $0x80000090  }
0x35: {  	_ =	swait.ge [sflag:s6], $0x800  }
0x36: {  	[sflag:s6] =	ssyncset.done $0x0  }
0x37: {  	[sflag:s6] =	ssyncadd.s32 $0xFFFFF800  }
0x38: {  	_ =	strace $0x90000090  }
0x39: {  	_ =	strace $0x80000091  }
0x3a: {  	[tilespmem:s8], [sflag:$0x5] =	stream.indirect.gather [hbm4b:s7+s5], $0x10, s2, s5, $0x2000b8;
	[tilespmem:$0x11000] =	vst v63  }
0x3b: {  	_ =	swait.ge [sflag:s9], $0x8000  }
0x3c: {  	[sflag:s9] =	ssyncset.done $0x0  }
0x3d: {  	[sflag:s9] =	ssyncadd.s32 $0xFFFF8000  }
0x3e: {  	_ =	strace $0x90000091  }
0x3f: {  	s17 =	sadd.s32 $0x4AC000, s21;
	_ =	strace $0x80000092  }
0x40: {  	[hbm4b:s17+s2] =	stream.linear.scatter [tilespmem:s8], [sflag:$0x3], $0x8000, $0x200038;
	[tilespmem:$0x11000] =	vst v63  }
0x41: {  	_ =	strace $0x90000092  }
0x42: {  	s18 =	simm.s32 $0x4;
	_ =	strace $0x80000093  }
0x43: {  	_ =	swait.ge [sflag:s18], $0x8000  }
0x44: {  	[sflag:s18] =	ssyncset.done $0x0  }
0x45: {  	[sflag:s18] =	ssyncadd.s32 $0xFFFF8000  }
0x46: {  	_ =	strace $0x90000093  }
0x47: {  	s19 =	sadd.s32 $0x400, s3;
	_ =	strace $0x8000008F  }
0x48: {  	[tilespmem:s2], [sflag:$0x1] =	stream.linear.gather [hbm4b:s19+s2], $0x800, $0x200038;
	[tilespmem:$0x11000] =	vst v63  }
0x49: {  	_ =	strace $0x9000008F  }
0x4a: {  	_ =	strace $0x80000090  }
0x4b: {  	_ =	swait.ge [sflag:s12], $0x800  }
0x4c: {  	[sflag:s12] =	ssyncset.done $0x0  }
0x4d: {  	[sflag:s12] =	ssyncadd.s32 $0xFFFFF800  }
0x4e: {  	_ =	strace $0x90000090  }
0x4f: {  	_ =	strace $0x80000091  }
0x50: {  	[tilespmem:s13], [sflag:$0x5] =	stream.indirect.gather [hbm4b:s7+s5], $0x10, s5, s5, $0x2000b8;
	[tilespmem:$0x11000] =	vst v63  }
0x51: {  	_ =	swait.ge [sflag:s9], $0x8000  }
0x52: {  	[sflag:s9] =	ssyncset.done $0x0  }
0x53: {  	[sflag:s9] =	ssyncadd.s32 $0xFFFF8000  }
0x54: {  	_ =	strace $0x90000091  }
0x55: {  	s20 =	sadd.s32 $0x4AD000, s21;
	_ =	strace $0x80000092  }
0x56: {  	[hbm4b:s20+s2] =	stream.linear.scatter [tilespmem:s13], [sflag:$0x4], $0x8000, $0x200038;
	[tilespmem:$0x11000] =	vst v63  }
0x57: {  	_ =	strace $0x90000092  }
0x58: {  	_ =	strace $0x80000093  }
0x59: {  	_ =	swait.ge [sflag:s15], $0x8000  }
0x5a: {  	[sflag:s15] =	ssyncset.done $0x0  }
0x5b: {  	[sflag:s15] =	ssyncadd.s32 $0xFFFF8000  }
0x5c: {  	_ =	strace $0x90000093  }
0x5d: {  	_ =	strace $0x80000090  }
0x5e: {  	_ =	swait.ge [sflag:s6], $0x800  }
0x5f: {  	[sflag:s6] =	ssyncset.done $0x0  }
0x60: {  	[sflag:s6] =	ssyncadd.s32 $0xFFFFF800  }
0x61: {  	_ =	strace $0x90000090  }
0x62: {  	_ =	strace $0x80000091  }
0x63: {  	[tilespmem:s8], [sflag:$0x5] =	stream.indirect.gather [hbm4b:s7+s5], $0x10, s2, s5, $0x2000b8;
	[tilespmem:$0x11000] =	vst v63  }
0x64: {  	_ =	swait.ge [sflag:s9], $0x8000  }
0x65: {  	[sflag:s9] =	ssyncset.done $0x0  }
0x66: {  	[sflag:s9] =	ssyncadd.s32 $0xFFFF8000  }
0x67: {  	_ =	strace $0x90000091  }
0x68: {  	s21 =	sadd.s32 $0x4AE000, s21;
	_ =	strace $0x80000092  }
0x69: {  	[hbm4b:s21+s2] =	stream.linear.scatter [tilespmem:s8], [sflag:$0x3], $0x8000, $0x200038;
	[tilespmem:$0x11000] =	vst v63  }
0x6a: {  	s22 =	ssub.s32 $0x2, s22;
	_ =	strace $0x90000092  }
0x6b: {  	s23 =	sshrl.u32 s22, $0x1;
	_ =	strace $0x80000093  }
0x6c: {  	s22 =	ssub.s32 s22, s23;
	_ =	swait.ge [sflag:s18], $0x8000  }
0x6d: {  	s22 =	smax.u32 s22, $0x1;
	[sflag:s18] =	ssyncset.done $0x0  }
0x6e: {  	p0 =	sne.s32 s22, $0x1;
	[sflag:s18] =	ssyncadd.s32 $0xFFFF8000  }
.Ltmp0:
0x6f: {  	_ =	strace $0x90000093;
	(pc) =	sbr.rel @!p0 .LBB2_2-.Ltmp0, $4  }
0x70: {  	_ =	strace $0x80000094  }
0x71: {  	_ =	swait.ge [sflag:s15], $0x8000  }
0x72: {  	[sflag:s15] =	ssyncset.done $0x0  }
0x73: {  	s22 =	sadd.s32 $0xFFFFFFFF, s22;
	[sflag:s15] =	ssyncadd.s32 $0xFFFF8000  }
.LBB2_1:
0x74: {  	p0 =	sne.s32 s22, $0x1;
	s22 =	sadd.s32 $0xFFFFFFFF, s22;
	_ =	strace $0x90000094  }
0x75: {  	_ =	strace $0x8000008E  }
0x76: {  	[tilespmem:s2], [sflag:$0x1] =	stream.linear.gather [hbm4b:s3+s2], $0x800, $0x200038;
	[tilespmem:$0x11000] =	vst v63  }
0x77: {  	_ =	strace $0x9000008E  }
0x78: {  	_ =	strace $0x8000008F  }
0x79: {  	[tilespmem:s5], [sflag:$0x2] =	stream.linear.gather [hbm4b:s4+s2], $0x800, $0x200038;
	[tilespmem:$0x11000] =	vst v63  }
0x7a: {  	_ =	strace $0x9000008F  }
0x7b: {  	_ =	strace $0x80000090  }
0x7c: {  	_ =	swait.ge [sflag:s6], $0x800  }
0x7d: {  	[sflag:s6] =	ssyncset.done $0x0  }
0x7e: {  	[sflag:s6] =	ssyncadd.s32 $0xFFFFF800  }
0x7f: {  	_ =	strace $0x90000090  }
0x80: {  	_ =	strace $0x80000091  }
0x81: {  	[tilespmem:s8], [sflag:$0x5] =	stream.indirect.gather [hbm4b:s7+s5], $0x10, s2, s5, $0x2000b8;
	[tilespmem:$0x11000] =	vst v63  }
0x82: {  	_ =	swait.ge [sflag:s9], $0x8000  }
0x83: {  	[sflag:s9] =	ssyncset.done $0x0  }
0x84: {  	[sflag:s9] =	ssyncadd.s32 $0xFFFF8000  }
0x85: {  	_ =	strace $0x90000091  }
0x86: {  	_ =	strace $0x80000092  }
0x87: {  	[hbm4b:s10+s2] =	stream.linear.scatter [tilespmem:s8], [sflag:$0x3], $0x8000, $0x200038;
	[tilespmem:$0x11000] =	vst v63  }
0x88: {  	_ =	strace $0x90000092  }
0x89: {  	_ =	strace $0x8000008F  }
0x8a: {  	[tilespmem:s2], [sflag:$0x1] =	stream.linear.gather [hbm4b:s11+s2], $0x800, $0x200038;
	[tilespmem:$0x11000] =	vst v63  }
0x8b: {  	_ =	strace $0x9000008F  }
0x8c: {  	_ =	strace $0x80000090  }
0x8d: {  	_ =	swait.ge [sflag:s12], $0x800  }
0x8e: {  	[sflag:s12] =	ssyncset.done $0x0  }
0x8f: {  	[sflag:s12] =	ssyncadd.s32 $0xFFFFF800  }
0x90: {  	_ =	strace $0x90000090  }
0x91: {  	_ =	strace $0x80000091  }
0x92: {  	[tilespmem:s13], [sflag:$0x5] =	stream.indirect.gather [hbm4b:s7+s5], $0x10, s5, s5, $0x2000b8;
	[tilespmem:$0x11000] =	vst v63  }
0x93: {  	_ =	swait.ge [sflag:s9], $0x8000  }
0x94: {  	[sflag:s9] =	ssyncset.done $0x0  }
0x95: {  	[sflag:s9] =	ssyncadd.s32 $0xFFFF8000  }
0x96: {  	_ =	strace $0x90000091  }
0x97: {  	_ =	strace $0x80000092  }
0x98: {  	[hbm4b:s14+s2] =	stream.linear.scatter [tilespmem:s13], [sflag:$0x4], $0x8000, $0x200038;
	[tilespmem:$0x11000] =	vst v63  }
0x99: {  	_ =	strace $0x90000092  }
0x9a: {  	_ =	strace $0x80000093  }
0x9b: {  	_ =	swait.ge [sflag:s15], $0x8000  }
0x9c: {  	[sflag:s15] =	ssyncset.done $0x0  }
0x9d: {  	[sflag:s15] =	ssyncadd.s32 $0xFFFF8000  }
0x9e: {  	_ =	strace $0x90000093  }
0x9f: {  	_ =	strace $0x8000008F  }
0xa0: {  	[tilespmem:s5], [sflag:$0x2] =	stream.linear.gather [hbm4b:s16+s2], $0x800, $0x200038;
	[tilespmem:$0x11000] =	vst v63  }
0xa1: {  	_ =	strace $0x9000008F  }
0xa2: {  	_ =	strace $0x80000090  }
0xa3: {  	_ =	swait.ge [sflag:s6], $0x800  }
0xa4: {  	[sflag:s6] =	ssyncset.done $0x0  }
0xa5: {  	[sflag:s6] =	ssyncadd.s32 $0xFFFFF800  }
0xa6: {  	_ =	strace $0x90000090  }
0xa7: {  	_ =	strace $0x80000091  }
0xa8: {  	[tilespmem:s8], [sflag:$0x5] =	stream.indirect.gather [hbm4b:s7+s5], $0x10, s2, s5, $0x2000b8;
	[tilespmem:$0x11000] =	vst v63  }
0xa9: {  	_ =	swait.ge [sflag:s9], $0x8000  }
0xaa: {  	[sflag:s9] =	ssyncset.done $0x0  }
0xab: {  	[sflag:s9] =	ssyncadd.s32 $0xFFFF8000  }
0xac: {  	_ =	strace $0x90000091  }
0xad: {  	_ =	strace $0x80000092  }
0xae: {  	[hbm4b:s17+s2] =	stream.linear.scatter [tilespmem:s8], [sflag:$0x3], $0x8000, $0x200038;
	[tilespmem:$0x11000] =	vst v63  }
0xaf: {  	_ =	strace $0x90000092  }
0xb0: {  	_ =	strace $0x80000093  }
0xb1: {  	_ =	swait.ge [sflag:s18], $0x8000  }
0xb2: {  	[sflag:s18] =	ssyncset.done $0x0  }
0xb3: {  	[sflag:s18] =	ssyncadd.s32 $0xFFFF8000  }
0xb4: {  	_ =	strace $0x90000093  }
0xb5: {  	_ =	strace $0x8000008F  }
0xb6: {  	[tilespmem:s2], [sflag:$0x1] =	stream.linear.gather [hbm4b:s19+s2], $0x800, $0x200038;
	[tilespmem:$0x11000] =	vst v63  }
0xb7: {  	_ =	strace $0x9000008F  }
0xb8: {  	_ =	strace $0x80000090  }
0xb9: {  	_ =	swait.ge [sflag:s12], $0x800  }
0xba: {  	[sflag:s12] =	ssyncset.done $0x0  }
0xbb: {  	[sflag:s12] =	ssyncadd.s32 $0xFFFFF800  }
0xbc: {  	_ =	strace $0x90000090  }
0xbd: {  	_ =	strace $0x80000091  }
0xbe: {  	[tilespmem:s13], [sflag:$0x5] =	stream.indirect.gather [hbm4b:s7+s5], $0x10, s5, s5, $0x2000b8;
	[tilespmem:$0x11000] =	vst v63  }
0xbf: {  	_ =	swait.ge [sflag:s9], $0x8000  }
0xc0: {  	[sflag:s9] =	ssyncset.done $0x0  }
0xc1: {  	[sflag:s9] =	ssyncadd.s32 $0xFFFF8000  }
0xc2: {  	_ =	strace $0x90000091  }
0xc3: {  	_ =	strace $0x80000092  }
0xc4: {  	[hbm4b:s20+s2] =	stream.linear.scatter [tilespmem:s13], [sflag:$0x4], $0x8000, $0x200038;
	[tilespmem:$0x11000] =	vst v63  }
0xc5: {  	_ =	strace $0x90000092  }
0xc6: {  	_ =	strace $0x80000093  }
0xc7: {  	_ =	swait.ge [sflag:s15], $0x8000  }
0xc8: {  	[sflag:s15] =	ssyncset.done $0x0  }
0xc9: {  	[sflag:s15] =	ssyncadd.s32 $0xFFFF8000  }
0xca: {  	_ =	strace $0x90000093  }
0xcb: {  	_ =	strace $0x80000090  }
0xcc: {  	_ =	swait.ge [sflag:s6], $0x800  }
0xcd: {  	[sflag:s6] =	ssyncset.done $0x0  }
0xce: {  	[sflag:s6] =	ssyncadd.s32 $0xFFFFF800  }
0xcf: {  	_ =	strace $0x90000090  }
0xd0: {  	_ =	strace $0x80000091  }
0xd1: {  	[tilespmem:s8], [sflag:$0x5] =	stream.indirect.gather [hbm4b:s7+s5], $0x10, s2, s5, $0x2000b8;
	[tilespmem:$0x11000] =	vst v63  }
0xd2: {  	_ =	swait.ge [sflag:s9], $0x8000  }
0xd3: {  	[sflag:s9] =	ssyncset.done $0x0  }
0xd4: {  	[sflag:s9] =	ssyncadd.s32 $0xFFFF8000  }
0xd5: {  	_ =	strace $0x90000091  }
0xd6: {  	_ =	strace $0x80000092  }
0xd7: {  	[hbm4b:s21+s2] =	stream.linear.scatter [tilespmem:s8], [sflag:$0x3], $0x8000, $0x200038;
	[tilespmem:$0x11000] =	vst v63  }
0xd8: {  	_ =	strace $0x90000092  }
0xd9: {  	_ =	strace $0x80000093  }
0xda: {  	_ =	swait.ge [sflag:s18], $0x8000  }
0xdb: {  	[sflag:s18] =	ssyncset.done $0x0  }
0xdc: {  	[sflag:s18] =	ssyncadd.s32 $0xFFFF8000  }
.Ltmp1:
0xdd: {  	_ =	strace $0x90000093;
	(pc) =	sbr.rel @p0 .LBB2_1-.Ltmp1, $4  }
0xde: {  	_ =	strace $0x80000094  }
0xdf: {  	_ =	swait.ge [sflag:s15], $0x8000  }
0xe0: {  	[sflag:s15] =	ssyncset.done $0x0  }
0xe1: {  	[sflag:s15] =	ssyncadd.s32 $0xFFFF8000  }
.LBB2_2:
0xe2: {  	_ =	strace $0x90000094  }
0xe3: {  	_ =	sfence.sel $0x180000  }
0xe4: {  	[bflag:$0x0] =	sbarrier.arrive $0xFFFF  }
0xe5: {  	p0 =	sne.s32 s1, $0x0;
	_ =	strace $0x9000008D  }
0xe6: {  	s0 =	sadd.s32 @!p0 $0x100000, s0;
	[bflag:$0x2] =	sbarrier.arrive $0xFFFF  }
0xe7: {  	[sflag:s0] =	ssyncadd.tile.s32 @!p0 $0x1;
	_ =	shalt  }
.Lfunc_end2:
_tile_overlayer_lowered:
.L_overlay_start_2:
0xe8: {  	(tag) =	ssettag $0x2  }
0xe9: {  	s0 =	rddreg [dreg:$0x0];
	s2 =	stileid.u32  }
0xea: {  	s1 =	rddreg [dreg:$0x1];
	p0 =	sne.s32 s2, $0x0  }
0xeb: {  	s3 =	rddreg [dreg:$0x2];
	[bflag:$0x3] =	sbarrier.arrive $0xFFFF;
	s2 =	simm.s32 @!p0 $0x1C01  }
0xec: {  	[timem:s3], [sflag:s2] =	dma.local @!p0 [hbm:s0], s1  }
0xed: {  	s0 =	simm.s32 @!p0 $0x1  }
0xee: {  	_ =	swait.ge @!p0 [sflag:s0], s1  }
0xef: {  	s1 =	ssub.s32 @!p0 $0x0, s1;
	[sflag:s0] =	ssyncset.done @!p0 $0x0  }
0xf0: {  	[sflag:s0] =	ssyncadd.s32 @!p0 s1  }
0xf1: {  	[bflag:$0x3] =	sbarrier.arrive $0xFFFF  }
0xf2: {  	_ =	shalt  }

</sc_bundles>
